<compile_context>
chip_gen: v7x
topology: tpu7x:2x2x1
jax: 0.10.2.dev20260603
libtpu: 0.0.44.dev20260713+nightly
codegen_flags: <defaults>
</compile_context>

<pallas_src>
import functools

import jax
import jax.numpy as jnp
from jax import lax
from jax.experimental import pallas as pl
from jax.experimental.pallas import tpu as pltpu
from jax.experimental.pallas import tpu_sc as plsc

_B = 1024
_L = 50
_D = 768
_NC = 2
_NS = 16
_NW = _NC * _NS
_RPW = _B * _L // _NW
_LANES = 16
_DV = _D // _LANES
_CH = 64
_NCHUNK = _RPW // _CH
_GSC = _CH // _LANES
_REP = 8


def _make_kernel():
    mesh = plsc.VectorSubcoreMesh(core_axis_name="c", subcore_axis_name="s")

    @functools.partial(
        pl.kernel,
        mesh=mesh,
        out_type=[
            jax.ShapeDtypeStruct((_B * _L, _D), jnp.float32),
            jax.ShapeDtypeStruct((_B * _L,), jnp.int32),
        ],
        scratch_types=[
            pltpu.VMEM((_RPW,), jnp.int32),
            pltpu.VMEM((_B,), jnp.int32),
            pltpu.VMEM((_L * _REP + _REP,), jnp.int32),
            pltpu.VMEM((_RPW,), jnp.int32),
            pltpu.VMEM((_RPW,), jnp.int32),
            pltpu.VMEM((_CH, _D), jnp.float32),
            pltpu.VMEM((_CH, _D), jnp.float32),
            pltpu.VMEM((_LANES, _D), jnp.float32),
            pltpu.SemaphoreType.DMA,
            pltpu.SemaphoreType.DMA,
            pltpu.SemaphoreType.DMA,
            pltpu.SemaphoreType.DMA,
        ],
    )
    def k(tok_hbm, len_hbm, cnt_hbm, dst_hbm, table_hbm, out_hbm, mask_hbm,
          tok_v, len_v, cnt_v, dst_v, mask_v, rows0_v, rows1_v, zrows_v,
          g0, g1, w0, w1):
        rows = (rows0_v, rows1_v)
        gsem = (g0, g1)
        wsem = (w0, w1)

        wid = lax.axis_index("s") * _NC + lax.axis_index("c")
        row0 = wid * _RPW
        pltpu.sync_copy(tok_hbm.at[pl.ds(row0, _RPW)], tok_v)
        pltpu.sync_copy(len_hbm, len_v)
        pltpu.sync_copy(cnt_hbm, cnt_v)
        pltpu.sync_copy(dst_hbm.at[pl.ds(row0, _RPW)], dst_v)

        zeros = jnp.zeros((_LANES,), jnp.float32)

        def zfill(r, carry):
            for v in range(_DV):
                zrows_v[r, pl.ds(v * _LANES, _LANES)] = zeros
            return carry
        lax.fori_loop(0, _LANES, zfill, 0)

        def cnt_at(j):
            return cnt_v[pl.ds(j * _REP, _LANES)][0]

        def nvalid(c):
            p0 = row0 + c * _CH
            j = p0 // _B
            k0 = p0 - j * _B
            return jnp.clip(cnt_at(j) - k0, 0, _CH)

        def gather(c, b):
            return pltpu.make_async_copy(
                table_hbm.at[tok_v.at[pl.ds(c * _CH, _CH)]], rows[b], gsem[b])

        def scatter(c, q, src, sem):
            ivec = dst_v[pl.ds((c * _GSC + q) * _LANES, _LANES)]
            return pltpu.make_async_copy(src, out_hbm.at[ivec], sem)

        @pl.when(nvalid(0) > 0)
        def _():
            gather(0, 0).start()

        @pl.when(nvalid(1) > 0)
        def _():
            gather(1, 1).start()

        def mask_vec(n, carry):
            p0 = row0 + n * _LANES
            j = p0 // _B
            i0 = p0 - j * _B
            lv = len_v[pl.ds(i0, _LANES)]
            jv = jnp.zeros((_LANES,), jnp.int32) + j
            mask_v[pl.ds(n * _LANES, _LANES)] = jnp.where(
                jv < lv, jnp.ones((_LANES,), jnp.int32),
                jnp.zeros((_LANES,), jnp.int32))
            return carry
        lax.fori_loop(0, _RPW // _LANES, mask_vec, 0)
        pltpu.sync_copy(mask_v, mask_hbm.at[pl.ds(row0, _RPW)])

        def emit_writes(c, b):
            nv = nvalid(c)

            @pl.when(nv > 0)
            def _():
                def zrow(r, carry):
                    for v in range(_DV):
                        rows[b][r, pl.ds(v * _LANES, _LANES)] = zeros
                    return carry
                lax.fori_loop(nv, _CH, zrow, 0)
                for q in range(_GSC):
                    scatter(c, q, rows[b].at[pl.ds(q * _LANES, _LANES)],
                            wsem[b]).start()

            @pl.when(nv == 0)
            def _():
                for q in range(_GSC):
                    scatter(c, q, zrows_v, wsem[b]).start()

        def wait_writes(c, b):
            for q in range(_GSC):
                scatter(c, q, zrows_v, wsem[b]).wait()

        def step(c, b):
            @pl.when(nvalid(c) > 0)
            def _():
                gather(c, b).wait()
            o = 1 - b

            @pl.when(jnp.logical_and(c >= 1, c + 1 < _NCHUNK))
            def _():
                wait_writes(c - 1, o)
                nc = jnp.minimum(c + 1, _NCHUNK - 1)

                @pl.when(nvalid(nc) > 0)
                def _():
                    gather(nc, o).start()
            emit_writes(c, b)

        def pair(t, carry):
            step(t * 2, 0)
            step(t * 2 + 1, 1)
            return carry
        lax.fori_loop(0, _NCHUNK // 2, pair, 0)
        step(_NCHUNK - 1, (_NCHUNK - 1) % 2)

        wait_writes(_NCHUNK - 2, (_NCHUNK - 2) % 2)
        wait_writes(_NCHUNK - 1, (_NCHUNK - 1) % 2)

    return k


_sc_kernel = _make_kernel()


def kernel(batch_tokens, lengths, table):
    lengths = lengths.astype(jnp.int32)
    perm = jnp.argsort(-lengths).astype(jnp.int32)
    tok = batch_tokens.astype(jnp.int32)[perm].T.reshape(-1)
    cnt = jnp.sum(lengths[None, :] > jnp.arange(_L, dtype=jnp.int32)[:, None],
                  axis=1, dtype=jnp.int32)
    cnt_rep = jnp.concatenate(
        [jnp.repeat(cnt, _REP), jnp.zeros((_REP,), jnp.int32)])
    dst = (jnp.arange(_L, dtype=jnp.int32)[:, None] * _B + perm[None, :]
           ).reshape(-1)
    out_flat, mask_i = _sc_kernel(tok, lengths, cnt_rep, dst, table)
    embs = out_flat.reshape(_L, _B, _D).transpose(1, 0, 2)
    mask = (mask_i.reshape(_L, _B) != 0).T
    return embs, mask

# --- scband reference (transcript-rebuilt; emitter-appended) ---
"""Pipeline reference for scband-pre-embedded-lm-33062658244613 (READ-ONLY COPY).

The authoritative reference and input builder live on the scoring server;
editing this copy changes nothing except your own understanding.
"""

import jax, jax.numpy as jnp
import numpy as np

B = 1024
L = 50
VOCAB = 100000
D = 768


def setup_inputs(seed: int = 0) -> dict:
    key = jax.random.key(seed)
    k1, k2, k3 = jax.random.split(key, 3)
    # batch_tokens: token ids per sequence (dense padded representation of the
    # list-of-sequences input to PreEmbeddedLM.forward)
    batch_tokens = jax.random.randint(k1, (B, L), 0, VOCAB)
    # per-sequence true lengths (positions >= length are padding)
    lengths = jax.random.randint(k2, (B,), 1, L + 1).astype(jnp.int32)
    # The pre-computed embedding dictionary is modeled as a learned lookup
    # table: emb_dict[tokens] -> word_emb[len, 768]
    table = jax.random.normal(k3, (VOCAB, D), dtype=jnp.float32) * 0.02
    return {"batch_tokens": batch_tokens, "lengths": lengths, "table": table}


def reference(batch_tokens, lengths, table):
    # emb_tokens: gather precomputed word embeddings, truncate to :768
    embs = jnp.take(table, batch_tokens, axis=0)[:, :, :768]
    # pad_sequences(padding='post', value=0.0) + mask construction:
    # mask[i, :len(emb)] = True
    mask = jnp.arange(embs.shape[1])[None, :] < lengths[:, None]
    embs_padded = embs * mask[:, :, None].astype(embs.dtype)
    # need_cls=False -> cls_embs is None; return (embs_padded, mask)
    return (embs_padded, mask)

if __name__ == "__main__":
    import jax
    _d = setup_inputs()
    print(jax.jit(kernel)(*tuple(_d.values())))

</pallas_src>

<mosaic_0001>
#map = affine_map<(d0, d1) -> (0)>
#map1 = affine_map<(d0, d1) -> (0, 0)>
module attributes {stable_mosaic.version = 14 : i64} {
  func.func @k(%arg0: i32, %arg1: i32, %arg2: memref<51200xi32, #tpu.memory_space<hbm>>, %arg3: memref<1024xi32, #tpu.memory_space<hbm>>, %arg4: memref<408xi32, #tpu.memory_space<hbm>>, %arg5: memref<51200xi32, #tpu.memory_space<hbm>>, %arg6: memref<100000x768xf32, #tpu.memory_space<hbm>>, %arg7: memref<51200x768xf32, #tpu.memory_space<hbm>>, %arg8: memref<51200xi32, #tpu.memory_space<hbm>>, %arg9: memref<1600xi32, #tpu.memory_space<vmem>>, %arg10: memref<1024xi32, #tpu.memory_space<vmem>>, %arg11: memref<408xi32, #tpu.memory_space<vmem>>, %arg12: memref<1600xi32, #tpu.memory_space<vmem>>, %arg13: memref<1600xi32, #tpu.memory_space<vmem>>, %arg14: memref<64x768xf32, #tpu.memory_space<vmem>>, %arg15: memref<64x768xf32, #tpu.memory_space<vmem>>, %arg16: memref<16x768xf32, #tpu.memory_space<vmem>>, %arg17: memref<!tpu.dma_semaphore, #tpu.memory_space<semaphore_mem>>, %arg18: memref<!tpu.dma_semaphore, #tpu.memory_space<semaphore_mem>>, %arg19: memref<!tpu.dma_semaphore, #tpu.memory_space<semaphore_mem>>, %arg20: memref<!tpu.dma_semaphore, #tpu.memory_space<semaphore_mem>>) attributes {dimension_semantics = [#tpu.dimension_semantics<core_parallel>, #tpu.dimension_semantics<subcore_parallel>], iteration_bounds = array<i64: 2, 16>, scalar_prefetch = 0 : i64, scratch_operands = 12 : i64, tpu.core_type = #tpu.core_type<sc_vector_subcore>, window_params = [{transform_indices = #map}, {transform_indices = #map}, {transform_indices = #map}, {transform_indices = #map}, {transform_indices = #map1}, {transform_indices = #map1}, {transform_indices = #map}]} {
    %mul3A = arith.constant 2 : i32
    %mul3A_0 = arith.muli %arg1, %mul3A : i32
    %add3A = arith.addi %mul3A_0, %arg0 : i32
    %mul3A_1 = arith.constant 1600 : i32
    %mul3A_2 = arith.muli %add3A, %mul3A_1 : i32
    "tpu.region"() ({
      %run_scoped3A = tpu.sem_alloc : memref<!tpu.dma_semaphore, #tpu.memory_space<semaphore_mem>>
      %dma_start3A = tpu.memref_slice %arg2[%mul3A_2] : memref<51200xi32, #tpu.memory_space<hbm>> -> memref<1600xi32, #tpu.memory_space<hbm>>
      %dma_start3A_246 = tpu.memref_slice %arg2[%mul3A_2] : memref<51200xi32, #tpu.memory_space<hbm>> -> memref<1600xi32, #tpu.memory_space<hbm>>
      tpu.enqueue_dma source(%dma_start3A_246 : memref<1600xi32, #tpu.memory_space<hbm>>) target(%arg9 : memref<1600xi32, #tpu.memory_space<vmem>>) target_semaphore(%run_scoped3A : memref<!tpu.dma_semaphore, #tpu.memory_space<semaphore_mem>>)
      %dma_wait3A_247 = tpu.memref_slice %arg2[%mul3A_2] : memref<51200xi32, #tpu.memory_space<hbm>> -> memref<1600xi32, #tpu.memory_space<hbm>>
      %dma_wait3A_248 = tpu.memref_slice %arg2[%mul3A_2] : memref<51200xi32, #tpu.memory_space<hbm>> -> memref<1600xi32, #tpu.memory_space<hbm>>
      tpu.wait_dma2 semaphore(%run_scoped3A : memref<!tpu.dma_semaphore, #tpu.memory_space<semaphore_mem>>) src(%dma_wait3A_248 : memref<1600xi32, #tpu.memory_space<hbm>>) dst(%arg9 : memref<1600xi32, #tpu.memory_space<vmem>>)
      tpu.yield
    }) : () -> ()
    "tpu.region"() ({
      %run_scoped3A = tpu.sem_alloc : memref<!tpu.dma_semaphore, #tpu.memory_space<semaphore_mem>>
      tpu.enqueue_dma source(%arg3 : memref<1024xi32, #tpu.memory_space<hbm>>) target(%arg10 : memref<1024xi32, #tpu.memory_space<vmem>>) target_semaphore(%run_scoped3A : memref<!tpu.dma_semaphore, #tpu.memory_space<semaphore_mem>>)
      tpu.wait_dma2 semaphore(%run_scoped3A : memref<!tpu.dma_semaphore, #tpu.memory_space<semaphore_mem>>) src(%arg3 : memref<1024xi32, #tpu.memory_space<hbm>>) dst(%arg10 : memref<1024xi32, #tpu.memory_space<vmem>>)
      tpu.yield
    }) : () -> ()
    "tpu.region"() ({
      %run_scoped3A = tpu.sem_alloc : memref<!tpu.dma_semaphore, #tpu.memory_space<semaphore_mem>>
      tpu.enqueue_dma source(%arg4 : memref<408xi32, #tpu.memory_space<hbm>>) target(%arg11 : memref<408xi32, #tpu.memory_space<vmem>>) target_semaphore(%run_scoped3A : memref<!tpu.dma_semaphore, #tpu.memory_space<semaphore_mem>>)
      tpu.wait_dma2 semaphore(%run_scoped3A : memref<!tpu.dma_semaphore, #tpu.memory_space<semaphore_mem>>) src(%arg4 : memref<408xi32, #tpu.memory_space<hbm>>) dst(%arg11 : memref<408xi32, #tpu.memory_space<vmem>>)
      tpu.yield
    }) : () -> ()
    "tpu.region"() ({
      %run_scoped3A = tpu.sem_alloc : memref<!tpu.dma_semaphore, #tpu.memory_space<semaphore_mem>>
      %dma_start3A = tpu.memref_slice %arg5[%mul3A_2] : memref<51200xi32, #tpu.memory_space<hbm>> -> memref<1600xi32, #tpu.memory_space<hbm>>
      %dma_start3A_246 = tpu.memref_slice %arg5[%mul3A_2] : memref<51200xi32, #tpu.memory_space<hbm>> -> memref<1600xi32, #tpu.memory_space<hbm>>
      tpu.enqueue_dma source(%dma_start3A_246 : memref<1600xi32, #tpu.memory_space<hbm>>) target(%arg12 : memref<1600xi32, #tpu.memory_space<vmem>>) target_semaphore(%run_scoped3A : memref<!tpu.dma_semaphore, #tpu.memory_space<semaphore_mem>>)
      %dma_wait3A_247 = tpu.memref_slice %arg5[%mul3A_2] : memref<51200xi32, #tpu.memory_space<hbm>> -> memref<1600xi32, #tpu.memory_space<hbm>>
      %dma_wait3A_248 = tpu.memref_slice %arg5[%mul3A_2] : memref<51200xi32, #tpu.memory_space<hbm>> -> memref<1600xi32, #tpu.memory_space<hbm>>
      tpu.wait_dma2 semaphore(%run_scoped3A : memref<!tpu.dma_semaphore, #tpu.memory_space<semaphore_mem>>) src(%dma_wait3A_248 : memref<1600xi32, #tpu.memory_space<hbm>>) dst(%arg12 : memref<1600xi32, #tpu.memory_space<vmem>>)
      tpu.yield
    }) : () -> ()
    %broadcast_in_dim3A = arith.constant 0.000000e+00 : f32
    %broadcast_in_dim3A_3 = vector.broadcast %broadcast_in_dim3A : f32 to vector<16xf32>
    %scan3A = arith.constant 0 : i32
    %scan3A_4 = arith.constant 0 : i32
    %scan3A_5 = arith.constant 16 : i32
    %scan3A_6 = arith.addi %scan3A_4, %scan3A_5 : i32
    %scan3A_7 = arith.constant 1 : i32
    scf.for %scan3A_246 = %scan3A_4 to %scan3A_6 step %scan3A_7  : i32 {
      %swap3A = arith.index_cast %scan3A_246 : i32 to index
      %swap3A_247 = arith.constant 0 : index
      %swap3A_248 = tpu.vector_load %arg16[%swap3A, %swap3A_247] {strides = array<i32>} : memref<16x768xf32, #tpu.memory_space<vmem>>, vector<1x16xf32>,
      %swap3A_249 = vector.shape_cast %swap3A_248 : vector<1x16xf32> to vector<16xf32>
      %swap3A_250 = vector.shape_cast %broadcast_in_dim3A_3 : vector<16xf32> to vector<1x16xf32>
      tpu.vector_store %arg16[%swap3A, %swap3A_247], %swap3A_250 {strides = array<i32>} : memref<16x768xf32, #tpu.memory_space<vmem>>, vector<1x16xf32>,
      %swap3A_251 = arith.index_cast %scan3A_246 : i32 to index
      %swap3A_252 = arith.constant 16 : index
      %swap3A_253 = tpu.vector_load %arg16[%swap3A_251, %swap3A_252] {strides = array<i32>} : memref<16x768xf32, #tpu.memory_space<vmem>>, vector<1x16xf32>,
      %swap3A_254 = vector.shape_cast %swap3A_253 : vector<1x16xf32> to vector<16xf32>
      %swap3A_255 = vector.shape_cast %broadcast_in_dim3A_3 : vector<16xf32> to vector<1x16xf32>
      tpu.vector_store %arg16[%swap3A_251, %swap3A_252], %swap3A_255 {strides = array<i32>} : memref<16x768xf32, #tpu.memory_space<vmem>>, vector<1x16xf32>,
      %swap3A_256 = arith.index_cast %scan3A_246 : i32 to index
      %swap3A_257 = arith.constant 32 : index
      %swap3A_258 = tpu.vector_load %arg16[%swap3A_256, %swap3A_257] {strides = array<i32>} : memref<16x768xf32, #tpu.memory_space<vmem>>, vector<1x16xf32>,
      %swap3A_259 = vector.shape_cast %swap3A_258 : vector<1x16xf32> to vector<16xf32>
      %swap3A_260 = vector.shape_cast %broadcast_in_dim3A_3 : vector<16xf32> to vector<1x16xf32>
      tpu.vector_store %arg16[%swap3A_256, %swap3A_257], %swap3A_260 {strides = array<i32>} : memref<16x768xf32, #tpu.memory_space<vmem>>, vector<1x16xf32>,
      %swap3A_261 = arith.index_cast %scan3A_246 : i32 to index
      %swap3A_262 = arith.constant 48 : index
      %swap3A_263 = tpu.vector_load %arg16[%swap3A_261, %swap3A_262] {strides = array<i32>} : memref<16x768xf32, #tpu.memory_space<vmem>>, vector<1x16xf32>,
      %swap3A_264 = vector.shape_cast %swap3A_263 : vector<1x16xf32> to vector<16xf32>
      %swap3A_265 = vector.shape_cast %broadcast_in_dim3A_3 : vector<16xf32> to vector<1x16xf32>
      tpu.vector_store %arg16[%swap3A_261, %swap3A_262], %swap3A_265 {strides = array<i32>} : memref<16x768xf32, #tpu.memory_space<vmem>>, vector<1x16xf32>,
      %swap3A_266 = arith.index_cast %scan3A_246 : i32 to index
      %swap3A_267 = arith.constant 64 : index
      %swap3A_268 = tpu.vector_load %arg16[%swap3A_266, %swap3A_267] {strides = array<i32>} : memref<16x768xf32, #tpu.memory_space<vmem>>, vector<1x16xf32>,
      %swap3A_269 = vector.shape_cast %swap3A_268 : vector<1x16xf32> to vector<16xf32>
      %swap3A_270 = vector.shape_cast %broadcast_in_dim3A_3 : vector<16xf32> to vector<1x16xf32>
      tpu.vector_store %arg16[%swap3A_266, %swap3A_267], %swap3A_270 {strides = array<i32>} : memref<16x768xf32, #tpu.memory_space<vmem>>, vector<1x16xf32>,
      %swap3A_271 = arith.index_cast %scan3A_246 : i32 to index
      %swap3A_272 = arith.constant 80 : index
      %swap3A_273 = tpu.vector_load %arg16[%swap3A_271, %swap3A_272] {strides = array<i32>} : memref<16x768xf32, #tpu.memory_space<vmem>>, vector<1x16xf32>,
      %swap3A_274 = vector.shape_cast %swap3A_273 : vector<1x16xf32> to vector<16xf32>
      %swap3A_275 = vector.shape_cast %broadcast_in_dim3A_3 : vector<16xf32> to vector<1x16xf32>
      tpu.vector_store %arg16[%swap3A_271, %swap3A_272], %swap3A_275 {strides = array<i32>} : memref<16x768xf32, #tpu.memory_space<vmem>>, vector<1x16xf32>,
      %swap3A_276 = arith.index_cast %scan3A_246 : i32 to index
      %swap3A_277 = arith.constant 96 : index
      %swap3A_278 = tpu.vector_load %arg16[%swap3A_276, %swap3A_277] {strides = array<i32>} : memref<16x768xf32, #tpu.memory_space<vmem>>, vector<1x16xf32>,
      %swap3A_279 = vector.shape_cast %swap3A_278 : vector<1x16xf32> to vector<16xf32>
      %swap3A_280 = vector.shape_cast %broadcast_in_dim3A_3 : vector<16xf32> to vector<1x16xf32>
      tpu.vector_store %arg16[%swap3A_276, %swap3A_277], %swap3A_280 {strides = array<i32>} : memref<16x768xf32, #tpu.memory_space<vmem>>, vector<1x16xf32>,
      %swap3A_281 = arith.index_cast %scan3A_246 : i32 to index
      %swap3A_282 = arith.constant 112 : index
      %swap3A_283 = tpu.vector_load %arg16[%swap3A_281, %swap3A_282] {strides = array<i32>} : memref<16x768xf32, #tpu.memory_space<vmem>>, vector<1x16xf32>,
      %swap3A_284 = vector.shape_cast %swap3A_283 : vector<1x16xf32> to vector<16xf32>
      %swap3A_285 = vector.shape_cast %broadcast_in_dim3A_3 : vector<16xf32> to vector<1x16xf32>
      tpu.vector_store %arg16[%swap3A_281, %swap3A_282], %swap3A_285 {strides = array<i32>} : memref<16x768xf32, #tpu.memory_space<vmem>>, vector<1x16xf32>,
      %swap3A_286 = arith.index_cast %scan3A_246 : i32 to index
      %swap3A_287 = arith.constant 128 : index
      %swap3A_288 = tpu.vector_load %arg16[%swap3A_286, %swap3A_287] {strides = array<i32>} : memref<16x768xf32, #tpu.memory_space<vmem>>, vector<1x16xf32>,
      %swap3A_289 = vector.shape_cast %swap3A_288 : vector<1x16xf32> to vector<16xf32>
      %swap3A_290 = vector.shape_cast %broadcast_in_dim3A_3 : vector<16xf32> to vector<1x16xf32>
      tpu.vector_store %arg16[%swap3A_286, %swap3A_287], %swap3A_290 {strides = array<i32>} : memref<16x768xf32, #tpu.memory_space<vmem>>, vector<1x16xf32>,
      %swap3A_291 = arith.index_cast %scan3A_246 : i32 to index
      %swap3A_292 = arith.constant 144 : index
      %swap3A_293 = tpu.vector_load %arg16[%swap3A_291, %swap3A_292] {strides = array<i32>} : memref<16x768xf32, #tpu.memory_space<vmem>>, vector<1x16xf32>,
      %swap3A_294 = vector.shape_cast %swap3A_293 : vector<1x16xf32> to vector<16xf32>
      %swap3A_295 = vector.shape_cast %broadcast_in_dim3A_3 : vector<16xf32> to vector<1x16xf32>
      tpu.vector_store %arg16[%swap3A_291, %swap3A_292], %swap3A_295 {strides = array<i32>} : memref<16x768xf32, #tpu.memory_space<vmem>>, vector<1x16xf32>,
      %swap3A_296 = arith.index_cast %scan3A_246 : i32 to index
      %swap3A_297 = arith.constant 160 : index
      %swap3A_298 = tpu.vector_load %arg16[%swap3A_296, %swap3A_297] {strides = array<i32>} : memref<16x768xf32, #tpu.memory_space<vmem>>, vector<1x16xf32>,
      %swap3A_299 = vector.shape_cast %swap3A_298 : vector<1x16xf32> to vector<16xf32>
      %swap3A_300 = vector.shape_cast %broadcast_in_dim3A_3 : vector<16xf32> to vector<1x16xf32>
      tpu.vector_store %arg16[%swap3A_296, %swap3A_297], %swap3A_300 {strides = array<i32>} : memref<16x768xf32, #tpu.memory_space<vmem>>, vector<1x16xf32>,
      %swap3A_301 = arith.index_cast %scan3A_246 : i32 to index
      %swap3A_302 = arith.constant 176 : index
      %swap3A_303 = tpu.vector_load %arg16[%swap3A_301, %swap3A_302] {strides = array<i32>} : memref<16x768xf32, #tpu.memory_space<vmem>>, vector<1x16xf32>,
      %swap3A_304 = vector.shape_cast %swap3A_303 : vector<1x16xf32> to vector<16xf32>
      %swap3A_305 = vector.shape_cast %broadcast_in_dim3A_3 : vector<16xf32> to vector<1x16xf32>
      tpu.vector_store %arg16[%swap3A_301, %swap3A_302], %swap3A_305 {strides = array<i32>} : memref<16x768xf32, #tpu.memory_space<vmem>>, vector<1x16xf32>,
      %swap3A_306 = arith.index_cast %scan3A_246 : i32 to index
      %swap3A_307 = arith.constant 192 : index
      %swap3A_308 = tpu.vector_load %arg16[%swap3A_306, %swap3A_307] {strides = array<i32>} : memref<16x768xf32, #tpu.memory_space<vmem>>, vector<1x16xf32>,
      %swap3A_309 = vector.shape_cast %swap3A_308 : vector<1x16xf32> to vector<16xf32>
      %swap3A_310 = vector.shape_cast %broadcast_in_dim3A_3 : vector<16xf32> to vector<1x16xf32>
      tpu.vector_store %arg16[%swap3A_306, %swap3A_307], %swap3A_310 {strides = array<i32>} : memref<16x768xf32, #tpu.memory_space<vmem>>, vector<1x16xf32>,
      %swap3A_311 = arith.index_cast %scan3A_246 : i32 to index
      %swap3A_312 = arith.constant 208 : index
      %swap3A_313 = tpu.vector_load %arg16[%swap3A_311, %swap3A_312] {strides = array<i32>} : memref<16x768xf32, #tpu.memory_space<vmem>>, vector<1x16xf32>,
      %swap3A_314 = vector.shape_cast %swap3A_313 : vector<1x16xf32> to vector<16xf32>
      %swap3A_315 = vector.shape_cast %broadcast_in_dim3A_3 : vector<16xf32> to vector<1x16xf32>
      tpu.vector_store %arg16[%swap3A_311, %swap3A_312], %swap3A_315 {strides = array<i32>} : memref<16x768xf32, #tpu.memory_space<vmem>>, vector<1x16xf32>,
      %swap3A_316 = arith.index_cast %scan3A_246 : i32 to index
      %swap3A_317 = arith.constant 224 : index
      %swap3A_318 = tpu.vector_load %arg16[%swap3A_316, %swap3A_317] {strides = array<i32>} : memref<16x768xf32, #tpu.memory_space<vmem>>, vector<1x16xf32>,
      %swap3A_319 = vector.shape_cast %swap3A_318 : vector<1x16xf32> to vector<16xf32>
      %swap3A_320 = vector.shape_cast %broadcast_in_dim3A_3 : vector<16xf32> to vector<1x16xf32>
      tpu.vector_store %arg16[%swap3A_316, %swap3A_317], %swap3A_320 {strides = array<i32>} : memref<16x768xf32, #tpu.memory_space<vmem>>, vector<1x16xf32>,
      %swap3A_321 = arith.index_cast %scan3A_246 : i32 to index
      %swap3A_322 = arith.constant 240 : index
      %swap3A_323 = tpu.vector_load %arg16[%swap3A_321, %swap3A_322] {strides = array<i32>} : memref<16x768xf32, #tpu.memory_space<vmem>>, vector<1x16xf32>,
      %swap3A_324 = vector.shape_cast %swap3A_323 : vector<1x16xf32> to vector<16xf32>
      %swap3A_325 = vector.shape_cast %broadcast_in_dim3A_3 : vector<16xf32> to vector<1x16xf32>
      tpu.vector_store %arg16[%swap3A_321, %swap3A_322], %swap3A_325 {strides = array<i32>} : memref<16x768xf32, #tpu.memory_space<vmem>>, vector<1x16xf32>,
      %swap3A_326 = arith.index_cast %scan3A_246 : i32 to index
      %swap3A_327 = arith.constant 256 : index
      %swap3A_328 = tpu.vector_load %arg16[%swap3A_326, %swap3A_327] {strides = array<i32>} : memref<16x768xf32, #tpu.memory_space<vmem>>, vector<1x16xf32>,
      %swap3A_329 = vector.shape_cast %swap3A_328 : vector<1x16xf32> to vector<16xf32>
      %swap3A_330 = vector.shape_cast %broadcast_in_dim3A_3 : vector<16xf32> to vector<1x16xf32>
      tpu.vector_store %arg16[%swap3A_326, %swap3A_327], %swap3A_330 {strides = array<i32>} : memref<16x768xf32, #tpu.memory_space<vmem>>, vector<1x16xf32>,
      %swap3A_331 = arith.index_cast %scan3A_246 : i32 to index
      %swap3A_332 = arith.constant 272 : index
      %swap3A_333 = tpu.vector_load %arg16[%swap3A_331, %swap3A_332] {strides = array<i32>} : memref<16x768xf32, #tpu.memory_space<vmem>>, vector<1x16xf32>,
      %swap3A_334 = vector.shape_cast %swap3A_333 : vector<1x16xf32> to vector<16xf32>
      %swap3A_335 = vector.shape_cast %broadcast_in_dim3A_3 : vector<16xf32> to vector<1x16xf32>
      tpu.vector_store %arg16[%swap3A_331, %swap3A_332], %swap3A_335 {strides = array<i32>} : memref<16x768xf32, #tpu.memory_space<vmem>>, vector<1x16xf32>,
      %swap3A_336 = arith.index_cast %scan3A_246 : i32 to index
      %swap3A_337 = arith.constant 288 : index
      %swap3A_338 = tpu.vector_load %arg16[%swap3A_336, %swap3A_337] {strides = array<i32>} : memref<16x768xf32, #tpu.memory_space<vmem>>, vector<1x16xf32>,
      %swap3A_339 = vector.shape_cast %swap3A_338 : vector<1x16xf32> to vector<16xf32>
      %swap3A_340 = vector.shape_cast %broadcast_in_dim3A_3 : vector<16xf32> to vector<1x16xf32>
      tpu.vector_store %arg16[%swap3A_336, %swap3A_337], %swap3A_340 {strides = array<i32>} : memref<16x768xf32, #tpu.memory_space<vmem>>, vector<1x16xf32>,
      %swap3A_341 = arith.index_cast %scan3A_246 : i32 to index
      %swap3A_342 = arith.constant 304 : index
      %swap3A_343 = tpu.vector_load %arg16[%swap3A_341, %swap3A_342] {strides = array<i32>} : memref<16x768xf32, #tpu.memory_space<vmem>>, vector<1x16xf32>,
      %swap3A_344 = vector.shape_cast %swap3A_343 : vector<1x16xf32> to vector<16xf32>
      %swap3A_345 = vector.shape_cast %broadcast_in_dim3A_3 : vector<16xf32> to vector<1x16xf32>
      tpu.vector_store %arg16[%swap3A_341, %swap3A_342], %swap3A_345 {strides = array<i32>} : memref<16x768xf32, #tpu.memory_space<vmem>>, vector<1x16xf32>,
      %swap3A_346 = arith.index_cast %scan3A_246 : i32 to index
      %swap3A_347 = arith.constant 320 : index
      %swap3A_348 = tpu.vector_load %arg16[%swap3A_346, %swap3A_347] {strides = array<i32>} : memref<16x768xf32, #tpu.memory_space<vmem>>, vector<1x16xf32>,
      %swap3A_349 = vector.shape_cast %swap3A_348 : vector<1x16xf32> to vector<16xf32>
      %swap3A_350 = vector.shape_cast %broadcast_in_dim3A_3 : vector<16xf32> to vector<1x16xf32>
      tpu.vector_store %arg16[%swap3A_346, %swap3A_347], %swap3A_350 {strides = array<i32>} : memref<16x768xf32, #tpu.memory_space<vmem>>, vector<1x16xf32>,
      %swap3A_351 = arith.index_cast %scan3A_246 : i32 to index
      %swap3A_352 = arith.constant 336 : index
      %swap3A_353 = tpu.vector_load %arg16[%swap3A_351, %swap3A_352] {strides = array<i32>} : memref<16x768xf32, #tpu.memory_space<vmem>>, vector<1x16xf32>,
      %swap3A_354 = vector.shape_cast %swap3A_353 : vector<1x16xf32> to vector<16xf32>
      %swap3A_355 = vector.shape_cast %broadcast_in_dim3A_3 : vector<16xf32> to vector<1x16xf32>
      tpu.vector_store %arg16[%swap3A_351, %swap3A_352], %swap3A_355 {strides = array<i32>} : memref<16x768xf32, #tpu.memory_space<vmem>>, vector<1x16xf32>,
      %swap3A_356 = arith.index_cast %scan3A_246 : i32 to index
      %swap3A_357 = arith.constant 352 : index
      %swap3A_358 = tpu.vector_load %arg16[%swap3A_356, %swap3A_357] {strides = array<i32>} : memref<16x768xf32, #tpu.memory_space<vmem>>, vector<1x16xf32>,
      %swap3A_359 = vector.shape_cast %swap3A_358 : vector<1x16xf32> to vector<16xf32>
      %swap3A_360 = vector.shape_cast %broadcast_in_dim3A_3 : vector<16xf32> to vector<1x16xf32>
      tpu.vector_store %arg16[%swap3A_356, %swap3A_357], %swap3A_360 {strides = array<i32>} : memref<16x768xf32, #tpu.memory_space<vmem>>, vector<1x16xf32>,
      %swap3A_361 = arith.index_cast %scan3A_246 : i32 to index
      %swap3A_362 = arith.constant 368 : index
      %swap3A_363 = tpu.vector_load %arg16[%swap3A_361, %swap3A_362] {strides = array<i32>} : memref<16x768xf32, #tpu.memory_space<vmem>>, vector<1x16xf32>,
      %swap3A_364 = vector.shape_cast %swap3A_363 : vector<1x16xf32> to vector<16xf32>
      %swap3A_365 = vector.shape_cast %broadcast_in_dim3A_3 : vector<16xf32> to vector<1x16xf32>
      tpu.vector_store %arg16[%swap3A_361, %swap3A_362], %swap3A_365 {strides = array<i32>} : memref<16x768xf32, #tpu.memory_space<vmem>>, vector<1x16xf32>,
      %swap3A_366 = arith.index_cast %scan3A_246 : i32 to index
      %swap3A_367 = arith.constant 384 : index
      %swap3A_368 = tpu.vector_load %arg16[%swap3A_366, %swap3A_367] {strides = array<i32>} : memref<16x768xf32, #tpu.memory_space<vmem>>, vector<1x16xf32>,
      %swap3A_369 = vector.shape_cast %swap3A_368 : vector<1x16xf32> to vector<16xf32>
      %swap3A_370 = vector.shape_cast %broadcast_in_dim3A_3 : vector<16xf32> to vector<1x16xf32>
      tpu.vector_store %arg16[%swap3A_366, %swap3A_367], %swap3A_370 {strides = array<i32>} : memref<16x768xf32, #tpu.memory_space<vmem>>, vector<1x16xf32>,
      %swap3A_371 = arith.index_cast %scan3A_246 : i32 to index
      %swap3A_372 = arith.constant 400 : index
      %swap3A_373 = tpu.vector_load %arg16[%swap3A_371, %swap3A_372] {strides = array<i32>} : memref<16x768xf32, #tpu.memory_space<vmem>>, vector<1x16xf32>,
      %swap3A_374 = vector.shape_cast %swap3A_373 : vector<1x16xf32> to vector<16xf32>
      %swap3A_375 = vector.shape_cast %broadcast_in_dim3A_3 : vector<16xf32> to vector<1x16xf32>
      tpu.vector_store %arg16[%swap3A_371, %swap3A_372], %swap3A_375 {strides = array<i32>} : memref<16x768xf32, #tpu.memory_space<vmem>>, vector<1x16xf32>,
      %swap3A_376 = arith.index_cast %scan3A_246 : i32 to index
      %swap3A_377 = arith.constant 416 : index
      %swap3A_378 = tpu.vector_load %arg16[%swap3A_376, %swap3A_377] {strides = array<i32>} : memref<16x768xf32, #tpu.memory_space<vmem>>, vector<1x16xf32>,
      %swap3A_379 = vector.shape_cast %swap3A_378 : vector<1x16xf32> to vector<16xf32>
      %swap3A_380 = vector.shape_cast %broadcast_in_dim3A_3 : vector<16xf32> to vector<1x16xf32>
      tpu.vector_store %arg16[%swap3A_376, %swap3A_377], %swap3A_380 {strides = array<i32>} : memref<16x768xf32, #tpu.memory_space<vmem>>, vector<1x16xf32>,
      %swap3A_381 = arith.index_cast %scan3A_246 : i32 to index
      %swap3A_382 = arith.constant 432 : index
      %swap3A_383 = tpu.vector_load %arg16[%swap3A_381, %swap3A_382] {strides = array<i32>} : memref<16x768xf32, #tpu.memory_space<vmem>>, vector<1x16xf32>,
      %swap3A_384 = vector.shape_cast %swap3A_383 : vector<1x16xf32> to vector<16xf32>
      %swap3A_385 = vector.shape_cast %broadcast_in_dim3A_3 : vector<16xf32> to vector<1x16xf32>
      tpu.vector_store %arg16[%swap3A_381, %swap3A_382], %swap3A_385 {strides = array<i32>} : memref<16x768xf32, #tpu.memory_space<vmem>>, vector<1x16xf32>,
      %swap3A_386 = arith.index_cast %scan3A_246 : i32 to index
      %swap3A_387 = arith.constant 448 : index
      %swap3A_388 = tpu.vector_load %arg16[%swap3A_386, %swap3A_387] {strides = array<i32>} : memref<16x768xf32, #tpu.memory_space<vmem>>, vector<1x16xf32>,
      %swap3A_389 = vector.shape_cast %swap3A_388 : vector<1x16xf32> to vector<16xf32>
      %swap3A_390 = vector.shape_cast %broadcast_in_dim3A_3 : vector<16xf32> to vector<1x16xf32>
      tpu.vector_store %arg16[%swap3A_386, %swap3A_387], %swap3A_390 {strides = array<i32>} : memref<16x768xf32, #tpu.memory_space<vmem>>, vector<1x16xf32>,
      %swap3A_391 = arith.index_cast %scan3A_246 : i32 to index
      %swap3A_392 = arith.constant 464 : index
      %swap3A_393 = tpu.vector_load %arg16[%swap3A_391, %swap3A_392] {strides = array<i32>} : memref<16x768xf32, #tpu.memory_space<vmem>>, vector<1x16xf32>,
      %swap3A_394 = vector.shape_cast %swap3A_393 : vector<1x16xf32> to vector<16xf32>
      %swap3A_395 = vector.shape_cast %broadcast_in_dim3A_3 : vector<16xf32> to vector<1x16xf32>
      tpu.vector_store %arg16[%swap3A_391, %swap3A_392], %swap3A_395 {strides = array<i32>} : memref<16x768xf32, #tpu.memory_space<vmem>>, vector<1x16xf32>,
      %swap3A_396 = arith.index_cast %scan3A_246 : i32 to index
      %swap3A_397 = arith.constant 480 : index
      %swap3A_398 = tpu.vector_load %arg16[%swap3A_396, %swap3A_397] {strides = array<i32>} : memref<16x768xf32, #tpu.memory_space<vmem>>, vector<1x16xf32>,
      %swap3A_399 = vector.shape_cast %swap3A_398 : vector<1x16xf32> to vector<16xf32>
      %swap3A_400 = vector.shape_cast %broadcast_in_dim3A_3 : vector<16xf32> to vector<1x16xf32>
      tpu.vector_store %arg16[%swap3A_396, %swap3A_397], %swap3A_400 {strides = array<i32>} : memref<16x768xf32, #tpu.memory_space<vmem>>, vector<1x16xf32>,
      %swap3A_401 = arith.index_cast %scan3A_246 : i32 to index
      %swap3A_402 = arith.constant 496 : index
      %swap3A_403 = tpu.vector_load %arg16[%swap3A_401, %swap3A_402] {strides = array<i32>} : memref<16x768xf32, #tpu.memory_space<vmem>>, vector<1x16xf32>,
      %swap3A_404 = vector.shape_cast %swap3A_403 : vector<1x16xf32> to vector<16xf32>
      %swap3A_405 = vector.shape_cast %broadcast_in_dim3A_3 : vector<16xf32> to vector<1x16xf32>
      tpu.vector_store %arg16[%swap3A_401, %swap3A_402], %swap3A_405 {strides = array<i32>} : memref<16x768xf32, #tpu.memory_space<vmem>>, vector<1x16xf32>,
      %swap3A_406 = arith.index_cast %scan3A_246 : i32 to index
      %swap3A_407 = arith.constant 512 : index
      %swap3A_408 = tpu.vector_load %arg16[%swap3A_406, %swap3A_407] {strides = array<i32>} : memref<16x768xf32, #tpu.memory_space<vmem>>, vector<1x16xf32>,
      %swap3A_409 = vector.shape_cast %swap3A_408 : vector<1x16xf32> to vector<16xf32>
      %swap3A_410 = vector.shape_cast %broadcast_in_dim3A_3 : vector<16xf32> to vector<1x16xf32>
      tpu.vector_store %arg16[%swap3A_406, %swap3A_407], %swap3A_410 {strides = array<i32>} : memref<16x768xf32, #tpu.memory_space<vmem>>, vector<1x16xf32>,
      %swap3A_411 = arith.index_cast %scan3A_246 : i32 to index
      %swap3A_412 = arith.constant 528 : index
      %swap3A_413 = tpu.vector_load %arg16[%swap3A_411, %swap3A_412] {strides = array<i32>} : memref<16x768xf32, #tpu.memory_space<vmem>>, vector<1x16xf32>,
      %swap3A_414 = vector.shape_cast %swap3A_413 : vector<1x16xf32> to vector<16xf32>
      %swap3A_415 = vector.shape_cast %broadcast_in_dim3A_3 : vector<16xf32> to vector<1x16xf32>
      tpu.vector_store %arg16[%swap3A_411, %swap3A_412], %swap3A_415 {strides = array<i32>} : memref<16x768xf32, #tpu.memory_space<vmem>>, vector<1x16xf32>,
      %swap3A_416 = arith.index_cast %scan3A_246 : i32 to index
      %swap3A_417 = arith.constant 544 : index
      %swap3A_418 = tpu.vector_load %arg16[%swap3A_416, %swap3A_417] {strides = array<i32>} : memref<16x768xf32, #tpu.memory_space<vmem>>, vector<1x16xf32>,
      %swap3A_419 = vector.shape_cast %swap3A_418 : vector<1x16xf32> to vector<16xf32>
      %swap3A_420 = vector.shape_cast %broadcast_in_dim3A_3 : vector<16xf32> to vector<1x16xf32>
      tpu.vector_store %arg16[%swap3A_416, %swap3A_417], %swap3A_420 {strides = array<i32>} : memref<16x768xf32, #tpu.memory_space<vmem>>, vector<1x16xf32>,
      %swap3A_421 = arith.index_cast %scan3A_246 : i32 to index
      %swap3A_422 = arith.constant 560 : index
      %swap3A_423 = tpu.vector_load %arg16[%swap3A_421, %swap3A_422] {strides = array<i32>} : memref<16x768xf32, #tpu.memory_space<vmem>>, vector<1x16xf32>,
      %swap3A_424 = vector.shape_cast %swap3A_423 : vector<1x16xf32> to vector<16xf32>
      %swap3A_425 = vector.shape_cast %broadcast_in_dim3A_3 : vector<16xf32> to vector<1x16xf32>
      tpu.vector_store %arg16[%swap3A_421, %swap3A_422], %swap3A_425 {strides = array<i32>} : memref<16x768xf32, #tpu.memory_space<vmem>>, vector<1x16xf32>,
      %swap3A_426 = arith.index_cast %scan3A_246 : i32 to index
      %swap3A_427 = arith.constant 576 : index
      %swap3A_428 = tpu.vector_load %arg16[%swap3A_426, %swap3A_427] {strides = array<i32>} : memref<16x768xf32, #tpu.memory_space<vmem>>, vector<1x16xf32>,
      %swap3A_429 = vector.shape_cast %swap3A_428 : vector<1x16xf32> to vector<16xf32>
      %swap3A_430 = vector.shape_cast %broadcast_in_dim3A_3 : vector<16xf32> to vector<1x16xf32>
      tpu.vector_store %arg16[%swap3A_426, %swap3A_427], %swap3A_430 {strides = array<i32>} : memref<16x768xf32, #tpu.memory_space<vmem>>, vector<1x16xf32>,
      %swap3A_431 = arith.index_cast %scan3A_246 : i32 to index
      %swap3A_432 = arith.constant 592 : index
      %swap3A_433 = tpu.vector_load %arg16[%swap3A_431, %swap3A_432] {strides = array<i32>} : memref<16x768xf32, #tpu.memory_space<vmem>>, vector<1x16xf32>,
      %swap3A_434 = vector.shape_cast %swap3A_433 : vector<1x16xf32> to vector<16xf32>
      %swap3A_435 = vector.shape_cast %broadcast_in_dim3A_3 : vector<16xf32> to vector<1x16xf32>
      tpu.vector_store %arg16[%swap3A_431, %swap3A_432], %swap3A_435 {strides = array<i32>} : memref<16x768xf32, #tpu.memory_space<vmem>>, vector<1x16xf32>,
      %swap3A_436 = arith.index_cast %scan3A_246 : i32 to index
      %swap3A_437 = arith.constant 608 : index
      %swap3A_438 = tpu.vector_load %arg16[%swap3A_436, %swap3A_437] {strides = array<i32>} : memref<16x768xf32, #tpu.memory_space<vmem>>, vector<1x16xf32>,
      %swap3A_439 = vector.shape_cast %swap3A_438 : vector<1x16xf32> to vector<16xf32>
      %swap3A_440 = vector.shape_cast %broadcast_in_dim3A_3 : vector<16xf32> to vector<1x16xf32>
      tpu.vector_store %arg16[%swap3A_436, %swap3A_437], %swap3A_440 {strides = array<i32>} : memref<16x768xf32, #tpu.memory_space<vmem>>, vector<1x16xf32>,
      %swap3A_441 = arith.index_cast %scan3A_246 : i32 to index
      %swap3A_442 = arith.constant 624 : index
      %swap3A_443 = tpu.vector_load %arg16[%swap3A_441, %swap3A_442] {strides = array<i32>} : memref<16x768xf32, #tpu.memory_space<vmem>>, vector<1x16xf32>,
      %swap3A_444 = vector.shape_cast %swap3A_443 : vector<1x16xf32> to vector<16xf32>
      %swap3A_445 = vector.shape_cast %broadcast_in_dim3A_3 : vector<16xf32> to vector<1x16xf32>
      tpu.vector_store %arg16[%swap3A_441, %swap3A_442], %swap3A_445 {strides = array<i32>} : memref<16x768xf32, #tpu.memory_space<vmem>>, vector<1x16xf32>,
      %swap3A_446 = arith.index_cast %scan3A_246 : i32 to index
      %swap3A_447 = arith.constant 640 : index
      %swap3A_448 = tpu.vector_load %arg16[%swap3A_446, %swap3A_447] {strides = array<i32>} : memref<16x768xf32, #tpu.memory_space<vmem>>, vector<1x16xf32>,
      %swap3A_449 = vector.shape_cast %swap3A_448 : vector<1x16xf32> to vector<16xf32>
      %swap3A_450 = vector.shape_cast %broadcast_in_dim3A_3 : vector<16xf32> to vector<1x16xf32>
      tpu.vector_store %arg16[%swap3A_446, %swap3A_447], %swap3A_450 {strides = array<i32>} : memref<16x768xf32, #tpu.memory_space<vmem>>, vector<1x16xf32>,
      %swap3A_451 = arith.index_cast %scan3A_246 : i32 to index
      %swap3A_452 = arith.constant 656 : index
      %swap3A_453 = tpu.vector_load %arg16[%swap3A_451, %swap3A_452] {strides = array<i32>} : memref<16x768xf32, #tpu.memory_space<vmem>>, vector<1x16xf32>,
      %swap3A_454 = vector.shape_cast %swap3A_453 : vector<1x16xf32> to vector<16xf32>
      %swap3A_455 = vector.shape_cast %broadcast_in_dim3A_3 : vector<16xf32> to vector<1x16xf32>
      tpu.vector_store %arg16[%swap3A_451, %swap3A_452], %swap3A_455 {strides = array<i32>} : memref<16x768xf32, #tpu.memory_space<vmem>>, vector<1x16xf32>,
      %swap3A_456 = arith.index_cast %scan3A_246 : i32 to index
      %swap3A_457 = arith.constant 672 : index
      %swap3A_458 = tpu.vector_load %arg16[%swap3A_456, %swap3A_457] {strides = array<i32>} : memref<16x768xf32, #tpu.memory_space<vmem>>, vector<1x16xf32>,
      %swap3A_459 = vector.shape_cast %swap3A_458 : vector<1x16xf32> to vector<16xf32>
      %swap3A_460 = vector.shape_cast %broadcast_in_dim3A_3 : vector<16xf32> to vector<1x16xf32>
      tpu.vector_store %arg16[%swap3A_456, %swap3A_457], %swap3A_460 {strides = array<i32>} : memref<16x768xf32, #tpu.memory_space<vmem>>, vector<1x16xf32>,
      %swap3A_461 = arith.index_cast %scan3A_246 : i32 to index
      %swap3A_462 = arith.constant 688 : index
      %swap3A_463 = tpu.vector_load %arg16[%swap3A_461, %swap3A_462] {strides = array<i32>} : memref<16x768xf32, #tpu.memory_space<vmem>>, vector<1x16xf32>,
      %swap3A_464 = vector.shape_cast %swap3A_463 : vector<1x16xf32> to vector<16xf32>
      %swap3A_465 = vector.shape_cast %broadcast_in_dim3A_3 : vector<16xf32> to vector<1x16xf32>
      tpu.vector_store %arg16[%swap3A_461, %swap3A_462], %swap3A_465 {strides = array<i32>} : memref<16x768xf32, #tpu.memory_space<vmem>>, vector<1x16xf32>,
      %swap3A_466 = arith.index_cast %scan3A_246 : i32 to index
      %swap3A_467 = arith.constant 704 : index
      %swap3A_468 = tpu.vector_load %arg16[%swap3A_466, %swap3A_467] {strides = array<i32>} : memref<16x768xf32, #tpu.memory_space<vmem>>, vector<1x16xf32>,
      %swap3A_469 = vector.shape_cast %swap3A_468 : vector<1x16xf32> to vector<16xf32>
      %swap3A_470 = vector.shape_cast %broadcast_in_dim3A_3 : vector<16xf32> to vector<1x16xf32>
      tpu.vector_store %arg16[%swap3A_466, %swap3A_467], %swap3A_470 {strides = array<i32>} : memref<16x768xf32, #tpu.memory_space<vmem>>, vector<1x16xf32>,
      %swap3A_471 = arith.index_cast %scan3A_246 : i32 to index
      %swap3A_472 = arith.constant 720 : index
      %swap3A_473 = tpu.vector_load %arg16[%swap3A_471, %swap3A_472] {strides = array<i32>} : memref<16x768xf32, #tpu.memory_space<vmem>>, vector<1x16xf32>,
      %swap3A_474 = vector.shape_cast %swap3A_473 : vector<1x16xf32> to vector<16xf32>
      %swap3A_475 = vector.shape_cast %broadcast_in_dim3A_3 : vector<16xf32> to vector<1x16xf32>
      tpu.vector_store %arg16[%swap3A_471, %swap3A_472], %swap3A_475 {strides = array<i32>} : memref<16x768xf32, #tpu.memory_space<vmem>>, vector<1x16xf32>,
      %swap3A_476 = arith.index_cast %scan3A_246 : i32 to index
      %swap3A_477 = arith.constant 736 : index
      %swap3A_478 = tpu.vector_load %arg16[%swap3A_476, %swap3A_477] {strides = array<i32>} : memref<16x768xf32, #tpu.memory_space<vmem>>, vector<1x16xf32>,
      %swap3A_479 = vector.shape_cast %swap3A_478 : vector<1x16xf32> to vector<16xf32>
      %swap3A_480 = vector.shape_cast %broadcast_in_dim3A_3 : vector<16xf32> to vector<1x16xf32>
      tpu.vector_store %arg16[%swap3A_476, %swap3A_477], %swap3A_480 {strides = array<i32>} : memref<16x768xf32, #tpu.memory_space<vmem>>, vector<1x16xf32>,
      %swap3A_481 = arith.index_cast %scan3A_246 : i32 to index
      %swap3A_482 = arith.constant 752 : index
      %swap3A_483 = tpu.vector_load %arg16[%swap3A_481, %swap3A_482] {strides = array<i32>} : memref<16x768xf32, #tpu.memory_space<vmem>>, vector<1x16xf32>,
      %swap3A_484 = vector.shape_cast %swap3A_483 : vector<1x16xf32> to vector<16xf32>
      %swap3A_485 = vector.shape_cast %broadcast_in_dim3A_3 : vector<16xf32> to vector<1x16xf32>
      tpu.vector_store %arg16[%swap3A_481, %swap3A_482], %swap3A_485 {strides = array<i32>} : memref<16x768xf32, #tpu.memory_space<vmem>>, vector<1x16xf32>,
    }
    %scan3A_8 = arith.constant 16 : i32
    %add3A_9 = arith.constant 0 : i32
    %add3A_10 = arith.addi %mul3A_2, %add3A_9 : i32
    %jit3A = arith.constant 1024 : i32
    %div3A = arith.divsi %add3A_10, %jit3A : i32
    %sign3A = arith.constant 0 : i32
    %sign3A_11 = arith.cmpi sgt, %add3A_10, %sign3A : i32
    %sign3A_12 = arith.extui %sign3A_11 : i1 to i32
    %sign3A_13 = arith.constant 0 : i32
    %sign3A_14 = arith.cmpi slt, %add3A_10, %sign3A_13 : i32
    %sign3A_15 = arith.extui %sign3A_14 : i1 to i32
    %sign3A_16 = arith.subi %sign3A_12, %sign3A_15 : i32
    %sign3A_17 = arith.constant 0 : i32
    %sign3A_18 = arith.cmpi sgt, %jit3A, %sign3A_17 : i32
    %sign3A_19 = arith.extui %sign3A_18 : i1 to i32
    %sign3A_20 = arith.constant 0 : i32
    %sign3A_21 = arith.cmpi slt, %jit3A, %sign3A_20 : i32
    %sign3A_22 = arith.extui %sign3A_21 : i1 to i32
    %sign3A_23 = arith.subi %sign3A_19, %sign3A_22 : i32
    %ne3A = arith.cmpi ne, %sign3A_16, %sign3A_23 : i32
    %rem3A = arith.remsi %add3A_10, %jit3A : i32
    %ne3A_24 = arith.constant 0 : i32
    %ne3A_25 = arith.cmpi ne, %rem3A, %ne3A_24 : i32
    %and3A = arith.andi %ne3A, %ne3A_25 : i1
    %sub3A = arith.constant 1 : i32
    %sub3A_26 = arith.subi %div3A, %sub3A : i32
    %select_n3A = arith.select %and3A, %sub3A_26, %div3A : i32
    %mul3A_27 = arith.constant 1024 : i32
    %mul3A_28 = arith.muli %select_n3A, %mul3A_27 : i32
    %sub3A_29 = arith.subi %add3A_10, %mul3A_28 : i32
    %mul3A_30 = arith.constant 8 : i32
    %mul3A_31 = arith.muli %select_n3A, %mul3A_30 : i32
    %get3A = arith.index_cast %mul3A_31 : i32 to index
    %get3A_32 = tpu.vector_load %arg11[%get3A] {strides = array<i32>} : memref<408xi32, #tpu.memory_space<vmem>>, vector<16xi32>,
    %get3A_33 = vector.shape_cast %get3A_32 : vector<16xi32> to vector<16xi32>
    %slice3A = vector.extract_strided_slice %get3A_33 {offsets = [0], sizes = [1], strides = [1]} : vector<16xi32> to vector<1xi32>
    %squeeze3A = vector.extract %slice3A[0] : i32 from vector<1xi32>
    %sub3A_34 = arith.subi %squeeze3A, %sub3A_29 : i32
    %jit3A_35 = arith.constant 0 : i32
    %jit3A_36 = arith.constant 64 : i32
    %max3A = arith.maxsi %jit3A_35, %sub3A_34 : i32
    %min3A = arith.minsi %jit3A_36, %max3A : i32
    %gt3A = arith.constant 0 : i32
    %gt3A_37 = arith.cmpi sgt, %min3A, %gt3A : i32
    %convert_element_type3A = arith.extui %gt3A_37 : i1 to i32
    %cond3A = arith.constant 0 : i32
    %cond3A_38 = arith.cmpi ne, %convert_element_type3A, %cond3A : i32
    scf.if %cond3A_38 {
      %dma_start3A = arith.constant 0 : i32
      %dma_start3A_246 = tpu.memref_slice %arg9[%dma_start3A] : memref<1600xi32, #tpu.memory_space<vmem>> -> memref<64xi32, #tpu.memory_space<vmem>>
      %dma_start3A_247 = arith.constant 0 : i32
      %dma_start3A_248 = arith.constant 0 : i32
      %dma_start3A_249 = tpu.memref_slice %arg6[%dma_start3A_247, %dma_start3A_248] : memref<100000x768xf32, #tpu.memory_space<hbm>> -> memref<100000x768xf32, #tpu.memory_space<hbm>>
      tpu.enqueue_indirect_dma source(%dma_start3A_249 : memref<100000x768xf32, #tpu.memory_space<hbm>>) target(%arg14 : memref<64x768xf32, #tpu.memory_space<vmem>>) offsets(%dma_start3A_246 : memref<64xi32, #tpu.memory_space<vmem>>) semaphore(%arg17 : memref<!tpu.dma_semaphore, #tpu.memory_space<semaphore_mem>>)
    } else {
    }
    %add3A_39 = arith.constant 64 : i32
    %add3A_40 = arith.addi %mul3A_2, %add3A_39 : i32
    %jit3A_41 = arith.constant 1024 : i32
    %div3A_42 = arith.divsi %add3A_40, %jit3A_41 : i32
    %sign3A_43 = arith.constant 0 : i32
    %sign3A_44 = arith.cmpi sgt, %add3A_40, %sign3A_43 : i32
    %sign3A_45 = arith.extui %sign3A_44 : i1 to i32
    %sign3A_46 = arith.constant 0 : i32
    %sign3A_47 = arith.cmpi slt, %add3A_40, %sign3A_46 : i32
    %sign3A_48 = arith.extui %sign3A_47 : i1 to i32
    %sign3A_49 = arith.subi %sign3A_45, %sign3A_48 : i32
    %sign3A_50 = arith.constant 0 : i32
    %sign3A_51 = arith.cmpi sgt, %jit3A_41, %sign3A_50 : i32
    %sign3A_52 = arith.extui %sign3A_51 : i1 to i32
    %sign3A_53 = arith.constant 0 : i32
    %sign3A_54 = arith.cmpi slt, %jit3A_41, %sign3A_53 : i32
    %sign3A_55 = arith.extui %sign3A_54 : i1 to i32
    %sign3A_56 = arith.subi %sign3A_52, %sign3A_55 : i32
    %ne3A_57 = arith.cmpi ne, %sign3A_49, %sign3A_56 : i32
    %rem3A_58 = arith.remsi %add3A_40, %jit3A_41 : i32
    %ne3A_59 = arith.constant 0 : i32
    %ne3A_60 = arith.cmpi ne, %rem3A_58, %ne3A_59 : i32
    %and3A_61 = arith.andi %ne3A_57, %ne3A_60 : i1
    %sub3A_62 = arith.constant 1 : i32
    %sub3A_63 = arith.subi %div3A_42, %sub3A_62 : i32
    %select_n3A_64 = arith.select %and3A_61, %sub3A_63, %div3A_42 : i32
    %mul3A_65 = arith.constant 1024 : i32
    %mul3A_66 = arith.muli %select_n3A_64, %mul3A_65 : i32
    %sub3A_67 = arith.subi %add3A_40, %mul3A_66 : i32
    %mul3A_68 = arith.constant 8 : i32
    %mul3A_69 = arith.muli %select_n3A_64, %mul3A_68 : i32
    %get3A_70 = arith.index_cast %mul3A_69 : i32 to index
    %get3A_71 = tpu.vector_load %arg11[%get3A_70] {strides = array<i32>} : memref<408xi32, #tpu.memory_space<vmem>>, vector<16xi32>,
    %get3A_72 = vector.shape_cast %get3A_71 : vector<16xi32> to vector<16xi32>
    %slice3A_73 = vector.extract_strided_slice %get3A_72 {offsets = [0], sizes = [1], strides = [1]} : vector<16xi32> to vector<1xi32>
    %squeeze3A_74 = vector.extract %slice3A_73[0] : i32 from vector<1xi32>
    %sub3A_75 = arith.subi %squeeze3A_74, %sub3A_67 : i32
    %jit3A_76 = arith.constant 0 : i32
    %jit3A_77 = arith.constant 64 : i32
    %max3A_78 = arith.maxsi %jit3A_76, %sub3A_75 : i32
    %min3A_79 = arith.minsi %jit3A_77, %max3A_78 : i32
    %gt3A_80 = arith.constant 0 : i32
    %gt3A_81 = arith.cmpi sgt, %min3A_79, %gt3A_80 : i32
    %convert_element_type3A_82 = arith.extui %gt3A_81 : i1 to i32
    %cond3A_83 = arith.constant 0 : i32
    %cond3A_84 = arith.cmpi ne, %convert_element_type3A_82, %cond3A_83 : i32
    scf.if %cond3A_84 {
      %dma_start3A = arith.constant 64 : i32
      %dma_start3A_246 = tpu.memref_slice %arg9[%dma_start3A] : memref<1600xi32, #tpu.memory_space<vmem>> -> memref<64xi32, #tpu.memory_space<vmem>>
      %dma_start3A_247 = arith.constant 0 : i32
      %dma_start3A_248 = arith.constant 0 : i32
      %dma_start3A_249 = tpu.memref_slice %arg6[%dma_start3A_247, %dma_start3A_248] : memref<100000x768xf32, #tpu.memory_space<hbm>> -> memref<100000x768xf32, #tpu.memory_space<hbm>>
      tpu.enqueue_indirect_dma source(%dma_start3A_249 : memref<100000x768xf32, #tpu.memory_space<hbm>>) target(%arg15 : memref<64x768xf32, #tpu.memory_space<vmem>>) offsets(%dma_start3A_246 : memref<64xi32, #tpu.memory_space<vmem>>) semaphore(%arg18 : memref<!tpu.dma_semaphore, #tpu.memory_space<semaphore_mem>>)
    } else {
    }
    %scan3A_85 = arith.constant 0 : i32
    %scan3A_86 = arith.constant 0 : i32
    %scan3A_87 = arith.constant 100 : i32
    %scan3A_88 = arith.addi %scan3A_86, %scan3A_87 : i32
    %scan3A_89 = arith.constant 1 : i32
    scf.for %scan3A_246 = %scan3A_86 to %scan3A_88 step %scan3A_89  : i32 {
      %mul3A_247 = arith.constant 16 : i32
      %mul3A_248 = arith.muli %scan3A_246, %mul3A_247 : i32
      %add3A_249 = arith.addi %mul3A_2, %mul3A_248 : i32
      %jit3A_250 = arith.constant 1024 : i32
      %div3A_251 = arith.divsi %add3A_249, %jit3A_250 : i32
      %sign3A_252 = arith.constant 0 : i32
      %sign3A_253 = arith.cmpi sgt, %add3A_249, %sign3A_252 : i32
      %sign3A_254 = arith.extui %sign3A_253 : i1 to i32
      %sign3A_255 = arith.constant 0 : i32
      %sign3A_256 = arith.cmpi slt, %add3A_249, %sign3A_255 : i32
      %sign3A_257 = arith.extui %sign3A_256 : i1 to i32
      %sign3A_258 = arith.subi %sign3A_254, %sign3A_257 : i32
      %sign3A_259 = arith.constant 0 : i32
      %sign3A_260 = arith.cmpi sgt, %jit3A_250, %sign3A_259 : i32
      %sign3A_261 = arith.extui %sign3A_260 : i1 to i32
      %sign3A_262 = arith.constant 0 : i32
      %sign3A_263 = arith.cmpi slt, %jit3A_250, %sign3A_262 : i32
      %sign3A_264 = arith.extui %sign3A_263 : i1 to i32
      %sign3A_265 = arith.subi %sign3A_261, %sign3A_264 : i32
      %ne3A_266 = arith.cmpi ne, %sign3A_258, %sign3A_265 : i32
      %rem3A_267 = arith.remsi %add3A_249, %jit3A_250 : i32
      %ne3A_268 = arith.constant 0 : i32
      %ne3A_269 = arith.cmpi ne, %rem3A_267, %ne3A_268 : i32
      %and3A_270 = arith.andi %ne3A_266, %ne3A_269 : i1
      %sub3A_271 = arith.constant 1 : i32
      %sub3A_272 = arith.subi %div3A_251, %sub3A_271 : i32
      %select_n3A_273 = arith.select %and3A_270, %sub3A_272, %div3A_251 : i32
      %mul3A_274 = arith.constant 1024 : i32
      %mul3A_275 = arith.muli %select_n3A_273, %mul3A_274 : i32
      %sub3A_276 = arith.subi %add3A_249, %mul3A_275 : i32
      %get3A_277 = arith.index_cast %sub3A_276 : i32 to index
      %get3A_278 = tpu.vector_load %arg10[%get3A_277] {strides = array<i32>} : memref<1024xi32, #tpu.memory_space<vmem>>, vector<16xi32>,
      %get3A_279 = vector.shape_cast %get3A_278 : vector<16xi32> to vector<16xi32>
      %broadcast_in_dim3A_280 = arith.constant 0 : i32
      %broadcast_in_dim3A_281 = vector.broadcast %broadcast_in_dim3A_280 : i32 to vector<16xi32>
      %add3A_282 = vector.broadcast %select_n3A_273 : i32 to vector<16xi32>
      %add3A_283 = arith.addi %broadcast_in_dim3A_281, %add3A_282 : vector<16xi32>
      %lt3A = arith.cmpi slt, %add3A_283, %get3A_279 : vector<16xi32>
      %broadcast_in_dim3A_284 = arith.constant 1 : i32
      %broadcast_in_dim3A_285 = vector.broadcast %broadcast_in_dim3A_284 : i32 to vector<16xi32>
      %broadcast_in_dim3A_286 = arith.constant 0 : i32
      %broadcast_in_dim3A_287 = vector.broadcast %broadcast_in_dim3A_286 : i32 to vector<16xi32>
      %select_n3A_288 = arith.select %lt3A, %broadcast_in_dim3A_285, %broadcast_in_dim3A_287 : vector<16xi1>, vector<16xi32>
      %mul3A_289 = arith.constant 16 : i32
      %mul3A_290 = arith.muli %scan3A_246, %mul3A_289 : i32
      %swap3A = arith.index_cast %mul3A_290 : i32 to index
      %swap3A_291 = tpu.vector_load %arg13[%swap3A] {strides = array<i32>} : memref<1600xi32, #tpu.memory_space<vmem>>, vector<16xi32>,
      %swap3A_292 = vector.shape_cast %swap3A_291 : vector<16xi32> to vector<16xi32>
      %swap3A_293 = vector.shape_cast %select_n3A_288 : vector<16xi32> to vector<16xi32>
      tpu.vector_store %arg13[%swap3A], %swap3A_293 {strides = array<i32>} : memref<1600xi32, #tpu.memory_space<vmem>>, vector<16xi32>,
    }
    %scan3A_90 = arith.constant 100 : i32
    "tpu.region"() ({
      %run_scoped3A = tpu.sem_alloc : memref<!tpu.dma_semaphore, #tpu.memory_space<semaphore_mem>>
      %dma_start3A = tpu.memref_slice %arg8[%mul3A_2] : memref<51200xi32, #tpu.memory_space<hbm>> -> memref<1600xi32, #tpu.memory_space<hbm>>
      %dma_start3A_246 = tpu.memref_slice %arg8[%mul3A_2] : memref<51200xi32, #tpu.memory_space<hbm>> -> memref<1600xi32, #tpu.memory_space<hbm>>
      tpu.enqueue_dma source(%arg13 : memref<1600xi32, #tpu.memory_space<vmem>>) target(%dma_start3A_246 : memref<1600xi32, #tpu.memory_space<hbm>>) target_semaphore(%run_scoped3A : memref<!tpu.dma_semaphore, #tpu.memory_space<semaphore_mem>>)
      %dma_wait3A_247 = tpu.memref_slice %arg8[%mul3A_2] : memref<51200xi32, #tpu.memory_space<hbm>> -> memref<1600xi32, #tpu.memory_space<hbm>>
      %dma_wait3A_248 = tpu.memref_slice %arg8[%mul3A_2] : memref<51200xi32, #tpu.memory_space<hbm>> -> memref<1600xi32, #tpu.memory_space<hbm>>
      tpu.wait_dma2 semaphore(%run_scoped3A : memref<!tpu.dma_semaphore, #tpu.memory_space<semaphore_mem>>) src(%arg13 : memref<1600xi32, #tpu.memory_space<vmem>>) dst(%dma_wait3A_248 : memref<1600xi32, #tpu.memory_space<hbm>>)
      tpu.yield
    }) : () -> ()
    %scan3A_91 = arith.constant 0 : i32
    %scan3A_92 = arith.constant 0 : i32
    %scan3A_93 = arith.constant 12 : i32
    %scan3A_94 = arith.addi %scan3A_92, %scan3A_93 : i32
    %scan3A_95 = arith.constant 1 : i32
    scf.for %scan3A_246 = %scan3A_92 to %scan3A_94 step %scan3A_95  : i32 {
      %mul3A_247 = arith.constant 2 : i32
      %mul3A_248 = arith.muli %scan3A_246, %mul3A_247 : i32
      %mul3A_249 = arith.constant 64 : i32
      %mul3A_250 = arith.muli %mul3A_248, %mul3A_249 : i32
      %add3A_251 = arith.addi %mul3A_2, %mul3A_250 : i32
      %jit3A_252 = arith.constant 1024 : i32
      %div3A_253 = arith.divsi %add3A_251, %jit3A_252 : i32
      %sign3A_254 = arith.constant 0 : i32
      %sign3A_255 = arith.cmpi sgt, %add3A_251, %sign3A_254 : i32
      %sign3A_256 = arith.extui %sign3A_255 : i1 to i32
      %sign3A_257 = arith.constant 0 : i32
      %sign3A_258 = arith.cmpi slt, %add3A_251, %sign3A_257 : i32
      %sign3A_259 = arith.extui %sign3A_258 : i1 to i32
      %sign3A_260 = arith.subi %sign3A_256, %sign3A_259 : i32
      %sign3A_261 = arith.constant 0 : i32
      %sign3A_262 = arith.cmpi sgt, %jit3A_252, %sign3A_261 : i32
      %sign3A_263 = arith.extui %sign3A_262 : i1 to i32
      %sign3A_264 = arith.constant 0 : i32
      %sign3A_265 = arith.cmpi slt, %jit3A_252, %sign3A_264 : i32
      %sign3A_266 = arith.extui %sign3A_265 : i1 to i32
      %sign3A_267 = arith.subi %sign3A_263, %sign3A_266 : i32
      %ne3A_268 = arith.cmpi ne, %sign3A_260, %sign3A_267 : i32
      %rem3A_269 = arith.remsi %add3A_251, %jit3A_252 : i32
      %ne3A_270 = arith.constant 0 : i32
      %ne3A_271 = arith.cmpi ne, %rem3A_269, %ne3A_270 : i32
      %and3A_272 = arith.andi %ne3A_268, %ne3A_271 : i1
      %sub3A_273 = arith.constant 1 : i32
      %sub3A_274 = arith.subi %div3A_253, %sub3A_273 : i32
      %select_n3A_275 = arith.select %and3A_272, %sub3A_274, %div3A_253 : i32
      %mul3A_276 = arith.constant 1024 : i32
      %mul3A_277 = arith.muli %select_n3A_275, %mul3A_276 : i32
      %sub3A_278 = arith.subi %add3A_251, %mul3A_277 : i32
      %mul3A_279 = arith.constant 8 : i32
      %mul3A_280 = arith.muli %select_n3A_275, %mul3A_279 : i32
      %get3A_281 = arith.index_cast %mul3A_280 : i32 to index
      %get3A_282 = tpu.vector_load %arg11[%get3A_281] {strides = array<i32>} : memref<408xi32, #tpu.memory_space<vmem>>, vector<16xi32>,
      %get3A_283 = vector.shape_cast %get3A_282 : vector<16xi32> to vector<16xi32>
      %slice3A_284 = vector.extract_strided_slice %get3A_283 {offsets = [0], sizes = [1], strides = [1]} : vector<16xi32> to vector<1xi32>
      %squeeze3A_285 = vector.extract %slice3A_284[0] : i32 from vector<1xi32>
      %sub3A_286 = arith.subi %squeeze3A_285, %sub3A_278 : i32
      %jit3A_287 = arith.constant 0 : i32
      %jit3A_288 = arith.constant 64 : i32
      %max3A_289 = arith.maxsi %jit3A_287, %sub3A_286 : i32
      %min3A_290 = arith.minsi %jit3A_288, %max3A_289 : i32
      %gt3A_291 = arith.constant 0 : i32
      %gt3A_292 = arith.cmpi sgt, %min3A_290, %gt3A_291 : i32
      %convert_element_type3A_293 = arith.extui %gt3A_292 : i1 to i32
      %cond3A_294 = arith.constant 0 : i32
      %cond3A_295 = arith.cmpi ne, %convert_element_type3A_293, %cond3A_294 : i32
      scf.if %cond3A_295 {
        %mul3A_469 = arith.constant 64 : i32
        %mul3A_470 = arith.muli %mul3A_248, %mul3A_469 : i32
        %dma_wait3A_471 = tpu.memref_slice %arg9[%mul3A_470] : memref<1600xi32, #tpu.memory_space<vmem>> -> memref<64xi32, #tpu.memory_space<vmem>>
        %dma_wait3A_472 = arith.constant 0 : i32
        %dma_wait3A_473 = arith.constant 0 : i32
        %dma_wait3A_474 = tpu.memref_slice %arg6[%dma_wait3A_472, %dma_wait3A_473] : memref<100000x768xf32, #tpu.memory_space<hbm>> -> memref<100000x768xf32, #tpu.memory_space<hbm>>
        tpu.wait_indirect_dma semaphore(%arg17 : memref<!tpu.dma_semaphore, #tpu.memory_space<semaphore_mem>>) src(%dma_wait3A_474 : memref<100000x768xf32, #tpu.memory_space<hbm>>) dst(%arg14 : memref<64x768xf32, #tpu.memory_space<vmem>>)
      } else {
      }
      %ge3A = arith.constant 1 : i32
      %ge3A_296 = arith.cmpi sge, %mul3A_248, %ge3A : i32
      %add3A_297 = arith.constant 1 : i32
      %add3A_298 = arith.addi %mul3A_248, %add3A_297 : i32
      %lt3A = arith.constant 25 : i32
      %lt3A_299 = arith.cmpi slt, %add3A_298, %lt3A : i32
      %and3A_300 = arith.andi %ge3A_296, %lt3A_299 : i1
      %convert_element_type3A_301 = arith.extui %and3A_300 : i1 to i32
      %cond3A_302 = arith.constant 0 : i32
      %cond3A_303 = arith.cmpi ne, %convert_element_type3A_301, %cond3A_302 : i32
      scf.if %cond3A_303 {
        %sub3A_469 = arith.constant 1 : i32
        %sub3A_470 = arith.subi %mul3A_248, %sub3A_469 : i32
        %mul3A_471 = arith.constant 4 : i32
        %mul3A_472 = arith.muli %sub3A_470, %mul3A_471 : i32
        %add3A_473 = arith.constant 0 : i32
        %add3A_474 = arith.addi %mul3A_472, %add3A_473 : i32
        %mul3A_475 = arith.constant 16 : i32
        %mul3A_476 = arith.muli %add3A_474, %mul3A_475 : i32
        %get3A_477 = arith.index_cast %mul3A_476 : i32 to index
        %get3A_478 = tpu.vector_load %arg12[%get3A_477] {strides = array<i32>} : memref<1600xi32, #tpu.memory_space<vmem>>, vector<16xi32>,
        %get3A_479 = vector.shape_cast %get3A_478 : vector<16xi32> to vector<16xi32>
        %dma_wait3A_480 = arith.constant 0 : i32
        %dma_wait3A_481 = arith.constant 0 : i32
        %dma_wait3A_482 = tpu.memref_slice %arg7[%dma_wait3A_480, %dma_wait3A_481] : memref<51200x768xf32, #tpu.memory_space<hbm>> -> memref<51200x768xf32, #tpu.memory_space<hbm>>
        tpu.wait_indirect_dma semaphore(%arg20 : memref<!tpu.dma_semaphore, #tpu.memory_space<semaphore_mem>>) src(%arg16 : memref<16x768xf32, #tpu.memory_space<vmem>>) dst(%dma_wait3A_482 : memref<51200x768xf32, #tpu.memory_space<hbm>>)
        %mul3A_483 = arith.constant 4 : i32
        %mul3A_484 = arith.muli %sub3A_470, %mul3A_483 : i32
        %add3A_485 = arith.constant 1 : i32
        %add3A_486 = arith.addi %mul3A_484, %add3A_485 : i32
        %mul3A_487 = arith.constant 16 : i32
        %mul3A_488 = arith.muli %add3A_486, %mul3A_487 : i32
        %get3A_489 = arith.index_cast %mul3A_488 : i32 to index
        %get3A_490 = tpu.vector_load %arg12[%get3A_489] {strides = array<i32>} : memref<1600xi32, #tpu.memory_space<vmem>>, vector<16xi32>,
        %get3A_491 = vector.shape_cast %get3A_490 : vector<16xi32> to vector<16xi32>
        %dma_wait3A_492 = arith.constant 0 : i32
        %dma_wait3A_493 = arith.constant 0 : i32
        %dma_wait3A_494 = tpu.memref_slice %arg7[%dma_wait3A_492, %dma_wait3A_493] : memref<51200x768xf32, #tpu.memory_space<hbm>> -> memref<51200x768xf32, #tpu.memory_space<hbm>>
        tpu.wait_indirect_dma semaphore(%arg20 : memref<!tpu.dma_semaphore, #tpu.memory_space<semaphore_mem>>) src(%arg16 : memref<16x768xf32, #tpu.memory_space<vmem>>) dst(%dma_wait3A_494 : memref<51200x768xf32, #tpu.memory_space<hbm>>)
        %mul3A_495 = arith.constant 4 : i32
        %mul3A_496 = arith.muli %sub3A_470, %mul3A_495 : i32
        %add3A_497 = arith.constant 2 : i32
        %add3A_498 = arith.addi %mul3A_496, %add3A_497 : i32
        %mul3A_499 = arith.constant 16 : i32
        %mul3A_500 = arith.muli %add3A_498, %mul3A_499 : i32
        %get3A_501 = arith.index_cast %mul3A_500 : i32 to index
        %get3A_502 = tpu.vector_load %arg12[%get3A_501] {strides = array<i32>} : memref<1600xi32, #tpu.memory_space<vmem>>, vector<16xi32>,
        %get3A_503 = vector.shape_cast %get3A_502 : vector<16xi32> to vector<16xi32>
        %dma_wait3A_504 = arith.constant 0 : i32
        %dma_wait3A_505 = arith.constant 0 : i32
        %dma_wait3A_506 = tpu.memref_slice %arg7[%dma_wait3A_504, %dma_wait3A_505] : memref<51200x768xf32, #tpu.memory_space<hbm>> -> memref<51200x768xf32, #tpu.memory_space<hbm>>
        tpu.wait_indirect_dma semaphore(%arg20 : memref<!tpu.dma_semaphore, #tpu.memory_space<semaphore_mem>>) src(%arg16 : memref<16x768xf32, #tpu.memory_space<vmem>>) dst(%dma_wait3A_506 : memref<51200x768xf32, #tpu.memory_space<hbm>>)
        %mul3A_507 = arith.constant 4 : i32
        %mul3A_508 = arith.muli %sub3A_470, %mul3A_507 : i32
        %add3A_509 = arith.constant 3 : i32
        %add3A_510 = arith.addi %mul3A_508, %add3A_509 : i32
        %mul3A_511 = arith.constant 16 : i32
        %mul3A_512 = arith.muli %add3A_510, %mul3A_511 : i32
        %get3A_513 = arith.index_cast %mul3A_512 : i32 to index
        %get3A_514 = tpu.vector_load %arg12[%get3A_513] {strides = array<i32>} : memref<1600xi32, #tpu.memory_space<vmem>>, vector<16xi32>,
        %get3A_515 = vector.shape_cast %get3A_514 : vector<16xi32> to vector<16xi32>
        %dma_wait3A_516 = arith.constant 0 : i32
        %dma_wait3A_517 = arith.constant 0 : i32
        %dma_wait3A_518 = tpu.memref_slice %arg7[%dma_wait3A_516, %dma_wait3A_517] : memref<51200x768xf32, #tpu.memory_space<hbm>> -> memref<51200x768xf32, #tpu.memory_space<hbm>>
        tpu.wait_indirect_dma semaphore(%arg20 : memref<!tpu.dma_semaphore, #tpu.memory_space<semaphore_mem>>) src(%arg16 : memref<16x768xf32, #tpu.memory_space<vmem>>) dst(%dma_wait3A_518 : memref<51200x768xf32, #tpu.memory_space<hbm>>)
        %add3A_519 = arith.constant 1 : i32
        %add3A_520 = arith.addi %mul3A_248, %add3A_519 : i32
        %min3A_521 = arith.constant 24 : i32
        %min3A_522 = arith.minsi %add3A_520, %min3A_521 : i32
        %mul3A_523 = arith.constant 64 : i32
        %mul3A_524 = arith.muli %min3A_522, %mul3A_523 : i32
        %add3A_525 = arith.addi %mul3A_2, %mul3A_524 : i32
        %jit3A_526 = arith.constant 1024 : i32
        %div3A_527 = arith.divsi %add3A_525, %jit3A_526 : i32
        %sign3A_528 = arith.constant 0 : i32
        %sign3A_529 = arith.cmpi sgt, %add3A_525, %sign3A_528 : i32
        %sign3A_530 = arith.extui %sign3A_529 : i1 to i32
        %sign3A_531 = arith.constant 0 : i32
        %sign3A_532 = arith.cmpi slt, %add3A_525, %sign3A_531 : i32
        %sign3A_533 = arith.extui %sign3A_532 : i1 to i32
        %sign3A_534 = arith.subi %sign3A_530, %sign3A_533 : i32
        %sign3A_535 = arith.constant 0 : i32
        %sign3A_536 = arith.cmpi sgt, %jit3A_526, %sign3A_535 : i32
        %sign3A_537 = arith.extui %sign3A_536 : i1 to i32
        %sign3A_538 = arith.constant 0 : i32
        %sign3A_539 = arith.cmpi slt, %jit3A_526, %sign3A_538 : i32
        %sign3A_540 = arith.extui %sign3A_539 : i1 to i32
        %sign3A_541 = arith.subi %sign3A_537, %sign3A_540 : i32
        %ne3A_542 = arith.cmpi ne, %sign3A_534, %sign3A_541 : i32
        %rem3A_543 = arith.remsi %add3A_525, %jit3A_526 : i32
        %ne3A_544 = arith.constant 0 : i32
        %ne3A_545 = arith.cmpi ne, %rem3A_543, %ne3A_544 : i32
        %and3A_546 = arith.andi %ne3A_542, %ne3A_545 : i1
        %sub3A_547 = arith.constant 1 : i32
        %sub3A_548 = arith.subi %div3A_527, %sub3A_547 : i32
        %select_n3A_549 = arith.select %and3A_546, %sub3A_548, %div3A_527 : i32
        %mul3A_550 = arith.constant 1024 : i32
        %mul3A_551 = arith.muli %select_n3A_549, %mul3A_550 : i32
        %sub3A_552 = arith.subi %add3A_525, %mul3A_551 : i32
        %mul3A_553 = arith.constant 8 : i32
        %mul3A_554 = arith.muli %select_n3A_549, %mul3A_553 : i32
        %get3A_555 = arith.index_cast %mul3A_554 : i32 to index
        %get3A_556 = tpu.vector_load %arg11[%get3A_555] {strides = array<i32>} : memref<408xi32, #tpu.memory_space<vmem>>, vector<16xi32>,
        %get3A_557 = vector.shape_cast %get3A_556 : vector<16xi32> to vector<16xi32>
        %slice3A_558 = vector.extract_strided_slice %get3A_557 {offsets = [0], sizes = [1], strides = [1]} : vector<16xi32> to vector<1xi32>
        %squeeze3A_559 = vector.extract %slice3A_558[0] : i32 from vector<1xi32>
        %sub3A_560 = arith.subi %squeeze3A_559, %sub3A_552 : i32
        %jit3A_561 = arith.constant 0 : i32
        %jit3A_562 = arith.constant 64 : i32
        %max3A_563 = arith.maxsi %jit3A_561, %sub3A_560 : i32
        %min3A_564 = arith.minsi %jit3A_562, %max3A_563 : i32
        %gt3A_565 = arith.constant 0 : i32
        %gt3A_566 = arith.cmpi sgt, %min3A_564, %gt3A_565 : i32
        %convert_element_type3A_567 = arith.extui %gt3A_566 : i1 to i32
        %cond3A_568 = arith.constant 0 : i32
        %cond3A_569 = arith.cmpi ne, %convert_element_type3A_567, %cond3A_568 : i32
        scf.if %cond3A_569 {
          %mul3A_570 = arith.constant 64 : i32
          %mul3A_571 = arith.muli %min3A_522, %mul3A_570 : i32
          %dma_start3A = tpu.memref_slice %arg9[%mul3A_571] : memref<1600xi32, #tpu.memory_space<vmem>> -> memref<64xi32, #tpu.memory_space<vmem>>
          %dma_start3A_572 = arith.constant 0 : i32
          %dma_start3A_573 = arith.constant 0 : i32
          %dma_start3A_574 = tpu.memref_slice %arg6[%dma_start3A_572, %dma_start3A_573] : memref<100000x768xf32, #tpu.memory_space<hbm>> -> memref<100000x768xf32, #tpu.memory_space<hbm>>
          tpu.enqueue_indirect_dma source(%dma_start3A_574 : memref<100000x768xf32, #tpu.memory_space<hbm>>) target(%arg15 : memref<64x768xf32, #tpu.memory_space<vmem>>) offsets(%dma_start3A : memref<64xi32, #tpu.memory_space<vmem>>) semaphore(%arg18 : memref<!tpu.dma_semaphore, #tpu.memory_space<semaphore_mem>>)
        } else {
        }
      } else {
      }
      %mul3A_304 = arith.constant 64 : i32
      %mul3A_305 = arith.muli %mul3A_248, %mul3A_304 : i32
      %add3A_306 = arith.addi %mul3A_2, %mul3A_305 : i32
      %jit3A_307 = arith.constant 1024 : i32
      %div3A_308 = arith.divsi %add3A_306, %jit3A_307 : i32
      %sign3A_309 = arith.constant 0 : i32
      %sign3A_310 = arith.cmpi sgt, %add3A_306, %sign3A_309 : i32
      %sign3A_311 = arith.extui %sign3A_310 : i1 to i32
      %sign3A_312 = arith.constant 0 : i32
      %sign3A_313 = arith.cmpi slt, %add3A_306, %sign3A_312 : i32
      %sign3A_314 = arith.extui %sign3A_313 : i1 to i32
      %sign3A_315 = arith.subi %sign3A_311, %sign3A_314 : i32
      %sign3A_316 = arith.constant 0 : i32
      %sign3A_317 = arith.cmpi sgt, %jit3A_307, %sign3A_316 : i32
      %sign3A_318 = arith.extui %sign3A_317 : i1 to i32
      %sign3A_319 = arith.constant 0 : i32
      %sign3A_320 = arith.cmpi slt, %jit3A_307, %sign3A_319 : i32
      %sign3A_321 = arith.extui %sign3A_320 : i1 to i32
      %sign3A_322 = arith.subi %sign3A_318, %sign3A_321 : i32
      %ne3A_323 = arith.cmpi ne, %sign3A_315, %sign3A_322 : i32
      %rem3A_324 = arith.remsi %add3A_306, %jit3A_307 : i32
      %ne3A_325 = arith.constant 0 : i32
      %ne3A_326 = arith.cmpi ne, %rem3A_324, %ne3A_325 : i32
      %and3A_327 = arith.andi %ne3A_323, %ne3A_326 : i1
      %sub3A_328 = arith.constant 1 : i32
      %sub3A_329 = arith.subi %div3A_308, %sub3A_328 : i32
      %select_n3A_330 = arith.select %and3A_327, %sub3A_329, %div3A_308 : i32
      %mul3A_331 = arith.constant 1024 : i32
      %mul3A_332 = arith.muli %select_n3A_330, %mul3A_331 : i32
      %sub3A_333 = arith.subi %add3A_306, %mul3A_332 : i32
      %mul3A_334 = arith.constant 8 : i32
      %mul3A_335 = arith.muli %select_n3A_330, %mul3A_334 : i32
      %get3A_336 = arith.index_cast %mul3A_335 : i32 to index
      %get3A_337 = tpu.vector_load %arg11[%get3A_336] {strides = array<i32>} : memref<408xi32, #tpu.memory_space<vmem>>, vector<16xi32>,
      %get3A_338 = vector.shape_cast %get3A_337 : vector<16xi32> to vector<16xi32>
      %slice3A_339 = vector.extract_strided_slice %get3A_338 {offsets = [0], sizes = [1], strides = [1]} : vector<16xi32> to vector<1xi32>
      %squeeze3A_340 = vector.extract %slice3A_339[0] : i32 from vector<1xi32>
      %sub3A_341 = arith.subi %squeeze3A_340, %sub3A_333 : i32
      %jit3A_342 = arith.constant 0 : i32
      %jit3A_343 = arith.constant 64 : i32
      %max3A_344 = arith.maxsi %jit3A_342, %sub3A_341 : i32
      %min3A_345 = arith.minsi %jit3A_343, %max3A_344 : i32
      %gt3A_346 = arith.constant 0 : i32
      %gt3A_347 = arith.cmpi sgt, %min3A_345, %gt3A_346 : i32
      %convert_element_type3A_348 = arith.extui %gt3A_347 : i1 to i32
      %cond3A_349 = arith.constant 0 : i32
      %cond3A_350 = arith.cmpi ne, %convert_element_type3A_348, %cond3A_349 : i32
      scf.if %cond3A_350 {
        %while3A = arith.constant 0 : i32
        %while3A_469 = arith.constant 64 : i32
        %while3A_470 = arith.subi %while3A_469, %min3A_345 : i32
        %while3A_471 = arith.addi %min3A_345, %while3A_470 : i32
        %while3A_472 = arith.constant 1 : i32
        %while3A_473 = arith.divsi %while3A_470, %while3A_472 : i32
        %while3A_474 = arith.muli %while3A_473, %while3A_472 : i32
        %while3A_475 = arith.addi %min3A_345, %while3A_474 : i32
        %while3A_476 = arith.constant 1 : i32
        scf.for %while3A_537 = %min3A_345 to %while3A_475 step %while3A_476  : i32 {
          %swap3A = arith.index_cast %while3A_537 : i32 to index
          %swap3A_538 = arith.constant 0 : index
          %swap3A_539 = tpu.vector_load %arg14[%swap3A, %swap3A_538] {strides = array<i32>} : memref<64x768xf32, #tpu.memory_space<vmem>>, vector<1x16xf32>,
          %swap3A_540 = vector.shape_cast %swap3A_539 : vector<1x16xf32> to vector<16xf32>
          %swap3A_541 = vector.shape_cast %broadcast_in_dim3A_3 : vector<16xf32> to vector<1x16xf32>
          tpu.vector_store %arg14[%swap3A, %swap3A_538], %swap3A_541 {strides = array<i32>} : memref<64x768xf32, #tpu.memory_space<vmem>>, vector<1x16xf32>,
          %swap3A_542 = arith.index_cast %while3A_537 : i32 to index
          %swap3A_543 = arith.constant 16 : index
          %swap3A_544 = tpu.vector_load %arg14[%swap3A_542, %swap3A_543] {strides = array<i32>} : memref<64x768xf32, #tpu.memory_space<vmem>>, vector<1x16xf32>,
          %swap3A_545 = vector.shape_cast %swap3A_544 : vector<1x16xf32> to vector<16xf32>
          %swap3A_546 = vector.shape_cast %broadcast_in_dim3A_3 : vector<16xf32> to vector<1x16xf32>
          tpu.vector_store %arg14[%swap3A_542, %swap3A_543], %swap3A_546 {strides = array<i32>} : memref<64x768xf32, #tpu.memory_space<vmem>>, vector<1x16xf32>,
          %swap3A_547 = arith.index_cast %while3A_537 : i32 to index
          %swap3A_548 = arith.constant 32 : index
          %swap3A_549 = tpu.vector_load %arg14[%swap3A_547, %swap3A_548] {strides = array<i32>} : memref<64x768xf32, #tpu.memory_space<vmem>>, vector<1x16xf32>,
          %swap3A_550 = vector.shape_cast %swap3A_549 : vector<1x16xf32> to vector<16xf32>
          %swap3A_551 = vector.shape_cast %broadcast_in_dim3A_3 : vector<16xf32> to vector<1x16xf32>
          tpu.vector_store %arg14[%swap3A_547, %swap3A_548], %swap3A_551 {strides = array<i32>} : memref<64x768xf32, #tpu.memory_space<vmem>>, vector<1x16xf32>,
          %swap3A_552 = arith.index_cast %while3A_537 : i32 to index
          %swap3A_553 = arith.constant 48 : index
          %swap3A_554 = tpu.vector_load %arg14[%swap3A_552, %swap3A_553] {strides = array<i32>} : memref<64x768xf32, #tpu.memory_space<vmem>>, vector<1x16xf32>,
          %swap3A_555 = vector.shape_cast %swap3A_554 : vector<1x16xf32> to vector<16xf32>
          %swap3A_556 = vector.shape_cast %broadcast_in_dim3A_3 : vector<16xf32> to vector<1x16xf32>
          tpu.vector_store %arg14[%swap3A_552, %swap3A_553], %swap3A_556 {strides = array<i32>} : memref<64x768xf32, #tpu.memory_space<vmem>>, vector<1x16xf32>,
          %swap3A_557 = arith.index_cast %while3A_537 : i32 to index
          %swap3A_558 = arith.constant 64 : index
          %swap3A_559 = tpu.vector_load %arg14[%swap3A_557, %swap3A_558] {strides = array<i32>} : memref<64x768xf32, #tpu.memory_space<vmem>>, vector<1x16xf32>,
          %swap3A_560 = vector.shape_cast %swap3A_559 : vector<1x16xf32> to vector<16xf32>
          %swap3A_561 = vector.shape_cast %broadcast_in_dim3A_3 : vector<16xf32> to vector<1x16xf32>
          tpu.vector_store %arg14[%swap3A_557, %swap3A_558], %swap3A_561 {strides = array<i32>} : memref<64x768xf32, #tpu.memory_space<vmem>>, vector<1x16xf32>,
          %swap3A_562 = arith.index_cast %while3A_537 : i32 to index
          %swap3A_563 = arith.constant 80 : index
          %swap3A_564 = tpu.vector_load %arg14[%swap3A_562, %swap3A_563] {strides = array<i32>} : memref<64x768xf32, #tpu.memory_space<vmem>>, vector<1x16xf32>,
          %swap3A_565 = vector.shape_cast %swap3A_564 : vector<1x16xf32> to vector<16xf32>
          %swap3A_566 = vector.shape_cast %broadcast_in_dim3A_3 : vector<16xf32> to vector<1x16xf32>
          tpu.vector_store %arg14[%swap3A_562, %swap3A_563], %swap3A_566 {strides = array<i32>} : memref<64x768xf32, #tpu.memory_space<vmem>>, vector<1x16xf32>,
          %swap3A_567 = arith.index_cast %while3A_537 : i32 to index
          %swap3A_568 = arith.constant 96 : index
          %swap3A_569 = tpu.vector_load %arg14[%swap3A_567, %swap3A_568] {strides = array<i32>} : memref<64x768xf32, #tpu.memory_space<vmem>>, vector<1x16xf32>,
          %swap3A_570 = vector.shape_cast %swap3A_569 : vector<1x16xf32> to vector<16xf32>
          %swap3A_571 = vector.shape_cast %broadcast_in_dim3A_3 : vector<16xf32> to vector<1x16xf32>
          tpu.vector_store %arg14[%swap3A_567, %swap3A_568], %swap3A_571 {strides = array<i32>} : memref<64x768xf32, #tpu.memory_space<vmem>>, vector<1x16xf32>,
          %swap3A_572 = arith.index_cast %while3A_537 : i32 to index
          %swap3A_573 = arith.constant 112 : index
          %swap3A_574 = tpu.vector_load %arg14[%swap3A_572, %swap3A_573] {strides = array<i32>} : memref<64x768xf32, #tpu.memory_space<vmem>>, vector<1x16xf32>,
          %swap3A_575 = vector.shape_cast %swap3A_574 : vector<1x16xf32> to vector<16xf32>
          %swap3A_576 = vector.shape_cast %broadcast_in_dim3A_3 : vector<16xf32> to vector<1x16xf32>
          tpu.vector_store %arg14[%swap3A_572, %swap3A_573], %swap3A_576 {strides = array<i32>} : memref<64x768xf32, #tpu.memory_space<vmem>>, vector<1x16xf32>,
          %swap3A_577 = arith.index_cast %while3A_537 : i32 to index
          %swap3A_578 = arith.constant 128 : index
          %swap3A_579 = tpu.vector_load %arg14[%swap3A_577, %swap3A_578] {strides = array<i32>} : memref<64x768xf32, #tpu.memory_space<vmem>>, vector<1x16xf32>,
          %swap3A_580 = vector.shape_cast %swap3A_579 : vector<1x16xf32> to vector<16xf32>
          %swap3A_581 = vector.shape_cast %broadcast_in_dim3A_3 : vector<16xf32> to vector<1x16xf32>
          tpu.vector_store %arg14[%swap3A_577, %swap3A_578], %swap3A_581 {strides = array<i32>} : memref<64x768xf32, #tpu.memory_space<vmem>>, vector<1x16xf32>,
          %swap3A_582 = arith.index_cast %while3A_537 : i32 to index
          %swap3A_583 = arith.constant 144 : index
          %swap3A_584 = tpu.vector_load %arg14[%swap3A_582, %swap3A_583] {strides = array<i32>} : memref<64x768xf32, #tpu.memory_space<vmem>>, vector<1x16xf32>,
          %swap3A_585 = vector.shape_cast %swap3A_584 : vector<1x16xf32> to vector<16xf32>
          %swap3A_586 = vector.shape_cast %broadcast_in_dim3A_3 : vector<16xf32> to vector<1x16xf32>
          tpu.vector_store %arg14[%swap3A_582, %swap3A_583], %swap3A_586 {strides = array<i32>} : memref<64x768xf32, #tpu.memory_space<vmem>>, vector<1x16xf32>,
          %swap3A_587 = arith.index_cast %while3A_537 : i32 to index
          %swap3A_588 = arith.constant 160 : index
          %swap3A_589 = tpu.vector_load %arg14[%swap3A_587, %swap3A_588] {strides = array<i32>} : memref<64x768xf32, #tpu.memory_space<vmem>>, vector<1x16xf32>,
          %swap3A_590 = vector.shape_cast %swap3A_589 : vector<1x16xf32> to vector<16xf32>
          %swap3A_591 = vector.shape_cast %broadcast_in_dim3A_3 : vector<16xf32> to vector<1x16xf32>
          tpu.vector_store %arg14[%swap3A_587, %swap3A_588], %swap3A_591 {strides = array<i32>} : memref<64x768xf32, #tpu.memory_space<vmem>>, vector<1x16xf32>,
          %swap3A_592 = arith.index_cast %while3A_537 : i32 to index
          %swap3A_593 = arith.constant 176 : index
          %swap3A_594 = tpu.vector_load %arg14[%swap3A_592, %swap3A_593] {strides = array<i32>} : memref<64x768xf32, #tpu.memory_space<vmem>>, vector<1x16xf32>,
          %swap3A_595 = vector.shape_cast %swap3A_594 : vector<1x16xf32> to vector<16xf32>
          %swap3A_596 = vector.shape_cast %broadcast_in_dim3A_3 : vector<16xf32> to vector<1x16xf32>
          tpu.vector_store %arg14[%swap3A_592, %swap3A_593], %swap3A_596 {strides = array<i32>} : memref<64x768xf32, #tpu.memory_space<vmem>>, vector<1x16xf32>,
          %swap3A_597 = arith.index_cast %while3A_537 : i32 to index
          %swap3A_598 = arith.constant 192 : index
          %swap3A_599 = tpu.vector_load %arg14[%swap3A_597, %swap3A_598] {strides = array<i32>} : memref<64x768xf32, #tpu.memory_space<vmem>>, vector<1x16xf32>,
          %swap3A_600 = vector.shape_cast %swap3A_599 : vector<1x16xf32> to vector<16xf32>
          %swap3A_601 = vector.shape_cast %broadcast_in_dim3A_3 : vector<16xf32> to vector<1x16xf32>
          tpu.vector_store %arg14[%swap3A_597, %swap3A_598], %swap3A_601 {strides = array<i32>} : memref<64x768xf32, #tpu.memory_space<vmem>>, vector<1x16xf32>,
          %swap3A_602 = arith.index_cast %while3A_537 : i32 to index
          %swap3A_603 = arith.constant 208 : index
          %swap3A_604 = tpu.vector_load %arg14[%swap3A_602, %swap3A_603] {strides = array<i32>} : memref<64x768xf32, #tpu.memory_space<vmem>>, vector<1x16xf32>,
          %swap3A_605 = vector.shape_cast %swap3A_604 : vector<1x16xf32> to vector<16xf32>
          %swap3A_606 = vector.shape_cast %broadcast_in_dim3A_3 : vector<16xf32> to vector<1x16xf32>
          tpu.vector_store %arg14[%swap3A_602, %swap3A_603], %swap3A_606 {strides = array<i32>} : memref<64x768xf32, #tpu.memory_space<vmem>>, vector<1x16xf32>,
          %swap3A_607 = arith.index_cast %while3A_537 : i32 to index
          %swap3A_608 = arith.constant 224 : index
          %swap3A_609 = tpu.vector_load %arg14[%swap3A_607, %swap3A_608] {strides = array<i32>} : memref<64x768xf32, #tpu.memory_space<vmem>>, vector<1x16xf32>,
          %swap3A_610 = vector.shape_cast %swap3A_609 : vector<1x16xf32> to vector<16xf32>
          %swap3A_611 = vector.shape_cast %broadcast_in_dim3A_3 : vector<16xf32> to vector<1x16xf32>
          tpu.vector_store %arg14[%swap3A_607, %swap3A_608], %swap3A_611 {strides = array<i32>} : memref<64x768xf32, #tpu.memory_space<vmem>>, vector<1x16xf32>,
          %swap3A_612 = arith.index_cast %while3A_537 : i32 to index
          %swap3A_613 = arith.constant 240 : index
          %swap3A_614 = tpu.vector_load %arg14[%swap3A_612, %swap3A_613] {strides = array<i32>} : memref<64x768xf32, #tpu.memory_space<vmem>>, vector<1x16xf32>,
          %swap3A_615 = vector.shape_cast %swap3A_614 : vector<1x16xf32> to vector<16xf32>
          %swap3A_616 = vector.shape_cast %broadcast_in_dim3A_3 : vector<16xf32> to vector<1x16xf32>
          tpu.vector_store %arg14[%swap3A_612, %swap3A_613], %swap3A_616 {strides = array<i32>} : memref<64x768xf32, #tpu.memory_space<vmem>>, vector<1x16xf32>,
          %swap3A_617 = arith.index_cast %while3A_537 : i32 to index
          %swap3A_618 = arith.constant 256 : index
          %swap3A_619 = tpu.vector_load %arg14[%swap3A_617, %swap3A_618] {strides = array<i32>} : memref<64x768xf32, #tpu.memory_space<vmem>>, vector<1x16xf32>,
          %swap3A_620 = vector.shape_cast %swap3A_619 : vector<1x16xf32> to vector<16xf32>
          %swap3A_621 = vector.shape_cast %broadcast_in_dim3A_3 : vector<16xf32> to vector<1x16xf32>
          tpu.vector_store %arg14[%swap3A_617, %swap3A_618], %swap3A_621 {strides = array<i32>} : memref<64x768xf32, #tpu.memory_space<vmem>>, vector<1x16xf32>,
          %swap3A_622 = arith.index_cast %while3A_537 : i32 to index
          %swap3A_623 = arith.constant 272 : index
          %swap3A_624 = tpu.vector_load %arg14[%swap3A_622, %swap3A_623] {strides = array<i32>} : memref<64x768xf32, #tpu.memory_space<vmem>>, vector<1x16xf32>,
          %swap3A_625 = vector.shape_cast %swap3A_624 : vector<1x16xf32> to vector<16xf32>
          %swap3A_626 = vector.shape_cast %broadcast_in_dim3A_3 : vector<16xf32> to vector<1x16xf32>
          tpu.vector_store %arg14[%swap3A_622, %swap3A_623], %swap3A_626 {strides = array<i32>} : memref<64x768xf32, #tpu.memory_space<vmem>>, vector<1x16xf32>,
          %swap3A_627 = arith.index_cast %while3A_537 : i32 to index
          %swap3A_628 = arith.constant 288 : index
          %swap3A_629 = tpu.vector_load %arg14[%swap3A_627, %swap3A_628] {strides = array<i32>} : memref<64x768xf32, #tpu.memory_space<vmem>>, vector<1x16xf32>,
          %swap3A_630 = vector.shape_cast %swap3A_629 : vector<1x16xf32> to vector<16xf32>
          %swap3A_631 = vector.shape_cast %broadcast_in_dim3A_3 : vector<16xf32> to vector<1x16xf32>
          tpu.vector_store %arg14[%swap3A_627, %swap3A_628], %swap3A_631 {strides = array<i32>} : memref<64x768xf32, #tpu.memory_space<vmem>>, vector<1x16xf32>,
          %swap3A_632 = arith.index_cast %while3A_537 : i32 to index
          %swap3A_633 = arith.constant 304 : index
          %swap3A_634 = tpu.vector_load %arg14[%swap3A_632, %swap3A_633] {strides = array<i32>} : memref<64x768xf32, #tpu.memory_space<vmem>>, vector<1x16xf32>,
          %swap3A_635 = vector.shape_cast %swap3A_634 : vector<1x16xf32> to vector<16xf32>
          %swap3A_636 = vector.shape_cast %broadcast_in_dim3A_3 : vector<16xf32> to vector<1x16xf32>
          tpu.vector_store %arg14[%swap3A_632, %swap3A_633], %swap3A_636 {strides = array<i32>} : memref<64x768xf32, #tpu.memory_space<vmem>>, vector<1x16xf32>,
          %swap3A_637 = arith.index_cast %while3A_537 : i32 to index
          %swap3A_638 = arith.constant 320 : index
          %swap3A_639 = tpu.vector_load %arg14[%swap3A_637, %swap3A_638] {strides = array<i32>} : memref<64x768xf32, #tpu.memory_space<vmem>>, vector<1x16xf32>,
          %swap3A_640 = vector.shape_cast %swap3A_639 : vector<1x16xf32> to vector<16xf32>
          %swap3A_641 = vector.shape_cast %broadcast_in_dim3A_3 : vector<16xf32> to vector<1x16xf32>
          tpu.vector_store %arg14[%swap3A_637, %swap3A_638], %swap3A_641 {strides = array<i32>} : memref<64x768xf32, #tpu.memory_space<vmem>>, vector<1x16xf32>,
          %swap3A_642 = arith.index_cast %while3A_537 : i32 to index
          %swap3A_643 = arith.constant 336 : index
          %swap3A_644 = tpu.vector_load %arg14[%swap3A_642, %swap3A_643] {strides = array<i32>} : memref<64x768xf32, #tpu.memory_space<vmem>>, vector<1x16xf32>,
          %swap3A_645 = vector.shape_cast %swap3A_644 : vector<1x16xf32> to vector<16xf32>
          %swap3A_646 = vector.shape_cast %broadcast_in_dim3A_3 : vector<16xf32> to vector<1x16xf32>
          tpu.vector_store %arg14[%swap3A_642, %swap3A_643], %swap3A_646 {strides = array<i32>} : memref<64x768xf32, #tpu.memory_space<vmem>>, vector<1x16xf32>,
          %swap3A_647 = arith.index_cast %while3A_537 : i32 to index
          %swap3A_648 = arith.constant 352 : index
          %swap3A_649 = tpu.vector_load %arg14[%swap3A_647, %swap3A_648] {strides = array<i32>} : memref<64x768xf32, #tpu.memory_space<vmem>>, vector<1x16xf32>,
          %swap3A_650 = vector.shape_cast %swap3A_649 : vector<1x16xf32> to vector<16xf32>
          %swap3A_651 = vector.shape_cast %broadcast_in_dim3A_3 : vector<16xf32> to vector<1x16xf32>
          tpu.vector_store %arg14[%swap3A_647, %swap3A_648], %swap3A_651 {strides = array<i32>} : memref<64x768xf32, #tpu.memory_space<vmem>>, vector<1x16xf32>,
          %swap3A_652 = arith.index_cast %while3A_537 : i32 to index
          %swap3A_653 = arith.constant 368 : index
          %swap3A_654 = tpu.vector_load %arg14[%swap3A_652, %swap3A_653] {strides = array<i32>} : memref<64x768xf32, #tpu.memory_space<vmem>>, vector<1x16xf32>,
          %swap3A_655 = vector.shape_cast %swap3A_654 : vector<1x16xf32> to vector<16xf32>
          %swap3A_656 = vector.shape_cast %broadcast_in_dim3A_3 : vector<16xf32> to vector<1x16xf32>
          tpu.vector_store %arg14[%swap3A_652, %swap3A_653], %swap3A_656 {strides = array<i32>} : memref<64x768xf32, #tpu.memory_space<vmem>>, vector<1x16xf32>,
          %swap3A_657 = arith.index_cast %while3A_537 : i32 to index
          %swap3A_658 = arith.constant 384 : index
          %swap3A_659 = tpu.vector_load %arg14[%swap3A_657, %swap3A_658] {strides = array<i32>} : memref<64x768xf32, #tpu.memory_space<vmem>>, vector<1x16xf32>,
          %swap3A_660 = vector.shape_cast %swap3A_659 : vector<1x16xf32> to vector<16xf32>
          %swap3A_661 = vector.shape_cast %broadcast_in_dim3A_3 : vector<16xf32> to vector<1x16xf32>
          tpu.vector_store %arg14[%swap3A_657, %swap3A_658], %swap3A_661 {strides = array<i32>} : memref<64x768xf32, #tpu.memory_space<vmem>>, vector<1x16xf32>,
          %swap3A_662 = arith.index_cast %while3A_537 : i32 to index
          %swap3A_663 = arith.constant 400 : index
          %swap3A_664 = tpu.vector_load %arg14[%swap3A_662, %swap3A_663] {strides = array<i32>} : memref<64x768xf32, #tpu.memory_space<vmem>>, vector<1x16xf32>,
          %swap3A_665 = vector.shape_cast %swap3A_664 : vector<1x16xf32> to vector<16xf32>
          %swap3A_666 = vector.shape_cast %broadcast_in_dim3A_3 : vector<16xf32> to vector<1x16xf32>
          tpu.vector_store %arg14[%swap3A_662, %swap3A_663], %swap3A_666 {strides = array<i32>} : memref<64x768xf32, #tpu.memory_space<vmem>>, vector<1x16xf32>,
          %swap3A_667 = arith.index_cast %while3A_537 : i32 to index
          %swap3A_668 = arith.constant 416 : index
          %swap3A_669 = tpu.vector_load %arg14[%swap3A_667, %swap3A_668] {strides = array<i32>} : memref<64x768xf32, #tpu.memory_space<vmem>>, vector<1x16xf32>,
          %swap3A_670 = vector.shape_cast %swap3A_669 : vector<1x16xf32> to vector<16xf32>
          %swap3A_671 = vector.shape_cast %broadcast_in_dim3A_3 : vector<16xf32> to vector<1x16xf32>
          tpu.vector_store %arg14[%swap3A_667, %swap3A_668], %swap3A_671 {strides = array<i32>} : memref<64x768xf32, #tpu.memory_space<vmem>>, vector<1x16xf32>,
          %swap3A_672 = arith.index_cast %while3A_537 : i32 to index
          %swap3A_673 = arith.constant 432 : index
          %swap3A_674 = tpu.vector_load %arg14[%swap3A_672, %swap3A_673] {strides = array<i32>} : memref<64x768xf32, #tpu.memory_space<vmem>>, vector<1x16xf32>,
          %swap3A_675 = vector.shape_cast %swap3A_674 : vector<1x16xf32> to vector<16xf32>
          %swap3A_676 = vector.shape_cast %broadcast_in_dim3A_3 : vector<16xf32> to vector<1x16xf32>
          tpu.vector_store %arg14[%swap3A_672, %swap3A_673], %swap3A_676 {strides = array<i32>} : memref<64x768xf32, #tpu.memory_space<vmem>>, vector<1x16xf32>,
          %swap3A_677 = arith.index_cast %while3A_537 : i32 to index
          %swap3A_678 = arith.constant 448 : index
          %swap3A_679 = tpu.vector_load %arg14[%swap3A_677, %swap3A_678] {strides = array<i32>} : memref<64x768xf32, #tpu.memory_space<vmem>>, vector<1x16xf32>,
          %swap3A_680 = vector.shape_cast %swap3A_679 : vector<1x16xf32> to vector<16xf32>
          %swap3A_681 = vector.shape_cast %broadcast_in_dim3A_3 : vector<16xf32> to vector<1x16xf32>
          tpu.vector_store %arg14[%swap3A_677, %swap3A_678], %swap3A_681 {strides = array<i32>} : memref<64x768xf32, #tpu.memory_space<vmem>>, vector<1x16xf32>,
          %swap3A_682 = arith.index_cast %while3A_537 : i32 to index
          %swap3A_683 = arith.constant 464 : index
          %swap3A_684 = tpu.vector_load %arg14[%swap3A_682, %swap3A_683] {strides = array<i32>} : memref<64x768xf32, #tpu.memory_space<vmem>>, vector<1x16xf32>,
          %swap3A_685 = vector.shape_cast %swap3A_684 : vector<1x16xf32> to vector<16xf32>
          %swap3A_686 = vector.shape_cast %broadcast_in_dim3A_3 : vector<16xf32> to vector<1x16xf32>
          tpu.vector_store %arg14[%swap3A_682, %swap3A_683], %swap3A_686 {strides = array<i32>} : memref<64x768xf32, #tpu.memory_space<vmem>>, vector<1x16xf32>,
          %swap3A_687 = arith.index_cast %while3A_537 : i32 to index
          %swap3A_688 = arith.constant 480 : index
          %swap3A_689 = tpu.vector_load %arg14[%swap3A_687, %swap3A_688] {strides = array<i32>} : memref<64x768xf32, #tpu.memory_space<vmem>>, vector<1x16xf32>,
          %swap3A_690 = vector.shape_cast %swap3A_689 : vector<1x16xf32> to vector<16xf32>
          %swap3A_691 = vector.shape_cast %broadcast_in_dim3A_3 : vector<16xf32> to vector<1x16xf32>
          tpu.vector_store %arg14[%swap3A_687, %swap3A_688], %swap3A_691 {strides = array<i32>} : memref<64x768xf32, #tpu.memory_space<vmem>>, vector<1x16xf32>,
          %swap3A_692 = arith.index_cast %while3A_537 : i32 to index
          %swap3A_693 = arith.constant 496 : index
          %swap3A_694 = tpu.vector_load %arg14[%swap3A_692, %swap3A_693] {strides = array<i32>} : memref<64x768xf32, #tpu.memory_space<vmem>>, vector<1x16xf32>,
          %swap3A_695 = vector.shape_cast %swap3A_694 : vector<1x16xf32> to vector<16xf32>
          %swap3A_696 = vector.shape_cast %broadcast_in_dim3A_3 : vector<16xf32> to vector<1x16xf32>
          tpu.vector_store %arg14[%swap3A_692, %swap3A_693], %swap3A_696 {strides = array<i32>} : memref<64x768xf32, #tpu.memory_space<vmem>>, vector<1x16xf32>,
          %swap3A_697 = arith.index_cast %while3A_537 : i32 to index
          %swap3A_698 = arith.constant 512 : index
          %swap3A_699 = tpu.vector_load %arg14[%swap3A_697, %swap3A_698] {strides = array<i32>} : memref<64x768xf32, #tpu.memory_space<vmem>>, vector<1x16xf32>,
          %swap3A_700 = vector.shape_cast %swap3A_699 : vector<1x16xf32> to vector<16xf32>
          %swap3A_701 = vector.shape_cast %broadcast_in_dim3A_3 : vector<16xf32> to vector<1x16xf32>
          tpu.vector_store %arg14[%swap3A_697, %swap3A_698], %swap3A_701 {strides = array<i32>} : memref<64x768xf32, #tpu.memory_space<vmem>>, vector<1x16xf32>,
          %swap3A_702 = arith.index_cast %while3A_537 : i32 to index
          %swap3A_703 = arith.constant 528 : index
          %swap3A_704 = tpu.vector_load %arg14[%swap3A_702, %swap3A_703] {strides = array<i32>} : memref<64x768xf32, #tpu.memory_space<vmem>>, vector<1x16xf32>,
          %swap3A_705 = vector.shape_cast %swap3A_704 : vector<1x16xf32> to vector<16xf32>
          %swap3A_706 = vector.shape_cast %broadcast_in_dim3A_3 : vector<16xf32> to vector<1x16xf32>
          tpu.vector_store %arg14[%swap3A_702, %swap3A_703], %swap3A_706 {strides = array<i32>} : memref<64x768xf32, #tpu.memory_space<vmem>>, vector<1x16xf32>,
          %swap3A_707 = arith.index_cast %while3A_537 : i32 to index
          %swap3A_708 = arith.constant 544 : index
          %swap3A_709 = tpu.vector_load %arg14[%swap3A_707, %swap3A_708] {strides = array<i32>} : memref<64x768xf32, #tpu.memory_space<vmem>>, vector<1x16xf32>,
          %swap3A_710 = vector.shape_cast %swap3A_709 : vector<1x16xf32> to vector<16xf32>
          %swap3A_711 = vector.shape_cast %broadcast_in_dim3A_3 : vector<16xf32> to vector<1x16xf32>
          tpu.vector_store %arg14[%swap3A_707, %swap3A_708], %swap3A_711 {strides = array<i32>} : memref<64x768xf32, #tpu.memory_space<vmem>>, vector<1x16xf32>,
          %swap3A_712 = arith.index_cast %while3A_537 : i32 to index
          %swap3A_713 = arith.constant 560 : index
          %swap3A_714 = tpu.vector_load %arg14[%swap3A_712, %swap3A_713] {strides = array<i32>} : memref<64x768xf32, #tpu.memory_space<vmem>>, vector<1x16xf32>,
          %swap3A_715 = vector.shape_cast %swap3A_714 : vector<1x16xf32> to vector<16xf32>
          %swap3A_716 = vector.shape_cast %broadcast_in_dim3A_3 : vector<16xf32> to vector<1x16xf32>
          tpu.vector_store %arg14[%swap3A_712, %swap3A_713], %swap3A_716 {strides = array<i32>} : memref<64x768xf32, #tpu.memory_space<vmem>>, vector<1x16xf32>,
          %swap3A_717 = arith.index_cast %while3A_537 : i32 to index
          %swap3A_718 = arith.constant 576 : index
          %swap3A_719 = tpu.vector_load %arg14[%swap3A_717, %swap3A_718] {strides = array<i32>} : memref<64x768xf32, #tpu.memory_space<vmem>>, vector<1x16xf32>,
          %swap3A_720 = vector.shape_cast %swap3A_719 : vector<1x16xf32> to vector<16xf32>
          %swap3A_721 = vector.shape_cast %broadcast_in_dim3A_3 : vector<16xf32> to vector<1x16xf32>
          tpu.vector_store %arg14[%swap3A_717, %swap3A_718], %swap3A_721 {strides = array<i32>} : memref<64x768xf32, #tpu.memory_space<vmem>>, vector<1x16xf32>,
          %swap3A_722 = arith.index_cast %while3A_537 : i32 to index
          %swap3A_723 = arith.constant 592 : index
          %swap3A_724 = tpu.vector_load %arg14[%swap3A_722, %swap3A_723] {strides = array<i32>} : memref<64x768xf32, #tpu.memory_space<vmem>>, vector<1x16xf32>,
          %swap3A_725 = vector.shape_cast %swap3A_724 : vector<1x16xf32> to vector<16xf32>
          %swap3A_726 = vector.shape_cast %broadcast_in_dim3A_3 : vector<16xf32> to vector<1x16xf32>
          tpu.vector_store %arg14[%swap3A_722, %swap3A_723], %swap3A_726 {strides = array<i32>} : memref<64x768xf32, #tpu.memory_space<vmem>>, vector<1x16xf32>,
          %swap3A_727 = arith.index_cast %while3A_537 : i32 to index
          %swap3A_728 = arith.constant 608 : index
          %swap3A_729 = tpu.vector_load %arg14[%swap3A_727, %swap3A_728] {strides = array<i32>} : memref<64x768xf32, #tpu.memory_space<vmem>>, vector<1x16xf32>,
          %swap3A_730 = vector.shape_cast %swap3A_729 : vector<1x16xf32> to vector<16xf32>
          %swap3A_731 = vector.shape_cast %broadcast_in_dim3A_3 : vector<16xf32> to vector<1x16xf32>
          tpu.vector_store %arg14[%swap3A_727, %swap3A_728], %swap3A_731 {strides = array<i32>} : memref<64x768xf32, #tpu.memory_space<vmem>>, vector<1x16xf32>,
          %swap3A_732 = arith.index_cast %while3A_537 : i32 to index
          %swap3A_733 = arith.constant 624 : index
          %swap3A_734 = tpu.vector_load %arg14[%swap3A_732, %swap3A_733] {strides = array<i32>} : memref<64x768xf32, #tpu.memory_space<vmem>>, vector<1x16xf32>,
          %swap3A_735 = vector.shape_cast %swap3A_734 : vector<1x16xf32> to vector<16xf32>
          %swap3A_736 = vector.shape_cast %broadcast_in_dim3A_3 : vector<16xf32> to vector<1x16xf32>
          tpu.vector_store %arg14[%swap3A_732, %swap3A_733], %swap3A_736 {strides = array<i32>} : memref<64x768xf32, #tpu.memory_space<vmem>>, vector<1x16xf32>,
          %swap3A_737 = arith.index_cast %while3A_537 : i32 to index
          %swap3A_738 = arith.constant 640 : index
          %swap3A_739 = tpu.vector_load %arg14[%swap3A_737, %swap3A_738] {strides = array<i32>} : memref<64x768xf32, #tpu.memory_space<vmem>>, vector<1x16xf32>,
          %swap3A_740 = vector.shape_cast %swap3A_739 : vector<1x16xf32> to vector<16xf32>
          %swap3A_741 = vector.shape_cast %broadcast_in_dim3A_3 : vector<16xf32> to vector<1x16xf32>
          tpu.vector_store %arg14[%swap3A_737, %swap3A_738], %swap3A_741 {strides = array<i32>} : memref<64x768xf32, #tpu.memory_space<vmem>>, vector<1x16xf32>,
          %swap3A_742 = arith.index_cast %while3A_537 : i32 to index
          %swap3A_743 = arith.constant 656 : index
          %swap3A_744 = tpu.vector_load %arg14[%swap3A_742, %swap3A_743] {strides = array<i32>} : memref<64x768xf32, #tpu.memory_space<vmem>>, vector<1x16xf32>,
          %swap3A_745 = vector.shape_cast %swap3A_744 : vector<1x16xf32> to vector<16xf32>
          %swap3A_746 = vector.shape_cast %broadcast_in_dim3A_3 : vector<16xf32> to vector<1x16xf32>
          tpu.vector_store %arg14[%swap3A_742, %swap3A_743], %swap3A_746 {strides = array<i32>} : memref<64x768xf32, #tpu.memory_space<vmem>>, vector<1x16xf32>,
          %swap3A_747 = arith.index_cast %while3A_537 : i32 to index
          %swap3A_748 = arith.constant 672 : index
          %swap3A_749 = tpu.vector_load %arg14[%swap3A_747, %swap3A_748] {strides = array<i32>} : memref<64x768xf32, #tpu.memory_space<vmem>>, vector<1x16xf32>,
          %swap3A_750 = vector.shape_cast %swap3A_749 : vector<1x16xf32> to vector<16xf32>
          %swap3A_751 = vector.shape_cast %broadcast_in_dim3A_3 : vector<16xf32> to vector<1x16xf32>
          tpu.vector_store %arg14[%swap3A_747, %swap3A_748], %swap3A_751 {strides = array<i32>} : memref<64x768xf32, #tpu.memory_space<vmem>>, vector<1x16xf32>,
          %swap3A_752 = arith.index_cast %while3A_537 : i32 to index
          %swap3A_753 = arith.constant 688 : index
          %swap3A_754 = tpu.vector_load %arg14[%swap3A_752, %swap3A_753] {strides = array<i32>} : memref<64x768xf32, #tpu.memory_space<vmem>>, vector<1x16xf32>,
          %swap3A_755 = vector.shape_cast %swap3A_754 : vector<1x16xf32> to vector<16xf32>
          %swap3A_756 = vector.shape_cast %broadcast_in_dim3A_3 : vector<16xf32> to vector<1x16xf32>
          tpu.vector_store %arg14[%swap3A_752, %swap3A_753], %swap3A_756 {strides = array<i32>} : memref<64x768xf32, #tpu.memory_space<vmem>>, vector<1x16xf32>,
          %swap3A_757 = arith.index_cast %while3A_537 : i32 to index
          %swap3A_758 = arith.constant 704 : index
          %swap3A_759 = tpu.vector_load %arg14[%swap3A_757, %swap3A_758] {strides = array<i32>} : memref<64x768xf32, #tpu.memory_space<vmem>>, vector<1x16xf32>,
          %swap3A_760 = vector.shape_cast %swap3A_759 : vector<1x16xf32> to vector<16xf32>
          %swap3A_761 = vector.shape_cast %broadcast_in_dim3A_3 : vector<16xf32> to vector<1x16xf32>
          tpu.vector_store %arg14[%swap3A_757, %swap3A_758], %swap3A_761 {strides = array<i32>} : memref<64x768xf32, #tpu.memory_space<vmem>>, vector<1x16xf32>,
          %swap3A_762 = arith.index_cast %while3A_537 : i32 to index
          %swap3A_763 = arith.constant 720 : index
          %swap3A_764 = tpu.vector_load %arg14[%swap3A_762, %swap3A_763] {strides = array<i32>} : memref<64x768xf32, #tpu.memory_space<vmem>>, vector<1x16xf32>,
          %swap3A_765 = vector.shape_cast %swap3A_764 : vector<1x16xf32> to vector<16xf32>
          %swap3A_766 = vector.shape_cast %broadcast_in_dim3A_3 : vector<16xf32> to vector<1x16xf32>
          tpu.vector_store %arg14[%swap3A_762, %swap3A_763], %swap3A_766 {strides = array<i32>} : memref<64x768xf32, #tpu.memory_space<vmem>>, vector<1x16xf32>,
          %swap3A_767 = arith.index_cast %while3A_537 : i32 to index
          %swap3A_768 = arith.constant 736 : index
          %swap3A_769 = tpu.vector_load %arg14[%swap3A_767, %swap3A_768] {strides = array<i32>} : memref<64x768xf32, #tpu.memory_space<vmem>>, vector<1x16xf32>,
          %swap3A_770 = vector.shape_cast %swap3A_769 : vector<1x16xf32> to vector<16xf32>
          %swap3A_771 = vector.shape_cast %broadcast_in_dim3A_3 : vector<16xf32> to vector<1x16xf32>
          tpu.vector_store %arg14[%swap3A_767, %swap3A_768], %swap3A_771 {strides = array<i32>} : memref<64x768xf32, #tpu.memory_space<vmem>>, vector<1x16xf32>,
          %swap3A_772 = arith.index_cast %while3A_537 : i32 to index
          %swap3A_773 = arith.constant 752 : index
          %swap3A_774 = tpu.vector_load %arg14[%swap3A_772, %swap3A_773] {strides = array<i32>} : memref<64x768xf32, #tpu.memory_space<vmem>>, vector<1x16xf32>,
          %swap3A_775 = vector.shape_cast %swap3A_774 : vector<1x16xf32> to vector<16xf32>
          %swap3A_776 = vector.shape_cast %broadcast_in_dim3A_3 : vector<16xf32> to vector<1x16xf32>
          tpu.vector_store %arg14[%swap3A_772, %swap3A_773], %swap3A_776 {strides = array<i32>} : memref<64x768xf32, #tpu.memory_space<vmem>>, vector<1x16xf32>,
        }
        %while3A_477 = arith.constant 1 : i32
        scf.for %while3A_537 = %while3A_475 to %while3A_471 step %while3A_477  : i32 {
          %swap3A = arith.index_cast %while3A_537 : i32 to index
          %swap3A_538 = arith.constant 0 : index
          %swap3A_539 = tpu.vector_load %arg14[%swap3A, %swap3A_538] {strides = array<i32>} : memref<64x768xf32, #tpu.memory_space<vmem>>, vector<1x16xf32>,
          %swap3A_540 = vector.shape_cast %swap3A_539 : vector<1x16xf32> to vector<16xf32>
          %swap3A_541 = vector.shape_cast %broadcast_in_dim3A_3 : vector<16xf32> to vector<1x16xf32>
          tpu.vector_store %arg14[%swap3A, %swap3A_538], %swap3A_541 {strides = array<i32>} : memref<64x768xf32, #tpu.memory_space<vmem>>, vector<1x16xf32>,
          %swap3A_542 = arith.index_cast %while3A_537 : i32 to index
          %swap3A_543 = arith.constant 16 : index
          %swap3A_544 = tpu.vector_load %arg14[%swap3A_542, %swap3A_543] {strides = array<i32>} : memref<64x768xf32, #tpu.memory_space<vmem>>, vector<1x16xf32>,
          %swap3A_545 = vector.shape_cast %swap3A_544 : vector<1x16xf32> to vector<16xf32>
          %swap3A_546 = vector.shape_cast %broadcast_in_dim3A_3 : vector<16xf32> to vector<1x16xf32>
          tpu.vector_store %arg14[%swap3A_542, %swap3A_543], %swap3A_546 {strides = array<i32>} : memref<64x768xf32, #tpu.memory_space<vmem>>, vector<1x16xf32>,
          %swap3A_547 = arith.index_cast %while3A_537 : i32 to index
          %swap3A_548 = arith.constant 32 : index
          %swap3A_549 = tpu.vector_load %arg14[%swap3A_547, %swap3A_548] {strides = array<i32>} : memref<64x768xf32, #tpu.memory_space<vmem>>, vector<1x16xf32>,
          %swap3A_550 = vector.shape_cast %swap3A_549 : vector<1x16xf32> to vector<16xf32>
          %swap3A_551 = vector.shape_cast %broadcast_in_dim3A_3 : vector<16xf32> to vector<1x16xf32>
          tpu.vector_store %arg14[%swap3A_547, %swap3A_548], %swap3A_551 {strides = array<i32>} : memref<64x768xf32, #tpu.memory_space<vmem>>, vector<1x16xf32>,
          %swap3A_552 = arith.index_cast %while3A_537 : i32 to index
          %swap3A_553 = arith.constant 48 : index
          %swap3A_554 = tpu.vector_load %arg14[%swap3A_552, %swap3A_553] {strides = array<i32>} : memref<64x768xf32, #tpu.memory_space<vmem>>, vector<1x16xf32>,
          %swap3A_555 = vector.shape_cast %swap3A_554 : vector<1x16xf32> to vector<16xf32>
          %swap3A_556 = vector.shape_cast %broadcast_in_dim3A_3 : vector<16xf32> to vector<1x16xf32>
          tpu.vector_store %arg14[%swap3A_552, %swap3A_553], %swap3A_556 {strides = array<i32>} : memref<64x768xf32, #tpu.memory_space<vmem>>, vector<1x16xf32>,
          %swap3A_557 = arith.index_cast %while3A_537 : i32 to index
          %swap3A_558 = arith.constant 64 : index
          %swap3A_559 = tpu.vector_load %arg14[%swap3A_557, %swap3A_558] {strides = array<i32>} : memref<64x768xf32, #tpu.memory_space<vmem>>, vector<1x16xf32>,
          %swap3A_560 = vector.shape_cast %swap3A_559 : vector<1x16xf32> to vector<16xf32>
          %swap3A_561 = vector.shape_cast %broadcast_in_dim3A_3 : vector<16xf32> to vector<1x16xf32>
          tpu.vector_store %arg14[%swap3A_557, %swap3A_558], %swap3A_561 {strides = array<i32>} : memref<64x768xf32, #tpu.memory_space<vmem>>, vector<1x16xf32>,
          %swap3A_562 = arith.index_cast %while3A_537 : i32 to index
          %swap3A_563 = arith.constant 80 : index
          %swap3A_564 = tpu.vector_load %arg14[%swap3A_562, %swap3A_563] {strides = array<i32>} : memref<64x768xf32, #tpu.memory_space<vmem>>, vector<1x16xf32>,
          %swap3A_565 = vector.shape_cast %swap3A_564 : vector<1x16xf32> to vector<16xf32>
          %swap3A_566 = vector.shape_cast %broadcast_in_dim3A_3 : vector<16xf32> to vector<1x16xf32>
          tpu.vector_store %arg14[%swap3A_562, %swap3A_563], %swap3A_566 {strides = array<i32>} : memref<64x768xf32, #tpu.memory_space<vmem>>, vector<1x16xf32>,
          %swap3A_567 = arith.index_cast %while3A_537 : i32 to index
          %swap3A_568 = arith.constant 96 : index
          %swap3A_569 = tpu.vector_load %arg14[%swap3A_567, %swap3A_568] {strides = array<i32>} : memref<64x768xf32, #tpu.memory_space<vmem>>, vector<1x16xf32>,
          %swap3A_570 = vector.shape_cast %swap3A_569 : vector<1x16xf32> to vector<16xf32>
          %swap3A_571 = vector.shape_cast %broadcast_in_dim3A_3 : vector<16xf32> to vector<1x16xf32>
          tpu.vector_store %arg14[%swap3A_567, %swap3A_568], %swap3A_571 {strides = array<i32>} : memref<64x768xf32, #tpu.memory_space<vmem>>, vector<1x16xf32>,
          %swap3A_572 = arith.index_cast %while3A_537 : i32 to index
          %swap3A_573 = arith.constant 112 : index
          %swap3A_574 = tpu.vector_load %arg14[%swap3A_572, %swap3A_573] {strides = array<i32>} : memref<64x768xf32, #tpu.memory_space<vmem>>, vector<1x16xf32>,
          %swap3A_575 = vector.shape_cast %swap3A_574 : vector<1x16xf32> to vector<16xf32>
          %swap3A_576 = vector.shape_cast %broadcast_in_dim3A_3 : vector<16xf32> to vector<1x16xf32>
          tpu.vector_store %arg14[%swap3A_572, %swap3A_573], %swap3A_576 {strides = array<i32>} : memref<64x768xf32, #tpu.memory_space<vmem>>, vector<1x16xf32>,
          %swap3A_577 = arith.index_cast %while3A_537 : i32 to index
          %swap3A_578 = arith.constant 128 : index
          %swap3A_579 = tpu.vector_load %arg14[%swap3A_577, %swap3A_578] {strides = array<i32>} : memref<64x768xf32, #tpu.memory_space<vmem>>, vector<1x16xf32>,
          %swap3A_580 = vector.shape_cast %swap3A_579 : vector<1x16xf32> to vector<16xf32>
          %swap3A_581 = vector.shape_cast %broadcast_in_dim3A_3 : vector<16xf32> to vector<1x16xf32>
          tpu.vector_store %arg14[%swap3A_577, %swap3A_578], %swap3A_581 {strides = array<i32>} : memref<64x768xf32, #tpu.memory_space<vmem>>, vector<1x16xf32>,
          %swap3A_582 = arith.index_cast %while3A_537 : i32 to index
          %swap3A_583 = arith.constant 144 : index
          %swap3A_584 = tpu.vector_load %arg14[%swap3A_582, %swap3A_583] {strides = array<i32>} : memref<64x768xf32, #tpu.memory_space<vmem>>, vector<1x16xf32>,
          %swap3A_585 = vector.shape_cast %swap3A_584 : vector<1x16xf32> to vector<16xf32>
          %swap3A_586 = vector.shape_cast %broadcast_in_dim3A_3 : vector<16xf32> to vector<1x16xf32>
          tpu.vector_store %arg14[%swap3A_582, %swap3A_583], %swap3A_586 {strides = array<i32>} : memref<64x768xf32, #tpu.memory_space<vmem>>, vector<1x16xf32>,
          %swap3A_587 = arith.index_cast %while3A_537 : i32 to index
          %swap3A_588 = arith.constant 160 : index
          %swap3A_589 = tpu.vector_load %arg14[%swap3A_587, %swap3A_588] {strides = array<i32>} : memref<64x768xf32, #tpu.memory_space<vmem>>, vector<1x16xf32>,
          %swap3A_590 = vector.shape_cast %swap3A_589 : vector<1x16xf32> to vector<16xf32>
          %swap3A_591 = vector.shape_cast %broadcast_in_dim3A_3 : vector<16xf32> to vector<1x16xf32>
          tpu.vector_store %arg14[%swap3A_587, %swap3A_588], %swap3A_591 {strides = array<i32>} : memref<64x768xf32, #tpu.memory_space<vmem>>, vector<1x16xf32>,
          %swap3A_592 = arith.index_cast %while3A_537 : i32 to index
          %swap3A_593 = arith.constant 176 : index
          %swap3A_594 = tpu.vector_load %arg14[%swap3A_592, %swap3A_593] {strides = array<i32>} : memref<64x768xf32, #tpu.memory_space<vmem>>, vector<1x16xf32>,
          %swap3A_595 = vector.shape_cast %swap3A_594 : vector<1x16xf32> to vector<16xf32>
          %swap3A_596 = vector.shape_cast %broadcast_in_dim3A_3 : vector<16xf32> to vector<1x16xf32>
          tpu.vector_store %arg14[%swap3A_592, %swap3A_593], %swap3A_596 {strides = array<i32>} : memref<64x768xf32, #tpu.memory_space<vmem>>, vector<1x16xf32>,
          %swap3A_597 = arith.index_cast %while3A_537 : i32 to index
          %swap3A_598 = arith.constant 192 : index
          %swap3A_599 = tpu.vector_load %arg14[%swap3A_597, %swap3A_598] {strides = array<i32>} : memref<64x768xf32, #tpu.memory_space<vmem>>, vector<1x16xf32>,
          %swap3A_600 = vector.shape_cast %swap3A_599 : vector<1x16xf32> to vector<16xf32>
          %swap3A_601 = vector.shape_cast %broadcast_in_dim3A_3 : vector<16xf32> to vector<1x16xf32>
          tpu.vector_store %arg14[%swap3A_597, %swap3A_598], %swap3A_601 {strides = array<i32>} : memref<64x768xf32, #tpu.memory_space<vmem>>, vector<1x16xf32>,
          %swap3A_602 = arith.index_cast %while3A_537 : i32 to index
          %swap3A_603 = arith.constant 208 : index
          %swap3A_604 = tpu.vector_load %arg14[%swap3A_602, %swap3A_603] {strides = array<i32>} : memref<64x768xf32, #tpu.memory_space<vmem>>, vector<1x16xf32>,
          %swap3A_605 = vector.shape_cast %swap3A_604 : vector<1x16xf32> to vector<16xf32>
          %swap3A_606 = vector.shape_cast %broadcast_in_dim3A_3 : vector<16xf32> to vector<1x16xf32>
          tpu.vector_store %arg14[%swap3A_602, %swap3A_603], %swap3A_606 {strides = array<i32>} : memref<64x768xf32, #tpu.memory_space<vmem>>, vector<1x16xf32>,
          %swap3A_607 = arith.index_cast %while3A_537 : i32 to index
          %swap3A_608 = arith.constant 224 : index
          %swap3A_609 = tpu.vector_load %arg14[%swap3A_607, %swap3A_608] {strides = array<i32>} : memref<64x768xf32, #tpu.memory_space<vmem>>, vector<1x16xf32>,
          %swap3A_610 = vector.shape_cast %swap3A_609 : vector<1x16xf32> to vector<16xf32>
          %swap3A_611 = vector.shape_cast %broadcast_in_dim3A_3 : vector<16xf32> to vector<1x16xf32>
          tpu.vector_store %arg14[%swap3A_607, %swap3A_608], %swap3A_611 {strides = array<i32>} : memref<64x768xf32, #tpu.memory_space<vmem>>, vector<1x16xf32>,
          %swap3A_612 = arith.index_cast %while3A_537 : i32 to index
          %swap3A_613 = arith.constant 240 : index
          %swap3A_614 = tpu.vector_load %arg14[%swap3A_612, %swap3A_613] {strides = array<i32>} : memref<64x768xf32, #tpu.memory_space<vmem>>, vector<1x16xf32>,
          %swap3A_615 = vector.shape_cast %swap3A_614 : vector<1x16xf32> to vector<16xf32>
          %swap3A_616 = vector.shape_cast %broadcast_in_dim3A_3 : vector<16xf32> to vector<1x16xf32>
          tpu.vector_store %arg14[%swap3A_612, %swap3A_613], %swap3A_616 {strides = array<i32>} : memref<64x768xf32, #tpu.memory_space<vmem>>, vector<1x16xf32>,
          %swap3A_617 = arith.index_cast %while3A_537 : i32 to index
          %swap3A_618 = arith.constant 256 : index
          %swap3A_619 = tpu.vector_load %arg14[%swap3A_617, %swap3A_618] {strides = array<i32>} : memref<64x768xf32, #tpu.memory_space<vmem>>, vector<1x16xf32>,
          %swap3A_620 = vector.shape_cast %swap3A_619 : vector<1x16xf32> to vector<16xf32>
          %swap3A_621 = vector.shape_cast %broadcast_in_dim3A_3 : vector<16xf32> to vector<1x16xf32>
          tpu.vector_store %arg14[%swap3A_617, %swap3A_618], %swap3A_621 {strides = array<i32>} : memref<64x768xf32, #tpu.memory_space<vmem>>, vector<1x16xf32>,
          %swap3A_622 = arith.index_cast %while3A_537 : i32 to index
          %swap3A_623 = arith.constant 272 : index
          %swap3A_624 = tpu.vector_load %arg14[%swap3A_622, %swap3A_623] {strides = array<i32>} : memref<64x768xf32, #tpu.memory_space<vmem>>, vector<1x16xf32>,
          %swap3A_625 = vector.shape_cast %swap3A_624 : vector<1x16xf32> to vector<16xf32>
          %swap3A_626 = vector.shape_cast %broadcast_in_dim3A_3 : vector<16xf32> to vector<1x16xf32>
          tpu.vector_store %arg14[%swap3A_622, %swap3A_623], %swap3A_626 {strides = array<i32>} : memref<64x768xf32, #tpu.memory_space<vmem>>, vector<1x16xf32>,
          %swap3A_627 = arith.index_cast %while3A_537 : i32 to index
          %swap3A_628 = arith.constant 288 : index
          %swap3A_629 = tpu.vector_load %arg14[%swap3A_627, %swap3A_628] {strides = array<i32>} : memref<64x768xf32, #tpu.memory_space<vmem>>, vector<1x16xf32>,
          %swap3A_630 = vector.shape_cast %swap3A_629 : vector<1x16xf32> to vector<16xf32>
          %swap3A_631 = vector.shape_cast %broadcast_in_dim3A_3 : vector<16xf32> to vector<1x16xf32>
          tpu.vector_store %arg14[%swap3A_627, %swap3A_628], %swap3A_631 {strides = array<i32>} : memref<64x768xf32, #tpu.memory_space<vmem>>, vector<1x16xf32>,
          %swap3A_632 = arith.index_cast %while3A_537 : i32 to index
          %swap3A_633 = arith.constant 304 : index
          %swap3A_634 = tpu.vector_load %arg14[%swap3A_632, %swap3A_633] {strides = array<i32>} : memref<64x768xf32, #tpu.memory_space<vmem>>, vector<1x16xf32>,
          %swap3A_635 = vector.shape_cast %swap3A_634 : vector<1x16xf32> to vector<16xf32>
          %swap3A_636 = vector.shape_cast %broadcast_in_dim3A_3 : vector<16xf32> to vector<1x16xf32>
          tpu.vector_store %arg14[%swap3A_632, %swap3A_633], %swap3A_636 {strides = array<i32>} : memref<64x768xf32, #tpu.memory_space<vmem>>, vector<1x16xf32>,
          %swap3A_637 = arith.index_cast %while3A_537 : i32 to index
          %swap3A_638 = arith.constant 320 : index
          %swap3A_639 = tpu.vector_load %arg14[%swap3A_637, %swap3A_638] {strides = array<i32>} : memref<64x768xf32, #tpu.memory_space<vmem>>, vector<1x16xf32>,
          %swap3A_640 = vector.shape_cast %swap3A_639 : vector<1x16xf32> to vector<16xf32>
          %swap3A_641 = vector.shape_cast %broadcast_in_dim3A_3 : vector<16xf32> to vector<1x16xf32>
          tpu.vector_store %arg14[%swap3A_637, %swap3A_638], %swap3A_641 {strides = array<i32>} : memref<64x768xf32, #tpu.memory_space<vmem>>, vector<1x16xf32>,
          %swap3A_642 = arith.index_cast %while3A_537 : i32 to index
          %swap3A_643 = arith.constant 336 : index
          %swap3A_644 = tpu.vector_load %arg14[%swap3A_642, %swap3A_643] {strides = array<i32>} : memref<64x768xf32, #tpu.memory_space<vmem>>, vector<1x16xf32>,
          %swap3A_645 = vector.shape_cast %swap3A_644 : vector<1x16xf32> to vector<16xf32>
          %swap3A_646 = vector.shape_cast %broadcast_in_dim3A_3 : vector<16xf32> to vector<1x16xf32>
          tpu.vector_store %arg14[%swap3A_642, %swap3A_643], %swap3A_646 {strides = array<i32>} : memref<64x768xf32, #tpu.memory_space<vmem>>, vector<1x16xf32>,
          %swap3A_647 = arith.index_cast %while3A_537 : i32 to index
          %swap3A_648 = arith.constant 352 : index
          %swap3A_649 = tpu.vector_load %arg14[%swap3A_647, %swap3A_648] {strides = array<i32>} : memref<64x768xf32, #tpu.memory_space<vmem>>, vector<1x16xf32>,
          %swap3A_650 = vector.shape_cast %swap3A_649 : vector<1x16xf32> to vector<16xf32>
          %swap3A_651 = vector.shape_cast %broadcast_in_dim3A_3 : vector<16xf32> to vector<1x16xf32>
          tpu.vector_store %arg14[%swap3A_647, %swap3A_648], %swap3A_651 {strides = array<i32>} : memref<64x768xf32, #tpu.memory_space<vmem>>, vector<1x16xf32>,
          %swap3A_652 = arith.index_cast %while3A_537 : i32 to index
          %swap3A_653 = arith.constant 368 : index
          %swap3A_654 = tpu.vector_load %arg14[%swap3A_652, %swap3A_653] {strides = array<i32>} : memref<64x768xf32, #tpu.memory_space<vmem>>, vector<1x16xf32>,
          %swap3A_655 = vector.shape_cast %swap3A_654 : vector<1x16xf32> to vector<16xf32>
          %swap3A_656 = vector.shape_cast %broadcast_in_dim3A_3 : vector<16xf32> to vector<1x16xf32>
          tpu.vector_store %arg14[%swap3A_652, %swap3A_653], %swap3A_656 {strides = array<i32>} : memref<64x768xf32, #tpu.memory_space<vmem>>, vector<1x16xf32>,
          %swap3A_657 = arith.index_cast %while3A_537 : i32 to index
          %swap3A_658 = arith.constant 384 : index
          %swap3A_659 = tpu.vector_load %arg14[%swap3A_657, %swap3A_658] {strides = array<i32>} : memref<64x768xf32, #tpu.memory_space<vmem>>, vector<1x16xf32>,
          %swap3A_660 = vector.shape_cast %swap3A_659 : vector<1x16xf32> to vector<16xf32>
          %swap3A_661 = vector.shape_cast %broadcast_in_dim3A_3 : vector<16xf32> to vector<1x16xf32>
          tpu.vector_store %arg14[%swap3A_657, %swap3A_658], %swap3A_661 {strides = array<i32>} : memref<64x768xf32, #tpu.memory_space<vmem>>, vector<1x16xf32>,
          %swap3A_662 = arith.index_cast %while3A_537 : i32 to index
          %swap3A_663 = arith.constant 400 : index
          %swap3A_664 = tpu.vector_load %arg14[%swap3A_662, %swap3A_663] {strides = array<i32>} : memref<64x768xf32, #tpu.memory_space<vmem>>, vector<1x16xf32>,
          %swap3A_665 = vector.shape_cast %swap3A_664 : vector<1x16xf32> to vector<16xf32>
          %swap3A_666 = vector.shape_cast %broadcast_in_dim3A_3 : vector<16xf32> to vector<1x16xf32>
          tpu.vector_store %arg14[%swap3A_662, %swap3A_663], %swap3A_666 {strides = array<i32>} : memref<64x768xf32, #tpu.memory_space<vmem>>, vector<1x16xf32>,
          %swap3A_667 = arith.index_cast %while3A_537 : i32 to index
          %swap3A_668 = arith.constant 416 : index
          %swap3A_669 = tpu.vector_load %arg14[%swap3A_667, %swap3A_668] {strides = array<i32>} : memref<64x768xf32, #tpu.memory_space<vmem>>, vector<1x16xf32>,
          %swap3A_670 = vector.shape_cast %swap3A_669 : vector<1x16xf32> to vector<16xf32>
          %swap3A_671 = vector.shape_cast %broadcast_in_dim3A_3 : vector<16xf32> to vector<1x16xf32>
          tpu.vector_store %arg14[%swap3A_667, %swap3A_668], %swap3A_671 {strides = array<i32>} : memref<64x768xf32, #tpu.memory_space<vmem>>, vector<1x16xf32>,
          %swap3A_672 = arith.index_cast %while3A_537 : i32 to index
          %swap3A_673 = arith.constant 432 : index
          %swap3A_674 = tpu.vector_load %arg14[%swap3A_672, %swap3A_673] {strides = array<i32>} : memref<64x768xf32, #tpu.memory_space<vmem>>, vector<1x16xf32>,
          %swap3A_675 = vector.shape_cast %swap3A_674 : vector<1x16xf32> to vector<16xf32>
          %swap3A_676 = vector.shape_cast %broadcast_in_dim3A_3 : vector<16xf32> to vector<1x16xf32>
          tpu.vector_store %arg14[%swap3A_672, %swap3A_673], %swap3A_676 {strides = array<i32>} : memref<64x768xf32, #tpu.memory_space<vmem>>, vector<1x16xf32>,
          %swap3A_677 = arith.index_cast %while3A_537 : i32 to index
          %swap3A_678 = arith.constant 448 : index
          %swap3A_679 = tpu.vector_load %arg14[%swap3A_677, %swap3A_678] {strides = array<i32>} : memref<64x768xf32, #tpu.memory_space<vmem>>, vector<1x16xf32>,
          %swap3A_680 = vector.shape_cast %swap3A_679 : vector<1x16xf32> to vector<16xf32>
          %swap3A_681 = vector.shape_cast %broadcast_in_dim3A_3 : vector<16xf32> to vector<1x16xf32>
          tpu.vector_store %arg14[%swap3A_677, %swap3A_678], %swap3A_681 {strides = array<i32>} : memref<64x768xf32, #tpu.memory_space<vmem>>, vector<1x16xf32>,
          %swap3A_682 = arith.index_cast %while3A_537 : i32 to index
          %swap3A_683 = arith.constant 464 : index
          %swap3A_684 = tpu.vector_load %arg14[%swap3A_682, %swap3A_683] {strides = array<i32>} : memref<64x768xf32, #tpu.memory_space<vmem>>, vector<1x16xf32>,
          %swap3A_685 = vector.shape_cast %swap3A_684 : vector<1x16xf32> to vector<16xf32>
          %swap3A_686 = vector.shape_cast %broadcast_in_dim3A_3 : vector<16xf32> to vector<1x16xf32>
          tpu.vector_store %arg14[%swap3A_682, %swap3A_683], %swap3A_686 {strides = array<i32>} : memref<64x768xf32, #tpu.memory_space<vmem>>, vector<1x16xf32>,
          %swap3A_687 = arith.index_cast %while3A_537 : i32 to index
          %swap3A_688 = arith.constant 480 : index
          %swap3A_689 = tpu.vector_load %arg14[%swap3A_687, %swap3A_688] {strides = array<i32>} : memref<64x768xf32, #tpu.memory_space<vmem>>, vector<1x16xf32>,
          %swap3A_690 = vector.shape_cast %swap3A_689 : vector<1x16xf32> to vector<16xf32>
          %swap3A_691 = vector.shape_cast %broadcast_in_dim3A_3 : vector<16xf32> to vector<1x16xf32>
          tpu.vector_store %arg14[%swap3A_687, %swap3A_688], %swap3A_691 {strides = array<i32>} : memref<64x768xf32, #tpu.memory_space<vmem>>, vector<1x16xf32>,
          %swap3A_692 = arith.index_cast %while3A_537 : i32 to index
          %swap3A_693 = arith.constant 496 : index
          %swap3A_694 = tpu.vector_load %arg14[%swap3A_692, %swap3A_693] {strides = array<i32>} : memref<64x768xf32, #tpu.memory_space<vmem>>, vector<1x16xf32>,
          %swap3A_695 = vector.shape_cast %swap3A_694 : vector<1x16xf32> to vector<16xf32>
          %swap3A_696 = vector.shape_cast %broadcast_in_dim3A_3 : vector<16xf32> to vector<1x16xf32>
          tpu.vector_store %arg14[%swap3A_692, %swap3A_693], %swap3A_696 {strides = array<i32>} : memref<64x768xf32, #tpu.memory_space<vmem>>, vector<1x16xf32>,
          %swap3A_697 = arith.index_cast %while3A_537 : i32 to index
          %swap3A_698 = arith.constant 512 : index
          %swap3A_699 = tpu.vector_load %arg14[%swap3A_697, %swap3A_698] {strides = array<i32>} : memref<64x768xf32, #tpu.memory_space<vmem>>, vector<1x16xf32>,
          %swap3A_700 = vector.shape_cast %swap3A_699 : vector<1x16xf32> to vector<16xf32>
          %swap3A_701 = vector.shape_cast %broadcast_in_dim3A_3 : vector<16xf32> to vector<1x16xf32>
          tpu.vector_store %arg14[%swap3A_697, %swap3A_698], %swap3A_701 {strides = array<i32>} : memref<64x768xf32, #tpu.memory_space<vmem>>, vector<1x16xf32>,
          %swap3A_702 = arith.index_cast %while3A_537 : i32 to index
          %swap3A_703 = arith.constant 528 : index
          %swap3A_704 = tpu.vector_load %arg14[%swap3A_702, %swap3A_703] {strides = array<i32>} : memref<64x768xf32, #tpu.memory_space<vmem>>, vector<1x16xf32>,
          %swap3A_705 = vector.shape_cast %swap3A_704 : vector<1x16xf32> to vector<16xf32>
          %swap3A_706 = vector.shape_cast %broadcast_in_dim3A_3 : vector<16xf32> to vector<1x16xf32>
          tpu.vector_store %arg14[%swap3A_702, %swap3A_703], %swap3A_706 {strides = array<i32>} : memref<64x768xf32, #tpu.memory_space<vmem>>, vector<1x16xf32>,
          %swap3A_707 = arith.index_cast %while3A_537 : i32 to index
          %swap3A_708 = arith.constant 544 : index
          %swap3A_709 = tpu.vector_load %arg14[%swap3A_707, %swap3A_708] {strides = array<i32>} : memref<64x768xf32, #tpu.memory_space<vmem>>, vector<1x16xf32>,
          %swap3A_710 = vector.shape_cast %swap3A_709 : vector<1x16xf32> to vector<16xf32>
          %swap3A_711 = vector.shape_cast %broadcast_in_dim3A_3 : vector<16xf32> to vector<1x16xf32>
          tpu.vector_store %arg14[%swap3A_707, %swap3A_708], %swap3A_711 {strides = array<i32>} : memref<64x768xf32, #tpu.memory_space<vmem>>, vector<1x16xf32>,
          %swap3A_712 = arith.index_cast %while3A_537 : i32 to index
          %swap3A_713 = arith.constant 560 : index
          %swap3A_714 = tpu.vector_load %arg14[%swap3A_712, %swap3A_713] {strides = array<i32>} : memref<64x768xf32, #tpu.memory_space<vmem>>, vector<1x16xf32>,
          %swap3A_715 = vector.shape_cast %swap3A_714 : vector<1x16xf32> to vector<16xf32>
          %swap3A_716 = vector.shape_cast %broadcast_in_dim3A_3 : vector<16xf32> to vector<1x16xf32>
          tpu.vector_store %arg14[%swap3A_712, %swap3A_713], %swap3A_716 {strides = array<i32>} : memref<64x768xf32, #tpu.memory_space<vmem>>, vector<1x16xf32>,
          %swap3A_717 = arith.index_cast %while3A_537 : i32 to index
          %swap3A_718 = arith.constant 576 : index
          %swap3A_719 = tpu.vector_load %arg14[%swap3A_717, %swap3A_718] {strides = array<i32>} : memref<64x768xf32, #tpu.memory_space<vmem>>, vector<1x16xf32>,
          %swap3A_720 = vector.shape_cast %swap3A_719 : vector<1x16xf32> to vector<16xf32>
          %swap3A_721 = vector.shape_cast %broadcast_in_dim3A_3 : vector<16xf32> to vector<1x16xf32>
          tpu.vector_store %arg14[%swap3A_717, %swap3A_718], %swap3A_721 {strides = array<i32>} : memref<64x768xf32, #tpu.memory_space<vmem>>, vector<1x16xf32>,
          %swap3A_722 = arith.index_cast %while3A_537 : i32 to index
          %swap3A_723 = arith.constant 592 : index
          %swap3A_724 = tpu.vector_load %arg14[%swap3A_722, %swap3A_723] {strides = array<i32>} : memref<64x768xf32, #tpu.memory_space<vmem>>, vector<1x16xf32>,
          %swap3A_725 = vector.shape_cast %swap3A_724 : vector<1x16xf32> to vector<16xf32>
          %swap3A_726 = vector.shape_cast %broadcast_in_dim3A_3 : vector<16xf32> to vector<1x16xf32>
          tpu.vector_store %arg14[%swap3A_722, %swap3A_723], %swap3A_726 {strides = array<i32>} : memref<64x768xf32, #tpu.memory_space<vmem>>, vector<1x16xf32>,
          %swap3A_727 = arith.index_cast %while3A_537 : i32 to index
          %swap3A_728 = arith.constant 608 : index
          %swap3A_729 = tpu.vector_load %arg14[%swap3A_727, %swap3A_728] {strides = array<i32>} : memref<64x768xf32, #tpu.memory_space<vmem>>, vector<1x16xf32>,
          %swap3A_730 = vector.shape_cast %swap3A_729 : vector<1x16xf32> to vector<16xf32>
          %swap3A_731 = vector.shape_cast %broadcast_in_dim3A_3 : vector<16xf32> to vector<1x16xf32>
          tpu.vector_store %arg14[%swap3A_727, %swap3A_728], %swap3A_731 {strides = array<i32>} : memref<64x768xf32, #tpu.memory_space<vmem>>, vector<1x16xf32>,
          %swap3A_732 = arith.index_cast %while3A_537 : i32 to index
          %swap3A_733 = arith.constant 624 : index
          %swap3A_734 = tpu.vector_load %arg14[%swap3A_732, %swap3A_733] {strides = array<i32>} : memref<64x768xf32, #tpu.memory_space<vmem>>, vector<1x16xf32>,
          %swap3A_735 = vector.shape_cast %swap3A_734 : vector<1x16xf32> to vector<16xf32>
          %swap3A_736 = vector.shape_cast %broadcast_in_dim3A_3 : vector<16xf32> to vector<1x16xf32>
          tpu.vector_store %arg14[%swap3A_732, %swap3A_733], %swap3A_736 {strides = array<i32>} : memref<64x768xf32, #tpu.memory_space<vmem>>, vector<1x16xf32>,
          %swap3A_737 = arith.index_cast %while3A_537 : i32 to index
          %swap3A_738 = arith.constant 640 : index
          %swap3A_739 = tpu.vector_load %arg14[%swap3A_737, %swap3A_738] {strides = array<i32>} : memref<64x768xf32, #tpu.memory_space<vmem>>, vector<1x16xf32>,
          %swap3A_740 = vector.shape_cast %swap3A_739 : vector<1x16xf32> to vector<16xf32>
          %swap3A_741 = vector.shape_cast %broadcast_in_dim3A_3 : vector<16xf32> to vector<1x16xf32>
          tpu.vector_store %arg14[%swap3A_737, %swap3A_738], %swap3A_741 {strides = array<i32>} : memref<64x768xf32, #tpu.memory_space<vmem>>, vector<1x16xf32>,
          %swap3A_742 = arith.index_cast %while3A_537 : i32 to index
          %swap3A_743 = arith.constant 656 : index
          %swap3A_744 = tpu.vector_load %arg14[%swap3A_742, %swap3A_743] {strides = array<i32>} : memref<64x768xf32, #tpu.memory_space<vmem>>, vector<1x16xf32>,
          %swap3A_745 = vector.shape_cast %swap3A_744 : vector<1x16xf32> to vector<16xf32>
          %swap3A_746 = vector.shape_cast %broadcast_in_dim3A_3 : vector<16xf32> to vector<1x16xf32>
          tpu.vector_store %arg14[%swap3A_742, %swap3A_743], %swap3A_746 {strides = array<i32>} : memref<64x768xf32, #tpu.memory_space<vmem>>, vector<1x16xf32>,
          %swap3A_747 = arith.index_cast %while3A_537 : i32 to index
          %swap3A_748 = arith.constant 672 : index
          %swap3A_749 = tpu.vector_load %arg14[%swap3A_747, %swap3A_748] {strides = array<i32>} : memref<64x768xf32, #tpu.memory_space<vmem>>, vector<1x16xf32>,
          %swap3A_750 = vector.shape_cast %swap3A_749 : vector<1x16xf32> to vector<16xf32>
          %swap3A_751 = vector.shape_cast %broadcast_in_dim3A_3 : vector<16xf32> to vector<1x16xf32>
          tpu.vector_store %arg14[%swap3A_747, %swap3A_748], %swap3A_751 {strides = array<i32>} : memref<64x768xf32, #tpu.memory_space<vmem>>, vector<1x16xf32>,
          %swap3A_752 = arith.index_cast %while3A_537 : i32 to index
          %swap3A_753 = arith.constant 688 : index
          %swap3A_754 = tpu.vector_load %arg14[%swap3A_752, %swap3A_753] {strides = array<i32>} : memref<64x768xf32, #tpu.memory_space<vmem>>, vector<1x16xf32>,
          %swap3A_755 = vector.shape_cast %swap3A_754 : vector<1x16xf32> to vector<16xf32>
          %swap3A_756 = vector.shape_cast %broadcast_in_dim3A_3 : vector<16xf32> to vector<1x16xf32>
          tpu.vector_store %arg14[%swap3A_752, %swap3A_753], %swap3A_756 {strides = array<i32>} : memref<64x768xf32, #tpu.memory_space<vmem>>, vector<1x16xf32>,
          %swap3A_757 = arith.index_cast %while3A_537 : i32 to index
          %swap3A_758 = arith.constant 704 : index
          %swap3A_759 = tpu.vector_load %arg14[%swap3A_757, %swap3A_758] {strides = array<i32>} : memref<64x768xf32, #tpu.memory_space<vmem>>, vector<1x16xf32>,
          %swap3A_760 = vector.shape_cast %swap3A_759 : vector<1x16xf32> to vector<16xf32>
          %swap3A_761 = vector.shape_cast %broadcast_in_dim3A_3 : vector<16xf32> to vector<1x16xf32>
          tpu.vector_store %arg14[%swap3A_757, %swap3A_758], %swap3A_761 {strides = array<i32>} : memref<64x768xf32, #tpu.memory_space<vmem>>, vector<1x16xf32>,
          %swap3A_762 = arith.index_cast %while3A_537 : i32 to index
          %swap3A_763 = arith.constant 720 : index
          %swap3A_764 = tpu.vector_load %arg14[%swap3A_762, %swap3A_763] {strides = array<i32>} : memref<64x768xf32, #tpu.memory_space<vmem>>, vector<1x16xf32>,
          %swap3A_765 = vector.shape_cast %swap3A_764 : vector<1x16xf32> to vector<16xf32>
          %swap3A_766 = vector.shape_cast %broadcast_in_dim3A_3 : vector<16xf32> to vector<1x16xf32>
          tpu.vector_store %arg14[%swap3A_762, %swap3A_763], %swap3A_766 {strides = array<i32>} : memref<64x768xf32, #tpu.memory_space<vmem>>, vector<1x16xf32>,
          %swap3A_767 = arith.index_cast %while3A_537 : i32 to index
          %swap3A_768 = arith.constant 736 : index
          %swap3A_769 = tpu.vector_load %arg14[%swap3A_767, %swap3A_768] {strides = array<i32>} : memref<64x768xf32, #tpu.memory_space<vmem>>, vector<1x16xf32>,
          %swap3A_770 = vector.shape_cast %swap3A_769 : vector<1x16xf32> to vector<16xf32>
          %swap3A_771 = vector.shape_cast %broadcast_in_dim3A_3 : vector<16xf32> to vector<1x16xf32>
          tpu.vector_store %arg14[%swap3A_767, %swap3A_768], %swap3A_771 {strides = array<i32>} : memref<64x768xf32, #tpu.memory_space<vmem>>, vector<1x16xf32>,
          %swap3A_772 = arith.index_cast %while3A_537 : i32 to index
          %swap3A_773 = arith.constant 752 : index
          %swap3A_774 = tpu.vector_load %arg14[%swap3A_772, %swap3A_773] {strides = array<i32>} : memref<64x768xf32, #tpu.memory_space<vmem>>, vector<1x16xf32>,
          %swap3A_775 = vector.shape_cast %swap3A_774 : vector<1x16xf32> to vector<16xf32>
          %swap3A_776 = vector.shape_cast %broadcast_in_dim3A_3 : vector<16xf32> to vector<1x16xf32>
          tpu.vector_store %arg14[%swap3A_772, %swap3A_773], %swap3A_776 {strides = array<i32>} : memref<64x768xf32, #tpu.memory_space<vmem>>, vector<1x16xf32>,
        }
        %mul3A_478 = arith.constant 4 : i32
        %mul3A_479 = arith.muli %mul3A_248, %mul3A_478 : i32
        %add3A_480 = arith.constant 0 : i32
        %add3A_481 = arith.addi %mul3A_479, %add3A_480 : i32
        %mul3A_482 = arith.constant 16 : i32
        %mul3A_483 = arith.muli %add3A_481, %mul3A_482 : i32
        %get3A_484 = arith.index_cast %mul3A_483 : i32 to index
        %get3A_485 = tpu.vector_load %arg12[%get3A_484] {strides = array<i32>} : memref<1600xi32, #tpu.memory_space<vmem>>, vector<16xi32>,
        %get3A_486 = vector.shape_cast %get3A_485 : vector<16xi32> to vector<16xi32>
        %dma_start3A = arith.constant 0 : i32
        %dma_start3A_487 = arith.constant 0 : i32
        %dma_start3A_488 = tpu.memref_slice %arg14[%dma_start3A, %dma_start3A_487] : memref<64x768xf32, #tpu.memory_space<vmem>> -> memref<16x768xf32, #tpu.memory_space<vmem>>
        %dma_start3A_489 = arith.constant 0 : i32
        %dma_start3A_490 = arith.constant 0 : i32
        %dma_start3A_491 = tpu.memref_slice %arg7[%dma_start3A_489, %dma_start3A_490] : memref<51200x768xf32, #tpu.memory_space<hbm>> -> memref<51200x768xf32, #tpu.memory_space<hbm>>
        tpu.enqueue_indirect_dma source(%dma_start3A_488 : memref<16x768xf32, #tpu.memory_space<vmem>>) target(%dma_start3A_491 : memref<51200x768xf32, #tpu.memory_space<hbm>>) offsets(%get3A_486 : vector<16xi32>) semaphore(%arg19 : memref<!tpu.dma_semaphore, #tpu.memory_space<semaphore_mem>>)
        %mul3A_492 = arith.constant 4 : i32
        %mul3A_493 = arith.muli %mul3A_248, %mul3A_492 : i32
        %add3A_494 = arith.constant 1 : i32
        %add3A_495 = arith.addi %mul3A_493, %add3A_494 : i32
        %mul3A_496 = arith.constant 16 : i32
        %mul3A_497 = arith.muli %add3A_495, %mul3A_496 : i32
        %get3A_498 = arith.index_cast %mul3A_497 : i32 to index
        %get3A_499 = tpu.vector_load %arg12[%get3A_498] {strides = array<i32>} : memref<1600xi32, #tpu.memory_space<vmem>>, vector<16xi32>,
        %get3A_500 = vector.shape_cast %get3A_499 : vector<16xi32> to vector<16xi32>
        %dma_start3A_501 = arith.constant 16 : i32
        %dma_start3A_502 = arith.constant 0 : i32
        %dma_start3A_503 = tpu.memref_slice %arg14[%dma_start3A_501, %dma_start3A_502] : memref<64x768xf32, #tpu.memory_space<vmem>> -> memref<16x768xf32, #tpu.memory_space<vmem>>
        %dma_start3A_504 = arith.constant 0 : i32
        %dma_start3A_505 = arith.constant 0 : i32
        %dma_start3A_506 = tpu.memref_slice %arg7[%dma_start3A_504, %dma_start3A_505] : memref<51200x768xf32, #tpu.memory_space<hbm>> -> memref<51200x768xf32, #tpu.memory_space<hbm>>
        tpu.enqueue_indirect_dma source(%dma_start3A_503 : memref<16x768xf32, #tpu.memory_space<vmem>>) target(%dma_start3A_506 : memref<51200x768xf32, #tpu.memory_space<hbm>>) offsets(%get3A_500 : vector<16xi32>) semaphore(%arg19 : memref<!tpu.dma_semaphore, #tpu.memory_space<semaphore_mem>>)
        %mul3A_507 = arith.constant 4 : i32
        %mul3A_508 = arith.muli %mul3A_248, %mul3A_507 : i32
        %add3A_509 = arith.constant 2 : i32
        %add3A_510 = arith.addi %mul3A_508, %add3A_509 : i32
        %mul3A_511 = arith.constant 16 : i32
        %mul3A_512 = arith.muli %add3A_510, %mul3A_511 : i32
        %get3A_513 = arith.index_cast %mul3A_512 : i32 to index
        %get3A_514 = tpu.vector_load %arg12[%get3A_513] {strides = array<i32>} : memref<1600xi32, #tpu.memory_space<vmem>>, vector<16xi32>,
        %get3A_515 = vector.shape_cast %get3A_514 : vector<16xi32> to vector<16xi32>
        %dma_start3A_516 = arith.constant 32 : i32
        %dma_start3A_517 = arith.constant 0 : i32
        %dma_start3A_518 = tpu.memref_slice %arg14[%dma_start3A_516, %dma_start3A_517] : memref<64x768xf32, #tpu.memory_space<vmem>> -> memref<16x768xf32, #tpu.memory_space<vmem>>
        %dma_start3A_519 = arith.constant 0 : i32
        %dma_start3A_520 = arith.constant 0 : i32
        %dma_start3A_521 = tpu.memref_slice %arg7[%dma_start3A_519, %dma_start3A_520] : memref<51200x768xf32, #tpu.memory_space<hbm>> -> memref<51200x768xf32, #tpu.memory_space<hbm>>
        tpu.enqueue_indirect_dma source(%dma_start3A_518 : memref<16x768xf32, #tpu.memory_space<vmem>>) target(%dma_start3A_521 : memref<51200x768xf32, #tpu.memory_space<hbm>>) offsets(%get3A_515 : vector<16xi32>) semaphore(%arg19 : memref<!tpu.dma_semaphore, #tpu.memory_space<semaphore_mem>>)
        %mul3A_522 = arith.constant 4 : i32
        %mul3A_523 = arith.muli %mul3A_248, %mul3A_522 : i32
        %add3A_524 = arith.constant 3 : i32
        %add3A_525 = arith.addi %mul3A_523, %add3A_524 : i32
        %mul3A_526 = arith.constant 16 : i32
        %mul3A_527 = arith.muli %add3A_525, %mul3A_526 : i32
        %get3A_528 = arith.index_cast %mul3A_527 : i32 to index
        %get3A_529 = tpu.vector_load %arg12[%get3A_528] {strides = array<i32>} : memref<1600xi32, #tpu.memory_space<vmem>>, vector<16xi32>,
        %get3A_530 = vector.shape_cast %get3A_529 : vector<16xi32> to vector<16xi32>
        %dma_start3A_531 = arith.constant 48 : i32
        %dma_start3A_532 = arith.constant 0 : i32
        %dma_start3A_533 = tpu.memref_slice %arg14[%dma_start3A_531, %dma_start3A_532] : memref<64x768xf32, #tpu.memory_space<vmem>> -> memref<16x768xf32, #tpu.memory_space<vmem>>
        %dma_start3A_534 = arith.constant 0 : i32
        %dma_start3A_535 = arith.constant 0 : i32
        %dma_start3A_536 = tpu.memref_slice %arg7[%dma_start3A_534, %dma_start3A_535] : memref<51200x768xf32, #tpu.memory_space<hbm>> -> memref<51200x768xf32, #tpu.memory_space<hbm>>
        tpu.enqueue_indirect_dma source(%dma_start3A_533 : memref<16x768xf32, #tpu.memory_space<vmem>>) target(%dma_start3A_536 : memref<51200x768xf32, #tpu.memory_space<hbm>>) offsets(%get3A_530 : vector<16xi32>) semaphore(%arg19 : memref<!tpu.dma_semaphore, #tpu.memory_space<semaphore_mem>>)
      } else {
      }
      %eq3A_351 = arith.constant 0 : i32
      %eq3A_352 = arith.cmpi eq, %min3A_345, %eq3A_351 : i32
      %convert_element_type3A_353 = arith.extui %eq3A_352 : i1 to i32
      %cond3A_354 = arith.constant 0 : i32
      %cond3A_355 = arith.cmpi ne, %convert_element_type3A_353, %cond3A_354 : i32
      scf.if %cond3A_355 {
        %mul3A_469 = arith.constant 4 : i32
        %mul3A_470 = arith.muli %mul3A_248, %mul3A_469 : i32
        %add3A_471 = arith.constant 0 : i32
        %add3A_472 = arith.addi %mul3A_470, %add3A_471 : i32
        %mul3A_473 = arith.constant 16 : i32
        %mul3A_474 = arith.muli %add3A_472, %mul3A_473 : i32
        %get3A_475 = arith.index_cast %mul3A_474 : i32 to index
        %get3A_476 = tpu.vector_load %arg12[%get3A_475] {strides = array<i32>} : memref<1600xi32, #tpu.memory_space<vmem>>, vector<16xi32>,
        %get3A_477 = vector.shape_cast %get3A_476 : vector<16xi32> to vector<16xi32>
        %dma_start3A = arith.constant 0 : i32
        %dma_start3A_478 = arith.constant 0 : i32
        %dma_start3A_479 = tpu.memref_slice %arg7[%dma_start3A, %dma_start3A_478] : memref<51200x768xf32, #tpu.memory_space<hbm>> -> memref<51200x768xf32, #tpu.memory_space<hbm>>
        tpu.enqueue_indirect_dma source(%arg16 : memref<16x768xf32, #tpu.memory_space<vmem>>) target(%dma_start3A_479 : memref<51200x768xf32, #tpu.memory_space<hbm>>) offsets(%get3A_477 : vector<16xi32>) semaphore(%arg19 : memref<!tpu.dma_semaphore, #tpu.memory_space<semaphore_mem>>)
        %mul3A_480 = arith.constant 4 : i32
        %mul3A_481 = arith.muli %mul3A_248, %mul3A_480 : i32
        %add3A_482 = arith.constant 1 : i32
        %add3A_483 = arith.addi %mul3A_481, %add3A_482 : i32
        %mul3A_484 = arith.constant 16 : i32
        %mul3A_485 = arith.muli %add3A_483, %mul3A_484 : i32
        %get3A_486 = arith.index_cast %mul3A_485 : i32 to index
        %get3A_487 = tpu.vector_load %arg12[%get3A_486] {strides = array<i32>} : memref<1600xi32, #tpu.memory_space<vmem>>, vector<16xi32>,
        %get3A_488 = vector.shape_cast %get3A_487 : vector<16xi32> to vector<16xi32>
        %dma_start3A_489 = arith.constant 0 : i32
        %dma_start3A_490 = arith.constant 0 : i32
        %dma_start3A_491 = tpu.memref_slice %arg7[%dma_start3A_489, %dma_start3A_490] : memref<51200x768xf32, #tpu.memory_space<hbm>> -> memref<51200x768xf32, #tpu.memory_space<hbm>>
        tpu.enqueue_indirect_dma source(%arg16 : memref<16x768xf32, #tpu.memory_space<vmem>>) target(%dma_start3A_491 : memref<51200x768xf32, #tpu.memory_space<hbm>>) offsets(%get3A_488 : vector<16xi32>) semaphore(%arg19 : memref<!tpu.dma_semaphore, #tpu.memory_space<semaphore_mem>>)
        %mul3A_492 = arith.constant 4 : i32
        %mul3A_493 = arith.muli %mul3A_248, %mul3A_492 : i32
        %add3A_494 = arith.constant 2 : i32
        %add3A_495 = arith.addi %mul3A_493, %add3A_494 : i32
        %mul3A_496 = arith.constant 16 : i32
        %mul3A_497 = arith.muli %add3A_495, %mul3A_496 : i32
        %get3A_498 = arith.index_cast %mul3A_497 : i32 to index
        %get3A_499 = tpu.vector_load %arg12[%get3A_498] {strides = array<i32>} : memref<1600xi32, #tpu.memory_space<vmem>>, vector<16xi32>,
        %get3A_500 = vector.shape_cast %get3A_499 : vector<16xi32> to vector<16xi32>
        %dma_start3A_501 = arith.constant 0 : i32
        %dma_start3A_502 = arith.constant 0 : i32
        %dma_start3A_503 = tpu.memref_slice %arg7[%dma_start3A_501, %dma_start3A_502] : memref<51200x768xf32, #tpu.memory_space<hbm>> -> memref<51200x768xf32, #tpu.memory_space<hbm>>
        tpu.enqueue_indirect_dma source(%arg16 : memref<16x768xf32, #tpu.memory_space<vmem>>) target(%dma_start3A_503 : memref<51200x768xf32, #tpu.memory_space<hbm>>) offsets(%get3A_500 : vector<16xi32>) semaphore(%arg19 : memref<!tpu.dma_semaphore, #tpu.memory_space<semaphore_mem>>)
        %mul3A_504 = arith.constant 4 : i32
        %mul3A_505 = arith.muli %mul3A_248, %mul3A_504 : i32
        %add3A_506 = arith.constant 3 : i32
        %add3A_507 = arith.addi %mul3A_505, %add3A_506 : i32
        %mul3A_508 = arith.constant 16 : i32
        %mul3A_509 = arith.muli %add3A_507, %mul3A_508 : i32
        %get3A_510 = arith.index_cast %mul3A_509 : i32 to index
        %get3A_511 = tpu.vector_load %arg12[%get3A_510] {strides = array<i32>} : memref<1600xi32, #tpu.memory_space<vmem>>, vector<16xi32>,
        %get3A_512 = vector.shape_cast %get3A_511 : vector<16xi32> to vector<16xi32>
        %dma_start3A_513 = arith.constant 0 : i32
        %dma_start3A_514 = arith.constant 0 : i32
        %dma_start3A_515 = tpu.memref_slice %arg7[%dma_start3A_513, %dma_start3A_514] : memref<51200x768xf32, #tpu.memory_space<hbm>> -> memref<51200x768xf32, #tpu.memory_space<hbm>>
        tpu.enqueue_indirect_dma source(%arg16 : memref<16x768xf32, #tpu.memory_space<vmem>>) target(%dma_start3A_515 : memref<51200x768xf32, #tpu.memory_space<hbm>>) offsets(%get3A_512 : vector<16xi32>) semaphore(%arg19 : memref<!tpu.dma_semaphore, #tpu.memory_space<semaphore_mem>>)
      } else {
      }
      %mul3A_356 = arith.constant 2 : i32
      %mul3A_357 = arith.muli %scan3A_246, %mul3A_356 : i32
      %add3A_358 = arith.constant 1 : i32
      %add3A_359 = arith.addi %mul3A_357, %add3A_358 : i32
      %mul3A_360 = arith.constant 64 : i32
      %mul3A_361 = arith.muli %add3A_359, %mul3A_360 : i32
      %add3A_362 = arith.addi %mul3A_2, %mul3A_361 : i32
      %jit3A_363 = arith.constant 1024 : i32
      %div3A_364 = arith.divsi %add3A_362, %jit3A_363 : i32
      %sign3A_365 = arith.constant 0 : i32
      %sign3A_366 = arith.cmpi sgt, %add3A_362, %sign3A_365 : i32
      %sign3A_367 = arith.extui %sign3A_366 : i1 to i32
      %sign3A_368 = arith.constant 0 : i32
      %sign3A_369 = arith.cmpi slt, %add3A_362, %sign3A_368 : i32
      %sign3A_370 = arith.extui %sign3A_369 : i1 to i32
      %sign3A_371 = arith.subi %sign3A_367, %sign3A_370 : i32
      %sign3A_372 = arith.constant 0 : i32
      %sign3A_373 = arith.cmpi sgt, %jit3A_363, %sign3A_372 : i32
      %sign3A_374 = arith.extui %sign3A_373 : i1 to i32
      %sign3A_375 = arith.constant 0 : i32
      %sign3A_376 = arith.cmpi slt, %jit3A_363, %sign3A_375 : i32
      %sign3A_377 = arith.extui %sign3A_376 : i1 to i32
      %sign3A_378 = arith.subi %sign3A_374, %sign3A_377 : i32
      %ne3A_379 = arith.cmpi ne, %sign3A_371, %sign3A_378 : i32
      %rem3A_380 = arith.remsi %add3A_362, %jit3A_363 : i32
      %ne3A_381 = arith.constant 0 : i32
      %ne3A_382 = arith.cmpi ne, %rem3A_380, %ne3A_381 : i32
      %and3A_383 = arith.andi %ne3A_379, %ne3A_382 : i1
      %sub3A_384 = arith.constant 1 : i32
      %sub3A_385 = arith.subi %div3A_364, %sub3A_384 : i32
      %select_n3A_386 = arith.select %and3A_383, %sub3A_385, %div3A_364 : i32
      %mul3A_387 = arith.constant 1024 : i32
      %mul3A_388 = arith.muli %select_n3A_386, %mul3A_387 : i32
      %sub3A_389 = arith.subi %add3A_362, %mul3A_388 : i32
      %mul3A_390 = arith.constant 8 : i32
      %mul3A_391 = arith.muli %select_n3A_386, %mul3A_390 : i32
      %get3A_392 = arith.index_cast %mul3A_391 : i32 to index
      %get3A_393 = tpu.vector_load %arg11[%get3A_392] {strides = array<i32>} : memref<408xi32, #tpu.memory_space<vmem>>, vector<16xi32>,
      %get3A_394 = vector.shape_cast %get3A_393 : vector<16xi32> to vector<16xi32>
      %slice3A_395 = vector.extract_strided_slice %get3A_394 {offsets = [0], sizes = [1], strides = [1]} : vector<16xi32> to vector<1xi32>
      %squeeze3A_396 = vector.extract %slice3A_395[0] : i32 from vector<1xi32>
      %sub3A_397 = arith.subi %squeeze3A_396, %sub3A_389 : i32
      %jit3A_398 = arith.constant 0 : i32
      %jit3A_399 = arith.constant 64 : i32
      %max3A_400 = arith.maxsi %jit3A_398, %sub3A_397 : i32
      %min3A_401 = arith.minsi %jit3A_399, %max3A_400 : i32
      %gt3A_402 = arith.constant 0 : i32
      %gt3A_403 = arith.cmpi sgt, %min3A_401, %gt3A_402 : i32
      %convert_element_type3A_404 = arith.extui %gt3A_403 : i1 to i32
      %cond3A_405 = arith.constant 0 : i32
      %cond3A_406 = arith.cmpi ne, %convert_element_type3A_404, %cond3A_405 : i32
      scf.if %cond3A_406 {
        %mul3A_469 = arith.constant 64 : i32
        %mul3A_470 = arith.muli %add3A_359, %mul3A_469 : i32
        %dma_wait3A_471 = tpu.memref_slice %arg9[%mul3A_470] : memref<1600xi32, #tpu.memory_space<vmem>> -> memref<64xi32, #tpu.memory_space<vmem>>
        %dma_wait3A_472 = arith.constant 0 : i32
        %dma_wait3A_473 = arith.constant 0 : i32
        %dma_wait3A_474 = tpu.memref_slice %arg6[%dma_wait3A_472, %dma_wait3A_473] : memref<100000x768xf32, #tpu.memory_space<hbm>> -> memref<100000x768xf32, #tpu.memory_space<hbm>>
        tpu.wait_indirect_dma semaphore(%arg18 : memref<!tpu.dma_semaphore, #tpu.memory_space<semaphore_mem>>) src(%dma_wait3A_474 : memref<100000x768xf32, #tpu.memory_space<hbm>>) dst(%arg15 : memref<64x768xf32, #tpu.memory_space<vmem>>)
      } else {
      }
      %ge3A_407 = arith.constant 1 : i32
      %ge3A_408 = arith.cmpi sge, %add3A_359, %ge3A_407 : i32
      %add3A_409 = arith.constant 1 : i32
      %add3A_410 = arith.addi %add3A_359, %add3A_409 : i32
      %lt3A_411 = arith.constant 25 : i32
      %lt3A_412 = arith.cmpi slt, %add3A_410, %lt3A_411 : i32
      %and3A_413 = arith.andi %ge3A_408, %lt3A_412 : i1
      %convert_element_type3A_414 = arith.extui %and3A_413 : i1 to i32
      %cond3A_415 = arith.constant 0 : i32
      %cond3A_416 = arith.cmpi ne, %convert_element_type3A_414, %cond3A_415 : i32
      scf.if %cond3A_416 {
        %sub3A_469 = arith.constant 1 : i32
        %sub3A_470 = arith.subi %add3A_359, %sub3A_469 : i32
        %mul3A_471 = arith.constant 4 : i32
        %mul3A_472 = arith.muli %sub3A_470, %mul3A_471 : i32
        %add3A_473 = arith.constant 0 : i32
        %add3A_474 = arith.addi %mul3A_472, %add3A_473 : i32
        %mul3A_475 = arith.constant 16 : i32
        %mul3A_476 = arith.muli %add3A_474, %mul3A_475 : i32
        %get3A_477 = arith.index_cast %mul3A_476 : i32 to index
        %get3A_478 = tpu.vector_load %arg12[%get3A_477] {strides = array<i32>} : memref<1600xi32, #tpu.memory_space<vmem>>, vector<16xi32>,
        %get3A_479 = vector.shape_cast %get3A_478 : vector<16xi32> to vector<16xi32>
        %dma_wait3A_480 = arith.constant 0 : i32
        %dma_wait3A_481 = arith.constant 0 : i32
        %dma_wait3A_482 = tpu.memref_slice %arg7[%dma_wait3A_480, %dma_wait3A_481] : memref<51200x768xf32, #tpu.memory_space<hbm>> -> memref<51200x768xf32, #tpu.memory_space<hbm>>
        tpu.wait_indirect_dma semaphore(%arg19 : memref<!tpu.dma_semaphore, #tpu.memory_space<semaphore_mem>>) src(%arg16 : memref<16x768xf32, #tpu.memory_space<vmem>>) dst(%dma_wait3A_482 : memref<51200x768xf32, #tpu.memory_space<hbm>>)
        %mul3A_483 = arith.constant 4 : i32
        %mul3A_484 = arith.muli %sub3A_470, %mul3A_483 : i32
        %add3A_485 = arith.constant 1 : i32
        %add3A_486 = arith.addi %mul3A_484, %add3A_485 : i32
        %mul3A_487 = arith.constant 16 : i32
        %mul3A_488 = arith.muli %add3A_486, %mul3A_487 : i32
        %get3A_489 = arith.index_cast %mul3A_488 : i32 to index
        %get3A_490 = tpu.vector_load %arg12[%get3A_489] {strides = array<i32>} : memref<1600xi32, #tpu.memory_space<vmem>>, vector<16xi32>,
        %get3A_491 = vector.shape_cast %get3A_490 : vector<16xi32> to vector<16xi32>
        %dma_wait3A_492 = arith.constant 0 : i32
        %dma_wait3A_493 = arith.constant 0 : i32
        %dma_wait3A_494 = tpu.memref_slice %arg7[%dma_wait3A_492, %dma_wait3A_493] : memref<51200x768xf32, #tpu.memory_space<hbm>> -> memref<51200x768xf32, #tpu.memory_space<hbm>>
        tpu.wait_indirect_dma semaphore(%arg19 : memref<!tpu.dma_semaphore, #tpu.memory_space<semaphore_mem>>) src(%arg16 : memref<16x768xf32, #tpu.memory_space<vmem>>) dst(%dma_wait3A_494 : memref<51200x768xf32, #tpu.memory_space<hbm>>)
        %mul3A_495 = arith.constant 4 : i32
        %mul3A_496 = arith.muli %sub3A_470, %mul3A_495 : i32
        %add3A_497 = arith.constant 2 : i32
        %add3A_498 = arith.addi %mul3A_496, %add3A_497 : i32
        %mul3A_499 = arith.constant 16 : i32
        %mul3A_500 = arith.muli %add3A_498, %mul3A_499 : i32
        %get3A_501 = arith.index_cast %mul3A_500 : i32 to index
        %get3A_502 = tpu.vector_load %arg12[%get3A_501] {strides = array<i32>} : memref<1600xi32, #tpu.memory_space<vmem>>, vector<16xi32>,
        %get3A_503 = vector.shape_cast %get3A_502 : vector<16xi32> to vector<16xi32>
        %dma_wait3A_504 = arith.constant 0 : i32
        %dma_wait3A_505 = arith.constant 0 : i32
        %dma_wait3A_506 = tpu.memref_slice %arg7[%dma_wait3A_504, %dma_wait3A_505] : memref<51200x768xf32, #tpu.memory_space<hbm>> -> memref<51200x768xf32, #tpu.memory_space<hbm>>
        tpu.wait_indirect_dma semaphore(%arg19 : memref<!tpu.dma_semaphore, #tpu.memory_space<semaphore_mem>>) src(%arg16 : memref<16x768xf32, #tpu.memory_space<vmem>>) dst(%dma_wait3A_506 : memref<51200x768xf32, #tpu.memory_space<hbm>>)
        %mul3A_507 = arith.constant 4 : i32
        %mul3A_508 = arith.muli %sub3A_470, %mul3A_507 : i32
        %add3A_509 = arith.constant 3 : i32
        %add3A_510 = arith.addi %mul3A_508, %add3A_509 : i32
        %mul3A_511 = arith.constant 16 : i32
        %mul3A_512 = arith.muli %add3A_510, %mul3A_511 : i32
        %get3A_513 = arith.index_cast %mul3A_512 : i32 to index
        %get3A_514 = tpu.vector_load %arg12[%get3A_513] {strides = array<i32>} : memref<1600xi32, #tpu.memory_space<vmem>>, vector<16xi32>,
        %get3A_515 = vector.shape_cast %get3A_514 : vector<16xi32> to vector<16xi32>
        %dma_wait3A_516 = arith.constant 0 : i32
        %dma_wait3A_517 = arith.constant 0 : i32
        %dma_wait3A_518 = tpu.memref_slice %arg7[%dma_wait3A_516, %dma_wait3A_517] : memref<51200x768xf32, #tpu.memory_space<hbm>> -> memref<51200x768xf32, #tpu.memory_space<hbm>>
        tpu.wait_indirect_dma semaphore(%arg19 : memref<!tpu.dma_semaphore, #tpu.memory_space<semaphore_mem>>) src(%arg16 : memref<16x768xf32, #tpu.memory_space<vmem>>) dst(%dma_wait3A_518 : memref<51200x768xf32, #tpu.memory_space<hbm>>)
        %add3A_519 = arith.constant 1 : i32
        %add3A_520 = arith.addi %add3A_359, %add3A_519 : i32
        %min3A_521 = arith.constant 24 : i32
        %min3A_522 = arith.minsi %add3A_520, %min3A_521 : i32
        %mul3A_523 = arith.constant 64 : i32
        %mul3A_524 = arith.muli %min3A_522, %mul3A_523 : i32
        %add3A_525 = arith.addi %mul3A_2, %mul3A_524 : i32
        %jit3A_526 = arith.constant 1024 : i32
        %div3A_527 = arith.divsi %add3A_525, %jit3A_526 : i32
        %sign3A_528 = arith.constant 0 : i32
        %sign3A_529 = arith.cmpi sgt, %add3A_525, %sign3A_528 : i32
        %sign3A_530 = arith.extui %sign3A_529 : i1 to i32
        %sign3A_531 = arith.constant 0 : i32
        %sign3A_532 = arith.cmpi slt, %add3A_525, %sign3A_531 : i32
        %sign3A_533 = arith.extui %sign3A_532 : i1 to i32
        %sign3A_534 = arith.subi %sign3A_530, %sign3A_533 : i32
        %sign3A_535 = arith.constant 0 : i32
        %sign3A_536 = arith.cmpi sgt, %jit3A_526, %sign3A_535 : i32
        %sign3A_537 = arith.extui %sign3A_536 : i1 to i32
        %sign3A_538 = arith.constant 0 : i32
        %sign3A_539 = arith.cmpi slt, %jit3A_526, %sign3A_538 : i32
        %sign3A_540 = arith.extui %sign3A_539 : i1 to i32
        %sign3A_541 = arith.subi %sign3A_537, %sign3A_540 : i32
        %ne3A_542 = arith.cmpi ne, %sign3A_534, %sign3A_541 : i32
        %rem3A_543 = arith.remsi %add3A_525, %jit3A_526 : i32
        %ne3A_544 = arith.constant 0 : i32
        %ne3A_545 = arith.cmpi ne, %rem3A_543, %ne3A_544 : i32
        %and3A_546 = arith.andi %ne3A_542, %ne3A_545 : i1
        %sub3A_547 = arith.constant 1 : i32
        %sub3A_548 = arith.subi %div3A_527, %sub3A_547 : i32
        %select_n3A_549 = arith.select %and3A_546, %sub3A_548, %div3A_527 : i32
        %mul3A_550 = arith.constant 1024 : i32
        %mul3A_551 = arith.muli %select_n3A_549, %mul3A_550 : i32
        %sub3A_552 = arith.subi %add3A_525, %mul3A_551 : i32
        %mul3A_553 = arith.constant 8 : i32
        %mul3A_554 = arith.muli %select_n3A_549, %mul3A_553 : i32
        %get3A_555 = arith.index_cast %mul3A_554 : i32 to index
        %get3A_556 = tpu.vector_load %arg11[%get3A_555] {strides = array<i32>} : memref<408xi32, #tpu.memory_space<vmem>>, vector<16xi32>,
        %get3A_557 = vector.shape_cast %get3A_556 : vector<16xi32> to vector<16xi32>
        %slice3A_558 = vector.extract_strided_slice %get3A_557 {offsets = [0], sizes = [1], strides = [1]} : vector<16xi32> to vector<1xi32>
        %squeeze3A_559 = vector.extract %slice3A_558[0] : i32 from vector<1xi32>
        %sub3A_560 = arith.subi %squeeze3A_559, %sub3A_552 : i32
        %jit3A_561 = arith.constant 0 : i32
        %jit3A_562 = arith.constant 64 : i32
        %max3A_563 = arith.maxsi %jit3A_561, %sub3A_560 : i32
        %min3A_564 = arith.minsi %jit3A_562, %max3A_563 : i32
        %gt3A_565 = arith.constant 0 : i32
        %gt3A_566 = arith.cmpi sgt, %min3A_564, %gt3A_565 : i32
        %convert_element_type3A_567 = arith.extui %gt3A_566 : i1 to i32
        %cond3A_568 = arith.constant 0 : i32
        %cond3A_569 = arith.cmpi ne, %convert_element_type3A_567, %cond3A_568 : i32
        scf.if %cond3A_569 {
          %mul3A_570 = arith.constant 64 : i32
          %mul3A_571 = arith.muli %min3A_522, %mul3A_570 : i32
          %dma_start3A = tpu.memref_slice %arg9[%mul3A_571] : memref<1600xi32, #tpu.memory_space<vmem>> -> memref<64xi32, #tpu.memory_space<vmem>>
          %dma_start3A_572 = arith.constant 0 : i32
          %dma_start3A_573 = arith.constant 0 : i32
          %dma_start3A_574 = tpu.memref_slice %arg6[%dma_start3A_572, %dma_start3A_573] : memref<100000x768xf32, #tpu.memory_space<hbm>> -> memref<100000x768xf32, #tpu.memory_space<hbm>>
          tpu.enqueue_indirect_dma source(%dma_start3A_574 : memref<100000x768xf32, #tpu.memory_space<hbm>>) target(%arg14 : memref<64x768xf32, #tpu.memory_space<vmem>>) offsets(%dma_start3A : memref<64xi32, #tpu.memory_space<vmem>>) semaphore(%arg17 : memref<!tpu.dma_semaphore, #tpu.memory_space<semaphore_mem>>)
        } else {
        }
      } else {
      }
      %mul3A_417 = arith.constant 64 : i32
      %mul3A_418 = arith.muli %add3A_359, %mul3A_417 : i32
      %add3A_419 = arith.addi %mul3A_2, %mul3A_418 : i32
      %jit3A_420 = arith.constant 1024 : i32
      %div3A_421 = arith.divsi %add3A_419, %jit3A_420 : i32
      %sign3A_422 = arith.constant 0 : i32
      %sign3A_423 = arith.cmpi sgt, %add3A_419, %sign3A_422 : i32
      %sign3A_424 = arith.extui %sign3A_423 : i1 to i32
      %sign3A_425 = arith.constant 0 : i32
      %sign3A_426 = arith.cmpi slt, %add3A_419, %sign3A_425 : i32
      %sign3A_427 = arith.extui %sign3A_426 : i1 to i32
      %sign3A_428 = arith.subi %sign3A_424, %sign3A_427 : i32
      %sign3A_429 = arith.constant 0 : i32
      %sign3A_430 = arith.cmpi sgt, %jit3A_420, %sign3A_429 : i32
      %sign3A_431 = arith.extui %sign3A_430 : i1 to i32
      %sign3A_432 = arith.constant 0 : i32
      %sign3A_433 = arith.cmpi slt, %jit3A_420, %sign3A_432 : i32
      %sign3A_434 = arith.extui %sign3A_433 : i1 to i32
      %sign3A_435 = arith.subi %sign3A_431, %sign3A_434 : i32
      %ne3A_436 = arith.cmpi ne, %sign3A_428, %sign3A_435 : i32
      %rem3A_437 = arith.remsi %add3A_419, %jit3A_420 : i32
      %ne3A_438 = arith.constant 0 : i32
      %ne3A_439 = arith.cmpi ne, %rem3A_437, %ne3A_438 : i32
      %and3A_440 = arith.andi %ne3A_436, %ne3A_439 : i1
      %sub3A_441 = arith.constant 1 : i32
      %sub3A_442 = arith.subi %div3A_421, %sub3A_441 : i32
      %select_n3A_443 = arith.select %and3A_440, %sub3A_442, %div3A_421 : i32
      %mul3A_444 = arith.constant 1024 : i32
      %mul3A_445 = arith.muli %select_n3A_443, %mul3A_444 : i32
      %sub3A_446 = arith.subi %add3A_419, %mul3A_445 : i32
      %mul3A_447 = arith.constant 8 : i32
      %mul3A_448 = arith.muli %select_n3A_443, %mul3A_447 : i32
      %get3A_449 = arith.index_cast %mul3A_448 : i32 to index
      %get3A_450 = tpu.vector_load %arg11[%get3A_449] {strides = array<i32>} : memref<408xi32, #tpu.memory_space<vmem>>, vector<16xi32>,
      %get3A_451 = vector.shape_cast %get3A_450 : vector<16xi32> to vector<16xi32>
      %slice3A_452 = vector.extract_strided_slice %get3A_451 {offsets = [0], sizes = [1], strides = [1]} : vector<16xi32> to vector<1xi32>
      %squeeze3A_453 = vector.extract %slice3A_452[0] : i32 from vector<1xi32>
      %sub3A_454 = arith.subi %squeeze3A_453, %sub3A_446 : i32
      %jit3A_455 = arith.constant 0 : i32
      %jit3A_456 = arith.constant 64 : i32
      %max3A_457 = arith.maxsi %jit3A_455, %sub3A_454 : i32
      %min3A_458 = arith.minsi %jit3A_456, %max3A_457 : i32
      %gt3A_459 = arith.constant 0 : i32
      %gt3A_460 = arith.cmpi sgt, %min3A_458, %gt3A_459 : i32
      %convert_element_type3A_461 = arith.extui %gt3A_460 : i1 to i32
      %cond3A_462 = arith.constant 0 : i32
      %cond3A_463 = arith.cmpi ne, %convert_element_type3A_461, %cond3A_462 : i32
      scf.if %cond3A_463 {
        %while3A = arith.constant 0 : i32
        %while3A_469 = arith.constant 64 : i32
        %while3A_470 = arith.subi %while3A_469, %min3A_458 : i32
        %while3A_471 = arith.addi %min3A_458, %while3A_470 : i32
        %while3A_472 = arith.constant 1 : i32
        %while3A_473 = arith.divsi %while3A_470, %while3A_472 : i32
        %while3A_474 = arith.muli %while3A_473, %while3A_472 : i32
        %while3A_475 = arith.addi %min3A_458, %while3A_474 : i32
        %while3A_476 = arith.constant 1 : i32
        scf.for %while3A_537 = %min3A_458 to %while3A_475 step %while3A_476  : i32 {
          %swap3A = arith.index_cast %while3A_537 : i32 to index
          %swap3A_538 = arith.constant 0 : index
          %swap3A_539 = tpu.vector_load %arg15[%swap3A, %swap3A_538] {strides = array<i32>} : memref<64x768xf32, #tpu.memory_space<vmem>>, vector<1x16xf32>,
          %swap3A_540 = vector.shape_cast %swap3A_539 : vector<1x16xf32> to vector<16xf32>
          %swap3A_541 = vector.shape_cast %broadcast_in_dim3A_3 : vector<16xf32> to vector<1x16xf32>
          tpu.vector_store %arg15[%swap3A, %swap3A_538], %swap3A_541 {strides = array<i32>} : memref<64x768xf32, #tpu.memory_space<vmem>>, vector<1x16xf32>,
          %swap3A_542 = arith.index_cast %while3A_537 : i32 to index
          %swap3A_543 = arith.constant 16 : index
          %swap3A_544 = tpu.vector_load %arg15[%swap3A_542, %swap3A_543] {strides = array<i32>} : memref<64x768xf32, #tpu.memory_space<vmem>>, vector<1x16xf32>,
          %swap3A_545 = vector.shape_cast %swap3A_544 : vector<1x16xf32> to vector<16xf32>
          %swap3A_546 = vector.shape_cast %broadcast_in_dim3A_3 : vector<16xf32> to vector<1x16xf32>
          tpu.vector_store %arg15[%swap3A_542, %swap3A_543], %swap3A_546 {strides = array<i32>} : memref<64x768xf32, #tpu.memory_space<vmem>>, vector<1x16xf32>,
          %swap3A_547 = arith.index_cast %while3A_537 : i32 to index
          %swap3A_548 = arith.constant 32 : index
          %swap3A_549 = tpu.vector_load %arg15[%swap3A_547, %swap3A_548] {strides = array<i32>} : memref<64x768xf32, #tpu.memory_space<vmem>>, vector<1x16xf32>,
          %swap3A_550 = vector.shape_cast %swap3A_549 : vector<1x16xf32> to vector<16xf32>
          %swap3A_551 = vector.shape_cast %broadcast_in_dim3A_3 : vector<16xf32> to vector<1x16xf32>
          tpu.vector_store %arg15[%swap3A_547, %swap3A_548], %swap3A_551 {strides = array<i32>} : memref<64x768xf32, #tpu.memory_space<vmem>>, vector<1x16xf32>,
          %swap3A_552 = arith.index_cast %while3A_537 : i32 to index
          %swap3A_553 = arith.constant 48 : index
          %swap3A_554 = tpu.vector_load %arg15[%swap3A_552, %swap3A_553] {strides = array<i32>} : memref<64x768xf32, #tpu.memory_space<vmem>>, vector<1x16xf32>,
          %swap3A_555 = vector.shape_cast %swap3A_554 : vector<1x16xf32> to vector<16xf32>
          %swap3A_556 = vector.shape_cast %broadcast_in_dim3A_3 : vector<16xf32> to vector<1x16xf32>
          tpu.vector_store %arg15[%swap3A_552, %swap3A_553], %swap3A_556 {strides = array<i32>} : memref<64x768xf32, #tpu.memory_space<vmem>>, vector<1x16xf32>,
          %swap3A_557 = arith.index_cast %while3A_537 : i32 to index
          %swap3A_558 = arith.constant 64 : index
          %swap3A_559 = tpu.vector_load %arg15[%swap3A_557, %swap3A_558] {strides = array<i32>} : memref<64x768xf32, #tpu.memory_space<vmem>>, vector<1x16xf32>,
          %swap3A_560 = vector.shape_cast %swap3A_559 : vector<1x16xf32> to vector<16xf32>
          %swap3A_561 = vector.shape_cast %broadcast_in_dim3A_3 : vector<16xf32> to vector<1x16xf32>
          tpu.vector_store %arg15[%swap3A_557, %swap3A_558], %swap3A_561 {strides = array<i32>} : memref<64x768xf32, #tpu.memory_space<vmem>>, vector<1x16xf32>,
          %swap3A_562 = arith.index_cast %while3A_537 : i32 to index
          %swap3A_563 = arith.constant 80 : index
          %swap3A_564 = tpu.vector_load %arg15[%swap3A_562, %swap3A_563] {strides = array<i32>} : memref<64x768xf32, #tpu.memory_space<vmem>>, vector<1x16xf32>,
          %swap3A_565 = vector.shape_cast %swap3A_564 : vector<1x16xf32> to vector<16xf32>
          %swap3A_566 = vector.shape_cast %broadcast_in_dim3A_3 : vector<16xf32> to vector<1x16xf32>
          tpu.vector_store %arg15[%swap3A_562, %swap3A_563], %swap3A_566 {strides = array<i32>} : memref<64x768xf32, #tpu.memory_space<vmem>>, vector<1x16xf32>,
          %swap3A_567 = arith.index_cast %while3A_537 : i32 to index
          %swap3A_568 = arith.constant 96 : index
          %swap3A_569 = tpu.vector_load %arg15[%swap3A_567, %swap3A_568] {strides = array<i32>} : memref<64x768xf32, #tpu.memory_space<vmem>>, vector<1x16xf32>,
          %swap3A_570 = vector.shape_cast %swap3A_569 : vector<1x16xf32> to vector<16xf32>
          %swap3A_571 = vector.shape_cast %broadcast_in_dim3A_3 : vector<16xf32> to vector<1x16xf32>
          tpu.vector_store %arg15[%swap3A_567, %swap3A_568], %swap3A_571 {strides = array<i32>} : memref<64x768xf32, #tpu.memory_space<vmem>>, vector<1x16xf32>,
          %swap3A_572 = arith.index_cast %while3A_537 : i32 to index
          %swap3A_573 = arith.constant 112 : index
          %swap3A_574 = tpu.vector_load %arg15[%swap3A_572, %swap3A_573] {strides = array<i32>} : memref<64x768xf32, #tpu.memory_space<vmem>>, vector<1x16xf32>,
          %swap3A_575 = vector.shape_cast %swap3A_574 : vector<1x16xf32> to vector<16xf32>
          %swap3A_576 = vector.shape_cast %broadcast_in_dim3A_3 : vector<16xf32> to vector<1x16xf32>
          tpu.vector_store %arg15[%swap3A_572, %swap3A_573], %swap3A_576 {strides = array<i32>} : memref<64x768xf32, #tpu.memory_space<vmem>>, vector<1x16xf32>,
          %swap3A_577 = arith.index_cast %while3A_537 : i32 to index
          %swap3A_578 = arith.constant 128 : index
          %swap3A_579 = tpu.vector_load %arg15[%swap3A_577, %swap3A_578] {strides = array<i32>} : memref<64x768xf32, #tpu.memory_space<vmem>>, vector<1x16xf32>,
          %swap3A_580 = vector.shape_cast %swap3A_579 : vector<1x16xf32> to vector<16xf32>
          %swap3A_581 = vector.shape_cast %broadcast_in_dim3A_3 : vector<16xf32> to vector<1x16xf32>
          tpu.vector_store %arg15[%swap3A_577, %swap3A_578], %swap3A_581 {strides = array<i32>} : memref<64x768xf32, #tpu.memory_space<vmem>>, vector<1x16xf32>,
          %swap3A_582 = arith.index_cast %while3A_537 : i32 to index
          %swap3A_583 = arith.constant 144 : index
          %swap3A_584 = tpu.vector_load %arg15[%swap3A_582, %swap3A_583] {strides = array<i32>} : memref<64x768xf32, #tpu.memory_space<vmem>>, vector<1x16xf32>,
          %swap3A_585 = vector.shape_cast %swap3A_584 : vector<1x16xf32> to vector<16xf32>
          %swap3A_586 = vector.shape_cast %broadcast_in_dim3A_3 : vector<16xf32> to vector<1x16xf32>
          tpu.vector_store %arg15[%swap3A_582, %swap3A_583], %swap3A_586 {strides = array<i32>} : memref<64x768xf32, #tpu.memory_space<vmem>>, vector<1x16xf32>,
          %swap3A_587 = arith.index_cast %while3A_537 : i32 to index
          %swap3A_588 = arith.constant 160 : index
          %swap3A_589 = tpu.vector_load %arg15[%swap3A_587, %swap3A_588] {strides = array<i32>} : memref<64x768xf32, #tpu.memory_space<vmem>>, vector<1x16xf32>,
          %swap3A_590 = vector.shape_cast %swap3A_589 : vector<1x16xf32> to vector<16xf32>
          %swap3A_591 = vector.shape_cast %broadcast_in_dim3A_3 : vector<16xf32> to vector<1x16xf32>
          tpu.vector_store %arg15[%swap3A_587, %swap3A_588], %swap3A_591 {strides = array<i32>} : memref<64x768xf32, #tpu.memory_space<vmem>>, vector<1x16xf32>,
          %swap3A_592 = arith.index_cast %while3A_537 : i32 to index
          %swap3A_593 = arith.constant 176 : index
          %swap3A_594 = tpu.vector_load %arg15[%swap3A_592, %swap3A_593] {strides = array<i32>} : memref<64x768xf32, #tpu.memory_space<vmem>>, vector<1x16xf32>,
          %swap3A_595 = vector.shape_cast %swap3A_594 : vector<1x16xf32> to vector<16xf32>
          %swap3A_596 = vector.shape_cast %broadcast_in_dim3A_3 : vector<16xf32> to vector<1x16xf32>
          tpu.vector_store %arg15[%swap3A_592, %swap3A_593], %swap3A_596 {strides = array<i32>} : memref<64x768xf32, #tpu.memory_space<vmem>>, vector<1x16xf32>,
          %swap3A_597 = arith.index_cast %while3A_537 : i32 to index
          %swap3A_598 = arith.constant 192 : index
          %swap3A_599 = tpu.vector_load %arg15[%swap3A_597, %swap3A_598] {strides = array<i32>} : memref<64x768xf32, #tpu.memory_space<vmem>>, vector<1x16xf32>,
          %swap3A_600 = vector.shape_cast %swap3A_599 : vector<1x16xf32> to vector<16xf32>
          %swap3A_601 = vector.shape_cast %broadcast_in_dim3A_3 : vector<16xf32> to vector<1x16xf32>
          tpu.vector_store %arg15[%swap3A_597, %swap3A_598], %swap3A_601 {strides = array<i32>} : memref<64x768xf32, #tpu.memory_space<vmem>>, vector<1x16xf32>,
          %swap3A_602 = arith.index_cast %while3A_537 : i32 to index
          %swap3A_603 = arith.constant 208 : index
          %swap3A_604 = tpu.vector_load %arg15[%swap3A_602, %swap3A_603] {strides = array<i32>} : memref<64x768xf32, #tpu.memory_space<vmem>>, vector<1x16xf32>,
          %swap3A_605 = vector.shape_cast %swap3A_604 : vector<1x16xf32> to vector<16xf32>
          %swap3A_606 = vector.shape_cast %broadcast_in_dim3A_3 : vector<16xf32> to vector<1x16xf32>
          tpu.vector_store %arg15[%swap3A_602, %swap3A_603], %swap3A_606 {strides = array<i32>} : memref<64x768xf32, #tpu.memory_space<vmem>>, vector<1x16xf32>,
          %swap3A_607 = arith.index_cast %while3A_537 : i32 to index
          %swap3A_608 = arith.constant 224 : index
          %swap3A_609 = tpu.vector_load %arg15[%swap3A_607, %swap3A_608] {strides = array<i32>} : memref<64x768xf32, #tpu.memory_space<vmem>>, vector<1x16xf32>,
          %swap3A_610 = vector.shape_cast %swap3A_609 : vector<1x16xf32> to vector<16xf32>
          %swap3A_611 = vector.shape_cast %broadcast_in_dim3A_3 : vector<16xf32> to vector<1x16xf32>
          tpu.vector_store %arg15[%swap3A_607, %swap3A_608], %swap3A_611 {strides = array<i32>} : memref<64x768xf32, #tpu.memory_space<vmem>>, vector<1x16xf32>,
          %swap3A_612 = arith.index_cast %while3A_537 : i32 to index
          %swap3A_613 = arith.constant 240 : index
          %swap3A_614 = tpu.vector_load %arg15[%swap3A_612, %swap3A_613] {strides = array<i32>} : memref<64x768xf32, #tpu.memory_space<vmem>>, vector<1x16xf32>,
          %swap3A_615 = vector.shape_cast %swap3A_614 : vector<1x16xf32> to vector<16xf32>
          %swap3A_616 = vector.shape_cast %broadcast_in_dim3A_3 : vector<16xf32> to vector<1x16xf32>
          tpu.vector_store %arg15[%swap3A_612, %swap3A_613], %swap3A_616 {strides = array<i32>} : memref<64x768xf32, #tpu.memory_space<vmem>>, vector<1x16xf32>,
          %swap3A_617 = arith.index_cast %while3A_537 : i32 to index
          %swap3A_618 = arith.constant 256 : index
          %swap3A_619 = tpu.vector_load %arg15[%swap3A_617, %swap3A_618] {strides = array<i32>} : memref<64x768xf32, #tpu.memory_space<vmem>>, vector<1x16xf32>,
          %swap3A_620 = vector.shape_cast %swap3A_619 : vector<1x16xf32> to vector<16xf32>
          %swap3A_621 = vector.shape_cast %broadcast_in_dim3A_3 : vector<16xf32> to vector<1x16xf32>
          tpu.vector_store %arg15[%swap3A_617, %swap3A_618], %swap3A_621 {strides = array<i32>} : memref<64x768xf32, #tpu.memory_space<vmem>>, vector<1x16xf32>,
          %swap3A_622 = arith.index_cast %while3A_537 : i32 to index
          %swap3A_623 = arith.constant 272 : index
          %swap3A_624 = tpu.vector_load %arg15[%swap3A_622, %swap3A_623] {strides = array<i32>} : memref<64x768xf32, #tpu.memory_space<vmem>>, vector<1x16xf32>,
          %swap3A_625 = vector.shape_cast %swap3A_624 : vector<1x16xf32> to vector<16xf32>
          %swap3A_626 = vector.shape_cast %broadcast_in_dim3A_3 : vector<16xf32> to vector<1x16xf32>
          tpu.vector_store %arg15[%swap3A_622, %swap3A_623], %swap3A_626 {strides = array<i32>} : memref<64x768xf32, #tpu.memory_space<vmem>>, vector<1x16xf32>,
          %swap3A_627 = arith.index_cast %while3A_537 : i32 to index
          %swap3A_628 = arith.constant 288 : index
          %swap3A_629 = tpu.vector_load %arg15[%swap3A_627, %swap3A_628] {strides = array<i32>} : memref<64x768xf32, #tpu.memory_space<vmem>>, vector<1x16xf32>,
          %swap3A_630 = vector.shape_cast %swap3A_629 : vector<1x16xf32> to vector<16xf32>
          %swap3A_631 = vector.shape_cast %broadcast_in_dim3A_3 : vector<16xf32> to vector<1x16xf32>
          tpu.vector_store %arg15[%swap3A_627, %swap3A_628], %swap3A_631 {strides = array<i32>} : memref<64x768xf32, #tpu.memory_space<vmem>>, vector<1x16xf32>,
          %swap3A_632 = arith.index_cast %while3A_537 : i32 to index
          %swap3A_633 = arith.constant 304 : index
          %swap3A_634 = tpu.vector_load %arg15[%swap3A_632, %swap3A_633] {strides = array<i32>} : memref<64x768xf32, #tpu.memory_space<vmem>>, vector<1x16xf32>,
          %swap3A_635 = vector.shape_cast %swap3A_634 : vector<1x16xf32> to vector<16xf32>
          %swap3A_636 = vector.shape_cast %broadcast_in_dim3A_3 : vector<16xf32> to vector<1x16xf32>
          tpu.vector_store %arg15[%swap3A_632, %swap3A_633], %swap3A_636 {strides = array<i32>} : memref<64x768xf32, #tpu.memory_space<vmem>>, vector<1x16xf32>,
          %swap3A_637 = arith.index_cast %while3A_537 : i32 to index
          %swap3A_638 = arith.constant 320 : index
          %swap3A_639 = tpu.vector_load %arg15[%swap3A_637, %swap3A_638] {strides = array<i32>} : memref<64x768xf32, #tpu.memory_space<vmem>>, vector<1x16xf32>,
          %swap3A_640 = vector.shape_cast %swap3A_639 : vector<1x16xf32> to vector<16xf32>
          %swap3A_641 = vector.shape_cast %broadcast_in_dim3A_3 : vector<16xf32> to vector<1x16xf32>
          tpu.vector_store %arg15[%swap3A_637, %swap3A_638], %swap3A_641 {strides = array<i32>} : memref<64x768xf32, #tpu.memory_space<vmem>>, vector<1x16xf32>,
          %swap3A_642 = arith.index_cast %while3A_537 : i32 to index
          %swap3A_643 = arith.constant 336 : index
          %swap3A_644 = tpu.vector_load %arg15[%swap3A_642, %swap3A_643] {strides = array<i32>} : memref<64x768xf32, #tpu.memory_space<vmem>>, vector<1x16xf32>,
          %swap3A_645 = vector.shape_cast %swap3A_644 : vector<1x16xf32> to vector<16xf32>
          %swap3A_646 = vector.shape_cast %broadcast_in_dim3A_3 : vector<16xf32> to vector<1x16xf32>
          tpu.vector_store %arg15[%swap3A_642, %swap3A_643], %swap3A_646 {strides = array<i32>} : memref<64x768xf32, #tpu.memory_space<vmem>>, vector<1x16xf32>,
          %swap3A_647 = arith.index_cast %while3A_537 : i32 to index
          %swap3A_648 = arith.constant 352 : index
          %swap3A_649 = tpu.vector_load %arg15[%swap3A_647, %swap3A_648] {strides = array<i32>} : memref<64x768xf32, #tpu.memory_space<vmem>>, vector<1x16xf32>,
          %swap3A_650 = vector.shape_cast %swap3A_649 : vector<1x16xf32> to vector<16xf32>
          %swap3A_651 = vector.shape_cast %broadcast_in_dim3A_3 : vector<16xf32> to vector<1x16xf32>
          tpu.vector_store %arg15[%swap3A_647, %swap3A_648], %swap3A_651 {strides = array<i32>} : memref<64x768xf32, #tpu.memory_space<vmem>>, vector<1x16xf32>,
          %swap3A_652 = arith.index_cast %while3A_537 : i32 to index
          %swap3A_653 = arith.constant 368 : index
          %swap3A_654 = tpu.vector_load %arg15[%swap3A_652, %swap3A_653] {strides = array<i32>} : memref<64x768xf32, #tpu.memory_space<vmem>>, vector<1x16xf32>,
          %swap3A_655 = vector.shape_cast %swap3A_654 : vector<1x16xf32> to vector<16xf32>
          %swap3A_656 = vector.shape_cast %broadcast_in_dim3A_3 : vector<16xf32> to vector<1x16xf32>
          tpu.vector_store %arg15[%swap3A_652, %swap3A_653], %swap3A_656 {strides = array<i32>} : memref<64x768xf32, #tpu.memory_space<vmem>>, vector<1x16xf32>,
          %swap3A_657 = arith.index_cast %while3A_537 : i32 to index
          %swap3A_658 = arith.constant 384 : index
          %swap3A_659 = tpu.vector_load %arg15[%swap3A_657, %swap3A_658] {strides = array<i32>} : memref<64x768xf32, #tpu.memory_space<vmem>>, vector<1x16xf32>,
          %swap3A_660 = vector.shape_cast %swap3A_659 : vector<1x16xf32> to vector<16xf32>
          %swap3A_661 = vector.shape_cast %broadcast_in_dim3A_3 : vector<16xf32> to vector<1x16xf32>
          tpu.vector_store %arg15[%swap3A_657, %swap3A_658], %swap3A_661 {strides = array<i32>} : memref<64x768xf32, #tpu.memory_space<vmem>>, vector<1x16xf32>,
          %swap3A_662 = arith.index_cast %while3A_537 : i32 to index
          %swap3A_663 = arith.constant 400 : index
          %swap3A_664 = tpu.vector_load %arg15[%swap3A_662, %swap3A_663] {strides = array<i32>} : memref<64x768xf32, #tpu.memory_space<vmem>>, vector<1x16xf32>,
          %swap3A_665 = vector.shape_cast %swap3A_664 : vector<1x16xf32> to vector<16xf32>
          %swap3A_666 = vector.shape_cast %broadcast_in_dim3A_3 : vector<16xf32> to vector<1x16xf32>
          tpu.vector_store %arg15[%swap3A_662, %swap3A_663], %swap3A_666 {strides = array<i32>} : memref<64x768xf32, #tpu.memory_space<vmem>>, vector<1x16xf32>,
          %swap3A_667 = arith.index_cast %while3A_537 : i32 to index
          %swap3A_668 = arith.constant 416 : index
          %swap3A_669 = tpu.vector_load %arg15[%swap3A_667, %swap3A_668] {strides = array<i32>} : memref<64x768xf32, #tpu.memory_space<vmem>>, vector<1x16xf32>,
          %swap3A_670 = vector.shape_cast %swap3A_669 : vector<1x16xf32> to vector<16xf32>
          %swap3A_671 = vector.shape_cast %broadcast_in_dim3A_3 : vector<16xf32> to vector<1x16xf32>
          tpu.vector_store %arg15[%swap3A_667, %swap3A_668], %swap3A_671 {strides = array<i32>} : memref<64x768xf32, #tpu.memory_space<vmem>>, vector<1x16xf32>,
          %swap3A_672 = arith.index_cast %while3A_537 : i32 to index
          %swap3A_673 = arith.constant 432 : index
          %swap3A_674 = tpu.vector_load %arg15[%swap3A_672, %swap3A_673] {strides = array<i32>} : memref<64x768xf32, #tpu.memory_space<vmem>>, vector<1x16xf32>,
          %swap3A_675 = vector.shape_cast %swap3A_674 : vector<1x16xf32> to vector<16xf32>
          %swap3A_676 = vector.shape_cast %broadcast_in_dim3A_3 : vector<16xf32> to vector<1x16xf32>
          tpu.vector_store %arg15[%swap3A_672, %swap3A_673], %swap3A_676 {strides = array<i32>} : memref<64x768xf32, #tpu.memory_space<vmem>>, vector<1x16xf32>,
          %swap3A_677 = arith.index_cast %while3A_537 : i32 to index
          %swap3A_678 = arith.constant 448 : index
          %swap3A_679 = tpu.vector_load %arg15[%swap3A_677, %swap3A_678] {strides = array<i32>} : memref<64x768xf32, #tpu.memory_space<vmem>>, vector<1x16xf32>,
          %swap3A_680 = vector.shape_cast %swap3A_679 : vector<1x16xf32> to vector<16xf32>
          %swap3A_681 = vector.shape_cast %broadcast_in_dim3A_3 : vector<16xf32> to vector<1x16xf32>
          tpu.vector_store %arg15[%swap3A_677, %swap3A_678], %swap3A_681 {strides = array<i32>} : memref<64x768xf32, #tpu.memory_space<vmem>>, vector<1x16xf32>,
          %swap3A_682 = arith.index_cast %while3A_537 : i32 to index
          %swap3A_683 = arith.constant 464 : index
          %swap3A_684 = tpu.vector_load %arg15[%swap3A_682, %swap3A_683] {strides = array<i32>} : memref<64x768xf32, #tpu.memory_space<vmem>>, vector<1x16xf32>,
          %swap3A_685 = vector.shape_cast %swap3A_684 : vector<1x16xf32> to vector<16xf32>
          %swap3A_686 = vector.shape_cast %broadcast_in_dim3A_3 : vector<16xf32> to vector<1x16xf32>
          tpu.vector_store %arg15[%swap3A_682, %swap3A_683], %swap3A_686 {strides = array<i32>} : memref<64x768xf32, #tpu.memory_space<vmem>>, vector<1x16xf32>,
          %swap3A_687 = arith.index_cast %while3A_537 : i32 to index
          %swap3A_688 = arith.constant 480 : index
          %swap3A_689 = tpu.vector_load %arg15[%swap3A_687, %swap3A_688] {strides = array<i32>} : memref<64x768xf32, #tpu.memory_space<vmem>>, vector<1x16xf32>,
          %swap3A_690 = vector.shape_cast %swap3A_689 : vector<1x16xf32> to vector<16xf32>
          %swap3A_691 = vector.shape_cast %broadcast_in_dim3A_3 : vector<16xf32> to vector<1x16xf32>
          tpu.vector_store %arg15[%swap3A_687, %swap3A_688], %swap3A_691 {strides = array<i32>} : memref<64x768xf32, #tpu.memory_space<vmem>>, vector<1x16xf32>,
          %swap3A_692 = arith.index_cast %while3A_537 : i32 to index
          %swap3A_693 = arith.constant 496 : index
          %swap3A_694 = tpu.vector_load %arg15[%swap3A_692, %swap3A_693] {strides = array<i32>} : memref<64x768xf32, #tpu.memory_space<vmem>>, vector<1x16xf32>,
          %swap3A_695 = vector.shape_cast %swap3A_694 : vector<1x16xf32> to vector<16xf32>
          %swap3A_696 = vector.shape_cast %broadcast_in_dim3A_3 : vector<16xf32> to vector<1x16xf32>
          tpu.vector_store %arg15[%swap3A_692, %swap3A_693], %swap3A_696 {strides = array<i32>} : memref<64x768xf32, #tpu.memory_space<vmem>>, vector<1x16xf32>,
          %swap3A_697 = arith.index_cast %while3A_537 : i32 to index
          %swap3A_698 = arith.constant 512 : index
          %swap3A_699 = tpu.vector_load %arg15[%swap3A_697, %swap3A_698] {strides = array<i32>} : memref<64x768xf32, #tpu.memory_space<vmem>>, vector<1x16xf32>,
          %swap3A_700 = vector.shape_cast %swap3A_699 : vector<1x16xf32> to vector<16xf32>
          %swap3A_701 = vector.shape_cast %broadcast_in_dim3A_3 : vector<16xf32> to vector<1x16xf32>
          tpu.vector_store %arg15[%swap3A_697, %swap3A_698], %swap3A_701 {strides = array<i32>} : memref<64x768xf32, #tpu.memory_space<vmem>>, vector<1x16xf32>,
          %swap3A_702 = arith.index_cast %while3A_537 : i32 to index
          %swap3A_703 = arith.constant 528 : index
          %swap3A_704 = tpu.vector_load %arg15[%swap3A_702, %swap3A_703] {strides = array<i32>} : memref<64x768xf32, #tpu.memory_space<vmem>>, vector<1x16xf32>,
          %swap3A_705 = vector.shape_cast %swap3A_704 : vector<1x16xf32> to vector<16xf32>
          %swap3A_706 = vector.shape_cast %broadcast_in_dim3A_3 : vector<16xf32> to vector<1x16xf32>
          tpu.vector_store %arg15[%swap3A_702, %swap3A_703], %swap3A_706 {strides = array<i32>} : memref<64x768xf32, #tpu.memory_space<vmem>>, vector<1x16xf32>,
          %swap3A_707 = arith.index_cast %while3A_537 : i32 to index
          %swap3A_708 = arith.constant 544 : index
          %swap3A_709 = tpu.vector_load %arg15[%swap3A_707, %swap3A_708] {strides = array<i32>} : memref<64x768xf32, #tpu.memory_space<vmem>>, vector<1x16xf32>,
          %swap3A_710 = vector.shape_cast %swap3A_709 : vector<1x16xf32> to vector<16xf32>
          %swap3A_711 = vector.shape_cast %broadcast_in_dim3A_3 : vector<16xf32> to vector<1x16xf32>
          tpu.vector_store %arg15[%swap3A_707, %swap3A_708], %swap3A_711 {strides = array<i32>} : memref<64x768xf32, #tpu.memory_space<vmem>>, vector<1x16xf32>,
          %swap3A_712 = arith.index_cast %while3A_537 : i32 to index
          %swap3A_713 = arith.constant 560 : index
          %swap3A_714 = tpu.vector_load %arg15[%swap3A_712, %swap3A_713] {strides = array<i32>} : memref<64x768xf32, #tpu.memory_space<vmem>>, vector<1x16xf32>,
          %swap3A_715 = vector.shape_cast %swap3A_714 : vector<1x16xf32> to vector<16xf32>
          %swap3A_716 = vector.shape_cast %broadcast_in_dim3A_3 : vector<16xf32> to vector<1x16xf32>
          tpu.vector_store %arg15[%swap3A_712, %swap3A_713], %swap3A_716 {strides = array<i32>} : memref<64x768xf32, #tpu.memory_space<vmem>>, vector<1x16xf32>,
          %swap3A_717 = arith.index_cast %while3A_537 : i32 to index
          %swap3A_718 = arith.constant 576 : index
          %swap3A_719 = tpu.vector_load %arg15[%swap3A_717, %swap3A_718] {strides = array<i32>} : memref<64x768xf32, #tpu.memory_space<vmem>>, vector<1x16xf32>,
          %swap3A_720 = vector.shape_cast %swap3A_719 : vector<1x16xf32> to vector<16xf32>
          %swap3A_721 = vector.shape_cast %broadcast_in_dim3A_3 : vector<16xf32> to vector<1x16xf32>
          tpu.vector_store %arg15[%swap3A_717, %swap3A_718], %swap3A_721 {strides = array<i32>} : memref<64x768xf32, #tpu.memory_space<vmem>>, vector<1x16xf32>,
          %swap3A_722 = arith.index_cast %while3A_537 : i32 to index
          %swap3A_723 = arith.constant 592 : index
          %swap3A_724 = tpu.vector_load %arg15[%swap3A_722, %swap3A_723] {strides = array<i32>} : memref<64x768xf32, #tpu.memory_space<vmem>>, vector<1x16xf32>,
          %swap3A_725 = vector.shape_cast %swap3A_724 : vector<1x16xf32> to vector<16xf32>
          %swap3A_726 = vector.shape_cast %broadcast_in_dim3A_3 : vector<16xf32> to vector<1x16xf32>
          tpu.vector_store %arg15[%swap3A_722, %swap3A_723], %swap3A_726 {strides = array<i32>} : memref<64x768xf32, #tpu.memory_space<vmem>>, vector<1x16xf32>,
          %swap3A_727 = arith.index_cast %while3A_537 : i32 to index
          %swap3A_728 = arith.constant 608 : index
          %swap3A_729 = tpu.vector_load %arg15[%swap3A_727, %swap3A_728] {strides = array<i32>} : memref<64x768xf32, #tpu.memory_space<vmem>>, vector<1x16xf32>,
          %swap3A_730 = vector.shape_cast %swap3A_729 : vector<1x16xf32> to vector<16xf32>
          %swap3A_731 = vector.shape_cast %broadcast_in_dim3A_3 : vector<16xf32> to vector<1x16xf32>
          tpu.vector_store %arg15[%swap3A_727, %swap3A_728], %swap3A_731 {strides = array<i32>} : memref<64x768xf32, #tpu.memory_space<vmem>>, vector<1x16xf32>,
          %swap3A_732 = arith.index_cast %while3A_537 : i32 to index
          %swap3A_733 = arith.constant 624 : index
          %swap3A_734 = tpu.vector_load %arg15[%swap3A_732, %swap3A_733] {strides = array<i32>} : memref<64x768xf32, #tpu.memory_space<vmem>>, vector<1x16xf32>,
          %swap3A_735 = vector.shape_cast %swap3A_734 : vector<1x16xf32> to vector<16xf32>
          %swap3A_736 = vector.shape_cast %broadcast_in_dim3A_3 : vector<16xf32> to vector<1x16xf32>
          tpu.vector_store %arg15[%swap3A_732, %swap3A_733], %swap3A_736 {strides = array<i32>} : memref<64x768xf32, #tpu.memory_space<vmem>>, vector<1x16xf32>,
          %swap3A_737 = arith.index_cast %while3A_537 : i32 to index
          %swap3A_738 = arith.constant 640 : index
          %swap3A_739 = tpu.vector_load %arg15[%swap3A_737, %swap3A_738] {strides = array<i32>} : memref<64x768xf32, #tpu.memory_space<vmem>>, vector<1x16xf32>,
          %swap3A_740 = vector.shape_cast %swap3A_739 : vector<1x16xf32> to vector<16xf32>
          %swap3A_741 = vector.shape_cast %broadcast_in_dim3A_3 : vector<16xf32> to vector<1x16xf32>
          tpu.vector_store %arg15[%swap3A_737, %swap3A_738], %swap3A_741 {strides = array<i32>} : memref<64x768xf32, #tpu.memory_space<vmem>>, vector<1x16xf32>,
          %swap3A_742 = arith.index_cast %while3A_537 : i32 to index
          %swap3A_743 = arith.constant 656 : index
          %swap3A_744 = tpu.vector_load %arg15[%swap3A_742, %swap3A_743] {strides = array<i32>} : memref<64x768xf32, #tpu.memory_space<vmem>>, vector<1x16xf32>,
          %swap3A_745 = vector.shape_cast %swap3A_744 : vector<1x16xf32> to vector<16xf32>
          %swap3A_746 = vector.shape_cast %broadcast_in_dim3A_3 : vector<16xf32> to vector<1x16xf32>
          tpu.vector_store %arg15[%swap3A_742, %swap3A_743], %swap3A_746 {strides = array<i32>} : memref<64x768xf32, #tpu.memory_space<vmem>>, vector<1x16xf32>,
          %swap3A_747 = arith.index_cast %while3A_537 : i32 to index
          %swap3A_748 = arith.constant 672 : index
          %swap3A_749 = tpu.vector_load %arg15[%swap3A_747, %swap3A_748] {strides = array<i32>} : memref<64x768xf32, #tpu.memory_space<vmem>>, vector<1x16xf32>,
          %swap3A_750 = vector.shape_cast %swap3A_749 : vector<1x16xf32> to vector<16xf32>
          %swap3A_751 = vector.shape_cast %broadcast_in_dim3A_3 : vector<16xf32> to vector<1x16xf32>
          tpu.vector_store %arg15[%swap3A_747, %swap3A_748], %swap3A_751 {strides = array<i32>} : memref<64x768xf32, #tpu.memory_space<vmem>>, vector<1x16xf32>,
          %swap3A_752 = arith.index_cast %while3A_537 : i32 to index
          %swap3A_753 = arith.constant 688 : index
          %swap3A_754 = tpu.vector_load %arg15[%swap3A_752, %swap3A_753] {strides = array<i32>} : memref<64x768xf32, #tpu.memory_space<vmem>>, vector<1x16xf32>,
          %swap3A_755 = vector.shape_cast %swap3A_754 : vector<1x16xf32> to vector<16xf32>
          %swap3A_756 = vector.shape_cast %broadcast_in_dim3A_3 : vector<16xf32> to vector<1x16xf32>
          tpu.vector_store %arg15[%swap3A_752, %swap3A_753], %swap3A_756 {strides = array<i32>} : memref<64x768xf32, #tpu.memory_space<vmem>>, vector<1x16xf32>,
          %swap3A_757 = arith.index_cast %while3A_537 : i32 to index
          %swap3A_758 = arith.constant 704 : index
          %swap3A_759 = tpu.vector_load %arg15[%swap3A_757, %swap3A_758] {strides = array<i32>} : memref<64x768xf32, #tpu.memory_space<vmem>>, vector<1x16xf32>,
          %swap3A_760 = vector.shape_cast %swap3A_759 : vector<1x16xf32> to vector<16xf32>
          %swap3A_761 = vector.shape_cast %broadcast_in_dim3A_3 : vector<16xf32> to vector<1x16xf32>
          tpu.vector_store %arg15[%swap3A_757, %swap3A_758], %swap3A_761 {strides = array<i32>} : memref<64x768xf32, #tpu.memory_space<vmem>>, vector<1x16xf32>,
          %swap3A_762 = arith.index_cast %while3A_537 : i32 to index
          %swap3A_763 = arith.constant 720 : index
          %swap3A_764 = tpu.vector_load %arg15[%swap3A_762, %swap3A_763] {strides = array<i32>} : memref<64x768xf32, #tpu.memory_space<vmem>>, vector<1x16xf32>,
          %swap3A_765 = vector.shape_cast %swap3A_764 : vector<1x16xf32> to vector<16xf32>
          %swap3A_766 = vector.shape_cast %broadcast_in_dim3A_3 : vector<16xf32> to vector<1x16xf32>
          tpu.vector_store %arg15[%swap3A_762, %swap3A_763], %swap3A_766 {strides = array<i32>} : memref<64x768xf32, #tpu.memory_space<vmem>>, vector<1x16xf32>,
          %swap3A_767 = arith.index_cast %while3A_537 : i32 to index
          %swap3A_768 = arith.constant 736 : index
          %swap3A_769 = tpu.vector_load %arg15[%swap3A_767, %swap3A_768] {strides = array<i32>} : memref<64x768xf32, #tpu.memory_space<vmem>>, vector<1x16xf32>,
          %swap3A_770 = vector.shape_cast %swap3A_769 : vector<1x16xf32> to vector<16xf32>
          %swap3A_771 = vector.shape_cast %broadcast_in_dim3A_3 : vector<16xf32> to vector<1x16xf32>
          tpu.vector_store %arg15[%swap3A_767, %swap3A_768], %swap3A_771 {strides = array<i32>} : memref<64x768xf32, #tpu.memory_space<vmem>>, vector<1x16xf32>,
          %swap3A_772 = arith.index_cast %while3A_537 : i32 to index
          %swap3A_773 = arith.constant 752 : index
          %swap3A_774 = tpu.vector_load %arg15[%swap3A_772, %swap3A_773] {strides = array<i32>} : memref<64x768xf32, #tpu.memory_space<vmem>>, vector<1x16xf32>,
          %swap3A_775 = vector.shape_cast %swap3A_774 : vector<1x16xf32> to vector<16xf32>
          %swap3A_776 = vector.shape_cast %broadcast_in_dim3A_3 : vector<16xf32> to vector<1x16xf32>
          tpu.vector_store %arg15[%swap3A_772, %swap3A_773], %swap3A_776 {strides = array<i32>} : memref<64x768xf32, #tpu.memory_space<vmem>>, vector<1x16xf32>,
        }
        %while3A_477 = arith.constant 1 : i32
        scf.for %while3A_537 = %while3A_475 to %while3A_471 step %while3A_477  : i32 {
          %swap3A = arith.index_cast %while3A_537 : i32 to index
          %swap3A_538 = arith.constant 0 : index
          %swap3A_539 = tpu.vector_load %arg15[%swap3A, %swap3A_538] {strides = array<i32>} : memref<64x768xf32, #tpu.memory_space<vmem>>, vector<1x16xf32>,
          %swap3A_540 = vector.shape_cast %swap3A_539 : vector<1x16xf32> to vector<16xf32>
          %swap3A_541 = vector.shape_cast %broadcast_in_dim3A_3 : vector<16xf32> to vector<1x16xf32>
          tpu.vector_store %arg15[%swap3A, %swap3A_538], %swap3A_541 {strides = array<i32>} : memref<64x768xf32, #tpu.memory_space<vmem>>, vector<1x16xf32>,
          %swap3A_542 = arith.index_cast %while3A_537 : i32 to index
          %swap3A_543 = arith.constant 16 : index
          %swap3A_544 = tpu.vector_load %arg15[%swap3A_542, %swap3A_543] {strides = array<i32>} : memref<64x768xf32, #tpu.memory_space<vmem>>, vector<1x16xf32>,
          %swap3A_545 = vector.shape_cast %swap3A_544 : vector<1x16xf32> to vector<16xf32>
          %swap3A_546 = vector.shape_cast %broadcast_in_dim3A_3 : vector<16xf32> to vector<1x16xf32>
          tpu.vector_store %arg15[%swap3A_542, %swap3A_543], %swap3A_546 {strides = array<i32>} : memref<64x768xf32, #tpu.memory_space<vmem>>, vector<1x16xf32>,
          %swap3A_547 = arith.index_cast %while3A_537 : i32 to index
          %swap3A_548 = arith.constant 32 : index
          %swap3A_549 = tpu.vector_load %arg15[%swap3A_547, %swap3A_548] {strides = array<i32>} : memref<64x768xf32, #tpu.memory_space<vmem>>, vector<1x16xf32>,
          %swap3A_550 = vector.shape_cast %swap3A_549 : vector<1x16xf32> to vector<16xf32>
          %swap3A_551 = vector.shape_cast %broadcast_in_dim3A_3 : vector<16xf32> to vector<1x16xf32>
          tpu.vector_store %arg15[%swap3A_547, %swap3A_548], %swap3A_551 {strides = array<i32>} : memref<64x768xf32, #tpu.memory_space<vmem>>, vector<1x16xf32>,
          %swap3A_552 = arith.index_cast %while3A_537 : i32 to index
          %swap3A_553 = arith.constant 48 : index
          %swap3A_554 = tpu.vector_load %arg15[%swap3A_552, %swap3A_553] {strides = array<i32>} : memref<64x768xf32, #tpu.memory_space<vmem>>, vector<1x16xf32>,
          %swap3A_555 = vector.shape_cast %swap3A_554 : vector<1x16xf32> to vector<16xf32>
          %swap3A_556 = vector.shape_cast %broadcast_in_dim3A_3 : vector<16xf32> to vector<1x16xf32>
          tpu.vector_store %arg15[%swap3A_552, %swap3A_553], %swap3A_556 {strides = array<i32>} : memref<64x768xf32, #tpu.memory_space<vmem>>, vector<1x16xf32>,
          %swap3A_557 = arith.index_cast %while3A_537 : i32 to index
          %swap3A_558 = arith.constant 64 : index
          %swap3A_559 = tpu.vector_load %arg15[%swap3A_557, %swap3A_558] {strides = array<i32>} : memref<64x768xf32, #tpu.memory_space<vmem>>, vector<1x16xf32>,
          %swap3A_560 = vector.shape_cast %swap3A_559 : vector<1x16xf32> to vector<16xf32>
          %swap3A_561 = vector.shape_cast %broadcast_in_dim3A_3 : vector<16xf32> to vector<1x16xf32>
          tpu.vector_store %arg15[%swap3A_557, %swap3A_558], %swap3A_561 {strides = array<i32>} : memref<64x768xf32, #tpu.memory_space<vmem>>, vector<1x16xf32>,
          %swap3A_562 = arith.index_cast %while3A_537 : i32 to index
          %swap3A_563 = arith.constant 80 : index
          %swap3A_564 = tpu.vector_load %arg15[%swap3A_562, %swap3A_563] {strides = array<i32>} : memref<64x768xf32, #tpu.memory_space<vmem>>, vector<1x16xf32>,
          %swap3A_565 = vector.shape_cast %swap3A_564 : vector<1x16xf32> to vector<16xf32>
          %swap3A_566 = vector.shape_cast %broadcast_in_dim3A_3 : vector<16xf32> to vector<1x16xf32>
          tpu.vector_store %arg15[%swap3A_562, %swap3A_563], %swap3A_566 {strides = array<i32>} : memref<64x768xf32, #tpu.memory_space<vmem>>, vector<1x16xf32>,
          %swap3A_567 = arith.index_cast %while3A_537 : i32 to index
          %swap3A_568 = arith.constant 96 : index
          %swap3A_569 = tpu.vector_load %arg15[%swap3A_567, %swap3A_568] {strides = array<i32>} : memref<64x768xf32, #tpu.memory_space<vmem>>, vector<1x16xf32>,
          %swap3A_570 = vector.shape_cast %swap3A_569 : vector<1x16xf32> to vector<16xf32>
          %swap3A_571 = vector.shape_cast %broadcast_in_dim3A_3 : vector<16xf32> to vector<1x16xf32>
          tpu.vector_store %arg15[%swap3A_567, %swap3A_568], %swap3A_571 {strides = array<i32>} : memref<64x768xf32, #tpu.memory_space<vmem>>, vector<1x16xf32>,
          %swap3A_572 = arith.index_cast %while3A_537 : i32 to index
          %swap3A_573 = arith.constant 112 : index
          %swap3A_574 = tpu.vector_load %arg15[%swap3A_572, %swap3A_573] {strides = array<i32>} : memref<64x768xf32, #tpu.memory_space<vmem>>, vector<1x16xf32>,
          %swap3A_575 = vector.shape_cast %swap3A_574 : vector<1x16xf32> to vector<16xf32>
          %swap3A_576 = vector.shape_cast %broadcast_in_dim3A_3 : vector<16xf32> to vector<1x16xf32>
          tpu.vector_store %arg15[%swap3A_572, %swap3A_573], %swap3A_576 {strides = array<i32>} : memref<64x768xf32, #tpu.memory_space<vmem>>, vector<1x16xf32>,
          %swap3A_577 = arith.index_cast %while3A_537 : i32 to index
          %swap3A_578 = arith.constant 128 : index
          %swap3A_579 = tpu.vector_load %arg15[%swap3A_577, %swap3A_578] {strides = array<i32>} : memref<64x768xf32, #tpu.memory_space<vmem>>, vector<1x16xf32>,
          %swap3A_580 = vector.shape_cast %swap3A_579 : vector<1x16xf32> to vector<16xf32>
          %swap3A_581 = vector.shape_cast %broadcast_in_dim3A_3 : vector<16xf32> to vector<1x16xf32>
          tpu.vector_store %arg15[%swap3A_577, %swap3A_578], %swap3A_581 {strides = array<i32>} : memref<64x768xf32, #tpu.memory_space<vmem>>, vector<1x16xf32>,
          %swap3A_582 = arith.index_cast %while3A_537 : i32 to index
          %swap3A_583 = arith.constant 144 : index
          %swap3A_584 = tpu.vector_load %arg15[%swap3A_582, %swap3A_583] {strides = array<i32>} : memref<64x768xf32, #tpu.memory_space<vmem>>, vector<1x16xf32>,
          %swap3A_585 = vector.shape_cast %swap3A_584 : vector<1x16xf32> to vector<16xf32>
          %swap3A_586 = vector.shape_cast %broadcast_in_dim3A_3 : vector<16xf32> to vector<1x16xf32>
          tpu.vector_store %arg15[%swap3A_582, %swap3A_583], %swap3A_586 {strides = array<i32>} : memref<64x768xf32, #tpu.memory_space<vmem>>, vector<1x16xf32>,
          %swap3A_587 = arith.index_cast %while3A_537 : i32 to index
          %swap3A_588 = arith.constant 160 : index
          %swap3A_589 = tpu.vector_load %arg15[%swap3A_587, %swap3A_588] {strides = array<i32>} : memref<64x768xf32, #tpu.memory_space<vmem>>, vector<1x16xf32>,
          %swap3A_590 = vector.shape_cast %swap3A_589 : vector<1x16xf32> to vector<16xf32>
          %swap3A_591 = vector.shape_cast %broadcast_in_dim3A_3 : vector<16xf32> to vector<1x16xf32>
          tpu.vector_store %arg15[%swap3A_587, %swap3A_588], %swap3A_591 {strides = array<i32>} : memref<64x768xf32, #tpu.memory_space<vmem>>, vector<1x16xf32>,
          %swap3A_592 = arith.index_cast %while3A_537 : i32 to index
          %swap3A_593 = arith.constant 176 : index
          %swap3A_594 = tpu.vector_load %arg15[%swap3A_592, %swap3A_593] {strides = array<i32>} : memref<64x768xf32, #tpu.memory_space<vmem>>, vector<1x16xf32>,
          %swap3A_595 = vector.shape_cast %swap3A_594 : vector<1x16xf32> to vector<16xf32>
          %swap3A_596 = vector.shape_cast %broadcast_in_dim3A_3 : vector<16xf32> to vector<1x16xf32>
          tpu.vector_store %arg15[%swap3A_592, %swap3A_593], %swap3A_596 {strides = array<i32>} : memref<64x768xf32, #tpu.memory_space<vmem>>, vector<1x16xf32>,
          %swap3A_597 = arith.index_cast %while3A_537 : i32 to index
          %swap3A_598 = arith.constant 192 : index
          %swap3A_599 = tpu.vector_load %arg15[%swap3A_597, %swap3A_598] {strides = array<i32>} : memref<64x768xf32, #tpu.memory_space<vmem>>, vector<1x16xf32>,
          %swap3A_600 = vector.shape_cast %swap3A_599 : vector<1x16xf32> to vector<16xf32>
          %swap3A_601 = vector.shape_cast %broadcast_in_dim3A_3 : vector<16xf32> to vector<1x16xf32>
          tpu.vector_store %arg15[%swap3A_597, %swap3A_598], %swap3A_601 {strides = array<i32>} : memref<64x768xf32, #tpu.memory_space<vmem>>, vector<1x16xf32>,
          %swap3A_602 = arith.index_cast %while3A_537 : i32 to index
          %swap3A_603 = arith.constant 208 : index
          %swap3A_604 = tpu.vector_load %arg15[%swap3A_602, %swap3A_603] {strides = array<i32>} : memref<64x768xf32, #tpu.memory_space<vmem>>, vector<1x16xf32>,
          %swap3A_605 = vector.shape_cast %swap3A_604 : vector<1x16xf32> to vector<16xf32>
          %swap3A_606 = vector.shape_cast %broadcast_in_dim3A_3 : vector<16xf32> to vector<1x16xf32>
          tpu.vector_store %arg15[%swap3A_602, %swap3A_603], %swap3A_606 {strides = array<i32>} : memref<64x768xf32, #tpu.memory_space<vmem>>, vector<1x16xf32>,
          %swap3A_607 = arith.index_cast %while3A_537 : i32 to index
          %swap3A_608 = arith.constant 224 : index
          %swap3A_609 = tpu.vector_load %arg15[%swap3A_607, %swap3A_608] {strides = array<i32>} : memref<64x768xf32, #tpu.memory_space<vmem>>, vector<1x16xf32>,
          %swap3A_610 = vector.shape_cast %swap3A_609 : vector<1x16xf32> to vector<16xf32>
          %swap3A_611 = vector.shape_cast %broadcast_in_dim3A_3 : vector<16xf32> to vector<1x16xf32>
          tpu.vector_store %arg15[%swap3A_607, %swap3A_608], %swap3A_611 {strides = array<i32>} : memref<64x768xf32, #tpu.memory_space<vmem>>, vector<1x16xf32>,
          %swap3A_612 = arith.index_cast %while3A_537 : i32 to index
          %swap3A_613 = arith.constant 240 : index
          %swap3A_614 = tpu.vector_load %arg15[%swap3A_612, %swap3A_613] {strides = array<i32>} : memref<64x768xf32, #tpu.memory_space<vmem>>, vector<1x16xf32>,
          %swap3A_615 = vector.shape_cast %swap3A_614 : vector<1x16xf32> to vector<16xf32>
          %swap3A_616 = vector.shape_cast %broadcast_in_dim3A_3 : vector<16xf32> to vector<1x16xf32>
          tpu.vector_store %arg15[%swap3A_612, %swap3A_613], %swap3A_616 {strides = array<i32>} : memref<64x768xf32, #tpu.memory_space<vmem>>, vector<1x16xf32>,
          %swap3A_617 = arith.index_cast %while3A_537 : i32 to index
          %swap3A_618 = arith.constant 256 : index
          %swap3A_619 = tpu.vector_load %arg15[%swap3A_617, %swap3A_618] {strides = array<i32>} : memref<64x768xf32, #tpu.memory_space<vmem>>, vector<1x16xf32>,
          %swap3A_620 = vector.shape_cast %swap3A_619 : vector<1x16xf32> to vector<16xf32>
          %swap3A_621 = vector.shape_cast %broadcast_in_dim3A_3 : vector<16xf32> to vector<1x16xf32>
          tpu.vector_store %arg15[%swap3A_617, %swap3A_618], %swap3A_621 {strides = array<i32>} : memref<64x768xf32, #tpu.memory_space<vmem>>, vector<1x16xf32>,
          %swap3A_622 = arith.index_cast %while3A_537 : i32 to index
          %swap3A_623 = arith.constant 272 : index
          %swap3A_624 = tpu.vector_load %arg15[%swap3A_622, %swap3A_623] {strides = array<i32>} : memref<64x768xf32, #tpu.memory_space<vmem>>, vector<1x16xf32>,
          %swap3A_625 = vector.shape_cast %swap3A_624 : vector<1x16xf32> to vector<16xf32>
          %swap3A_626 = vector.shape_cast %broadcast_in_dim3A_3 : vector<16xf32> to vector<1x16xf32>
          tpu.vector_store %arg15[%swap3A_622, %swap3A_623], %swap3A_626 {strides = array<i32>} : memref<64x768xf32, #tpu.memory_space<vmem>>, vector<1x16xf32>,
          %swap3A_627 = arith.index_cast %while3A_537 : i32 to index
          %swap3A_628 = arith.constant 288 : index
          %swap3A_629 = tpu.vector_load %arg15[%swap3A_627, %swap3A_628] {strides = array<i32>} : memref<64x768xf32, #tpu.memory_space<vmem>>, vector<1x16xf32>,
          %swap3A_630 = vector.shape_cast %swap3A_629 : vector<1x16xf32> to vector<16xf32>
          %swap3A_631 = vector.shape_cast %broadcast_in_dim3A_3 : vector<16xf32> to vector<1x16xf32>
          tpu.vector_store %arg15[%swap3A_627, %swap3A_628], %swap3A_631 {strides = array<i32>} : memref<64x768xf32, #tpu.memory_space<vmem>>, vector<1x16xf32>,
          %swap3A_632 = arith.index_cast %while3A_537 : i32 to index
          %swap3A_633 = arith.constant 304 : index
          %swap3A_634 = tpu.vector_load %arg15[%swap3A_632, %swap3A_633] {strides = array<i32>} : memref<64x768xf32, #tpu.memory_space<vmem>>, vector<1x16xf32>,
          %swap3A_635 = vector.shape_cast %swap3A_634 : vector<1x16xf32> to vector<16xf32>
          %swap3A_636 = vector.shape_cast %broadcast_in_dim3A_3 : vector<16xf32> to vector<1x16xf32>
          tpu.vector_store %arg15[%swap3A_632, %swap3A_633], %swap3A_636 {strides = array<i32>} : memref<64x768xf32, #tpu.memory_space<vmem>>, vector<1x16xf32>,
          %swap3A_637 = arith.index_cast %while3A_537 : i32 to index
          %swap3A_638 = arith.constant 320 : index
          %swap3A_639 = tpu.vector_load %arg15[%swap3A_637, %swap3A_638] {strides = array<i32>} : memref<64x768xf32, #tpu.memory_space<vmem>>, vector<1x16xf32>,
          %swap3A_640 = vector.shape_cast %swap3A_639 : vector<1x16xf32> to vector<16xf32>
          %swap3A_641 = vector.shape_cast %broadcast_in_dim3A_3 : vector<16xf32> to vector<1x16xf32>
          tpu.vector_store %arg15[%swap3A_637, %swap3A_638], %swap3A_641 {strides = array<i32>} : memref<64x768xf32, #tpu.memory_space<vmem>>, vector<1x16xf32>,
          %swap3A_642 = arith.index_cast %while3A_537 : i32 to index
          %swap3A_643 = arith.constant 336 : index
          %swap3A_644 = tpu.vector_load %arg15[%swap3A_642, %swap3A_643] {strides = array<i32>} : memref<64x768xf32, #tpu.memory_space<vmem>>, vector<1x16xf32>,
          %swap3A_645 = vector.shape_cast %swap3A_644 : vector<1x16xf32> to vector<16xf32>
          %swap3A_646 = vector.shape_cast %broadcast_in_dim3A_3 : vector<16xf32> to vector<1x16xf32>
          tpu.vector_store %arg15[%swap3A_642, %swap3A_643], %swap3A_646 {strides = array<i32>} : memref<64x768xf32, #tpu.memory_space<vmem>>, vector<1x16xf32>,
          %swap3A_647 = arith.index_cast %while3A_537 : i32 to index
          %swap3A_648 = arith.constant 352 : index
          %swap3A_649 = tpu.vector_load %arg15[%swap3A_647, %swap3A_648] {strides = array<i32>} : memref<64x768xf32, #tpu.memory_space<vmem>>, vector<1x16xf32>,
          %swap3A_650 = vector.shape_cast %swap3A_649 : vector<1x16xf32> to vector<16xf32>
          %swap3A_651 = vector.shape_cast %broadcast_in_dim3A_3 : vector<16xf32> to vector<1x16xf32>
          tpu.vector_store %arg15[%swap3A_647, %swap3A_648], %swap3A_651 {strides = array<i32>} : memref<64x768xf32, #tpu.memory_space<vmem>>, vector<1x16xf32>,
          %swap3A_652 = arith.index_cast %while3A_537 : i32 to index
          %swap3A_653 = arith.constant 368 : index
          %swap3A_654 = tpu.vector_load %arg15[%swap3A_652, %swap3A_653] {strides = array<i32>} : memref<64x768xf32, #tpu.memory_space<vmem>>, vector<1x16xf32>,
          %swap3A_655 = vector.shape_cast %swap3A_654 : vector<1x16xf32> to vector<16xf32>
          %swap3A_656 = vector.shape_cast %broadcast_in_dim3A_3 : vector<16xf32> to vector<1x16xf32>
          tpu.vector_store %arg15[%swap3A_652, %swap3A_653], %swap3A_656 {strides = array<i32>} : memref<64x768xf32, #tpu.memory_space<vmem>>, vector<1x16xf32>,
          %swap3A_657 = arith.index_cast %while3A_537 : i32 to index
          %swap3A_658 = arith.constant 384 : index
          %swap3A_659 = tpu.vector_load %arg15[%swap3A_657, %swap3A_658] {strides = array<i32>} : memref<64x768xf32, #tpu.memory_space<vmem>>, vector<1x16xf32>,
          %swap3A_660 = vector.shape_cast %swap3A_659 : vector<1x16xf32> to vector<16xf32>
          %swap3A_661 = vector.shape_cast %broadcast_in_dim3A_3 : vector<16xf32> to vector<1x16xf32>
          tpu.vector_store %arg15[%swap3A_657, %swap3A_658], %swap3A_661 {strides = array<i32>} : memref<64x768xf32, #tpu.memory_space<vmem>>, vector<1x16xf32>,
          %swap3A_662 = arith.index_cast %while3A_537 : i32 to index
          %swap3A_663 = arith.constant 400 : index
          %swap3A_664 = tpu.vector_load %arg15[%swap3A_662, %swap3A_663] {strides = array<i32>} : memref<64x768xf32, #tpu.memory_space<vmem>>, vector<1x16xf32>,
          %swap3A_665 = vector.shape_cast %swap3A_664 : vector<1x16xf32> to vector<16xf32>
          %swap3A_666 = vector.shape_cast %broadcast_in_dim3A_3 : vector<16xf32> to vector<1x16xf32>
          tpu.vector_store %arg15[%swap3A_662, %swap3A_663], %swap3A_666 {strides = array<i32>} : memref<64x768xf32, #tpu.memory_space<vmem>>, vector<1x16xf32>,
          %swap3A_667 = arith.index_cast %while3A_537 : i32 to index
          %swap3A_668 = arith.constant 416 : index
          %swap3A_669 = tpu.vector_load %arg15[%swap3A_667, %swap3A_668] {strides = array<i32>} : memref<64x768xf32, #tpu.memory_space<vmem>>, vector<1x16xf32>,
          %swap3A_670 = vector.shape_cast %swap3A_669 : vector<1x16xf32> to vector<16xf32>
          %swap3A_671 = vector.shape_cast %broadcast_in_dim3A_3 : vector<16xf32> to vector<1x16xf32>
          tpu.vector_store %arg15[%swap3A_667, %swap3A_668], %swap3A_671 {strides = array<i32>} : memref<64x768xf32, #tpu.memory_space<vmem>>, vector<1x16xf32>,
          %swap3A_672 = arith.index_cast %while3A_537 : i32 to index
          %swap3A_673 = arith.constant 432 : index
          %swap3A_674 = tpu.vector_load %arg15[%swap3A_672, %swap3A_673] {strides = array<i32>} : memref<64x768xf32, #tpu.memory_space<vmem>>, vector<1x16xf32>,
          %swap3A_675 = vector.shape_cast %swap3A_674 : vector<1x16xf32> to vector<16xf32>
          %swap3A_676 = vector.shape_cast %broadcast_in_dim3A_3 : vector<16xf32> to vector<1x16xf32>
          tpu.vector_store %arg15[%swap3A_672, %swap3A_673], %swap3A_676 {strides = array<i32>} : memref<64x768xf32, #tpu.memory_space<vmem>>, vector<1x16xf32>,
          %swap3A_677 = arith.index_cast %while3A_537 : i32 to index
          %swap3A_678 = arith.constant 448 : index
          %swap3A_679 = tpu.vector_load %arg15[%swap3A_677, %swap3A_678] {strides = array<i32>} : memref<64x768xf32, #tpu.memory_space<vmem>>, vector<1x16xf32>,
          %swap3A_680 = vector.shape_cast %swap3A_679 : vector<1x16xf32> to vector<16xf32>
          %swap3A_681 = vector.shape_cast %broadcast_in_dim3A_3 : vector<16xf32> to vector<1x16xf32>
          tpu.vector_store %arg15[%swap3A_677, %swap3A_678], %swap3A_681 {strides = array<i32>} : memref<64x768xf32, #tpu.memory_space<vmem>>, vector<1x16xf32>,
          %swap3A_682 = arith.index_cast %while3A_537 : i32 to index
          %swap3A_683 = arith.constant 464 : index
          %swap3A_684 = tpu.vector_load %arg15[%swap3A_682, %swap3A_683] {strides = array<i32>} : memref<64x768xf32, #tpu.memory_space<vmem>>, vector<1x16xf32>,
          %swap3A_685 = vector.shape_cast %swap3A_684 : vector<1x16xf32> to vector<16xf32>
          %swap3A_686 = vector.shape_cast %broadcast_in_dim3A_3 : vector<16xf32> to vector<1x16xf32>
          tpu.vector_store %arg15[%swap3A_682, %swap3A_683], %swap3A_686 {strides = array<i32>} : memref<64x768xf32, #tpu.memory_space<vmem>>, vector<1x16xf32>,
          %swap3A_687 = arith.index_cast %while3A_537 : i32 to index
          %swap3A_688 = arith.constant 480 : index
          %swap3A_689 = tpu.vector_load %arg15[%swap3A_687, %swap3A_688] {strides = array<i32>} : memref<64x768xf32, #tpu.memory_space<vmem>>, vector<1x16xf32>,
          %swap3A_690 = vector.shape_cast %swap3A_689 : vector<1x16xf32> to vector<16xf32>
          %swap3A_691 = vector.shape_cast %broadcast_in_dim3A_3 : vector<16xf32> to vector<1x16xf32>
          tpu.vector_store %arg15[%swap3A_687, %swap3A_688], %swap3A_691 {strides = array<i32>} : memref<64x768xf32, #tpu.memory_space<vmem>>, vector<1x16xf32>,
          %swap3A_692 = arith.index_cast %while3A_537 : i32 to index
          %swap3A_693 = arith.constant 496 : index
          %swap3A_694 = tpu.vector_load %arg15[%swap3A_692, %swap3A_693] {strides = array<i32>} : memref<64x768xf32, #tpu.memory_space<vmem>>, vector<1x16xf32>,
          %swap3A_695 = vector.shape_cast %swap3A_694 : vector<1x16xf32> to vector<16xf32>
          %swap3A_696 = vector.shape_cast %broadcast_in_dim3A_3 : vector<16xf32> to vector<1x16xf32>
          tpu.vector_store %arg15[%swap3A_692, %swap3A_693], %swap3A_696 {strides = array<i32>} : memref<64x768xf32, #tpu.memory_space<vmem>>, vector<1x16xf32>,
          %swap3A_697 = arith.index_cast %while3A_537 : i32 to index
          %swap3A_698 = arith.constant 512 : index
          %swap3A_699 = tpu.vector_load %arg15[%swap3A_697, %swap3A_698] {strides = array<i32>} : memref<64x768xf32, #tpu.memory_space<vmem>>, vector<1x16xf32>,
          %swap3A_700 = vector.shape_cast %swap3A_699 : vector<1x16xf32> to vector<16xf32>
          %swap3A_701 = vector.shape_cast %broadcast_in_dim3A_3 : vector<16xf32> to vector<1x16xf32>
          tpu.vector_store %arg15[%swap3A_697, %swap3A_698], %swap3A_701 {strides = array<i32>} : memref<64x768xf32, #tpu.memory_space<vmem>>, vector<1x16xf32>,
          %swap3A_702 = arith.index_cast %while3A_537 : i32 to index
          %swap3A_703 = arith.constant 528 : index
          %swap3A_704 = tpu.vector_load %arg15[%swap3A_702, %swap3A_703] {strides = array<i32>} : memref<64x768xf32, #tpu.memory_space<vmem>>, vector<1x16xf32>,
          %swap3A_705 = vector.shape_cast %swap3A_704 : vector<1x16xf32> to vector<16xf32>
          %swap3A_706 = vector.shape_cast %broadcast_in_dim3A_3 : vector<16xf32> to vector<1x16xf32>
          tpu.vector_store %arg15[%swap3A_702, %swap3A_703], %swap3A_706 {strides = array<i32>} : memref<64x768xf32, #tpu.memory_space<vmem>>, vector<1x16xf32>,
          %swap3A_707 = arith.index_cast %while3A_537 : i32 to index
          %swap3A_708 = arith.constant 544 : index
          %swap3A_709 = tpu.vector_load %arg15[%swap3A_707, %swap3A_708] {strides = array<i32>} : memref<64x768xf32, #tpu.memory_space<vmem>>, vector<1x16xf32>,
          %swap3A_710 = vector.shape_cast %swap3A_709 : vector<1x16xf32> to vector<16xf32>
          %swap3A_711 = vector.shape_cast %broadcast_in_dim3A_3 : vector<16xf32> to vector<1x16xf32>
          tpu.vector_store %arg15[%swap3A_707, %swap3A_708], %swap3A_711 {strides = array<i32>} : memref<64x768xf32, #tpu.memory_space<vmem>>, vector<1x16xf32>,
          %swap3A_712 = arith.index_cast %while3A_537 : i32 to index
          %swap3A_713 = arith.constant 560 : index
          %swap3A_714 = tpu.vector_load %arg15[%swap3A_712, %swap3A_713] {strides = array<i32>} : memref<64x768xf32, #tpu.memory_space<vmem>>, vector<1x16xf32>,
          %swap3A_715 = vector.shape_cast %swap3A_714 : vector<1x16xf32> to vector<16xf32>
          %swap3A_716 = vector.shape_cast %broadcast_in_dim3A_3 : vector<16xf32> to vector<1x16xf32>
          tpu.vector_store %arg15[%swap3A_712, %swap3A_713], %swap3A_716 {strides = array<i32>} : memref<64x768xf32, #tpu.memory_space<vmem>>, vector<1x16xf32>,
          %swap3A_717 = arith.index_cast %while3A_537 : i32 to index
          %swap3A_718 = arith.constant 576 : index
          %swap3A_719 = tpu.vector_load %arg15[%swap3A_717, %swap3A_718] {strides = array<i32>} : memref<64x768xf32, #tpu.memory_space<vmem>>, vector<1x16xf32>,
          %swap3A_720 = vector.shape_cast %swap3A_719 : vector<1x16xf32> to vector<16xf32>
          %swap3A_721 = vector.shape_cast %broadcast_in_dim3A_3 : vector<16xf32> to vector<1x16xf32>
          tpu.vector_store %arg15[%swap3A_717, %swap3A_718], %swap3A_721 {strides = array<i32>} : memref<64x768xf32, #tpu.memory_space<vmem>>, vector<1x16xf32>,
          %swap3A_722 = arith.index_cast %while3A_537 : i32 to index
          %swap3A_723 = arith.constant 592 : index
          %swap3A_724 = tpu.vector_load %arg15[%swap3A_722, %swap3A_723] {strides = array<i32>} : memref<64x768xf32, #tpu.memory_space<vmem>>, vector<1x16xf32>,
          %swap3A_725 = vector.shape_cast %swap3A_724 : vector<1x16xf32> to vector<16xf32>
          %swap3A_726 = vector.shape_cast %broadcast_in_dim3A_3 : vector<16xf32> to vector<1x16xf32>
          tpu.vector_store %arg15[%swap3A_722, %swap3A_723], %swap3A_726 {strides = array<i32>} : memref<64x768xf32, #tpu.memory_space<vmem>>, vector<1x16xf32>,
          %swap3A_727 = arith.index_cast %while3A_537 : i32 to index
          %swap3A_728 = arith.constant 608 : index
          %swap3A_729 = tpu.vector_load %arg15[%swap3A_727, %swap3A_728] {strides = array<i32>} : memref<64x768xf32, #tpu.memory_space<vmem>>, vector<1x16xf32>,
          %swap3A_730 = vector.shape_cast %swap3A_729 : vector<1x16xf32> to vector<16xf32>
          %swap3A_731 = vector.shape_cast %broadcast_in_dim3A_3 : vector<16xf32> to vector<1x16xf32>
          tpu.vector_store %arg15[%swap3A_727, %swap3A_728], %swap3A_731 {strides = array<i32>} : memref<64x768xf32, #tpu.memory_space<vmem>>, vector<1x16xf32>,
          %swap3A_732 = arith.index_cast %while3A_537 : i32 to index
          %swap3A_733 = arith.constant 624 : index
          %swap3A_734 = tpu.vector_load %arg15[%swap3A_732, %swap3A_733] {strides = array<i32>} : memref<64x768xf32, #tpu.memory_space<vmem>>, vector<1x16xf32>,
          %swap3A_735 = vector.shape_cast %swap3A_734 : vector<1x16xf32> to vector<16xf32>
          %swap3A_736 = vector.shape_cast %broadcast_in_dim3A_3 : vector<16xf32> to vector<1x16xf32>
          tpu.vector_store %arg15[%swap3A_732, %swap3A_733], %swap3A_736 {strides = array<i32>} : memref<64x768xf32, #tpu.memory_space<vmem>>, vector<1x16xf32>,
          %swap3A_737 = arith.index_cast %while3A_537 : i32 to index
          %swap3A_738 = arith.constant 640 : index
          %swap3A_739 = tpu.vector_load %arg15[%swap3A_737, %swap3A_738] {strides = array<i32>} : memref<64x768xf32, #tpu.memory_space<vmem>>, vector<1x16xf32>,
          %swap3A_740 = vector.shape_cast %swap3A_739 : vector<1x16xf32> to vector<16xf32>
          %swap3A_741 = vector.shape_cast %broadcast_in_dim3A_3 : vector<16xf32> to vector<1x16xf32>
          tpu.vector_store %arg15[%swap3A_737, %swap3A_738], %swap3A_741 {strides = array<i32>} : memref<64x768xf32, #tpu.memory_space<vmem>>, vector<1x16xf32>,
          %swap3A_742 = arith.index_cast %while3A_537 : i32 to index
          %swap3A_743 = arith.constant 656 : index
          %swap3A_744 = tpu.vector_load %arg15[%swap3A_742, %swap3A_743] {strides = array<i32>} : memref<64x768xf32, #tpu.memory_space<vmem>>, vector<1x16xf32>,
          %swap3A_745 = vector.shape_cast %swap3A_744 : vector<1x16xf32> to vector<16xf32>
          %swap3A_746 = vector.shape_cast %broadcast_in_dim3A_3 : vector<16xf32> to vector<1x16xf32>
          tpu.vector_store %arg15[%swap3A_742, %swap3A_743], %swap3A_746 {strides = array<i32>} : memref<64x768xf32, #tpu.memory_space<vmem>>, vector<1x16xf32>,
          %swap3A_747 = arith.index_cast %while3A_537 : i32 to index
          %swap3A_748 = arith.constant 672 : index
          %swap3A_749 = tpu.vector_load %arg15[%swap3A_747, %swap3A_748] {strides = array<i32>} : memref<64x768xf32, #tpu.memory_space<vmem>>, vector<1x16xf32>,
          %swap3A_750 = vector.shape_cast %swap3A_749 : vector<1x16xf32> to vector<16xf32>
          %swap3A_751 = vector.shape_cast %broadcast_in_dim3A_3 : vector<16xf32> to vector<1x16xf32>
          tpu.vector_store %arg15[%swap3A_747, %swap3A_748], %swap3A_751 {strides = array<i32>} : memref<64x768xf32, #tpu.memory_space<vmem>>, vector<1x16xf32>,
          %swap3A_752 = arith.index_cast %while3A_537 : i32 to index
          %swap3A_753 = arith.constant 688 : index
          %swap3A_754 = tpu.vector_load %arg15[%swap3A_752, %swap3A_753] {strides = array<i32>} : memref<64x768xf32, #tpu.memory_space<vmem>>, vector<1x16xf32>,
          %swap3A_755 = vector.shape_cast %swap3A_754 : vector<1x16xf32> to vector<16xf32>
          %swap3A_756 = vector.shape_cast %broadcast_in_dim3A_3 : vector<16xf32> to vector<1x16xf32>
          tpu.vector_store %arg15[%swap3A_752, %swap3A_753], %swap3A_756 {strides = array<i32>} : memref<64x768xf32, #tpu.memory_space<vmem>>, vector<1x16xf32>,
          %swap3A_757 = arith.index_cast %while3A_537 : i32 to index
          %swap3A_758 = arith.constant 704 : index
          %swap3A_759 = tpu.vector_load %arg15[%swap3A_757, %swap3A_758] {strides = array<i32>} : memref<64x768xf32, #tpu.memory_space<vmem>>, vector<1x16xf32>,
          %swap3A_760 = vector.shape_cast %swap3A_759 : vector<1x16xf32> to vector<16xf32>
          %swap3A_761 = vector.shape_cast %broadcast_in_dim3A_3 : vector<16xf32> to vector<1x16xf32>
          tpu.vector_store %arg15[%swap3A_757, %swap3A_758], %swap3A_761 {strides = array<i32>} : memref<64x768xf32, #tpu.memory_space<vmem>>, vector<1x16xf32>,
          %swap3A_762 = arith.index_cast %while3A_537 : i32 to index
          %swap3A_763 = arith.constant 720 : index
          %swap3A_764 = tpu.vector_load %arg15[%swap3A_762, %swap3A_763] {strides = array<i32>} : memref<64x768xf32, #tpu.memory_space<vmem>>, vector<1x16xf32>,
          %swap3A_765 = vector.shape_cast %swap3A_764 : vector<1x16xf32> to vector<16xf32>
          %swap3A_766 = vector.shape_cast %broadcast_in_dim3A_3 : vector<16xf32> to vector<1x16xf32>
          tpu.vector_store %arg15[%swap3A_762, %swap3A_763], %swap3A_766 {strides = array<i32>} : memref<64x768xf32, #tpu.memory_space<vmem>>, vector<1x16xf32>,
          %swap3A_767 = arith.index_cast %while3A_537 : i32 to index
          %swap3A_768 = arith.constant 736 : index
          %swap3A_769 = tpu.vector_load %arg15[%swap3A_767, %swap3A_768] {strides = array<i32>} : memref<64x768xf32, #tpu.memory_space<vmem>>, vector<1x16xf32>,
          %swap3A_770 = vector.shape_cast %swap3A_769 : vector<1x16xf32> to vector<16xf32>
          %swap3A_771 = vector.shape_cast %broadcast_in_dim3A_3 : vector<16xf32> to vector<1x16xf32>
          tpu.vector_store %arg15[%swap3A_767, %swap3A_768], %swap3A_771 {strides = array<i32>} : memref<64x768xf32, #tpu.memory_space<vmem>>, vector<1x16xf32>,
          %swap3A_772 = arith.index_cast %while3A_537 : i32 to index
          %swap3A_773 = arith.constant 752 : index
          %swap3A_774 = tpu.vector_load %arg15[%swap3A_772, %swap3A_773] {strides = array<i32>} : memref<64x768xf32, #tpu.memory_space<vmem>>, vector<1x16xf32>,
          %swap3A_775 = vector.shape_cast %swap3A_774 : vector<1x16xf32> to vector<16xf32>
          %swap3A_776 = vector.shape_cast %broadcast_in_dim3A_3 : vector<16xf32> to vector<1x16xf32>
          tpu.vector_store %arg15[%swap3A_772, %swap3A_773], %swap3A_776 {strides = array<i32>} : memref<64x768xf32, #tpu.memory_space<vmem>>, vector<1x16xf32>,
        }
        %mul3A_478 = arith.constant 4 : i32
        %mul3A_479 = arith.muli %add3A_359, %mul3A_478 : i32
        %add3A_480 = arith.constant 0 : i32
        %add3A_481 = arith.addi %mul3A_479, %add3A_480 : i32
        %mul3A_482 = arith.constant 16 : i32
        %mul3A_483 = arith.muli %add3A_481, %mul3A_482 : i32
        %get3A_484 = arith.index_cast %mul3A_483 : i32 to index
        %get3A_485 = tpu.vector_load %arg12[%get3A_484] {strides = array<i32>} : memref<1600xi32, #tpu.memory_space<vmem>>, vector<16xi32>,
        %get3A_486 = vector.shape_cast %get3A_485 : vector<16xi32> to vector<16xi32>
        %dma_start3A = arith.constant 0 : i32
        %dma_start3A_487 = arith.constant 0 : i32
        %dma_start3A_488 = tpu.memref_slice %arg15[%dma_start3A, %dma_start3A_487] : memref<64x768xf32, #tpu.memory_space<vmem>> -> memref<16x768xf32, #tpu.memory_space<vmem>>
        %dma_start3A_489 = arith.constant 0 : i32
        %dma_start3A_490 = arith.constant 0 : i32
        %dma_start3A_491 = tpu.memref_slice %arg7[%dma_start3A_489, %dma_start3A_490] : memref<51200x768xf32, #tpu.memory_space<hbm>> -> memref<51200x768xf32, #tpu.memory_space<hbm>>
        tpu.enqueue_indirect_dma source(%dma_start3A_488 : memref<16x768xf32, #tpu.memory_space<vmem>>) target(%dma_start3A_491 : memref<51200x768xf32, #tpu.memory_space<hbm>>) offsets(%get3A_486 : vector<16xi32>) semaphore(%arg20 : memref<!tpu.dma_semaphore, #tpu.memory_space<semaphore_mem>>)
        %mul3A_492 = arith.constant 4 : i32
        %mul3A_493 = arith.muli %add3A_359, %mul3A_492 : i32
        %add3A_494 = arith.constant 1 : i32
        %add3A_495 = arith.addi %mul3A_493, %add3A_494 : i32
        %mul3A_496 = arith.constant 16 : i32
        %mul3A_497 = arith.muli %add3A_495, %mul3A_496 : i32
        %get3A_498 = arith.index_cast %mul3A_497 : i32 to index
        %get3A_499 = tpu.vector_load %arg12[%get3A_498] {strides = array<i32>} : memref<1600xi32, #tpu.memory_space<vmem>>, vector<16xi32>,
        %get3A_500 = vector.shape_cast %get3A_499 : vector<16xi32> to vector<16xi32>
        %dma_start3A_501 = arith.constant 16 : i32
        %dma_start3A_502 = arith.constant 0 : i32
        %dma_start3A_503 = tpu.memref_slice %arg15[%dma_start3A_501, %dma_start3A_502] : memref<64x768xf32, #tpu.memory_space<vmem>> -> memref<16x768xf32, #tpu.memory_space<vmem>>
        %dma_start3A_504 = arith.constant 0 : i32
        %dma_start3A_505 = arith.constant 0 : i32
        %dma_start3A_506 = tpu.memref_slice %arg7[%dma_start3A_504, %dma_start3A_505] : memref<51200x768xf32, #tpu.memory_space<hbm>> -> memref<51200x768xf32, #tpu.memory_space<hbm>>
        tpu.enqueue_indirect_dma source(%dma_start3A_503 : memref<16x768xf32, #tpu.memory_space<vmem>>) target(%dma_start3A_506 : memref<51200x768xf32, #tpu.memory_space<hbm>>) offsets(%get3A_500 : vector<16xi32>) semaphore(%arg20 : memref<!tpu.dma_semaphore, #tpu.memory_space<semaphore_mem>>)
        %mul3A_507 = arith.constant 4 : i32
        %mul3A_508 = arith.muli %add3A_359, %mul3A_507 : i32
        %add3A_509 = arith.constant 2 : i32
        %add3A_510 = arith.addi %mul3A_508, %add3A_509 : i32
        %mul3A_511 = arith.constant 16 : i32
        %mul3A_512 = arith.muli %add3A_510, %mul3A_511 : i32
        %get3A_513 = arith.index_cast %mul3A_512 : i32 to index
        %get3A_514 = tpu.vector_load %arg12[%get3A_513] {strides = array<i32>} : memref<1600xi32, #tpu.memory_space<vmem>>, vector<16xi32>,
        %get3A_515 = vector.shape_cast %get3A_514 : vector<16xi32> to vector<16xi32>
        %dma_start3A_516 = arith.constant 32 : i32
        %dma_start3A_517 = arith.constant 0 : i32
        %dma_start3A_518 = tpu.memref_slice %arg15[%dma_start3A_516, %dma_start3A_517] : memref<64x768xf32, #tpu.memory_space<vmem>> -> memref<16x768xf32, #tpu.memory_space<vmem>>
        %dma_start3A_519 = arith.constant 0 : i32
        %dma_start3A_520 = arith.constant 0 : i32
        %dma_start3A_521 = tpu.memref_slice %arg7[%dma_start3A_519, %dma_start3A_520] : memref<51200x768xf32, #tpu.memory_space<hbm>> -> memref<51200x768xf32, #tpu.memory_space<hbm>>
        tpu.enqueue_indirect_dma source(%dma_start3A_518 : memref<16x768xf32, #tpu.memory_space<vmem>>) target(%dma_start3A_521 : memref<51200x768xf32, #tpu.memory_space<hbm>>) offsets(%get3A_515 : vector<16xi32>) semaphore(%arg20 : memref<!tpu.dma_semaphore, #tpu.memory_space<semaphore_mem>>)
        %mul3A_522 = arith.constant 4 : i32
        %mul3A_523 = arith.muli %add3A_359, %mul3A_522 : i32
        %add3A_524 = arith.constant 3 : i32
        %add3A_525 = arith.addi %mul3A_523, %add3A_524 : i32
        %mul3A_526 = arith.constant 16 : i32
        %mul3A_527 = arith.muli %add3A_525, %mul3A_526 : i32
        %get3A_528 = arith.index_cast %mul3A_527 : i32 to index
        %get3A_529 = tpu.vector_load %arg12[%get3A_528] {strides = array<i32>} : memref<1600xi32, #tpu.memory_space<vmem>>, vector<16xi32>,
        %get3A_530 = vector.shape_cast %get3A_529 : vector<16xi32> to vector<16xi32>
        %dma_start3A_531 = arith.constant 48 : i32
        %dma_start3A_532 = arith.constant 0 : i32
        %dma_start3A_533 = tpu.memref_slice %arg15[%dma_start3A_531, %dma_start3A_532] : memref<64x768xf32, #tpu.memory_space<vmem>> -> memref<16x768xf32, #tpu.memory_space<vmem>>
        %dma_start3A_534 = arith.constant 0 : i32
        %dma_start3A_535 = arith.constant 0 : i32
        %dma_start3A_536 = tpu.memref_slice %arg7[%dma_start3A_534, %dma_start3A_535] : memref<51200x768xf32, #tpu.memory_space<hbm>> -> memref<51200x768xf32, #tpu.memory_space<hbm>>
        tpu.enqueue_indirect_dma source(%dma_start3A_533 : memref<16x768xf32, #tpu.memory_space<vmem>>) target(%dma_start3A_536 : memref<51200x768xf32, #tpu.memory_space<hbm>>) offsets(%get3A_530 : vector<16xi32>) semaphore(%arg20 : memref<!tpu.dma_semaphore, #tpu.memory_space<semaphore_mem>>)
      } else {
      }
      %eq3A_464 = arith.constant 0 : i32
      %eq3A_465 = arith.cmpi eq, %min3A_458, %eq3A_464 : i32
      %convert_element_type3A_466 = arith.extui %eq3A_465 : i1 to i32
      %cond3A_467 = arith.constant 0 : i32
      %cond3A_468 = arith.cmpi ne, %convert_element_type3A_466, %cond3A_467 : i32
      scf.if %cond3A_468 {
        %mul3A_469 = arith.constant 4 : i32
        %mul3A_470 = arith.muli %add3A_359, %mul3A_469 : i32
        %add3A_471 = arith.constant 0 : i32
        %add3A_472 = arith.addi %mul3A_470, %add3A_471 : i32
        %mul3A_473 = arith.constant 16 : i32
        %mul3A_474 = arith.muli %add3A_472, %mul3A_473 : i32
        %get3A_475 = arith.index_cast %mul3A_474 : i32 to index
        %get3A_476 = tpu.vector_load %arg12[%get3A_475] {strides = array<i32>} : memref<1600xi32, #tpu.memory_space<vmem>>, vector<16xi32>,
        %get3A_477 = vector.shape_cast %get3A_476 : vector<16xi32> to vector<16xi32>
        %dma_start3A = arith.constant 0 : i32
        %dma_start3A_478 = arith.constant 0 : i32
        %dma_start3A_479 = tpu.memref_slice %arg7[%dma_start3A, %dma_start3A_478] : memref<51200x768xf32, #tpu.memory_space<hbm>> -> memref<51200x768xf32, #tpu.memory_space<hbm>>
        tpu.enqueue_indirect_dma source(%arg16 : memref<16x768xf32, #tpu.memory_space<vmem>>) target(%dma_start3A_479 : memref<51200x768xf32, #tpu.memory_space<hbm>>) offsets(%get3A_477 : vector<16xi32>) semaphore(%arg20 : memref<!tpu.dma_semaphore, #tpu.memory_space<semaphore_mem>>)
        %mul3A_480 = arith.constant 4 : i32
        %mul3A_481 = arith.muli %add3A_359, %mul3A_480 : i32
        %add3A_482 = arith.constant 1 : i32
        %add3A_483 = arith.addi %mul3A_481, %add3A_482 : i32
        %mul3A_484 = arith.constant 16 : i32
        %mul3A_485 = arith.muli %add3A_483, %mul3A_484 : i32
        %get3A_486 = arith.index_cast %mul3A_485 : i32 to index
        %get3A_487 = tpu.vector_load %arg12[%get3A_486] {strides = array<i32>} : memref<1600xi32, #tpu.memory_space<vmem>>, vector<16xi32>,
        %get3A_488 = vector.shape_cast %get3A_487 : vector<16xi32> to vector<16xi32>
        %dma_start3A_489 = arith.constant 0 : i32
        %dma_start3A_490 = arith.constant 0 : i32
        %dma_start3A_491 = tpu.memref_slice %arg7[%dma_start3A_489, %dma_start3A_490] : memref<51200x768xf32, #tpu.memory_space<hbm>> -> memref<51200x768xf32, #tpu.memory_space<hbm>>
        tpu.enqueue_indirect_dma source(%arg16 : memref<16x768xf32, #tpu.memory_space<vmem>>) target(%dma_start3A_491 : memref<51200x768xf32, #tpu.memory_space<hbm>>) offsets(%get3A_488 : vector<16xi32>) semaphore(%arg20 : memref<!tpu.dma_semaphore, #tpu.memory_space<semaphore_mem>>)
        %mul3A_492 = arith.constant 4 : i32
        %mul3A_493 = arith.muli %add3A_359, %mul3A_492 : i32
        %add3A_494 = arith.constant 2 : i32
        %add3A_495 = arith.addi %mul3A_493, %add3A_494 : i32
        %mul3A_496 = arith.constant 16 : i32
        %mul3A_497 = arith.muli %add3A_495, %mul3A_496 : i32
        %get3A_498 = arith.index_cast %mul3A_497 : i32 to index
        %get3A_499 = tpu.vector_load %arg12[%get3A_498] {strides = array<i32>} : memref<1600xi32, #tpu.memory_space<vmem>>, vector<16xi32>,
        %get3A_500 = vector.shape_cast %get3A_499 : vector<16xi32> to vector<16xi32>
        %dma_start3A_501 = arith.constant 0 : i32
        %dma_start3A_502 = arith.constant 0 : i32
        %dma_start3A_503 = tpu.memref_slice %arg7[%dma_start3A_501, %dma_start3A_502] : memref<51200x768xf32, #tpu.memory_space<hbm>> -> memref<51200x768xf32, #tpu.memory_space<hbm>>
        tpu.enqueue_indirect_dma source(%arg16 : memref<16x768xf32, #tpu.memory_space<vmem>>) target(%dma_start3A_503 : memref<51200x768xf32, #tpu.memory_space<hbm>>) offsets(%get3A_500 : vector<16xi32>) semaphore(%arg20 : memref<!tpu.dma_semaphore, #tpu.memory_space<semaphore_mem>>)
        %mul3A_504 = arith.constant 4 : i32
        %mul3A_505 = arith.muli %add3A_359, %mul3A_504 : i32
        %add3A_506 = arith.constant 3 : i32
        %add3A_507 = arith.addi %mul3A_505, %add3A_506 : i32
        %mul3A_508 = arith.constant 16 : i32
        %mul3A_509 = arith.muli %add3A_507, %mul3A_508 : i32
        %get3A_510 = arith.index_cast %mul3A_509 : i32 to index
        %get3A_511 = tpu.vector_load %arg12[%get3A_510] {strides = array<i32>} : memref<1600xi32, #tpu.memory_space<vmem>>, vector<16xi32>,
        %get3A_512 = vector.shape_cast %get3A_511 : vector<16xi32> to vector<16xi32>
        %dma_start3A_513 = arith.constant 0 : i32
        %dma_start3A_514 = arith.constant 0 : i32
        %dma_start3A_515 = tpu.memref_slice %arg7[%dma_start3A_513, %dma_start3A_514] : memref<51200x768xf32, #tpu.memory_space<hbm>> -> memref<51200x768xf32, #tpu.memory_space<hbm>>
        tpu.enqueue_indirect_dma source(%arg16 : memref<16x768xf32, #tpu.memory_space<vmem>>) target(%dma_start3A_515 : memref<51200x768xf32, #tpu.memory_space<hbm>>) offsets(%get3A_512 : vector<16xi32>) semaphore(%arg20 : memref<!tpu.dma_semaphore, #tpu.memory_space<semaphore_mem>>)
      } else {
      }
    }
    %scan3A_96 = arith.constant 12 : i32
    %add3A_97 = arith.constant 1536 : i32
    %add3A_98 = arith.addi %mul3A_2, %add3A_97 : i32
    %jit3A_99 = arith.constant 1024 : i32
    %div3A_100 = arith.divsi %add3A_98, %jit3A_99 : i32
    %sign3A_101 = arith.constant 0 : i32
    %sign3A_102 = arith.cmpi sgt, %add3A_98, %sign3A_101 : i32
    %sign3A_103 = arith.extui %sign3A_102 : i1 to i32
    %sign3A_104 = arith.constant 0 : i32
    %sign3A_105 = arith.cmpi slt, %add3A_98, %sign3A_104 : i32
    %sign3A_106 = arith.extui %sign3A_105 : i1 to i32
    %sign3A_107 = arith.subi %sign3A_103, %sign3A_106 : i32
    %sign3A_108 = arith.constant 0 : i32
    %sign3A_109 = arith.cmpi sgt, %jit3A_99, %sign3A_108 : i32
    %sign3A_110 = arith.extui %sign3A_109 : i1 to i32
    %sign3A_111 = arith.constant 0 : i32
    %sign3A_112 = arith.cmpi slt, %jit3A_99, %sign3A_111 : i32
    %sign3A_113 = arith.extui %sign3A_112 : i1 to i32
    %sign3A_114 = arith.subi %sign3A_110, %sign3A_113 : i32
    %ne3A_115 = arith.cmpi ne, %sign3A_107, %sign3A_114 : i32
    %rem3A_116 = arith.remsi %add3A_98, %jit3A_99 : i32
    %ne3A_117 = arith.constant 0 : i32
    %ne3A_118 = arith.cmpi ne, %rem3A_116, %ne3A_117 : i32
    %and3A_119 = arith.andi %ne3A_115, %ne3A_118 : i1
    %sub3A_120 = arith.constant 1 : i32
    %sub3A_121 = arith.subi %div3A_100, %sub3A_120 : i32
    %select_n3A_122 = arith.select %and3A_119, %sub3A_121, %div3A_100 : i32
    %mul3A_123 = arith.constant 1024 : i32
    %mul3A_124 = arith.muli %select_n3A_122, %mul3A_123 : i32
    %sub3A_125 = arith.subi %add3A_98, %mul3A_124 : i32
    %mul3A_126 = arith.constant 8 : i32
    %mul3A_127 = arith.muli %select_n3A_122, %mul3A_126 : i32
    %get3A_128 = arith.index_cast %mul3A_127 : i32 to index
    %get3A_129 = tpu.vector_load %arg11[%get3A_128] {strides = array<i32>} : memref<408xi32, #tpu.memory_space<vmem>>, vector<16xi32>,
    %get3A_130 = vector.shape_cast %get3A_129 : vector<16xi32> to vector<16xi32>
    %slice3A_131 = vector.extract_strided_slice %get3A_130 {offsets = [0], sizes = [1], strides = [1]} : vector<16xi32> to vector<1xi32>
    %squeeze3A_132 = vector.extract %slice3A_131[0] : i32 from vector<1xi32>
    %sub3A_133 = arith.subi %squeeze3A_132, %sub3A_125 : i32
    %jit3A_134 = arith.constant 0 : i32
    %jit3A_135 = arith.constant 64 : i32
    %max3A_136 = arith.maxsi %jit3A_134, %sub3A_133 : i32
    %min3A_137 = arith.minsi %jit3A_135, %max3A_136 : i32
    %gt3A_138 = arith.constant 0 : i32
    %gt3A_139 = arith.cmpi sgt, %min3A_137, %gt3A_138 : i32
    %convert_element_type3A_140 = arith.extui %gt3A_139 : i1 to i32
    %cond3A_141 = arith.constant 0 : i32
    %cond3A_142 = arith.cmpi ne, %convert_element_type3A_140, %cond3A_141 : i32
    scf.if %cond3A_142 {
      %dma_wait3A_246 = arith.constant 1536 : i32
      %dma_wait3A_247 = tpu.memref_slice %arg9[%dma_wait3A_246] : memref<1600xi32, #tpu.memory_space<vmem>> -> memref<64xi32, #tpu.memory_space<vmem>>
      %dma_wait3A_248 = arith.constant 0 : i32
      %dma_wait3A_249 = arith.constant 0 : i32
      %dma_wait3A_250 = tpu.memref_slice %arg6[%dma_wait3A_248, %dma_wait3A_249] : memref<100000x768xf32, #tpu.memory_space<hbm>> -> memref<100000x768xf32, #tpu.memory_space<hbm>>
      tpu.wait_indirect_dma semaphore(%arg17 : memref<!tpu.dma_semaphore, #tpu.memory_space<semaphore_mem>>) src(%dma_wait3A_250 : memref<100000x768xf32, #tpu.memory_space<hbm>>) dst(%arg14 : memref<64x768xf32, #tpu.memory_space<vmem>>)
    } else {
    }
    %and3A_143 = arith.constant true
    %and3A_144 = arith.constant false
    %and3A_145 = arith.andi %and3A_143, %and3A_144 : i1
    %convert_element_type3A_146 = arith.extui %and3A_145 : i1 to i32
    %cond3A_147 = arith.constant 0 : i32
    %cond3A_148 = arith.cmpi ne, %convert_element_type3A_146, %cond3A_147 : i32
    scf.if %cond3A_148 {
      %get3A_246 = arith.constant 1472 : index
      %get3A_247 = tpu.vector_load %arg12[%get3A_246] {strides = array<i32>} : memref<1600xi32, #tpu.memory_space<vmem>>, vector<16xi32>,
      %get3A_248 = vector.shape_cast %get3A_247 : vector<16xi32> to vector<16xi32>
      %dma_wait3A_249 = arith.constant 0 : i32
      %dma_wait3A_250 = arith.constant 0 : i32
      %dma_wait3A_251 = tpu.memref_slice %arg7[%dma_wait3A_249, %dma_wait3A_250] : memref<51200x768xf32, #tpu.memory_space<hbm>> -> memref<51200x768xf32, #tpu.memory_space<hbm>>
      tpu.wait_indirect_dma semaphore(%arg20 : memref<!tpu.dma_semaphore, #tpu.memory_space<semaphore_mem>>) src(%arg16 : memref<16x768xf32, #tpu.memory_space<vmem>>) dst(%dma_wait3A_251 : memref<51200x768xf32, #tpu.memory_space<hbm>>)
      %get3A_252 = arith.constant 1488 : index
      %get3A_253 = tpu.vector_load %arg12[%get3A_252] {strides = array<i32>} : memref<1600xi32, #tpu.memory_space<vmem>>, vector<16xi32>,
      %get3A_254 = vector.shape_cast %get3A_253 : vector<16xi32> to vector<16xi32>
      %dma_wait3A_255 = arith.constant 0 : i32
      %dma_wait3A_256 = arith.constant 0 : i32
      %dma_wait3A_257 = tpu.memref_slice %arg7[%dma_wait3A_255, %dma_wait3A_256] : memref<51200x768xf32, #tpu.memory_space<hbm>> -> memref<51200x768xf32, #tpu.memory_space<hbm>>
      tpu.wait_indirect_dma semaphore(%arg20 : memref<!tpu.dma_semaphore, #tpu.memory_space<semaphore_mem>>) src(%arg16 : memref<16x768xf32, #tpu.memory_space<vmem>>) dst(%dma_wait3A_257 : memref<51200x768xf32, #tpu.memory_space<hbm>>)
      %get3A_258 = arith.constant 1504 : index
      %get3A_259 = tpu.vector_load %arg12[%get3A_258] {strides = array<i32>} : memref<1600xi32, #tpu.memory_space<vmem>>, vector<16xi32>,
      %get3A_260 = vector.shape_cast %get3A_259 : vector<16xi32> to vector<16xi32>
      %dma_wait3A_261 = arith.constant 0 : i32
      %dma_wait3A_262 = arith.constant 0 : i32
      %dma_wait3A_263 = tpu.memref_slice %arg7[%dma_wait3A_261, %dma_wait3A_262] : memref<51200x768xf32, #tpu.memory_space<hbm>> -> memref<51200x768xf32, #tpu.memory_space<hbm>>
      tpu.wait_indirect_dma semaphore(%arg20 : memref<!tpu.dma_semaphore, #tpu.memory_space<semaphore_mem>>) src(%arg16 : memref<16x768xf32, #tpu.memory_space<vmem>>) dst(%dma_wait3A_263 : memref<51200x768xf32, #tpu.memory_space<hbm>>)
      %get3A_264 = arith.constant 1520 : index
      %get3A_265 = tpu.vector_load %arg12[%get3A_264] {strides = array<i32>} : memref<1600xi32, #tpu.memory_space<vmem>>, vector<16xi32>,
      %get3A_266 = vector.shape_cast %get3A_265 : vector<16xi32> to vector<16xi32>
      %dma_wait3A_267 = arith.constant 0 : i32
      %dma_wait3A_268 = arith.constant 0 : i32
      %dma_wait3A_269 = tpu.memref_slice %arg7[%dma_wait3A_267, %dma_wait3A_268] : memref<51200x768xf32, #tpu.memory_space<hbm>> -> memref<51200x768xf32, #tpu.memory_space<hbm>>
      tpu.wait_indirect_dma semaphore(%arg20 : memref<!tpu.dma_semaphore, #tpu.memory_space<semaphore_mem>>) src(%arg16 : memref<16x768xf32, #tpu.memory_space<vmem>>) dst(%dma_wait3A_269 : memref<51200x768xf32, #tpu.memory_space<hbm>>)
      %min3A_270 = arith.constant 25 : i32
      %min3A_271 = arith.constant 24 : i32
      %min3A_272 = arith.minsi %min3A_270, %min3A_271 : i32
      %mul3A_273 = arith.constant 64 : i32
      %mul3A_274 = arith.muli %min3A_272, %mul3A_273 : i32
      %add3A_275 = arith.addi %mul3A_2, %mul3A_274 : i32
      %jit3A_276 = arith.constant 1024 : i32
      %div3A_277 = arith.divsi %add3A_275, %jit3A_276 : i32
      %sign3A_278 = arith.constant 0 : i32
      %sign3A_279 = arith.cmpi sgt, %add3A_275, %sign3A_278 : i32
      %sign3A_280 = arith.extui %sign3A_279 : i1 to i32
      %sign3A_281 = arith.constant 0 : i32
      %sign3A_282 = arith.cmpi slt, %add3A_275, %sign3A_281 : i32
      %sign3A_283 = arith.extui %sign3A_282 : i1 to i32
      %sign3A_284 = arith.subi %sign3A_280, %sign3A_283 : i32
      %sign3A_285 = arith.constant 0 : i32
      %sign3A_286 = arith.cmpi sgt, %jit3A_276, %sign3A_285 : i32
      %sign3A_287 = arith.extui %sign3A_286 : i1 to i32
      %sign3A_288 = arith.constant 0 : i32
      %sign3A_289 = arith.cmpi slt, %jit3A_276, %sign3A_288 : i32
      %sign3A_290 = arith.extui %sign3A_289 : i1 to i32
      %sign3A_291 = arith.subi %sign3A_287, %sign3A_290 : i32
      %ne3A_292 = arith.cmpi ne, %sign3A_284, %sign3A_291 : i32
      %rem3A_293 = arith.remsi %add3A_275, %jit3A_276 : i32
      %ne3A_294 = arith.constant 0 : i32
      %ne3A_295 = arith.cmpi ne, %rem3A_293, %ne3A_294 : i32
      %and3A_296 = arith.andi %ne3A_292, %ne3A_295 : i1
      %sub3A_297 = arith.constant 1 : i32
      %sub3A_298 = arith.subi %div3A_277, %sub3A_297 : i32
      %select_n3A_299 = arith.select %and3A_296, %sub3A_298, %div3A_277 : i32
      %mul3A_300 = arith.constant 1024 : i32
      %mul3A_301 = arith.muli %select_n3A_299, %mul3A_300 : i32
      %sub3A_302 = arith.subi %add3A_275, %mul3A_301 : i32
      %mul3A_303 = arith.constant 8 : i32
      %mul3A_304 = arith.muli %select_n3A_299, %mul3A_303 : i32
      %get3A_305 = arith.index_cast %mul3A_304 : i32 to index
      %get3A_306 = tpu.vector_load %arg11[%get3A_305] {strides = array<i32>} : memref<408xi32, #tpu.memory_space<vmem>>, vector<16xi32>,
      %get3A_307 = vector.shape_cast %get3A_306 : vector<16xi32> to vector<16xi32>
      %slice3A_308 = vector.extract_strided_slice %get3A_307 {offsets = [0], sizes = [1], strides = [1]} : vector<16xi32> to vector<1xi32>
      %squeeze3A_309 = vector.extract %slice3A_308[0] : i32 from vector<1xi32>
      %sub3A_310 = arith.subi %squeeze3A_309, %sub3A_302 : i32
      %jit3A_311 = arith.constant 0 : i32
      %jit3A_312 = arith.constant 64 : i32
      %max3A_313 = arith.maxsi %jit3A_311, %sub3A_310 : i32
      %min3A_314 = arith.minsi %jit3A_312, %max3A_313 : i32
      %gt3A_315 = arith.constant 0 : i32
      %gt3A_316 = arith.cmpi sgt, %min3A_314, %gt3A_315 : i32
      %convert_element_type3A_317 = arith.extui %gt3A_316 : i1 to i32
      %cond3A_318 = arith.constant 0 : i32
      %cond3A_319 = arith.cmpi ne, %convert_element_type3A_317, %cond3A_318 : i32
      scf.if %cond3A_319 {
        %mul3A_320 = arith.constant 64 : i32
        %mul3A_321 = arith.muli %min3A_272, %mul3A_320 : i32
        %dma_start3A = tpu.memref_slice %arg9[%mul3A_321] : memref<1600xi32, #tpu.memory_space<vmem>> -> memref<64xi32, #tpu.memory_space<vmem>>
        %dma_start3A_322 = arith.constant 0 : i32
        %dma_start3A_323 = arith.constant 0 : i32
        %dma_start3A_324 = tpu.memref_slice %arg6[%dma_start3A_322, %dma_start3A_323] : memref<100000x768xf32, #tpu.memory_space<hbm>> -> memref<100000x768xf32, #tpu.memory_space<hbm>>
        tpu.enqueue_indirect_dma source(%dma_start3A_324 : memref<100000x768xf32, #tpu.memory_space<hbm>>) target(%arg15 : memref<64x768xf32, #tpu.memory_space<vmem>>) offsets(%dma_start3A : memref<64xi32, #tpu.memory_space<vmem>>) semaphore(%arg18 : memref<!tpu.dma_semaphore, #tpu.memory_space<semaphore_mem>>)
      } else {
      }
    } else {
    }
    %add3A_149 = arith.constant 1536 : i32
    %add3A_150 = arith.addi %mul3A_2, %add3A_149 : i32
    %jit3A_151 = arith.constant 1024 : i32
    %div3A_152 = arith.divsi %add3A_150, %jit3A_151 : i32
    %sign3A_153 = arith.constant 0 : i32
    %sign3A_154 = arith.cmpi sgt, %add3A_150, %sign3A_153 : i32
    %sign3A_155 = arith.extui %sign3A_154 : i1 to i32
    %sign3A_156 = arith.constant 0 : i32
    %sign3A_157 = arith.cmpi slt, %add3A_150, %sign3A_156 : i32
    %sign3A_158 = arith.extui %sign3A_157 : i1 to i32
    %sign3A_159 = arith.subi %sign3A_155, %sign3A_158 : i32
    %sign3A_160 = arith.constant 0 : i32
    %sign3A_161 = arith.cmpi sgt, %jit3A_151, %sign3A_160 : i32
    %sign3A_162 = arith.extui %sign3A_161 : i1 to i32
    %sign3A_163 = arith.constant 0 : i32
    %sign3A_164 = arith.cmpi slt, %jit3A_151, %sign3A_163 : i32
    %sign3A_165 = arith.extui %sign3A_164 : i1 to i32
    %sign3A_166 = arith.subi %sign3A_162, %sign3A_165 : i32
    %ne3A_167 = arith.cmpi ne, %sign3A_159, %sign3A_166 : i32
    %rem3A_168 = arith.remsi %add3A_150, %jit3A_151 : i32
    %ne3A_169 = arith.constant 0 : i32
    %ne3A_170 = arith.cmpi ne, %rem3A_168, %ne3A_169 : i32
    %and3A_171 = arith.andi %ne3A_167, %ne3A_170 : i1
    %sub3A_172 = arith.constant 1 : i32
    %sub3A_173 = arith.subi %div3A_152, %sub3A_172 : i32
    %select_n3A_174 = arith.select %and3A_171, %sub3A_173, %div3A_152 : i32
    %mul3A_175 = arith.constant 1024 : i32
    %mul3A_176 = arith.muli %select_n3A_174, %mul3A_175 : i32
    %sub3A_177 = arith.subi %add3A_150, %mul3A_176 : i32
    %mul3A_178 = arith.constant 8 : i32
    %mul3A_179 = arith.muli %select_n3A_174, %mul3A_178 : i32
    %get3A_180 = arith.index_cast %mul3A_179 : i32 to index
    %get3A_181 = tpu.vector_load %arg11[%get3A_180] {strides = array<i32>} : memref<408xi32, #tpu.memory_space<vmem>>, vector<16xi32>,
    %get3A_182 = vector.shape_cast %get3A_181 : vector<16xi32> to vector<16xi32>
    %slice3A_183 = vector.extract_strided_slice %get3A_182 {offsets = [0], sizes = [1], strides = [1]} : vector<16xi32> to vector<1xi32>
    %squeeze3A_184 = vector.extract %slice3A_183[0] : i32 from vector<1xi32>
    %sub3A_185 = arith.subi %squeeze3A_184, %sub3A_177 : i32
    %jit3A_186 = arith.constant 0 : i32
    %jit3A_187 = arith.constant 64 : i32
    %max3A_188 = arith.maxsi %jit3A_186, %sub3A_185 : i32
    %min3A_189 = arith.minsi %jit3A_187, %max3A_188 : i32
    %gt3A_190 = arith.constant 0 : i32
    %gt3A_191 = arith.cmpi sgt, %min3A_189, %gt3A_190 : i32
    %convert_element_type3A_192 = arith.extui %gt3A_191 : i1 to i32
    %cond3A_193 = arith.constant 0 : i32
    %cond3A_194 = arith.cmpi ne, %convert_element_type3A_192, %cond3A_193 : i32
    scf.if %cond3A_194 {
      %while3A = arith.constant 0 : i32
      %while3A_246 = arith.constant 64 : i32
      %while3A_247 = arith.subi %while3A_246, %min3A_189 : i32
      %while3A_248 = arith.addi %min3A_189, %while3A_247 : i32
      %while3A_249 = arith.constant 1 : i32
      %while3A_250 = arith.divsi %while3A_247, %while3A_249 : i32
      %while3A_251 = arith.muli %while3A_250, %while3A_249 : i32
      %while3A_252 = arith.addi %min3A_189, %while3A_251 : i32
      %while3A_253 = arith.constant 1 : i32
      scf.for %while3A_290 = %min3A_189 to %while3A_252 step %while3A_253  : i32 {
        %swap3A = arith.index_cast %while3A_290 : i32 to index
        %swap3A_291 = arith.constant 0 : index
        %swap3A_292 = tpu.vector_load %arg14[%swap3A, %swap3A_291] {strides = array<i32>} : memref<64x768xf32, #tpu.memory_space<vmem>>, vector<1x16xf32>,
        %swap3A_293 = vector.shape_cast %swap3A_292 : vector<1x16xf32> to vector<16xf32>
        %swap3A_294 = vector.shape_cast %broadcast_in_dim3A_3 : vector<16xf32> to vector<1x16xf32>
        tpu.vector_store %arg14[%swap3A, %swap3A_291], %swap3A_294 {strides = array<i32>} : memref<64x768xf32, #tpu.memory_space<vmem>>, vector<1x16xf32>,
        %swap3A_295 = arith.index_cast %while3A_290 : i32 to index
        %swap3A_296 = arith.constant 16 : index
        %swap3A_297 = tpu.vector_load %arg14[%swap3A_295, %swap3A_296] {strides = array<i32>} : memref<64x768xf32, #tpu.memory_space<vmem>>, vector<1x16xf32>,
        %swap3A_298 = vector.shape_cast %swap3A_297 : vector<1x16xf32> to vector<16xf32>
        %swap3A_299 = vector.shape_cast %broadcast_in_dim3A_3 : vector<16xf32> to vector<1x16xf32>
        tpu.vector_store %arg14[%swap3A_295, %swap3A_296], %swap3A_299 {strides = array<i32>} : memref<64x768xf32, #tpu.memory_space<vmem>>, vector<1x16xf32>,
        %swap3A_300 = arith.index_cast %while3A_290 : i32 to index
        %swap3A_301 = arith.constant 32 : index
        %swap3A_302 = tpu.vector_load %arg14[%swap3A_300, %swap3A_301] {strides = array<i32>} : memref<64x768xf32, #tpu.memory_space<vmem>>, vector<1x16xf32>,
        %swap3A_303 = vector.shape_cast %swap3A_302 : vector<1x16xf32> to vector<16xf32>
        %swap3A_304 = vector.shape_cast %broadcast_in_dim3A_3 : vector<16xf32> to vector<1x16xf32>
        tpu.vector_store %arg14[%swap3A_300, %swap3A_301], %swap3A_304 {strides = array<i32>} : memref<64x768xf32, #tpu.memory_space<vmem>>, vector<1x16xf32>,
        %swap3A_305 = arith.index_cast %while3A_290 : i32 to index
        %swap3A_306 = arith.constant 48 : index
        %swap3A_307 = tpu.vector_load %arg14[%swap3A_305, %swap3A_306] {strides = array<i32>} : memref<64x768xf32, #tpu.memory_space<vmem>>, vector<1x16xf32>,
        %swap3A_308 = vector.shape_cast %swap3A_307 : vector<1x16xf32> to vector<16xf32>
        %swap3A_309 = vector.shape_cast %broadcast_in_dim3A_3 : vector<16xf32> to vector<1x16xf32>
        tpu.vector_store %arg14[%swap3A_305, %swap3A_306], %swap3A_309 {strides = array<i32>} : memref<64x768xf32, #tpu.memory_space<vmem>>, vector<1x16xf32>,
        %swap3A_310 = arith.index_cast %while3A_290 : i32 to index
        %swap3A_311 = arith.constant 64 : index
        %swap3A_312 = tpu.vector_load %arg14[%swap3A_310, %swap3A_311] {strides = array<i32>} : memref<64x768xf32, #tpu.memory_space<vmem>>, vector<1x16xf32>,
        %swap3A_313 = vector.shape_cast %swap3A_312 : vector<1x16xf32> to vector<16xf32>
        %swap3A_314 = vector.shape_cast %broadcast_in_dim3A_3 : vector<16xf32> to vector<1x16xf32>
        tpu.vector_store %arg14[%swap3A_310, %swap3A_311], %swap3A_314 {strides = array<i32>} : memref<64x768xf32, #tpu.memory_space<vmem>>, vector<1x16xf32>,
        %swap3A_315 = arith.index_cast %while3A_290 : i32 to index
        %swap3A_316 = arith.constant 80 : index
        %swap3A_317 = tpu.vector_load %arg14[%swap3A_315, %swap3A_316] {strides = array<i32>} : memref<64x768xf32, #tpu.memory_space<vmem>>, vector<1x16xf32>,
        %swap3A_318 = vector.shape_cast %swap3A_317 : vector<1x16xf32> to vector<16xf32>
        %swap3A_319 = vector.shape_cast %broadcast_in_dim3A_3 : vector<16xf32> to vector<1x16xf32>
        tpu.vector_store %arg14[%swap3A_315, %swap3A_316], %swap3A_319 {strides = array<i32>} : memref<64x768xf32, #tpu.memory_space<vmem>>, vector<1x16xf32>,
        %swap3A_320 = arith.index_cast %while3A_290 : i32 to index
        %swap3A_321 = arith.constant 96 : index
        %swap3A_322 = tpu.vector_load %arg14[%swap3A_320, %swap3A_321] {strides = array<i32>} : memref<64x768xf32, #tpu.memory_space<vmem>>, vector<1x16xf32>,
        %swap3A_323 = vector.shape_cast %swap3A_322 : vector<1x16xf32> to vector<16xf32>
        %swap3A_324 = vector.shape_cast %broadcast_in_dim3A_3 : vector<16xf32> to vector<1x16xf32>
        tpu.vector_store %arg14[%swap3A_320, %swap3A_321], %swap3A_324 {strides = array<i32>} : memref<64x768xf32, #tpu.memory_space<vmem>>, vector<1x16xf32>,
        %swap3A_325 = arith.index_cast %while3A_290 : i32 to index
        %swap3A_326 = arith.constant 112 : index
        %swap3A_327 = tpu.vector_load %arg14[%swap3A_325, %swap3A_326] {strides = array<i32>} : memref<64x768xf32, #tpu.memory_space<vmem>>, vector<1x16xf32>,
        %swap3A_328 = vector.shape_cast %swap3A_327 : vector<1x16xf32> to vector<16xf32>
        %swap3A_329 = vector.shape_cast %broadcast_in_dim3A_3 : vector<16xf32> to vector<1x16xf32>
        tpu.vector_store %arg14[%swap3A_325, %swap3A_326], %swap3A_329 {strides = array<i32>} : memref<64x768xf32, #tpu.memory_space<vmem>>, vector<1x16xf32>,
        %swap3A_330 = arith.index_cast %while3A_290 : i32 to index
        %swap3A_331 = arith.constant 128 : index
        %swap3A_332 = tpu.vector_load %arg14[%swap3A_330, %swap3A_331] {strides = array<i32>} : memref<64x768xf32, #tpu.memory_space<vmem>>, vector<1x16xf32>,
        %swap3A_333 = vector.shape_cast %swap3A_332 : vector<1x16xf32> to vector<16xf32>
        %swap3A_334 = vector.shape_cast %broadcast_in_dim3A_3 : vector<16xf32> to vector<1x16xf32>
        tpu.vector_store %arg14[%swap3A_330, %swap3A_331], %swap3A_334 {strides = array<i32>} : memref<64x768xf32, #tpu.memory_space<vmem>>, vector<1x16xf32>,
        %swap3A_335 = arith.index_cast %while3A_290 : i32 to index
        %swap3A_336 = arith.constant 144 : index
        %swap3A_337 = tpu.vector_load %arg14[%swap3A_335, %swap3A_336] {strides = array<i32>} : memref<64x768xf32, #tpu.memory_space<vmem>>, vector<1x16xf32>,
        %swap3A_338 = vector.shape_cast %swap3A_337 : vector<1x16xf32> to vector<16xf32>
        %swap3A_339 = vector.shape_cast %broadcast_in_dim3A_3 : vector<16xf32> to vector<1x16xf32>
        tpu.vector_store %arg14[%swap3A_335, %swap3A_336], %swap3A_339 {strides = array<i32>} : memref<64x768xf32, #tpu.memory_space<vmem>>, vector<1x16xf32>,
        %swap3A_340 = arith.index_cast %while3A_290 : i32 to index
        %swap3A_341 = arith.constant 160 : index
        %swap3A_342 = tpu.vector_load %arg14[%swap3A_340, %swap3A_341] {strides = array<i32>} : memref<64x768xf32, #tpu.memory_space<vmem>>, vector<1x16xf32>,
        %swap3A_343 = vector.shape_cast %swap3A_342 : vector<1x16xf32> to vector<16xf32>
        %swap3A_344 = vector.shape_cast %broadcast_in_dim3A_3 : vector<16xf32> to vector<1x16xf32>
        tpu.vector_store %arg14[%swap3A_340, %swap3A_341], %swap3A_344 {strides = array<i32>} : memref<64x768xf32, #tpu.memory_space<vmem>>, vector<1x16xf32>,
        %swap3A_345 = arith.index_cast %while3A_290 : i32 to index
        %swap3A_346 = arith.constant 176 : index
        %swap3A_347 = tpu.vector_load %arg14[%swap3A_345, %swap3A_346] {strides = array<i32>} : memref<64x768xf32, #tpu.memory_space<vmem>>, vector<1x16xf32>,
        %swap3A_348 = vector.shape_cast %swap3A_347 : vector<1x16xf32> to vector<16xf32>
        %swap3A_349 = vector.shape_cast %broadcast_in_dim3A_3 : vector<16xf32> to vector<1x16xf32>
        tpu.vector_store %arg14[%swap3A_345, %swap3A_346], %swap3A_349 {strides = array<i32>} : memref<64x768xf32, #tpu.memory_space<vmem>>, vector<1x16xf32>,
        %swap3A_350 = arith.index_cast %while3A_290 : i32 to index
        %swap3A_351 = arith.constant 192 : index
        %swap3A_352 = tpu.vector_load %arg14[%swap3A_350, %swap3A_351] {strides = array<i32>} : memref<64x768xf32, #tpu.memory_space<vmem>>, vector<1x16xf32>,
        %swap3A_353 = vector.shape_cast %swap3A_352 : vector<1x16xf32> to vector<16xf32>
        %swap3A_354 = vector.shape_cast %broadcast_in_dim3A_3 : vector<16xf32> to vector<1x16xf32>
        tpu.vector_store %arg14[%swap3A_350, %swap3A_351], %swap3A_354 {strides = array<i32>} : memref<64x768xf32, #tpu.memory_space<vmem>>, vector<1x16xf32>,
        %swap3A_355 = arith.index_cast %while3A_290 : i32 to index
        %swap3A_356 = arith.constant 208 : index
        %swap3A_357 = tpu.vector_load %arg14[%swap3A_355, %swap3A_356] {strides = array<i32>} : memref<64x768xf32, #tpu.memory_space<vmem>>, vector<1x16xf32>,
        %swap3A_358 = vector.shape_cast %swap3A_357 : vector<1x16xf32> to vector<16xf32>
        %swap3A_359 = vector.shape_cast %broadcast_in_dim3A_3 : vector<16xf32> to vector<1x16xf32>
        tpu.vector_store %arg14[%swap3A_355, %swap3A_356], %swap3A_359 {strides = array<i32>} : memref<64x768xf32, #tpu.memory_space<vmem>>, vector<1x16xf32>,
        %swap3A_360 = arith.index_cast %while3A_290 : i32 to index
        %swap3A_361 = arith.constant 224 : index
        %swap3A_362 = tpu.vector_load %arg14[%swap3A_360, %swap3A_361] {strides = array<i32>} : memref<64x768xf32, #tpu.memory_space<vmem>>, vector<1x16xf32>,
        %swap3A_363 = vector.shape_cast %swap3A_362 : vector<1x16xf32> to vector<16xf32>
        %swap3A_364 = vector.shape_cast %broadcast_in_dim3A_3 : vector<16xf32> to vector<1x16xf32>
        tpu.vector_store %arg14[%swap3A_360, %swap3A_361], %swap3A_364 {strides = array<i32>} : memref<64x768xf32, #tpu.memory_space<vmem>>, vector<1x16xf32>,
        %swap3A_365 = arith.index_cast %while3A_290 : i32 to index
        %swap3A_366 = arith.constant 240 : index
        %swap3A_367 = tpu.vector_load %arg14[%swap3A_365, %swap3A_366] {strides = array<i32>} : memref<64x768xf32, #tpu.memory_space<vmem>>, vector<1x16xf32>,
        %swap3A_368 = vector.shape_cast %swap3A_367 : vector<1x16xf32> to vector<16xf32>
        %swap3A_369 = vector.shape_cast %broadcast_in_dim3A_3 : vector<16xf32> to vector<1x16xf32>
        tpu.vector_store %arg14[%swap3A_365, %swap3A_366], %swap3A_369 {strides = array<i32>} : memref<64x768xf32, #tpu.memory_space<vmem>>, vector<1x16xf32>,
        %swap3A_370 = arith.index_cast %while3A_290 : i32 to index
        %swap3A_371 = arith.constant 256 : index
        %swap3A_372 = tpu.vector_load %arg14[%swap3A_370, %swap3A_371] {strides = array<i32>} : memref<64x768xf32, #tpu.memory_space<vmem>>, vector<1x16xf32>,
        %swap3A_373 = vector.shape_cast %swap3A_372 : vector<1x16xf32> to vector<16xf32>
        %swap3A_374 = vector.shape_cast %broadcast_in_dim3A_3 : vector<16xf32> to vector<1x16xf32>
        tpu.vector_store %arg14[%swap3A_370, %swap3A_371], %swap3A_374 {strides = array<i32>} : memref<64x768xf32, #tpu.memory_space<vmem>>, vector<1x16xf32>,
        %swap3A_375 = arith.index_cast %while3A_290 : i32 to index
        %swap3A_376 = arith.constant 272 : index
        %swap3A_377 = tpu.vector_load %arg14[%swap3A_375, %swap3A_376] {strides = array<i32>} : memref<64x768xf32, #tpu.memory_space<vmem>>, vector<1x16xf32>,
        %swap3A_378 = vector.shape_cast %swap3A_377 : vector<1x16xf32> to vector<16xf32>
        %swap3A_379 = vector.shape_cast %broadcast_in_dim3A_3 : vector<16xf32> to vector<1x16xf32>
        tpu.vector_store %arg14[%swap3A_375, %swap3A_376], %swap3A_379 {strides = array<i32>} : memref<64x768xf32, #tpu.memory_space<vmem>>, vector<1x16xf32>,
        %swap3A_380 = arith.index_cast %while3A_290 : i32 to index
        %swap3A_381 = arith.constant 288 : index
        %swap3A_382 = tpu.vector_load %arg14[%swap3A_380, %swap3A_381] {strides = array<i32>} : memref<64x768xf32, #tpu.memory_space<vmem>>, vector<1x16xf32>,
        %swap3A_383 = vector.shape_cast %swap3A_382 : vector<1x16xf32> to vector<16xf32>
        %swap3A_384 = vector.shape_cast %broadcast_in_dim3A_3 : vector<16xf32> to vector<1x16xf32>
        tpu.vector_store %arg14[%swap3A_380, %swap3A_381], %swap3A_384 {strides = array<i32>} : memref<64x768xf32, #tpu.memory_space<vmem>>, vector<1x16xf32>,
        %swap3A_385 = arith.index_cast %while3A_290 : i32 to index
        %swap3A_386 = arith.constant 304 : index
        %swap3A_387 = tpu.vector_load %arg14[%swap3A_385, %swap3A_386] {strides = array<i32>} : memref<64x768xf32, #tpu.memory_space<vmem>>, vector<1x16xf32>,
        %swap3A_388 = vector.shape_cast %swap3A_387 : vector<1x16xf32> to vector<16xf32>
        %swap3A_389 = vector.shape_cast %broadcast_in_dim3A_3 : vector<16xf32> to vector<1x16xf32>
        tpu.vector_store %arg14[%swap3A_385, %swap3A_386], %swap3A_389 {strides = array<i32>} : memref<64x768xf32, #tpu.memory_space<vmem>>, vector<1x16xf32>,
        %swap3A_390 = arith.index_cast %while3A_290 : i32 to index
        %swap3A_391 = arith.constant 320 : index
        %swap3A_392 = tpu.vector_load %arg14[%swap3A_390, %swap3A_391] {strides = array<i32>} : memref<64x768xf32, #tpu.memory_space<vmem>>, vector<1x16xf32>,
        %swap3A_393 = vector.shape_cast %swap3A_392 : vector<1x16xf32> to vector<16xf32>
        %swap3A_394 = vector.shape_cast %broadcast_in_dim3A_3 : vector<16xf32> to vector<1x16xf32>
        tpu.vector_store %arg14[%swap3A_390, %swap3A_391], %swap3A_394 {strides = array<i32>} : memref<64x768xf32, #tpu.memory_space<vmem>>, vector<1x16xf32>,
        %swap3A_395 = arith.index_cast %while3A_290 : i32 to index
        %swap3A_396 = arith.constant 336 : index
        %swap3A_397 = tpu.vector_load %arg14[%swap3A_395, %swap3A_396] {strides = array<i32>} : memref<64x768xf32, #tpu.memory_space<vmem>>, vector<1x16xf32>,
        %swap3A_398 = vector.shape_cast %swap3A_397 : vector<1x16xf32> to vector<16xf32>
        %swap3A_399 = vector.shape_cast %broadcast_in_dim3A_3 : vector<16xf32> to vector<1x16xf32>
        tpu.vector_store %arg14[%swap3A_395, %swap3A_396], %swap3A_399 {strides = array<i32>} : memref<64x768xf32, #tpu.memory_space<vmem>>, vector<1x16xf32>,
        %swap3A_400 = arith.index_cast %while3A_290 : i32 to index
        %swap3A_401 = arith.constant 352 : index
        %swap3A_402 = tpu.vector_load %arg14[%swap3A_400, %swap3A_401] {strides = array<i32>} : memref<64x768xf32, #tpu.memory_space<vmem>>, vector<1x16xf32>,
        %swap3A_403 = vector.shape_cast %swap3A_402 : vector<1x16xf32> to vector<16xf32>
        %swap3A_404 = vector.shape_cast %broadcast_in_dim3A_3 : vector<16xf32> to vector<1x16xf32>
        tpu.vector_store %arg14[%swap3A_400, %swap3A_401], %swap3A_404 {strides = array<i32>} : memref<64x768xf32, #tpu.memory_space<vmem>>, vector<1x16xf32>,
        %swap3A_405 = arith.index_cast %while3A_290 : i32 to index
        %swap3A_406 = arith.constant 368 : index
        %swap3A_407 = tpu.vector_load %arg14[%swap3A_405, %swap3A_406] {strides = array<i32>} : memref<64x768xf32, #tpu.memory_space<vmem>>, vector<1x16xf32>,
        %swap3A_408 = vector.shape_cast %swap3A_407 : vector<1x16xf32> to vector<16xf32>
        %swap3A_409 = vector.shape_cast %broadcast_in_dim3A_3 : vector<16xf32> to vector<1x16xf32>
        tpu.vector_store %arg14[%swap3A_405, %swap3A_406], %swap3A_409 {strides = array<i32>} : memref<64x768xf32, #tpu.memory_space<vmem>>, vector<1x16xf32>,
        %swap3A_410 = arith.index_cast %while3A_290 : i32 to index
        %swap3A_411 = arith.constant 384 : index
        %swap3A_412 = tpu.vector_load %arg14[%swap3A_410, %swap3A_411] {strides = array<i32>} : memref<64x768xf32, #tpu.memory_space<vmem>>, vector<1x16xf32>,
        %swap3A_413 = vector.shape_cast %swap3A_412 : vector<1x16xf32> to vector<16xf32>
        %swap3A_414 = vector.shape_cast %broadcast_in_dim3A_3 : vector<16xf32> to vector<1x16xf32>
        tpu.vector_store %arg14[%swap3A_410, %swap3A_411], %swap3A_414 {strides = array<i32>} : memref<64x768xf32, #tpu.memory_space<vmem>>, vector<1x16xf32>,
        %swap3A_415 = arith.index_cast %while3A_290 : i32 to index
        %swap3A_416 = arith.constant 400 : index
        %swap3A_417 = tpu.vector_load %arg14[%swap3A_415, %swap3A_416] {strides = array<i32>} : memref<64x768xf32, #tpu.memory_space<vmem>>, vector<1x16xf32>,
        %swap3A_418 = vector.shape_cast %swap3A_417 : vector<1x16xf32> to vector<16xf32>
        %swap3A_419 = vector.shape_cast %broadcast_in_dim3A_3 : vector<16xf32> to vector<1x16xf32>
        tpu.vector_store %arg14[%swap3A_415, %swap3A_416], %swap3A_419 {strides = array<i32>} : memref<64x768xf32, #tpu.memory_space<vmem>>, vector<1x16xf32>,
        %swap3A_420 = arith.index_cast %while3A_290 : i32 to index
        %swap3A_421 = arith.constant 416 : index
        %swap3A_422 = tpu.vector_load %arg14[%swap3A_420, %swap3A_421] {strides = array<i32>} : memref<64x768xf32, #tpu.memory_space<vmem>>, vector<1x16xf32>,
        %swap3A_423 = vector.shape_cast %swap3A_422 : vector<1x16xf32> to vector<16xf32>
        %swap3A_424 = vector.shape_cast %broadcast_in_dim3A_3 : vector<16xf32> to vector<1x16xf32>
        tpu.vector_store %arg14[%swap3A_420, %swap3A_421], %swap3A_424 {strides = array<i32>} : memref<64x768xf32, #tpu.memory_space<vmem>>, vector<1x16xf32>,
        %swap3A_425 = arith.index_cast %while3A_290 : i32 to index
        %swap3A_426 = arith.constant 432 : index
        %swap3A_427 = tpu.vector_load %arg14[%swap3A_425, %swap3A_426] {strides = array<i32>} : memref<64x768xf32, #tpu.memory_space<vmem>>, vector<1x16xf32>,
        %swap3A_428 = vector.shape_cast %swap3A_427 : vector<1x16xf32> to vector<16xf32>
        %swap3A_429 = vector.shape_cast %broadcast_in_dim3A_3 : vector<16xf32> to vector<1x16xf32>
        tpu.vector_store %arg14[%swap3A_425, %swap3A_426], %swap3A_429 {strides = array<i32>} : memref<64x768xf32, #tpu.memory_space<vmem>>, vector<1x16xf32>,
        %swap3A_430 = arith.index_cast %while3A_290 : i32 to index
        %swap3A_431 = arith.constant 448 : index
        %swap3A_432 = tpu.vector_load %arg14[%swap3A_430, %swap3A_431] {strides = array<i32>} : memref<64x768xf32, #tpu.memory_space<vmem>>, vector<1x16xf32>,
        %swap3A_433 = vector.shape_cast %swap3A_432 : vector<1x16xf32> to vector<16xf32>
        %swap3A_434 = vector.shape_cast %broadcast_in_dim3A_3 : vector<16xf32> to vector<1x16xf32>
        tpu.vector_store %arg14[%swap3A_430, %swap3A_431], %swap3A_434 {strides = array<i32>} : memref<64x768xf32, #tpu.memory_space<vmem>>, vector<1x16xf32>,
        %swap3A_435 = arith.index_cast %while3A_290 : i32 to index
        %swap3A_436 = arith.constant 464 : index
        %swap3A_437 = tpu.vector_load %arg14[%swap3A_435, %swap3A_436] {strides = array<i32>} : memref<64x768xf32, #tpu.memory_space<vmem>>, vector<1x16xf32>,
        %swap3A_438 = vector.shape_cast %swap3A_437 : vector<1x16xf32> to vector<16xf32>
        %swap3A_439 = vector.shape_cast %broadcast_in_dim3A_3 : vector<16xf32> to vector<1x16xf32>
        tpu.vector_store %arg14[%swap3A_435, %swap3A_436], %swap3A_439 {strides = array<i32>} : memref<64x768xf32, #tpu.memory_space<vmem>>, vector<1x16xf32>,
        %swap3A_440 = arith.index_cast %while3A_290 : i32 to index
        %swap3A_441 = arith.constant 480 : index
        %swap3A_442 = tpu.vector_load %arg14[%swap3A_440, %swap3A_441] {strides = array<i32>} : memref<64x768xf32, #tpu.memory_space<vmem>>, vector<1x16xf32>,
        %swap3A_443 = vector.shape_cast %swap3A_442 : vector<1x16xf32> to vector<16xf32>
        %swap3A_444 = vector.shape_cast %broadcast_in_dim3A_3 : vector<16xf32> to vector<1x16xf32>
        tpu.vector_store %arg14[%swap3A_440, %swap3A_441], %swap3A_444 {strides = array<i32>} : memref<64x768xf32, #tpu.memory_space<vmem>>, vector<1x16xf32>,
        %swap3A_445 = arith.index_cast %while3A_290 : i32 to index
        %swap3A_446 = arith.constant 496 : index
        %swap3A_447 = tpu.vector_load %arg14[%swap3A_445, %swap3A_446] {strides = array<i32>} : memref<64x768xf32, #tpu.memory_space<vmem>>, vector<1x16xf32>,
        %swap3A_448 = vector.shape_cast %swap3A_447 : vector<1x16xf32> to vector<16xf32>
        %swap3A_449 = vector.shape_cast %broadcast_in_dim3A_3 : vector<16xf32> to vector<1x16xf32>
        tpu.vector_store %arg14[%swap3A_445, %swap3A_446], %swap3A_449 {strides = array<i32>} : memref<64x768xf32, #tpu.memory_space<vmem>>, vector<1x16xf32>,
        %swap3A_450 = arith.index_cast %while3A_290 : i32 to index
        %swap3A_451 = arith.constant 512 : index
        %swap3A_452 = tpu.vector_load %arg14[%swap3A_450, %swap3A_451] {strides = array<i32>} : memref<64x768xf32, #tpu.memory_space<vmem>>, vector<1x16xf32>,
        %swap3A_453 = vector.shape_cast %swap3A_452 : vector<1x16xf32> to vector<16xf32>
        %swap3A_454 = vector.shape_cast %broadcast_in_dim3A_3 : vector<16xf32> to vector<1x16xf32>
        tpu.vector_store %arg14[%swap3A_450, %swap3A_451], %swap3A_454 {strides = array<i32>} : memref<64x768xf32, #tpu.memory_space<vmem>>, vector<1x16xf32>,
        %swap3A_455 = arith.index_cast %while3A_290 : i32 to index
        %swap3A_456 = arith.constant 528 : index
        %swap3A_457 = tpu.vector_load %arg14[%swap3A_455, %swap3A_456] {strides = array<i32>} : memref<64x768xf32, #tpu.memory_space<vmem>>, vector<1x16xf32>,
        %swap3A_458 = vector.shape_cast %swap3A_457 : vector<1x16xf32> to vector<16xf32>
        %swap3A_459 = vector.shape_cast %broadcast_in_dim3A_3 : vector<16xf32> to vector<1x16xf32>
        tpu.vector_store %arg14[%swap3A_455, %swap3A_456], %swap3A_459 {strides = array<i32>} : memref<64x768xf32, #tpu.memory_space<vmem>>, vector<1x16xf32>,
        %swap3A_460 = arith.index_cast %while3A_290 : i32 to index
        %swap3A_461 = arith.constant 544 : index
        %swap3A_462 = tpu.vector_load %arg14[%swap3A_460, %swap3A_461] {strides = array<i32>} : memref<64x768xf32, #tpu.memory_space<vmem>>, vector<1x16xf32>,
        %swap3A_463 = vector.shape_cast %swap3A_462 : vector<1x16xf32> to vector<16xf32>
        %swap3A_464 = vector.shape_cast %broadcast_in_dim3A_3 : vector<16xf32> to vector<1x16xf32>
        tpu.vector_store %arg14[%swap3A_460, %swap3A_461], %swap3A_464 {strides = array<i32>} : memref<64x768xf32, #tpu.memory_space<vmem>>, vector<1x16xf32>,
        %swap3A_465 = arith.index_cast %while3A_290 : i32 to index
        %swap3A_466 = arith.constant 560 : index
        %swap3A_467 = tpu.vector_load %arg14[%swap3A_465, %swap3A_466] {strides = array<i32>} : memref<64x768xf32, #tpu.memory_space<vmem>>, vector<1x16xf32>,
        %swap3A_468 = vector.shape_cast %swap3A_467 : vector<1x16xf32> to vector<16xf32>
        %swap3A_469 = vector.shape_cast %broadcast_in_dim3A_3 : vector<16xf32> to vector<1x16xf32>
        tpu.vector_store %arg14[%swap3A_465, %swap3A_466], %swap3A_469 {strides = array<i32>} : memref<64x768xf32, #tpu.memory_space<vmem>>, vector<1x16xf32>,
        %swap3A_470 = arith.index_cast %while3A_290 : i32 to index
        %swap3A_471 = arith.constant 576 : index
        %swap3A_472 = tpu.vector_load %arg14[%swap3A_470, %swap3A_471] {strides = array<i32>} : memref<64x768xf32, #tpu.memory_space<vmem>>, vector<1x16xf32>,
        %swap3A_473 = vector.shape_cast %swap3A_472 : vector<1x16xf32> to vector<16xf32>
        %swap3A_474 = vector.shape_cast %broadcast_in_dim3A_3 : vector<16xf32> to vector<1x16xf32>
        tpu.vector_store %arg14[%swap3A_470, %swap3A_471], %swap3A_474 {strides = array<i32>} : memref<64x768xf32, #tpu.memory_space<vmem>>, vector<1x16xf32>,
        %swap3A_475 = arith.index_cast %while3A_290 : i32 to index
        %swap3A_476 = arith.constant 592 : index
        %swap3A_477 = tpu.vector_load %arg14[%swap3A_475, %swap3A_476] {strides = array<i32>} : memref<64x768xf32, #tpu.memory_space<vmem>>, vector<1x16xf32>,
        %swap3A_478 = vector.shape_cast %swap3A_477 : vector<1x16xf32> to vector<16xf32>
        %swap3A_479 = vector.shape_cast %broadcast_in_dim3A_3 : vector<16xf32> to vector<1x16xf32>
        tpu.vector_store %arg14[%swap3A_475, %swap3A_476], %swap3A_479 {strides = array<i32>} : memref<64x768xf32, #tpu.memory_space<vmem>>, vector<1x16xf32>,
        %swap3A_480 = arith.index_cast %while3A_290 : i32 to index
        %swap3A_481 = arith.constant 608 : index
        %swap3A_482 = tpu.vector_load %arg14[%swap3A_480, %swap3A_481] {strides = array<i32>} : memref<64x768xf32, #tpu.memory_space<vmem>>, vector<1x16xf32>,
        %swap3A_483 = vector.shape_cast %swap3A_482 : vector<1x16xf32> to vector<16xf32>
        %swap3A_484 = vector.shape_cast %broadcast_in_dim3A_3 : vector<16xf32> to vector<1x16xf32>
        tpu.vector_store %arg14[%swap3A_480, %swap3A_481], %swap3A_484 {strides = array<i32>} : memref<64x768xf32, #tpu.memory_space<vmem>>, vector<1x16xf32>,
        %swap3A_485 = arith.index_cast %while3A_290 : i32 to index
        %swap3A_486 = arith.constant 624 : index
        %swap3A_487 = tpu.vector_load %arg14[%swap3A_485, %swap3A_486] {strides = array<i32>} : memref<64x768xf32, #tpu.memory_space<vmem>>, vector<1x16xf32>,
        %swap3A_488 = vector.shape_cast %swap3A_487 : vector<1x16xf32> to vector<16xf32>
        %swap3A_489 = vector.shape_cast %broadcast_in_dim3A_3 : vector<16xf32> to vector<1x16xf32>
        tpu.vector_store %arg14[%swap3A_485, %swap3A_486], %swap3A_489 {strides = array<i32>} : memref<64x768xf32, #tpu.memory_space<vmem>>, vector<1x16xf32>,
        %swap3A_490 = arith.index_cast %while3A_290 : i32 to index
        %swap3A_491 = arith.constant 640 : index
        %swap3A_492 = tpu.vector_load %arg14[%swap3A_490, %swap3A_491] {strides = array<i32>} : memref<64x768xf32, #tpu.memory_space<vmem>>, vector<1x16xf32>,
        %swap3A_493 = vector.shape_cast %swap3A_492 : vector<1x16xf32> to vector<16xf32>
        %swap3A_494 = vector.shape_cast %broadcast_in_dim3A_3 : vector<16xf32> to vector<1x16xf32>
        tpu.vector_store %arg14[%swap3A_490, %swap3A_491], %swap3A_494 {strides = array<i32>} : memref<64x768xf32, #tpu.memory_space<vmem>>, vector<1x16xf32>,
        %swap3A_495 = arith.index_cast %while3A_290 : i32 to index
        %swap3A_496 = arith.constant 656 : index
        %swap3A_497 = tpu.vector_load %arg14[%swap3A_495, %swap3A_496] {strides = array<i32>} : memref<64x768xf32, #tpu.memory_space<vmem>>, vector<1x16xf32>,
        %swap3A_498 = vector.shape_cast %swap3A_497 : vector<1x16xf32> to vector<16xf32>
        %swap3A_499 = vector.shape_cast %broadcast_in_dim3A_3 : vector<16xf32> to vector<1x16xf32>
        tpu.vector_store %arg14[%swap3A_495, %swap3A_496], %swap3A_499 {strides = array<i32>} : memref<64x768xf32, #tpu.memory_space<vmem>>, vector<1x16xf32>,
        %swap3A_500 = arith.index_cast %while3A_290 : i32 to index
        %swap3A_501 = arith.constant 672 : index
        %swap3A_502 = tpu.vector_load %arg14[%swap3A_500, %swap3A_501] {strides = array<i32>} : memref<64x768xf32, #tpu.memory_space<vmem>>, vector<1x16xf32>,
        %swap3A_503 = vector.shape_cast %swap3A_502 : vector<1x16xf32> to vector<16xf32>
        %swap3A_504 = vector.shape_cast %broadcast_in_dim3A_3 : vector<16xf32> to vector<1x16xf32>
        tpu.vector_store %arg14[%swap3A_500, %swap3A_501], %swap3A_504 {strides = array<i32>} : memref<64x768xf32, #tpu.memory_space<vmem>>, vector<1x16xf32>,
        %swap3A_505 = arith.index_cast %while3A_290 : i32 to index
        %swap3A_506 = arith.constant 688 : index
        %swap3A_507 = tpu.vector_load %arg14[%swap3A_505, %swap3A_506] {strides = array<i32>} : memref<64x768xf32, #tpu.memory_space<vmem>>, vector<1x16xf32>,
        %swap3A_508 = vector.shape_cast %swap3A_507 : vector<1x16xf32> to vector<16xf32>
        %swap3A_509 = vector.shape_cast %broadcast_in_dim3A_3 : vector<16xf32> to vector<1x16xf32>
        tpu.vector_store %arg14[%swap3A_505, %swap3A_506], %swap3A_509 {strides = array<i32>} : memref<64x768xf32, #tpu.memory_space<vmem>>, vector<1x16xf32>,
        %swap3A_510 = arith.index_cast %while3A_290 : i32 to index
        %swap3A_511 = arith.constant 704 : index
        %swap3A_512 = tpu.vector_load %arg14[%swap3A_510, %swap3A_511] {strides = array<i32>} : memref<64x768xf32, #tpu.memory_space<vmem>>, vector<1x16xf32>,
        %swap3A_513 = vector.shape_cast %swap3A_512 : vector<1x16xf32> to vector<16xf32>
        %swap3A_514 = vector.shape_cast %broadcast_in_dim3A_3 : vector<16xf32> to vector<1x16xf32>
        tpu.vector_store %arg14[%swap3A_510, %swap3A_511], %swap3A_514 {strides = array<i32>} : memref<64x768xf32, #tpu.memory_space<vmem>>, vector<1x16xf32>,
        %swap3A_515 = arith.index_cast %while3A_290 : i32 to index
        %swap3A_516 = arith.constant 720 : index
        %swap3A_517 = tpu.vector_load %arg14[%swap3A_515, %swap3A_516] {strides = array<i32>} : memref<64x768xf32, #tpu.memory_space<vmem>>, vector<1x16xf32>,
        %swap3A_518 = vector.shape_cast %swap3A_517 : vector<1x16xf32> to vector<16xf32>
        %swap3A_519 = vector.shape_cast %broadcast_in_dim3A_3 : vector<16xf32> to vector<1x16xf32>
        tpu.vector_store %arg14[%swap3A_515, %swap3A_516], %swap3A_519 {strides = array<i32>} : memref<64x768xf32, #tpu.memory_space<vmem>>, vector<1x16xf32>,
        %swap3A_520 = arith.index_cast %while3A_290 : i32 to index
        %swap3A_521 = arith.constant 736 : index
        %swap3A_522 = tpu.vector_load %arg14[%swap3A_520, %swap3A_521] {strides = array<i32>} : memref<64x768xf32, #tpu.memory_space<vmem>>, vector<1x16xf32>,
        %swap3A_523 = vector.shape_cast %swap3A_522 : vector<1x16xf32> to vector<16xf32>
        %swap3A_524 = vector.shape_cast %broadcast_in_dim3A_3 : vector<16xf32> to vector<1x16xf32>
        tpu.vector_store %arg14[%swap3A_520, %swap3A_521], %swap3A_524 {strides = array<i32>} : memref<64x768xf32, #tpu.memory_space<vmem>>, vector<1x16xf32>,
        %swap3A_525 = arith.index_cast %while3A_290 : i32 to index
        %swap3A_526 = arith.constant 752 : index
        %swap3A_527 = tpu.vector_load %arg14[%swap3A_525, %swap3A_526] {strides = array<i32>} : memref<64x768xf32, #tpu.memory_space<vmem>>, vector<1x16xf32>,
        %swap3A_528 = vector.shape_cast %swap3A_527 : vector<1x16xf32> to vector<16xf32>
        %swap3A_529 = vector.shape_cast %broadcast_in_dim3A_3 : vector<16xf32> to vector<1x16xf32>
        tpu.vector_store %arg14[%swap3A_525, %swap3A_526], %swap3A_529 {strides = array<i32>} : memref<64x768xf32, #tpu.memory_space<vmem>>, vector<1x16xf32>,
      }
      %while3A_254 = arith.constant 1 : i32
      scf.for %while3A_290 = %while3A_252 to %while3A_248 step %while3A_254  : i32 {
        %swap3A = arith.index_cast %while3A_290 : i32 to index
        %swap3A_291 = arith.constant 0 : index
        %swap3A_292 = tpu.vector_load %arg14[%swap3A, %swap3A_291] {strides = array<i32>} : memref<64x768xf32, #tpu.memory_space<vmem>>, vector<1x16xf32>,
        %swap3A_293 = vector.shape_cast %swap3A_292 : vector<1x16xf32> to vector<16xf32>
        %swap3A_294 = vector.shape_cast %broadcast_in_dim3A_3 : vector<16xf32> to vector<1x16xf32>
        tpu.vector_store %arg14[%swap3A, %swap3A_291], %swap3A_294 {strides = array<i32>} : memref<64x768xf32, #tpu.memory_space<vmem>>, vector<1x16xf32>,
        %swap3A_295 = arith.index_cast %while3A_290 : i32 to index
        %swap3A_296 = arith.constant 16 : index
        %swap3A_297 = tpu.vector_load %arg14[%swap3A_295, %swap3A_296] {strides = array<i32>} : memref<64x768xf32, #tpu.memory_space<vmem>>, vector<1x16xf32>,
        %swap3A_298 = vector.shape_cast %swap3A_297 : vector<1x16xf32> to vector<16xf32>
        %swap3A_299 = vector.shape_cast %broadcast_in_dim3A_3 : vector<16xf32> to vector<1x16xf32>
        tpu.vector_store %arg14[%swap3A_295, %swap3A_296], %swap3A_299 {strides = array<i32>} : memref<64x768xf32, #tpu.memory_space<vmem>>, vector<1x16xf32>,
        %swap3A_300 = arith.index_cast %while3A_290 : i32 to index
        %swap3A_301 = arith.constant 32 : index
        %swap3A_302 = tpu.vector_load %arg14[%swap3A_300, %swap3A_301] {strides = array<i32>} : memref<64x768xf32, #tpu.memory_space<vmem>>, vector<1x16xf32>,
        %swap3A_303 = vector.shape_cast %swap3A_302 : vector<1x16xf32> to vector<16xf32>
        %swap3A_304 = vector.shape_cast %broadcast_in_dim3A_3 : vector<16xf32> to vector<1x16xf32>
        tpu.vector_store %arg14[%swap3A_300, %swap3A_301], %swap3A_304 {strides = array<i32>} : memref<64x768xf32, #tpu.memory_space<vmem>>, vector<1x16xf32>,
        %swap3A_305 = arith.index_cast %while3A_290 : i32 to index
        %swap3A_306 = arith.constant 48 : index
        %swap3A_307 = tpu.vector_load %arg14[%swap3A_305, %swap3A_306] {strides = array<i32>} : memref<64x768xf32, #tpu.memory_space<vmem>>, vector<1x16xf32>,
        %swap3A_308 = vector.shape_cast %swap3A_307 : vector<1x16xf32> to vector<16xf32>
        %swap3A_309 = vector.shape_cast %broadcast_in_dim3A_3 : vector<16xf32> to vector<1x16xf32>
        tpu.vector_store %arg14[%swap3A_305, %swap3A_306], %swap3A_309 {strides = array<i32>} : memref<64x768xf32, #tpu.memory_space<vmem>>, vector<1x16xf32>,
        %swap3A_310 = arith.index_cast %while3A_290 : i32 to index
        %swap3A_311 = arith.constant 64 : index
        %swap3A_312 = tpu.vector_load %arg14[%swap3A_310, %swap3A_311] {strides = array<i32>} : memref<64x768xf32, #tpu.memory_space<vmem>>, vector<1x16xf32>,
        %swap3A_313 = vector.shape_cast %swap3A_312 : vector<1x16xf32> to vector<16xf32>
        %swap3A_314 = vector.shape_cast %broadcast_in_dim3A_3 : vector<16xf32> to vector<1x16xf32>
        tpu.vector_store %arg14[%swap3A_310, %swap3A_311], %swap3A_314 {strides = array<i32>} : memref<64x768xf32, #tpu.memory_space<vmem>>, vector<1x16xf32>,
        %swap3A_315 = arith.index_cast %while3A_290 : i32 to index
        %swap3A_316 = arith.constant 80 : index
        %swap3A_317 = tpu.vector_load %arg14[%swap3A_315, %swap3A_316] {strides = array<i32>} : memref<64x768xf32, #tpu.memory_space<vmem>>, vector<1x16xf32>,
        %swap3A_318 = vector.shape_cast %swap3A_317 : vector<1x16xf32> to vector<16xf32>
        %swap3A_319 = vector.shape_cast %broadcast_in_dim3A_3 : vector<16xf32> to vector<1x16xf32>
        tpu.vector_store %arg14[%swap3A_315, %swap3A_316], %swap3A_319 {strides = array<i32>} : memref<64x768xf32, #tpu.memory_space<vmem>>, vector<1x16xf32>,
        %swap3A_320 = arith.index_cast %while3A_290 : i32 to index
        %swap3A_321 = arith.constant 96 : index
        %swap3A_322 = tpu.vector_load %arg14[%swap3A_320, %swap3A_321] {strides = array<i32>} : memref<64x768xf32, #tpu.memory_space<vmem>>, vector<1x16xf32>,
        %swap3A_323 = vector.shape_cast %swap3A_322 : vector<1x16xf32> to vector<16xf32>
        %swap3A_324 = vector.shape_cast %broadcast_in_dim3A_3 : vector<16xf32> to vector<1x16xf32>
        tpu.vector_store %arg14[%swap3A_320, %swap3A_321], %swap3A_324 {strides = array<i32>} : memref<64x768xf32, #tpu.memory_space<vmem>>, vector<1x16xf32>,
        %swap3A_325 = arith.index_cast %while3A_290 : i32 to index
        %swap3A_326 = arith.constant 112 : index
        %swap3A_327 = tpu.vector_load %arg14[%swap3A_325, %swap3A_326] {strides = array<i32>} : memref<64x768xf32, #tpu.memory_space<vmem>>, vector<1x16xf32>,
        %swap3A_328 = vector.shape_cast %swap3A_327 : vector<1x16xf32> to vector<16xf32>
        %swap3A_329 = vector.shape_cast %broadcast_in_dim3A_3 : vector<16xf32> to vector<1x16xf32>
        tpu.vector_store %arg14[%swap3A_325, %swap3A_326], %swap3A_329 {strides = array<i32>} : memref<64x768xf32, #tpu.memory_space<vmem>>, vector<1x16xf32>,
        %swap3A_330 = arith.index_cast %while3A_290 : i32 to index
        %swap3A_331 = arith.constant 128 : index
        %swap3A_332 = tpu.vector_load %arg14[%swap3A_330, %swap3A_331] {strides = array<i32>} : memref<64x768xf32, #tpu.memory_space<vmem>>, vector<1x16xf32>,
        %swap3A_333 = vector.shape_cast %swap3A_332 : vector<1x16xf32> to vector<16xf32>
        %swap3A_334 = vector.shape_cast %broadcast_in_dim3A_3 : vector<16xf32> to vector<1x16xf32>
        tpu.vector_store %arg14[%swap3A_330, %swap3A_331], %swap3A_334 {strides = array<i32>} : memref<64x768xf32, #tpu.memory_space<vmem>>, vector<1x16xf32>,
        %swap3A_335 = arith.index_cast %while3A_290 : i32 to index
        %swap3A_336 = arith.constant 144 : index
        %swap3A_337 = tpu.vector_load %arg14[%swap3A_335, %swap3A_336] {strides = array<i32>} : memref<64x768xf32, #tpu.memory_space<vmem>>, vector<1x16xf32>,
        %swap3A_338 = vector.shape_cast %swap3A_337 : vector<1x16xf32> to vector<16xf32>
        %swap3A_339 = vector.shape_cast %broadcast_in_dim3A_3 : vector<16xf32> to vector<1x16xf32>
        tpu.vector_store %arg14[%swap3A_335, %swap3A_336], %swap3A_339 {strides = array<i32>} : memref<64x768xf32, #tpu.memory_space<vmem>>, vector<1x16xf32>,
        %swap3A_340 = arith.index_cast %while3A_290 : i32 to index
        %swap3A_341 = arith.constant 160 : index
        %swap3A_342 = tpu.vector_load %arg14[%swap3A_340, %swap3A_341] {strides = array<i32>} : memref<64x768xf32, #tpu.memory_space<vmem>>, vector<1x16xf32>,
        %swap3A_343 = vector.shape_cast %swap3A_342 : vector<1x16xf32> to vector<16xf32>
        %swap3A_344 = vector.shape_cast %broadcast_in_dim3A_3 : vector<16xf32> to vector<1x16xf32>
        tpu.vector_store %arg14[%swap3A_340, %swap3A_341], %swap3A_344 {strides = array<i32>} : memref<64x768xf32, #tpu.memory_space<vmem>>, vector<1x16xf32>,
        %swap3A_345 = arith.index_cast %while3A_290 : i32 to index
        %swap3A_346 = arith.constant 176 : index
        %swap3A_347 = tpu.vector_load %arg14[%swap3A_345, %swap3A_346] {strides = array<i32>} : memref<64x768xf32, #tpu.memory_space<vmem>>, vector<1x16xf32>,
        %swap3A_348 = vector.shape_cast %swap3A_347 : vector<1x16xf32> to vector<16xf32>
        %swap3A_349 = vector.shape_cast %broadcast_in_dim3A_3 : vector<16xf32> to vector<1x16xf32>
        tpu.vector_store %arg14[%swap3A_345, %swap3A_346], %swap3A_349 {strides = array<i32>} : memref<64x768xf32, #tpu.memory_space<vmem>>, vector<1x16xf32>,
        %swap3A_350 = arith.index_cast %while3A_290 : i32 to index
        %swap3A_351 = arith.constant 192 : index
        %swap3A_352 = tpu.vector_load %arg14[%swap3A_350, %swap3A_351] {strides = array<i32>} : memref<64x768xf32, #tpu.memory_space<vmem>>, vector<1x16xf32>,
        %swap3A_353 = vector.shape_cast %swap3A_352 : vector<1x16xf32> to vector<16xf32>
        %swap3A_354 = vector.shape_cast %broadcast_in_dim3A_3 : vector<16xf32> to vector<1x16xf32>
        tpu.vector_store %arg14[%swap3A_350, %swap3A_351], %swap3A_354 {strides = array<i32>} : memref<64x768xf32, #tpu.memory_space<vmem>>, vector<1x16xf32>,
        %swap3A_355 = arith.index_cast %while3A_290 : i32 to index
        %swap3A_356 = arith.constant 208 : index
        %swap3A_357 = tpu.vector_load %arg14[%swap3A_355, %swap3A_356] {strides = array<i32>} : memref<64x768xf32, #tpu.memory_space<vmem>>, vector<1x16xf32>,
        %swap3A_358 = vector.shape_cast %swap3A_357 : vector<1x16xf32> to vector<16xf32>
        %swap3A_359 = vector.shape_cast %broadcast_in_dim3A_3 : vector<16xf32> to vector<1x16xf32>
        tpu.vector_store %arg14[%swap3A_355, %swap3A_356], %swap3A_359 {strides = array<i32>} : memref<64x768xf32, #tpu.memory_space<vmem>>, vector<1x16xf32>,
        %swap3A_360 = arith.index_cast %while3A_290 : i32 to index
        %swap3A_361 = arith.constant 224 : index
        %swap3A_362 = tpu.vector_load %arg14[%swap3A_360, %swap3A_361] {strides = array<i32>} : memref<64x768xf32, #tpu.memory_space<vmem>>, vector<1x16xf32>,
        %swap3A_363 = vector.shape_cast %swap3A_362 : vector<1x16xf32> to vector<16xf32>
        %swap3A_364 = vector.shape_cast %broadcast_in_dim3A_3 : vector<16xf32> to vector<1x16xf32>
        tpu.vector_store %arg14[%swap3A_360, %swap3A_361], %swap3A_364 {strides = array<i32>} : memref<64x768xf32, #tpu.memory_space<vmem>>, vector<1x16xf32>,
        %swap3A_365 = arith.index_cast %while3A_290 : i32 to index
        %swap3A_366 = arith.constant 240 : index
        %swap3A_367 = tpu.vector_load %arg14[%swap3A_365, %swap3A_366] {strides = array<i32>} : memref<64x768xf32, #tpu.memory_space<vmem>>, vector<1x16xf32>,
        %swap3A_368 = vector.shape_cast %swap3A_367 : vector<1x16xf32> to vector<16xf32>
        %swap3A_369 = vector.shape_cast %broadcast_in_dim3A_3 : vector<16xf32> to vector<1x16xf32>
        tpu.vector_store %arg14[%swap3A_365, %swap3A_366], %swap3A_369 {strides = array<i32>} : memref<64x768xf32, #tpu.memory_space<vmem>>, vector<1x16xf32>,
        %swap3A_370 = arith.index_cast %while3A_290 : i32 to index
        %swap3A_371 = arith.constant 256 : index
        %swap3A_372 = tpu.vector_load %arg14[%swap3A_370, %swap3A_371] {strides = array<i32>} : memref<64x768xf32, #tpu.memory_space<vmem>>, vector<1x16xf32>,
        %swap3A_373 = vector.shape_cast %swap3A_372 : vector<1x16xf32> to vector<16xf32>
        %swap3A_374 = vector.shape_cast %broadcast_in_dim3A_3 : vector<16xf32> to vector<1x16xf32>
        tpu.vector_store %arg14[%swap3A_370, %swap3A_371], %swap3A_374 {strides = array<i32>} : memref<64x768xf32, #tpu.memory_space<vmem>>, vector<1x16xf32>,
        %swap3A_375 = arith.index_cast %while3A_290 : i32 to index
        %swap3A_376 = arith.constant 272 : index
        %swap3A_377 = tpu.vector_load %arg14[%swap3A_375, %swap3A_376] {strides = array<i32>} : memref<64x768xf32, #tpu.memory_space<vmem>>, vector<1x16xf32>,
        %swap3A_378 = vector.shape_cast %swap3A_377 : vector<1x16xf32> to vector<16xf32>
        %swap3A_379 = vector.shape_cast %broadcast_in_dim3A_3 : vector<16xf32> to vector<1x16xf32>
        tpu.vector_store %arg14[%swap3A_375, %swap3A_376], %swap3A_379 {strides = array<i32>} : memref<64x768xf32, #tpu.memory_space<vmem>>, vector<1x16xf32>,
        %swap3A_380 = arith.index_cast %while3A_290 : i32 to index
        %swap3A_381 = arith.constant 288 : index
        %swap3A_382 = tpu.vector_load %arg14[%swap3A_380, %swap3A_381] {strides = array<i32>} : memref<64x768xf32, #tpu.memory_space<vmem>>, vector<1x16xf32>,
        %swap3A_383 = vector.shape_cast %swap3A_382 : vector<1x16xf32> to vector<16xf32>
        %swap3A_384 = vector.shape_cast %broadcast_in_dim3A_3 : vector<16xf32> to vector<1x16xf32>
        tpu.vector_store %arg14[%swap3A_380, %swap3A_381], %swap3A_384 {strides = array<i32>} : memref<64x768xf32, #tpu.memory_space<vmem>>, vector<1x16xf32>,
        %swap3A_385 = arith.index_cast %while3A_290 : i32 to index
        %swap3A_386 = arith.constant 304 : index
        %swap3A_387 = tpu.vector_load %arg14[%swap3A_385, %swap3A_386] {strides = array<i32>} : memref<64x768xf32, #tpu.memory_space<vmem>>, vector<1x16xf32>,
        %swap3A_388 = vector.shape_cast %swap3A_387 : vector<1x16xf32> to vector<16xf32>
        %swap3A_389 = vector.shape_cast %broadcast_in_dim3A_3 : vector<16xf32> to vector<1x16xf32>
        tpu.vector_store %arg14[%swap3A_385, %swap3A_386], %swap3A_389 {strides = array<i32>} : memref<64x768xf32, #tpu.memory_space<vmem>>, vector<1x16xf32>,
        %swap3A_390 = arith.index_cast %while3A_290 : i32 to index
        %swap3A_391 = arith.constant 320 : index
        %swap3A_392 = tpu.vector_load %arg14[%swap3A_390, %swap3A_391] {strides = array<i32>} : memref<64x768xf32, #tpu.memory_space<vmem>>, vector<1x16xf32>,
        %swap3A_393 = vector.shape_cast %swap3A_392 : vector<1x16xf32> to vector<16xf32>
        %swap3A_394 = vector.shape_cast %broadcast_in_dim3A_3 : vector<16xf32> to vector<1x16xf32>
        tpu.vector_store %arg14[%swap3A_390, %swap3A_391], %swap3A_394 {strides = array<i32>} : memref<64x768xf32, #tpu.memory_space<vmem>>, vector<1x16xf32>,
        %swap3A_395 = arith.index_cast %while3A_290 : i32 to index
        %swap3A_396 = arith.constant 336 : index
        %swap3A_397 = tpu.vector_load %arg14[%swap3A_395, %swap3A_396] {strides = array<i32>} : memref<64x768xf32, #tpu.memory_space<vmem>>, vector<1x16xf32>,
        %swap3A_398 = vector.shape_cast %swap3A_397 : vector<1x16xf32> to vector<16xf32>
        %swap3A_399 = vector.shape_cast %broadcast_in_dim3A_3 : vector<16xf32> to vector<1x16xf32>
        tpu.vector_store %arg14[%swap3A_395, %swap3A_396], %swap3A_399 {strides = array<i32>} : memref<64x768xf32, #tpu.memory_space<vmem>>, vector<1x16xf32>,
        %swap3A_400 = arith.index_cast %while3A_290 : i32 to index
        %swap3A_401 = arith.constant 352 : index
        %swap3A_402 = tpu.vector_load %arg14[%swap3A_400, %swap3A_401] {strides = array<i32>} : memref<64x768xf32, #tpu.memory_space<vmem>>, vector<1x16xf32>,
        %swap3A_403 = vector.shape_cast %swap3A_402 : vector<1x16xf32> to vector<16xf32>
        %swap3A_404 = vector.shape_cast %broadcast_in_dim3A_3 : vector<16xf32> to vector<1x16xf32>
        tpu.vector_store %arg14[%swap3A_400, %swap3A_401], %swap3A_404 {strides = array<i32>} : memref<64x768xf32, #tpu.memory_space<vmem>>, vector<1x16xf32>,
        %swap3A_405 = arith.index_cast %while3A_290 : i32 to index
        %swap3A_406 = arith.constant 368 : index
        %swap3A_407 = tpu.vector_load %arg14[%swap3A_405, %swap3A_406] {strides = array<i32>} : memref<64x768xf32, #tpu.memory_space<vmem>>, vector<1x16xf32>,
        %swap3A_408 = vector.shape_cast %swap3A_407 : vector<1x16xf32> to vector<16xf32>
        %swap3A_409 = vector.shape_cast %broadcast_in_dim3A_3 : vector<16xf32> to vector<1x16xf32>
        tpu.vector_store %arg14[%swap3A_405, %swap3A_406], %swap3A_409 {strides = array<i32>} : memref<64x768xf32, #tpu.memory_space<vmem>>, vector<1x16xf32>,
        %swap3A_410 = arith.index_cast %while3A_290 : i32 to index
        %swap3A_411 = arith.constant 384 : index
        %swap3A_412 = tpu.vector_load %arg14[%swap3A_410, %swap3A_411] {strides = array<i32>} : memref<64x768xf32, #tpu.memory_space<vmem>>, vector<1x16xf32>,
        %swap3A_413 = vector.shape_cast %swap3A_412 : vector<1x16xf32> to vector<16xf32>
        %swap3A_414 = vector.shape_cast %broadcast_in_dim3A_3 : vector<16xf32> to vector<1x16xf32>
        tpu.vector_store %arg14[%swap3A_410, %swap3A_411], %swap3A_414 {strides = array<i32>} : memref<64x768xf32, #tpu.memory_space<vmem>>, vector<1x16xf32>,
        %swap3A_415 = arith.index_cast %while3A_290 : i32 to index
        %swap3A_416 = arith.constant 400 : index
        %swap3A_417 = tpu.vector_load %arg14[%swap3A_415, %swap3A_416] {strides = array<i32>} : memref<64x768xf32, #tpu.memory_space<vmem>>, vector<1x16xf32>,
        %swap3A_418 = vector.shape_cast %swap3A_417 : vector<1x16xf32> to vector<16xf32>
        %swap3A_419 = vector.shape_cast %broadcast_in_dim3A_3 : vector<16xf32> to vector<1x16xf32>
        tpu.vector_store %arg14[%swap3A_415, %swap3A_416], %swap3A_419 {strides = array<i32>} : memref<64x768xf32, #tpu.memory_space<vmem>>, vector<1x16xf32>,
        %swap3A_420 = arith.index_cast %while3A_290 : i32 to index
        %swap3A_421 = arith.constant 416 : index
        %swap3A_422 = tpu.vector_load %arg14[%swap3A_420, %swap3A_421] {strides = array<i32>} : memref<64x768xf32, #tpu.memory_space<vmem>>, vector<1x16xf32>,
        %swap3A_423 = vector.shape_cast %swap3A_422 : vector<1x16xf32> to vector<16xf32>
        %swap3A_424 = vector.shape_cast %broadcast_in_dim3A_3 : vector<16xf32> to vector<1x16xf32>
        tpu.vector_store %arg14[%swap3A_420, %swap3A_421], %swap3A_424 {strides = array<i32>} : memref<64x768xf32, #tpu.memory_space<vmem>>, vector<1x16xf32>,
        %swap3A_425 = arith.index_cast %while3A_290 : i32 to index
        %swap3A_426 = arith.constant 432 : index
        %swap3A_427 = tpu.vector_load %arg14[%swap3A_425, %swap3A_426] {strides = array<i32>} : memref<64x768xf32, #tpu.memory_space<vmem>>, vector<1x16xf32>,
        %swap3A_428 = vector.shape_cast %swap3A_427 : vector<1x16xf32> to vector<16xf32>
        %swap3A_429 = vector.shape_cast %broadcast_in_dim3A_3 : vector<16xf32> to vector<1x16xf32>
        tpu.vector_store %arg14[%swap3A_425, %swap3A_426], %swap3A_429 {strides = array<i32>} : memref<64x768xf32, #tpu.memory_space<vmem>>, vector<1x16xf32>,
        %swap3A_430 = arith.index_cast %while3A_290 : i32 to index
        %swap3A_431 = arith.constant 448 : index
        %swap3A_432 = tpu.vector_load %arg14[%swap3A_430, %swap3A_431] {strides = array<i32>} : memref<64x768xf32, #tpu.memory_space<vmem>>, vector<1x16xf32>,
        %swap3A_433 = vector.shape_cast %swap3A_432 : vector<1x16xf32> to vector<16xf32>
        %swap3A_434 = vector.shape_cast %broadcast_in_dim3A_3 : vector<16xf32> to vector<1x16xf32>
        tpu.vector_store %arg14[%swap3A_430, %swap3A_431], %swap3A_434 {strides = array<i32>} : memref<64x768xf32, #tpu.memory_space<vmem>>, vector<1x16xf32>,
        %swap3A_435 = arith.index_cast %while3A_290 : i32 to index
        %swap3A_436 = arith.constant 464 : index
        %swap3A_437 = tpu.vector_load %arg14[%swap3A_435, %swap3A_436] {strides = array<i32>} : memref<64x768xf32, #tpu.memory_space<vmem>>, vector<1x16xf32>,
        %swap3A_438 = vector.shape_cast %swap3A_437 : vector<1x16xf32> to vector<16xf32>
        %swap3A_439 = vector.shape_cast %broadcast_in_dim3A_3 : vector<16xf32> to vector<1x16xf32>
        tpu.vector_store %arg14[%swap3A_435, %swap3A_436], %swap3A_439 {strides = array<i32>} : memref<64x768xf32, #tpu.memory_space<vmem>>, vector<1x16xf32>,
        %swap3A_440 = arith.index_cast %while3A_290 : i32 to index
        %swap3A_441 = arith.constant 480 : index
        %swap3A_442 = tpu.vector_load %arg14[%swap3A_440, %swap3A_441] {strides = array<i32>} : memref<64x768xf32, #tpu.memory_space<vmem>>, vector<1x16xf32>,
        %swap3A_443 = vector.shape_cast %swap3A_442 : vector<1x16xf32> to vector<16xf32>
        %swap3A_444 = vector.shape_cast %broadcast_in_dim3A_3 : vector<16xf32> to vector<1x16xf32>
        tpu.vector_store %arg14[%swap3A_440, %swap3A_441], %swap3A_444 {strides = array<i32>} : memref<64x768xf32, #tpu.memory_space<vmem>>, vector<1x16xf32>,
        %swap3A_445 = arith.index_cast %while3A_290 : i32 to index
        %swap3A_446 = arith.constant 496 : index
        %swap3A_447 = tpu.vector_load %arg14[%swap3A_445, %swap3A_446] {strides = array<i32>} : memref<64x768xf32, #tpu.memory_space<vmem>>, vector<1x16xf32>,
        %swap3A_448 = vector.shape_cast %swap3A_447 : vector<1x16xf32> to vector<16xf32>
        %swap3A_449 = vector.shape_cast %broadcast_in_dim3A_3 : vector<16xf32> to vector<1x16xf32>
        tpu.vector_store %arg14[%swap3A_445, %swap3A_446], %swap3A_449 {strides = array<i32>} : memref<64x768xf32, #tpu.memory_space<vmem>>, vector<1x16xf32>,
        %swap3A_450 = arith.index_cast %while3A_290 : i32 to index
        %swap3A_451 = arith.constant 512 : index
        %swap3A_452 = tpu.vector_load %arg14[%swap3A_450, %swap3A_451] {strides = array<i32>} : memref<64x768xf32, #tpu.memory_space<vmem>>, vector<1x16xf32>,
        %swap3A_453 = vector.shape_cast %swap3A_452 : vector<1x16xf32> to vector<16xf32>
        %swap3A_454 = vector.shape_cast %broadcast_in_dim3A_3 : vector<16xf32> to vector<1x16xf32>
        tpu.vector_store %arg14[%swap3A_450, %swap3A_451], %swap3A_454 {strides = array<i32>} : memref<64x768xf32, #tpu.memory_space<vmem>>, vector<1x16xf32>,
        %swap3A_455 = arith.index_cast %while3A_290 : i32 to index
        %swap3A_456 = arith.constant 528 : index
        %swap3A_457 = tpu.vector_load %arg14[%swap3A_455, %swap3A_456] {strides = array<i32>} : memref<64x768xf32, #tpu.memory_space<vmem>>, vector<1x16xf32>,
        %swap3A_458 = vector.shape_cast %swap3A_457 : vector<1x16xf32> to vector<16xf32>
        %swap3A_459 = vector.shape_cast %broadcast_in_dim3A_3 : vector<16xf32> to vector<1x16xf32>
        tpu.vector_store %arg14[%swap3A_455, %swap3A_456], %swap3A_459 {strides = array<i32>} : memref<64x768xf32, #tpu.memory_space<vmem>>, vector<1x16xf32>,
        %swap3A_460 = arith.index_cast %while3A_290 : i32 to index
        %swap3A_461 = arith.constant 544 : index
        %swap3A_462 = tpu.vector_load %arg14[%swap3A_460, %swap3A_461] {strides = array<i32>} : memref<64x768xf32, #tpu.memory_space<vmem>>, vector<1x16xf32>,
        %swap3A_463 = vector.shape_cast %swap3A_462 : vector<1x16xf32> to vector<16xf32>
        %swap3A_464 = vector.shape_cast %broadcast_in_dim3A_3 : vector<16xf32> to vector<1x16xf32>
        tpu.vector_store %arg14[%swap3A_460, %swap3A_461], %swap3A_464 {strides = array<i32>} : memref<64x768xf32, #tpu.memory_space<vmem>>, vector<1x16xf32>,
        %swap3A_465 = arith.index_cast %while3A_290 : i32 to index
        %swap3A_466 = arith.constant 560 : index
        %swap3A_467 = tpu.vector_load %arg14[%swap3A_465, %swap3A_466] {strides = array<i32>} : memref<64x768xf32, #tpu.memory_space<vmem>>, vector<1x16xf32>,
        %swap3A_468 = vector.shape_cast %swap3A_467 : vector<1x16xf32> to vector<16xf32>
        %swap3A_469 = vector.shape_cast %broadcast_in_dim3A_3 : vector<16xf32> to vector<1x16xf32>
        tpu.vector_store %arg14[%swap3A_465, %swap3A_466], %swap3A_469 {strides = array<i32>} : memref<64x768xf32, #tpu.memory_space<vmem>>, vector<1x16xf32>,
        %swap3A_470 = arith.index_cast %while3A_290 : i32 to index
        %swap3A_471 = arith.constant 576 : index
        %swap3A_472 = tpu.vector_load %arg14[%swap3A_470, %swap3A_471] {strides = array<i32>} : memref<64x768xf32, #tpu.memory_space<vmem>>, vector<1x16xf32>,
        %swap3A_473 = vector.shape_cast %swap3A_472 : vector<1x16xf32> to vector<16xf32>
        %swap3A_474 = vector.shape_cast %broadcast_in_dim3A_3 : vector<16xf32> to vector<1x16xf32>
        tpu.vector_store %arg14[%swap3A_470, %swap3A_471], %swap3A_474 {strides = array<i32>} : memref<64x768xf32, #tpu.memory_space<vmem>>, vector<1x16xf32>,
        %swap3A_475 = arith.index_cast %while3A_290 : i32 to index
        %swap3A_476 = arith.constant 592 : index
        %swap3A_477 = tpu.vector_load %arg14[%swap3A_475, %swap3A_476] {strides = array<i32>} : memref<64x768xf32, #tpu.memory_space<vmem>>, vector<1x16xf32>,
        %swap3A_478 = vector.shape_cast %swap3A_477 : vector<1x16xf32> to vector<16xf32>
        %swap3A_479 = vector.shape_cast %broadcast_in_dim3A_3 : vector<16xf32> to vector<1x16xf32>
        tpu.vector_store %arg14[%swap3A_475, %swap3A_476], %swap3A_479 {strides = array<i32>} : memref<64x768xf32, #tpu.memory_space<vmem>>, vector<1x16xf32>,
        %swap3A_480 = arith.index_cast %while3A_290 : i32 to index
        %swap3A_481 = arith.constant 608 : index
        %swap3A_482 = tpu.vector_load %arg14[%swap3A_480, %swap3A_481] {strides = array<i32>} : memref<64x768xf32, #tpu.memory_space<vmem>>, vector<1x16xf32>,
        %swap3A_483 = vector.shape_cast %swap3A_482 : vector<1x16xf32> to vector<16xf32>
        %swap3A_484 = vector.shape_cast %broadcast_in_dim3A_3 : vector<16xf32> to vector<1x16xf32>
        tpu.vector_store %arg14[%swap3A_480, %swap3A_481], %swap3A_484 {strides = array<i32>} : memref<64x768xf32, #tpu.memory_space<vmem>>, vector<1x16xf32>,
        %swap3A_485 = arith.index_cast %while3A_290 : i32 to index
        %swap3A_486 = arith.constant 624 : index
        %swap3A_487 = tpu.vector_load %arg14[%swap3A_485, %swap3A_486] {strides = array<i32>} : memref<64x768xf32, #tpu.memory_space<vmem>>, vector<1x16xf32>,
        %swap3A_488 = vector.shape_cast %swap3A_487 : vector<1x16xf32> to vector<16xf32>
        %swap3A_489 = vector.shape_cast %broadcast_in_dim3A_3 : vector<16xf32> to vector<1x16xf32>
        tpu.vector_store %arg14[%swap3A_485, %swap3A_486], %swap3A_489 {strides = array<i32>} : memref<64x768xf32, #tpu.memory_space<vmem>>, vector<1x16xf32>,
        %swap3A_490 = arith.index_cast %while3A_290 : i32 to index
        %swap3A_491 = arith.constant 640 : index
        %swap3A_492 = tpu.vector_load %arg14[%swap3A_490, %swap3A_491] {strides = array<i32>} : memref<64x768xf32, #tpu.memory_space<vmem>>, vector<1x16xf32>,
        %swap3A_493 = vector.shape_cast %swap3A_492 : vector<1x16xf32> to vector<16xf32>
        %swap3A_494 = vector.shape_cast %broadcast_in_dim3A_3 : vector<16xf32> to vector<1x16xf32>
        tpu.vector_store %arg14[%swap3A_490, %swap3A_491], %swap3A_494 {strides = array<i32>} : memref<64x768xf32, #tpu.memory_space<vmem>>, vector<1x16xf32>,
        %swap3A_495 = arith.index_cast %while3A_290 : i32 to index
        %swap3A_496 = arith.constant 656 : index
        %swap3A_497 = tpu.vector_load %arg14[%swap3A_495, %swap3A_496] {strides = array<i32>} : memref<64x768xf32, #tpu.memory_space<vmem>>, vector<1x16xf32>,
        %swap3A_498 = vector.shape_cast %swap3A_497 : vector<1x16xf32> to vector<16xf32>
        %swap3A_499 = vector.shape_cast %broadcast_in_dim3A_3 : vector<16xf32> to vector<1x16xf32>
        tpu.vector_store %arg14[%swap3A_495, %swap3A_496], %swap3A_499 {strides = array<i32>} : memref<64x768xf32, #tpu.memory_space<vmem>>, vector<1x16xf32>,
        %swap3A_500 = arith.index_cast %while3A_290 : i32 to index
        %swap3A_501 = arith.constant 672 : index
        %swap3A_502 = tpu.vector_load %arg14[%swap3A_500, %swap3A_501] {strides = array<i32>} : memref<64x768xf32, #tpu.memory_space<vmem>>, vector<1x16xf32>,
        %swap3A_503 = vector.shape_cast %swap3A_502 : vector<1x16xf32> to vector<16xf32>
        %swap3A_504 = vector.shape_cast %broadcast_in_dim3A_3 : vector<16xf32> to vector<1x16xf32>
        tpu.vector_store %arg14[%swap3A_500, %swap3A_501], %swap3A_504 {strides = array<i32>} : memref<64x768xf32, #tpu.memory_space<vmem>>, vector<1x16xf32>,
        %swap3A_505 = arith.index_cast %while3A_290 : i32 to index
        %swap3A_506 = arith.constant 688 : index
        %swap3A_507 = tpu.vector_load %arg14[%swap3A_505, %swap3A_506] {strides = array<i32>} : memref<64x768xf32, #tpu.memory_space<vmem>>, vector<1x16xf32>,
        %swap3A_508 = vector.shape_cast %swap3A_507 : vector<1x16xf32> to vector<16xf32>
        %swap3A_509 = vector.shape_cast %broadcast_in_dim3A_3 : vector<16xf32> to vector<1x16xf32>
        tpu.vector_store %arg14[%swap3A_505, %swap3A_506], %swap3A_509 {strides = array<i32>} : memref<64x768xf32, #tpu.memory_space<vmem>>, vector<1x16xf32>,
        %swap3A_510 = arith.index_cast %while3A_290 : i32 to index
        %swap3A_511 = arith.constant 704 : index
        %swap3A_512 = tpu.vector_load %arg14[%swap3A_510, %swap3A_511] {strides = array<i32>} : memref<64x768xf32, #tpu.memory_space<vmem>>, vector<1x16xf32>,
        %swap3A_513 = vector.shape_cast %swap3A_512 : vector<1x16xf32> to vector<16xf32>
        %swap3A_514 = vector.shape_cast %broadcast_in_dim3A_3 : vector<16xf32> to vector<1x16xf32>
        tpu.vector_store %arg14[%swap3A_510, %swap3A_511], %swap3A_514 {strides = array<i32>} : memref<64x768xf32, #tpu.memory_space<vmem>>, vector<1x16xf32>,
        %swap3A_515 = arith.index_cast %while3A_290 : i32 to index
        %swap3A_516 = arith.constant 720 : index
        %swap3A_517 = tpu.vector_load %arg14[%swap3A_515, %swap3A_516] {strides = array<i32>} : memref<64x768xf32, #tpu.memory_space<vmem>>, vector<1x16xf32>,
        %swap3A_518 = vector.shape_cast %swap3A_517 : vector<1x16xf32> to vector<16xf32>
        %swap3A_519 = vector.shape_cast %broadcast_in_dim3A_3 : vector<16xf32> to vector<1x16xf32>
        tpu.vector_store %arg14[%swap3A_515, %swap3A_516], %swap3A_519 {strides = array<i32>} : memref<64x768xf32, #tpu.memory_space<vmem>>, vector<1x16xf32>,
        %swap3A_520 = arith.index_cast %while3A_290 : i32 to index
        %swap3A_521 = arith.constant 736 : index
        %swap3A_522 = tpu.vector_load %arg14[%swap3A_520, %swap3A_521] {strides = array<i32>} : memref<64x768xf32, #tpu.memory_space<vmem>>, vector<1x16xf32>,
        %swap3A_523 = vector.shape_cast %swap3A_522 : vector<1x16xf32> to vector<16xf32>
        %swap3A_524 = vector.shape_cast %broadcast_in_dim3A_3 : vector<16xf32> to vector<1x16xf32>
        tpu.vector_store %arg14[%swap3A_520, %swap3A_521], %swap3A_524 {strides = array<i32>} : memref<64x768xf32, #tpu.memory_space<vmem>>, vector<1x16xf32>,
        %swap3A_525 = arith.index_cast %while3A_290 : i32 to index
        %swap3A_526 = arith.constant 752 : index
        %swap3A_527 = tpu.vector_load %arg14[%swap3A_525, %swap3A_526] {strides = array<i32>} : memref<64x768xf32, #tpu.memory_space<vmem>>, vector<1x16xf32>,
        %swap3A_528 = vector.shape_cast %swap3A_527 : vector<1x16xf32> to vector<16xf32>
        %swap3A_529 = vector.shape_cast %broadcast_in_dim3A_3 : vector<16xf32> to vector<1x16xf32>
        tpu.vector_store %arg14[%swap3A_525, %swap3A_526], %swap3A_529 {strides = array<i32>} : memref<64x768xf32, #tpu.memory_space<vmem>>, vector<1x16xf32>,
      }
      %get3A_255 = arith.constant 1536 : index
      %get3A_256 = tpu.vector_load %arg12[%get3A_255] {strides = array<i32>} : memref<1600xi32, #tpu.memory_space<vmem>>, vector<16xi32>,
      %get3A_257 = vector.shape_cast %get3A_256 : vector<16xi32> to vector<16xi32>
      %dma_start3A = arith.constant 0 : i32
      %dma_start3A_258 = arith.constant 0 : i32
      %dma_start3A_259 = tpu.memref_slice %arg14[%dma_start3A, %dma_start3A_258] : memref<64x768xf32, #tpu.memory_space<vmem>> -> memref<16x768xf32, #tpu.memory_space<vmem>>
      %dma_start3A_260 = arith.constant 0 : i32
      %dma_start3A_261 = arith.constant 0 : i32
      %dma_start3A_262 = tpu.memref_slice %arg7[%dma_start3A_260, %dma_start3A_261] : memref<51200x768xf32, #tpu.memory_space<hbm>> -> memref<51200x768xf32, #tpu.memory_space<hbm>>
      tpu.enqueue_indirect_dma source(%dma_start3A_259 : memref<16x768xf32, #tpu.memory_space<vmem>>) target(%dma_start3A_262 : memref<51200x768xf32, #tpu.memory_space<hbm>>) offsets(%get3A_257 : vector<16xi32>) semaphore(%arg19 : memref<!tpu.dma_semaphore, #tpu.memory_space<semaphore_mem>>)
      %get3A_263 = arith.constant 1552 : index
      %get3A_264 = tpu.vector_load %arg12[%get3A_263] {strides = array<i32>} : memref<1600xi32, #tpu.memory_space<vmem>>, vector<16xi32>,
      %get3A_265 = vector.shape_cast %get3A_264 : vector<16xi32> to vector<16xi32>
      %dma_start3A_266 = arith.constant 16 : i32
      %dma_start3A_267 = arith.constant 0 : i32
      %dma_start3A_268 = tpu.memref_slice %arg14[%dma_start3A_266, %dma_start3A_267] : memref<64x768xf32, #tpu.memory_space<vmem>> -> memref<16x768xf32, #tpu.memory_space<vmem>>
      %dma_start3A_269 = arith.constant 0 : i32
      %dma_start3A_270 = arith.constant 0 : i32
      %dma_start3A_271 = tpu.memref_slice %arg7[%dma_start3A_269, %dma_start3A_270] : memref<51200x768xf32, #tpu.memory_space<hbm>> -> memref<51200x768xf32, #tpu.memory_space<hbm>>
      tpu.enqueue_indirect_dma source(%dma_start3A_268 : memref<16x768xf32, #tpu.memory_space<vmem>>) target(%dma_start3A_271 : memref<51200x768xf32, #tpu.memory_space<hbm>>) offsets(%get3A_265 : vector<16xi32>) semaphore(%arg19 : memref<!tpu.dma_semaphore, #tpu.memory_space<semaphore_mem>>)
      %get3A_272 = arith.constant 1568 : index
      %get3A_273 = tpu.vector_load %arg12[%get3A_272] {strides = array<i32>} : memref<1600xi32, #tpu.memory_space<vmem>>, vector<16xi32>,
      %get3A_274 = vector.shape_cast %get3A_273 : vector<16xi32> to vector<16xi32>
      %dma_start3A_275 = arith.constant 32 : i32
      %dma_start3A_276 = arith.constant 0 : i32
      %dma_start3A_277 = tpu.memref_slice %arg14[%dma_start3A_275, %dma_start3A_276] : memref<64x768xf32, #tpu.memory_space<vmem>> -> memref<16x768xf32, #tpu.memory_space<vmem>>
      %dma_start3A_278 = arith.constant 0 : i32
      %dma_start3A_279 = arith.constant 0 : i32
      %dma_start3A_280 = tpu.memref_slice %arg7[%dma_start3A_278, %dma_start3A_279] : memref<51200x768xf32, #tpu.memory_space<hbm>> -> memref<51200x768xf32, #tpu.memory_space<hbm>>
      tpu.enqueue_indirect_dma source(%dma_start3A_277 : memref<16x768xf32, #tpu.memory_space<vmem>>) target(%dma_start3A_280 : memref<51200x768xf32, #tpu.memory_space<hbm>>) offsets(%get3A_274 : vector<16xi32>) semaphore(%arg19 : memref<!tpu.dma_semaphore, #tpu.memory_space<semaphore_mem>>)
      %get3A_281 = arith.constant 1584 : index
      %get3A_282 = tpu.vector_load %arg12[%get3A_281] {strides = array<i32>} : memref<1600xi32, #tpu.memory_space<vmem>>, vector<16xi32>,
      %get3A_283 = vector.shape_cast %get3A_282 : vector<16xi32> to vector<16xi32>
      %dma_start3A_284 = arith.constant 48 : i32
      %dma_start3A_285 = arith.constant 0 : i32
      %dma_start3A_286 = tpu.memref_slice %arg14[%dma_start3A_284, %dma_start3A_285] : memref<64x768xf32, #tpu.memory_space<vmem>> -> memref<16x768xf32, #tpu.memory_space<vmem>>
      %dma_start3A_287 = arith.constant 0 : i32
      %dma_start3A_288 = arith.constant 0 : i32
      %dma_start3A_289 = tpu.memref_slice %arg7[%dma_start3A_287, %dma_start3A_288] : memref<51200x768xf32, #tpu.memory_space<hbm>> -> memref<51200x768xf32, #tpu.memory_space<hbm>>
      tpu.enqueue_indirect_dma source(%dma_start3A_286 : memref<16x768xf32, #tpu.memory_space<vmem>>) target(%dma_start3A_289 : memref<51200x768xf32, #tpu.memory_space<hbm>>) offsets(%get3A_283 : vector<16xi32>) semaphore(%arg19 : memref<!tpu.dma_semaphore, #tpu.memory_space<semaphore_mem>>)
    } else {
    }
    %eq3A = arith.constant 0 : i32
    %eq3A_195 = arith.cmpi eq, %min3A_189, %eq3A : i32
    %convert_element_type3A_196 = arith.extui %eq3A_195 : i1 to i32
    %cond3A_197 = arith.constant 0 : i32
    %cond3A_198 = arith.cmpi ne, %convert_element_type3A_196, %cond3A_197 : i32
    scf.if %cond3A_198 {
      %get3A_246 = arith.constant 1536 : index
      %get3A_247 = tpu.vector_load %arg12[%get3A_246] {strides = array<i32>} : memref<1600xi32, #tpu.memory_space<vmem>>, vector<16xi32>,
      %get3A_248 = vector.shape_cast %get3A_247 : vector<16xi32> to vector<16xi32>
      %dma_start3A = arith.constant 0 : i32
      %dma_start3A_249 = arith.constant 0 : i32
      %dma_start3A_250 = tpu.memref_slice %arg7[%dma_start3A, %dma_start3A_249] : memref<51200x768xf32, #tpu.memory_space<hbm>> -> memref<51200x768xf32, #tpu.memory_space<hbm>>
      tpu.enqueue_indirect_dma source(%arg16 : memref<16x768xf32, #tpu.memory_space<vmem>>) target(%dma_start3A_250 : memref<51200x768xf32, #tpu.memory_space<hbm>>) offsets(%get3A_248 : vector<16xi32>) semaphore(%arg19 : memref<!tpu.dma_semaphore, #tpu.memory_space<semaphore_mem>>)
      %get3A_251 = arith.constant 1552 : index
      %get3A_252 = tpu.vector_load %arg12[%get3A_251] {strides = array<i32>} : memref<1600xi32, #tpu.memory_space<vmem>>, vector<16xi32>,
      %get3A_253 = vector.shape_cast %get3A_252 : vector<16xi32> to vector<16xi32>
      %dma_start3A_254 = arith.constant 0 : i32
      %dma_start3A_255 = arith.constant 0 : i32
      %dma_start3A_256 = tpu.memref_slice %arg7[%dma_start3A_254, %dma_start3A_255] : memref<51200x768xf32, #tpu.memory_space<hbm>> -> memref<51200x768xf32, #tpu.memory_space<hbm>>
      tpu.enqueue_indirect_dma source(%arg16 : memref<16x768xf32, #tpu.memory_space<vmem>>) target(%dma_start3A_256 : memref<51200x768xf32, #tpu.memory_space<hbm>>) offsets(%get3A_253 : vector<16xi32>) semaphore(%arg19 : memref<!tpu.dma_semaphore, #tpu.memory_space<semaphore_mem>>)
      %get3A_257 = arith.constant 1568 : index
      %get3A_258 = tpu.vector_load %arg12[%get3A_257] {strides = array<i32>} : memref<1600xi32, #tpu.memory_space<vmem>>, vector<16xi32>,
      %get3A_259 = vector.shape_cast %get3A_258 : vector<16xi32> to vector<16xi32>
      %dma_start3A_260 = arith.constant 0 : i32
      %dma_start3A_261 = arith.constant 0 : i32
      %dma_start3A_262 = tpu.memref_slice %arg7[%dma_start3A_260, %dma_start3A_261] : memref<51200x768xf32, #tpu.memory_space<hbm>> -> memref<51200x768xf32, #tpu.memory_space<hbm>>
      tpu.enqueue_indirect_dma source(%arg16 : memref<16x768xf32, #tpu.memory_space<vmem>>) target(%dma_start3A_262 : memref<51200x768xf32, #tpu.memory_space<hbm>>) offsets(%get3A_259 : vector<16xi32>) semaphore(%arg19 : memref<!tpu.dma_semaphore, #tpu.memory_space<semaphore_mem>>)
      %get3A_263 = arith.constant 1584 : index
      %get3A_264 = tpu.vector_load %arg12[%get3A_263] {strides = array<i32>} : memref<1600xi32, #tpu.memory_space<vmem>>, vector<16xi32>,
      %get3A_265 = vector.shape_cast %get3A_264 : vector<16xi32> to vector<16xi32>
      %dma_start3A_266 = arith.constant 0 : i32
      %dma_start3A_267 = arith.constant 0 : i32
      %dma_start3A_268 = tpu.memref_slice %arg7[%dma_start3A_266, %dma_start3A_267] : memref<51200x768xf32, #tpu.memory_space<hbm>> -> memref<51200x768xf32, #tpu.memory_space<hbm>>
      tpu.enqueue_indirect_dma source(%arg16 : memref<16x768xf32, #tpu.memory_space<vmem>>) target(%dma_start3A_268 : memref<51200x768xf32, #tpu.memory_space<hbm>>) offsets(%get3A_265 : vector<16xi32>) semaphore(%arg19 : memref<!tpu.dma_semaphore, #tpu.memory_space<semaphore_mem>>)
    } else {
    }
    %get3A_199 = arith.constant 1472 : index
    %get3A_200 = tpu.vector_load %arg12[%get3A_199] {strides = array<i32>} : memref<1600xi32, #tpu.memory_space<vmem>>, vector<16xi32>,
    %get3A_201 = vector.shape_cast %get3A_200 : vector<16xi32> to vector<16xi32>
    %dma_wait3A = arith.constant 0 : i32
    %dma_wait3A_202 = arith.constant 0 : i32
    %dma_wait3A_203 = tpu.memref_slice %arg7[%dma_wait3A, %dma_wait3A_202] : memref<51200x768xf32, #tpu.memory_space<hbm>> -> memref<51200x768xf32, #tpu.memory_space<hbm>>
    tpu.wait_indirect_dma semaphore(%arg20 : memref<!tpu.dma_semaphore, #tpu.memory_space<semaphore_mem>>) src(%arg16 : memref<16x768xf32, #tpu.memory_space<vmem>>) dst(%dma_wait3A_203 : memref<51200x768xf32, #tpu.memory_space<hbm>>)
    %get3A_204 = arith.constant 1488 : index
    %get3A_205 = tpu.vector_load %arg12[%get3A_204] {strides = array<i32>} : memref<1600xi32, #tpu.memory_space<vmem>>, vector<16xi32>,
    %get3A_206 = vector.shape_cast %get3A_205 : vector<16xi32> to vector<16xi32>
    %dma_wait3A_207 = arith.constant 0 : i32
    %dma_wait3A_208 = arith.constant 0 : i32
    %dma_wait3A_209 = tpu.memref_slice %arg7[%dma_wait3A_207, %dma_wait3A_208] : memref<51200x768xf32, #tpu.memory_space<hbm>> -> memref<51200x768xf32, #tpu.memory_space<hbm>>
    tpu.wait_indirect_dma semaphore(%arg20 : memref<!tpu.dma_semaphore, #tpu.memory_space<semaphore_mem>>) src(%arg16 : memref<16x768xf32, #tpu.memory_space<vmem>>) dst(%dma_wait3A_209 : memref<51200x768xf32, #tpu.memory_space<hbm>>)
    %get3A_210 = arith.constant 1504 : index
    %get3A_211 = tpu.vector_load %arg12[%get3A_210] {strides = array<i32>} : memref<1600xi32, #tpu.memory_space<vmem>>, vector<16xi32>,
    %get3A_212 = vector.shape_cast %get3A_211 : vector<16xi32> to vector<16xi32>
    %dma_wait3A_213 = arith.constant 0 : i32
    %dma_wait3A_214 = arith.constant 0 : i32
    %dma_wait3A_215 = tpu.memref_slice %arg7[%dma_wait3A_213, %dma_wait3A_214] : memref<51200x768xf32, #tpu.memory_space<hbm>> -> memref<51200x768xf32, #tpu.memory_space<hbm>>
    tpu.wait_indirect_dma semaphore(%arg20 : memref<!tpu.dma_semaphore, #tpu.memory_space<semaphore_mem>>) src(%arg16 : memref<16x768xf32, #tpu.memory_space<vmem>>) dst(%dma_wait3A_215 : memref<51200x768xf32, #tpu.memory_space<hbm>>)
    %get3A_216 = arith.constant 1520 : index
    %get3A_217 = tpu.vector_load %arg12[%get3A_216] {strides = array<i32>} : memref<1600xi32, #tpu.memory_space<vmem>>, vector<16xi32>,
    %get3A_218 = vector.shape_cast %get3A_217 : vector<16xi32> to vector<16xi32>
    %dma_wait3A_219 = arith.constant 0 : i32
    %dma_wait3A_220 = arith.constant 0 : i32
    %dma_wait3A_221 = tpu.memref_slice %arg7[%dma_wait3A_219, %dma_wait3A_220] : memref<51200x768xf32, #tpu.memory_space<hbm>> -> memref<51200x768xf32, #tpu.memory_space<hbm>>
    tpu.wait_indirect_dma semaphore(%arg20 : memref<!tpu.dma_semaphore, #tpu.memory_space<semaphore_mem>>) src(%arg16 : memref<16x768xf32, #tpu.memory_space<vmem>>) dst(%dma_wait3A_221 : memref<51200x768xf32, #tpu.memory_space<hbm>>)
    %get3A_222 = arith.constant 1536 : index
    %get3A_223 = tpu.vector_load %arg12[%get3A_222] {strides = array<i32>} : memref<1600xi32, #tpu.memory_space<vmem>>, vector<16xi32>,
    %get3A_224 = vector.shape_cast %get3A_223 : vector<16xi32> to vector<16xi32>
    %dma_wait3A_225 = arith.constant 0 : i32
    %dma_wait3A_226 = arith.constant 0 : i32
    %dma_wait3A_227 = tpu.memref_slice %arg7[%dma_wait3A_225, %dma_wait3A_226] : memref<51200x768xf32, #tpu.memory_space<hbm>> -> memref<51200x768xf32, #tpu.memory_space<hbm>>
    tpu.wait_indirect_dma semaphore(%arg19 : memref<!tpu.dma_semaphore, #tpu.memory_space<semaphore_mem>>) src(%arg16 : memref<16x768xf32, #tpu.memory_space<vmem>>) dst(%dma_wait3A_227 : memref<51200x768xf32, #tpu.memory_space<hbm>>)
    %get3A_228 = arith.constant 1552 : index
    %get3A_229 = tpu.vector_load %arg12[%get3A_228] {strides = array<i32>} : memref<1600xi32, #tpu.memory_space<vmem>>, vector<16xi32>,
    %get3A_230 = vector.shape_cast %get3A_229 : vector<16xi32> to vector<16xi32>
    %dma_wait3A_231 = arith.constant 0 : i32
    %dma_wait3A_232 = arith.constant 0 : i32
    %dma_wait3A_233 = tpu.memref_slice %arg7[%dma_wait3A_231, %dma_wait3A_232] : memref<51200x768xf32, #tpu.memory_space<hbm>> -> memref<51200x768xf32, #tpu.memory_space<hbm>>
    tpu.wait_indirect_dma semaphore(%arg19 : memref<!tpu.dma_semaphore, #tpu.memory_space<semaphore_mem>>) src(%arg16 : memref<16x768xf32, #tpu.memory_space<vmem>>) dst(%dma_wait3A_233 : memref<51200x768xf32, #tpu.memory_space<hbm>>)
    %get3A_234 = arith.constant 1568 : index
    %get3A_235 = tpu.vector_load %arg12[%get3A_234] {strides = array<i32>} : memref<1600xi32, #tpu.memory_space<vmem>>, vector<16xi32>,
    %get3A_236 = vector.shape_cast %get3A_235 : vector<16xi32> to vector<16xi32>
    %dma_wait3A_237 = arith.constant 0 : i32
    %dma_wait3A_238 = arith.constant 0 : i32
    %dma_wait3A_239 = tpu.memref_slice %arg7[%dma_wait3A_237, %dma_wait3A_238] : memref<51200x768xf32, #tpu.memory_space<hbm>> -> memref<51200x768xf32, #tpu.memory_space<hbm>>
    tpu.wait_indirect_dma semaphore(%arg19 : memref<!tpu.dma_semaphore, #tpu.memory_space<semaphore_mem>>) src(%arg16 : memref<16x768xf32, #tpu.memory_space<vmem>>) dst(%dma_wait3A_239 : memref<51200x768xf32, #tpu.memory_space<hbm>>)
    %get3A_240 = arith.constant 1584 : index
    %get3A_241 = tpu.vector_load %arg12[%get3A_240] {strides = array<i32>} : memref<1600xi32, #tpu.memory_space<vmem>>, vector<16xi32>,
    %get3A_242 = vector.shape_cast %get3A_241 : vector<16xi32> to vector<16xi32>
    %dma_wait3A_243 = arith.constant 0 : i32
    %dma_wait3A_244 = arith.constant 0 : i32
    %dma_wait3A_245 = tpu.memref_slice %arg7[%dma_wait3A_243, %dma_wait3A_244] : memref<51200x768xf32, #tpu.memory_space<hbm>> -> memref<51200x768xf32, #tpu.memory_space<hbm>>
    tpu.wait_indirect_dma semaphore(%arg19 : memref<!tpu.dma_semaphore, #tpu.memory_space<semaphore_mem>>) src(%arg16 : memref<16x768xf32, #tpu.memory_space<vmem>>) dst(%dma_wait3A_245 : memref<51200x768xf32, #tpu.memory_space<hbm>>)
    return
  }
}

</mosaic_0001>

<sc_bundles>
// kernel: kernel.3.cloned.1.call-start
scs
__scs_entry_jumppad:
0x0: {  	(pc) =	sbr.rel $0x88, $3  }
0x1: {  	(tag) =	ssettag $0x0;
	lr =	simm.s32 $0x1  }
0x2: {  	[smem:$0x3F9E] =	sst lr;
	_ =	strace $0xD0000000  }
0x3: {  	_ = 	snop  }
0x4: {  	_ = 	snop  }
0x5: {  	_ = 	snop  }
0x6: {  	_ = 	snop  }
0x7: {  	_ = 	snop  }
__scs_overlays_trampoline_lowered:
0x8: {  	[smem:$0x3FAD] =	sst s0  }
0x9: {  	[smem:$0x3FAE] =	sst s1  }
0xa: {  	[smem:$0x3FAF] =	sst s2  }
0xb: {  	[smem:$0x3FB0] =	sst s3  }
0xc: {  	[smem:$0x3FB1] =	sst s4  }
0xd: {  	[smem:$0x3FB2] =	sst s5  }
0xe: {  	[smem:$0x3FB3] =	sst s6  }
0xf: {  	[smem:$0x3FB4] =	sst s7  }
0x10: {  	[smem:$0x3FB5] =	sst s8  }
0x11: {  	[smem:$0x3FB6] =	sst s9;
	s0 =	simm.s32 @!p0 $0x0  }
0x12: {  	s1 =	sld [smem:$0x3F9C];
	s0 =	simm.s32 @p0 $0x1  }
0x13: {  	[smem:$0x3FB7] =	sst s0;
	s0 =	simm.s32 @!p1 $0x0  }
0x14: {  	s2 =	sld [smem:$0x3F9B];
	s0 =	simm.s32 @p1 $0x1  }
0x15: {  	[smem:$0x3FB8] =	sst s0;
	s0 =	simm.s32 @!p2 $0x0  }
0x16: {  	s3 =	sld [smem:$0x3FDB];
	s0 =	simm.s32 @p2 $0x1  }
0x17: {  	s4 =	simm.s32 $0x1BF5;
	[smem:$0x3FBA] =	sst s0  }
0x18: {  	s0 =	sld [smem:$0x3F9D];
	_ =	swait.ge [sflag:s4], $0x0  }
0x19: {  	s7 =	sld [smem:$0x3F9E]  }
0x1a: {  	s8 =	sadd.s32 $0xFFFFE003, lr  }
0x1b: {  	s9 =	sadd.s32 $0xFFFFFEF7, lr;
	s5 =	simm.s32 $0xFFFFFFFF;
	p2 =	slt.u32 s8, $0xFFFFF086  }
0x1c: {  	p1 =	slt.u32 s9, $0xF7A;
	s5 =	simm.s32 @!p2 $0x0  }
0x1d: {  	s5 =	simm.s32 @p1 $0x1;
	p0 =	seq.s32 s7, s2  }
0x1e: {  	s7 =	smul.u32 @!p0 $0xF7A, s2;
	p2 =	seq.s32 @!p0 s5, $0x0  }
0x1f: {  	s9 =	smul.u32 $0xF7A, s1;
	s8 =	simm.s32 @!p0 $0x1BF5;
	p2 =	por !p2, p0  }
0x20: {  	[sflag:s8] =	ssyncset.s32 @!p0 $0xFFFFF086;
	s6 =	sadd.s32 @!p0 s3, s7;
	s7 =	simm.s32 @!p0 $0x108  }
0x21: {  	s3 =	sadd.s32 s3, s9;
	s6 =	sadd.s32 @!p0 $0x88, s6;
	s7 =	simm.s32 @p2 $0x1082  }
0x22: {  	[simem:s7], [sflag:s8] =	dma.local @!p0 [hbm:s6], $0xF7A  }
0x23: {  	s9 =	sor.u32 $0xD0000000, s2;
	s6 =	simm.s32 $0x108;
	_ =	swait.ge @!p0 [sflag:s8], $0x0  }
0x24: {  	s3 =	sadd.s32 $0x88, s3;
	s6 =	simm.s32 @!p1 $0x1082;
	[sflag:s4] =	ssyncset.s32 $0xFFFFF086  }
0x25: {  	[simem:s6], [sflag:s4] =	dma.local [hbm:s3], $0xF7A  }
0x26: {  	[smem:$0x3F9E] =	sst s1;
	(tag) =	ssettag s2;
	_ =	strace s9  }
0x27: {  	s1 =	sld [smem:$0x3FAE]  }
0x28: {  	s2 =	sld [smem:$0x3FAF]  }
0x29: {  	s4 =	sld [smem:$0x3FB1]  }
0x2a: {  	p0 =	seq.s32 s5, $0x0;
	s5 =	sld [smem:$0x3FB2]  }
0x2b: {  	s6 =	sld [smem:$0x3FB3]  }
0x2c: {  	s7 =	sld [smem:$0x3FB4]  }
0x2d: {  	s3 =	simm.s32 $0x108;
	s8 =	sld [smem:$0x3FB5]  }
0x2e: {  	s3 =	simm.s32 @!p0 $0x1082;
	s9 =	sld [smem:$0x3FB6]  }
0x2f: {  	lr =	sadd.s32 s0, s3;
	s0 =	sld [smem:$0x3FAD]  }
0x30: {  	s3 =	sld [smem:$0x3FB0]  }
0x31: {  	[smem:$0x3FB9] =	sst s10  }
0x32: {  	s10 =	sld [smem:$0x3FB7];
	_ =	sdelay $0x3  }
0x33: {  	p0 =	seq.s32 s10, $0x1;
	s10 =	sld [smem:$0x3FB9];
	_ =	sdelay $0x3  }
0x34: {  	[smem:$0x3FB9] =	sst s10  }
0x35: {  	s10 =	sld [smem:$0x3FB8];
	_ =	sdelay $0x3  }
0x36: {  	p1 =	seq.s32 s10, $0x1;
	s10 =	sld [smem:$0x3FB9];
	_ =	sdelay $0x3  }
0x37: {  	[smem:$0x3FB9] =	sst s10  }
0x38: {  	s10 =	sld [smem:$0x3FBA]  }
0x39: {  	_ = 	snop;
	(pc) =	sbr.ind lr, $3  }
0x3a: {  	_ = 	snop  }
0x3b: {  	_ = 	snop  }
0x3c: {  	p2 =	seq.s32 s10, $0x1;
	s10 =	sld [smem:$0x3FB9]  }
0x3d: {  	_ =	shalt  }
0x3e: {  	_ =	shalt  }
0x3f: {  	_ =	shalt  }
0x40: {  	_ =	shalt  }
0x41: {  	_ =	shalt  }
0x42: {  	_ =	shalt  }
0x43: {  	_ =	shalt  }
0x44: {  	_ =	shalt  }
0x45: {  	_ =	shalt  }
0x46: {  	_ =	shalt  }
0x47: {  	_ =	shalt  }
0x48: {  	_ =	shalt  }
0x49: {  	_ =	shalt  }
0x4a: {  	_ =	shalt  }
0x4b: {  	_ =	shalt  }
0x4c: {  	_ =	shalt  }
0x4d: {  	_ =	shalt  }
0x4e: {  	_ =	shalt  }
0x4f: {  	_ =	shalt  }
0x50: {  	_ =	shalt  }
0x51: {  	_ =	shalt  }
0x52: {  	_ =	shalt  }
0x53: {  	_ =	shalt  }
0x54: {  	_ =	shalt  }
0x55: {  	_ =	shalt  }
0x56: {  	_ =	shalt  }
0x57: {  	_ =	shalt  }
0x58: {  	_ =	shalt  }
0x59: {  	_ =	shalt  }
0x5a: {  	_ =	shalt  }
0x5b: {  	_ =	shalt  }
0x5c: {  	_ =	shalt  }
0x5d: {  	_ =	shalt  }
0x5e: {  	_ =	shalt  }
0x5f: {  	_ =	shalt  }
0x60: {  	_ =	shalt  }
0x61: {  	_ =	shalt  }
0x62: {  	_ =	shalt  }
0x63: {  	_ =	shalt  }
0x64: {  	_ =	shalt  }
0x65: {  	_ =	shalt  }
0x66: {  	_ =	shalt  }
0x67: {  	_ =	shalt  }
0x68: {  	_ =	shalt  }
0x69: {  	_ =	shalt  }
0x6a: {  	_ =	shalt  }
0x6b: {  	_ =	shalt  }
0x6c: {  	_ =	shalt  }
0x6d: {  	_ =	shalt  }
0x6e: {  	_ =	shalt  }
0x6f: {  	_ =	shalt  }
0x70: {  	_ =	shalt  }
0x71: {  	_ =	shalt  }
0x72: {  	_ =	shalt  }
0x73: {  	_ =	shalt  }
0x74: {  	_ =	shalt  }
0x75: {  	_ =	shalt  }
0x76: {  	_ =	shalt  }
0x77: {  	_ =	shalt  }
0x78: {  	_ =	shalt  }
0x79: {  	_ =	shalt  }
0x7a: {  	_ =	shalt  }
0x7b: {  	_ =	shalt  }
0x7c: {  	_ =	shalt  }
0x7d: {  	_ =	shalt  }
0x7e: {  	_ =	shalt  }
0x7f: {  	_ =	shalt  }
0x80: {  	_ =	shalt  }
0x81: {  	_ =	shalt  }
0x82: {  	_ =	shalt  }
0x83: {  	_ =	shalt  }
0x84: {  	_ =	shalt  }
0x85: {  	_ =	shalt  }
0x86: {  	_ =	shalt  }
0x87: {  	_ =	shalt  }
.Lfunc_end0:
.L_simem_size_0:
called_computation_lowered:
.L_overlay_start_0:
0x88: {  	s2 =	sld [smem:$0x3FD9]  }
0x89: {  	s3 =	sld [smem:$0x3FFE];
	_ =	sdelay $0x1  }
0x8a: {  	s1 =	srdreg.scid  }
0x8b: {  	s0 =	sand.u32 $0x1, s1  }
0x8c: {  	s14 =	sshll.u32 s0, $0xA;
	s2 =	sadd.s32 s3, s2  }
0x8d: {  	s2 =	sadd.s32 s2, s14  }
0x8e: {  	[smem:$0x3FC5] =	sst s2  }
0x8f: {  	_ = 	snop  }
0x90: {  	s2 =	sld [smem:$0x3FD0];
	_ =	sdelay $0x1  }
0x91: {  	s15 =	sld [smem:$0x3FC8]  }
0x92: {  	s5 =	simm.s32 $0xA;
	s6 =	simm.s32 $0x10;
	s4 =	sld [smem:$0x3FC7]  }
0x93: {  	[smem:s6], [sflag:s5] =	dma.local [hbm:s2], $0x1  }
0x94: {  	_ =	swait.eq [sflag:s5], $0x1  }
0x95: {  	[sflag:s5] =	ssyncset.done $0x0  }
0x96: {  	s16 =	sld [smem:$0x10];
	[sflag:s5] =	ssyncadd.s32 $0xFFFFFFFF  }
0x97: {  	s17 =	sld [smem:$0x11];
	(tm) =	ssettm $0x1  }
0x98: {  	s18 =	sld [smem:$0x3FFB];
	_ =	sdelay $0x3  }
0x99: {  	_ =	strace s18  }
0x9a: {  	s6 =	sld [smem:$0x3FFC];
	_ =	sdelay $0x3  }
0x9b: {  	_ =	strace s6  }
0x9c: {  	s6 =	sld [smem:$0x3FFD];
	_ =	sdelay $0x3  }
0x9d: {  	_ =	strace s6  }
0x9e: {  	_ =	strace $0x8FFFFFFF  }
0x9f: {  	s19 =	sld [smem:$0x3FDB];
	_ =	sdelay $0x1  }
0xa0: {  	s7 =	simm.s32 $_scs_section_size  }
0xa1: {  	s8 =	simm.s32 $_size__tile_overlayer_lowered;
	s9 =	simm.s32 $_tile_overlayer_lowered  }
0xa2: {  	s22 =	simm.s32 $0x1BFF;
	s21 =	sshll.u32 s9, $0x1;
	s6 =	sadd.s32 s7, s19  }
0xa3: {  	s10 =	simm.s32 $0x0;
	s20 =	sshll.u32 s8, $0x1;
	s8 =	sadd.s32 s21, s6  }
0xa4: {  	[timem:s10], [sflag:s22] =	dma.local [hbm:s8], s20  }
0xa5: {  	_ =	swait.ge [sflag:s22], s20  }
0xa6: {  	s7 =	ssub.s32 $0x0, s20;
	[sflag:s22] =	ssyncset.done $0x0  }
0xa7: {  	[sflag:s22] =	ssyncadd.s32 s7;
	_ =	sdelay $0x1  }
0xa8: {  	s23 =	simm.s32 $0x1B8B  }
0xa9: {  	_ =	swait.ge [sflag:s23], $0x1  }
0xaa: {  	[sflag:s23] =	ssyncset.done $0x0  }
0xab: {  	s25 =	simm.s32 $0x1B8E;
	s24 =	sld [smem:$0x3FFE];
	[sflag:s23] =	ssyncadd.s32 $0xFFFFFFFF  }
0xac: {  	s26 =	simm.s32 $execute0_lowered;
	[smem:$0x3FD2] =	sst s25  }
0xad: {  	s8 =	sshll.u32 s26, $0x1;
	_ =	strace $0x80000046;
	[dreg:$0x1] =	wrdreg $0xFFFFFFFF  }
0xae: {  	s28 =	simm.s32 $_size_execute0_lowered;
	s6 =	sadd.s32 s6, s8;
	[dreg:$0x0] =	wrdreg $0x0  }
0xaf: {  	s8 =	sshll.u32 s28, $0x1;
	[dreg:$0x2] =	wrdreg s6  }
0xb0: {  	[dreg:$0x3] =	wrdreg s8  }
0xb1: {  	[dreg:$0x4] =	wrdreg $0xC0  }
0xb2: {  	_ =	task [dreg:s10], $0x5FFFF  }
0xb3: {  	[dreg:$0x1] =	wrdreg $0xFFFFFFFF  }
0xb4: {  	[dreg:$0x0] =	wrdreg $0x60  }
0xb5: {  	[dreg:$0x2] =	wrdreg s24  }
0xb6: {  	[dreg:$0x3] =	wrdreg s15  }
0xb7: {  	[dreg:$0x4] =	wrdreg s17  }
0xb8: {  	[dreg:$0x5] =	wrdreg s4  }
0xb9: {  	[dreg:$0x6] =	wrdreg s16  }
0xba: {  	[dreg:$0x7] =	wrdreg $0x9  }
0xbb: {  	_ =	task.clear_ibuf [dreg:s10], $0x8FFFF;
	_ =	strace $0x90000046  }
0xbc: {  	s29 =	simm.s32 $0x9;
	_ =	strace $0x80000048  }
0xbd: {  	_ =	swait.ge [sflag:s29], $0x1  }
0xbe: {  	[sflag:s29] =	ssyncadd.s32 $0xFFFFFFFF  }
0xbf: {  	_ =	strace $0x90000048  }
0xc0: {  	_ =	sfence  }
0xc1: {  	s30 =	sld [smem:$0x0];
	_ =	sdelay $0x2  }
0xc2: {  	s31 =	sshll.u32 s1, $0xD;
	s1 =	sshrl.u32 s1, $0x2  }
0xc3: {  	s3 =	sand.u32 $0x4000, s31;
	s1 =	sadd.s32 s1, s30  }
0xc4: {  	s0 =	sor.u32 s3, s0;
	s1 =	sshll.u32 s1, $0x11  }
0xc5: {  	s0 =	sor.u32 s1, s0  }
0xc6: {  	s0 =	sadd.s32 $0x8F2B, s0  }
0xc7: {  	[sflag:s0] =	ssyncadd.remote.s32 $0x1  }
0xc8: {  	_ =	sfence.sel $0xFFFF  }
0xc9: {  	[dreg:$0x0] =	wrdreg $0xFFFFFFFF;
	(pc) =	sbr.abs _section_cstart, $3  }
0xca: {  	[dreg:$0x1] =	wrdreg $0xFFFFFFFF  }
0xcb: {  	_ =	task.clear_ibuf [dreg:s10], $0x2FFFF;
	_ =	strace $0x9FFFFFFF  }
0xcc: {  	(tm) =	ssettm $0x7FFFFFFF  }
0xcd: {  	_ =	shalt  }
tec
execute0_lowered:
.L_overlay_start_1:
0x0: {  	(tag) =	ssettag $0x1  }
0x1: {  	s0 =	rddreg [dreg:$0x0]  }
0x2: {  	s1 =	srdreg.scid;
	s6 =	rddreg [dreg:$0x3]  }
0x3: {  	s5 =	stileid.u32;
	s8 =	rddreg [dreg:$0x4]  }
0x4: {  	s7 =	simm.s32 $0x0;
	s29 =	simm.s32 $0x0;
	s1 =	sand.u32 $0x1, s1  }
0x5: {  	s2 =	sshll.u32 s5, $0x1;
	[smem:$0x7FF] =	sst s7;
	s15 =	sadd.s32 $0x100, s6  }
0x6: {  	s17 =	sadd.s32 $0x200, s6;
	s5 =	smul.u32 $0xC80, s5;
	s2 =	sor.u32 s1, s2  }
0x7: {  	s12 =	ssub.s32 $0x2, s1;
	_ =	strace $0x80000047;
	s1 =	smul.u32 $0x640, s1  }
0x8: {  	[dreg:$0xa] =	wrdreg s15;
	s9 =	smul.u32 $0x640, s2;
	s3 =	sshrl.u32 s12, $0x1  }
0x9: {  	[dreg:$0xb] =	wrdreg s17;
	s2 =	ssub.s32 s12, s3;
	s5 =	sadd.s32 s1, s5  }
0xa: {  	s4 =	sshrl.u32 s9, $0x3;
	s13 =	sand.u32 $0x3C0, s9;
	[dreg:$0x6] =	wrdreg s9  }
0xb: {  	s14 =	sshrl.u32 s9, $0x5;
	s16 =	sadd.s32 $0x40, s9;
	[dreg:$0xe] =	wrdreg s5  }
0xc: {  	s25 =	sshll.u32 s5, $0x7;
	s2 =	smax.u32 s2, $0x1;
	[dreg:$0x9] =	wrdreg s13  }
0xd: {  	s26 =	sadd.s32 $0x40, s5;
	s5 =	sshrl.u32 s5, $0x6;
	[dreg:$0x10] =	wrdreg s2  }
0xe: {  	s21 =	sadd.s32 $0x600, s9;
	s3 =	sand.u32 $0x3C0, s16;
	[dreg:$0x11] =	wrdreg s5  }
0xf: {  	s10 =	sadd.s32 s0, s4;
	s18 =	sshrl.u32 s16, $0x5;
	[dreg:$0xc] =	wrdreg s3  }
0x10: {  	s22 =	sshrl.u32 s21, $0x5;
	s23 =	sand.u32 $0x3C0, s21;
	[dreg:$0x7] =	wrdreg s10  }
0x11: {  	s4 =	sadd.s32 $0x30000, s25;
	s2 =	sshrl.u32 s26, $0x6;
	[dreg:$0xf] =	wrdreg s23  }
0x12: {  	s0 =	sadd.s32 $0x1A00, s10;
	s19 =	sand.u32 $0xFE0, s18;
	[dreg:$0x12] =	wrdreg s2  }
0x13: {  	s20 =	sadd.s32 $0x3400, s10;
	s28 =	sand.u32 $0x1E000, s4;
	[dreg:$0x8] =	wrdreg s0  }
.Ltmp0:
0x14: {  	[dreg:$0xd] =	wrdreg s20;
	s2 =	ssub.s32 $0x0, s28;
	(pc) =	sbr.rel .LBB2_1-.Ltmp0, $4  }
0x15: {  	s24 =	sand.u32 $0xFE0, s22;
	s30 =	sshrl.u32 s19, $0x2;
	[dreg:$0x13] =	wrdreg s2  }
0x16: {  	v0 =	vimm.f32 $0.0e+00;
	v4 =	vlaneseq.u32;
	s0 =	sand.u32 $0x7E0, s14;
	s31 =	sshrl.u32 s24, $0x2;
	[dreg:$0x15] =	wrdreg s30  }
0x17: {  	v1 =	vimm.s32 $0x0;
	vm0 =	vmmov $0xffff;
	v3 =	vshrl.u32 v4, $0x3;
	s15 =	sadd.s32 $0x100, s8;
	s0 =	sshrl.u32 s0, $0x2;
	[dreg:$0x16] =	wrdreg s31  }
0x18: {  	v2 =	vand.u32 $0x7, v4;
	v4 =	vor.u32 $0x8, v4;
	v3 =	vmul.u32 $0x8, v3;
	s16 =	sadd.s32 $0x200, s8;
	s5 =	simm.s32 $0x5;
	[dreg:$0x14] =	wrdreg s0  }
.LBB2_26:
0x19: {  	s9 =	simm.s32 @!p0 $0xD180  }
0x1a: {  	s10 =	simm.s32 @!p0 $0xC180;
	s13 =	simm.s32 @!p0 $0xB180;
	s14 =	simm.s32 @!p0 $0xA180  }
0x1b: {  	s18 =	simm.s32 @!p0 $0x9180;
	s19 =	simm.s32 @!p0 $0x8180;
	s17 =	simm.s32 @!p0 $0x7180  }
0x1c: {  	s0 =	simm.s32 @!p0 $0x6180;
	s2 =	simm.s32 @!p0 $0x5180;
	s4 =	simm.s32 @!p0 $0x4180  }
0x1d: {  	s5 =	simm.s32 @!p0 $0x3180;
	s12 =	simm.s32 @!p0 $0x2180;
	s26 =	simm.s32 @!p0 $0x1980  }
0x1e: {  	s24 =	simm.s32 @!p0 $0x2980;
	s11 =	simm.s32 @!p0 $0x3980;
	s3 =	simm.s32 @!p0 $0x4980  }
0x1f: {  	s6 =	simm.s32 @!p0 $0x5980;
	s25 =	simm.s32 @!p0 $0x6980;
	s23 =	simm.s32 @!p0 $0x7980  }
0x20: {  	s1 =	simm.s32 @!p0 $0x8980;
	s22 =	simm.s32 @!p0 $0x9980;
	s8 =	simm.s32 @!p0 $0xA980  }
0x21: {  	s21 =	simm.s32 @!p0 $0xB980;
	s20 =	simm.s32 @!p0 $0xC980;
	s29 =	rddreg [dreg:$0x17]  }
0x22: {  	s26 =	simm.s32 @p0 $0x19980;
	s12 =	simm.s32 @p0 $0x1A180;
	s24 =	simm.s32 @p0 $0x1A980  }
0x23: {  	s5 =	simm.s32 @p0 $0x1B180;
	s11 =	simm.s32 @p0 $0x1B980;
	s4 =	simm.s32 @p0 $0x1C180  }
0x24: {  	s3 =	simm.s32 @p0 $0x19980;
	s2 =	simm.s32 @p0 $0x1A180;
	s6 =	simm.s32 @p0 $0x1A980  }
0x25: {  	s0 =	simm.s32 @p0 $0x1B180;
	s25 =	simm.s32 @p0 $0x1B980;
	s17 =	simm.s32 @p0 $0x1C180  }
0x26: {  	s23 =	simm.s32 @p0 $0x19980;
	s19 =	simm.s32 @p0 $0x1A180;
	s1 =	simm.s32 @p0 $0x1A980  }
0x27: {  	s18 =	simm.s32 @p0 $0x1B180;
	s22 =	simm.s32 @p0 $0x1B980;
	s14 =	simm.s32 @p0 $0x1C180  }
0x28: {  	s8 =	simm.s32 @p0 $0x19980;
	s13 =	simm.s32 @p0 $0x1A180;
	s21 =	simm.s32 @p0 $0x1A980  }
0x29: {  	s10 =	simm.s32 @p0 $0x1B180;
	s20 =	simm.s32 @p0 $0x1B980;
	s9 =	simm.s32 @p0 $0x1C180  }
.LBB2_33:
0x2a: {  	v5 =	vld [tilespmem:$0x1280];
	_ =	sdelay $0x4  }
0x2b: {  	v6 =	vshrl.u32 v5, $0x3  }
0x2c: {  	v6 =	vmul.u32 $0x30, v6  }
0x2d: {  	v5 =	vand.u32 $0x7, v5  }
0x2e: {  	v5 =	vor.u32 v5, v6  }
0x2f: {  	v6 =	vperm.xlane v5, v2;
	_ =	sdelay $0x1  }
0x30: {  	v6 =	vadd.s32 v3, v6;
	_ =	sdelay $0x3  }
0x31: {  	s28 =	rddreg [dreg:$0x4];
	v5 =	vperm.xlane v5, v4  }
0x32: {  	[hbm4b:s28+s7] =	stream.indirect_vreg.scatter [tilespmem:s26], [sflag:$0x3], $0x80, v6, vm0, $0xb8;
	[tilespmem:$0x1C980] =	vst v63  }
0x33: {  	v5 =	vadd.s32 v3, v5  }
0x34: {  	[hbm4b:s15+s7] =	stream.indirect_vreg.scatter [tilespmem:s12], [sflag:$0x3], $0x80, v6, vm0, $0xb8;
	[tilespmem:$0x1C980] =	vst v63  }
0x35: {  	_ = 	snop  }
0x36: {  	[hbm4b:s16+s7] =	stream.indirect_vreg.scatter [tilespmem:s24], [sflag:$0x3], $0x80, v6, vm0, $0xb8;
	[tilespmem:$0x1C980] =	vst v63  }
0x37: {  	_ = 	snop  }
0x38: {  	[hbm4b:s28+s7] =	stream.indirect_vreg.scatter [tilespmem:s5], [sflag:$0x3], $0x80, v5, vm0, $0xb8;
	[tilespmem:$0x1C980] =	vst v63  }
0x39: {  	_ = 	snop  }
0x3a: {  	[hbm4b:s15+s7] =	stream.indirect_vreg.scatter [tilespmem:s11], [sflag:$0x3], $0x80, v5, vm0, $0xb8;
	[tilespmem:$0x1C980] =	vst v63  }
0x3b: {  	_ = 	snop  }
0x3c: {  	[hbm4b:s16+s7] =	stream.indirect_vreg.scatter [tilespmem:s4], [sflag:$0x3], $0x80, v5, vm0, $0xb8;
	[tilespmem:$0x1C980] =	vst v63  }
0x3d: {  	v5 =	vld [tilespmem:$0x1290];
	_ =	sdelay $0x4  }
0x3e: {  	v6 =	vshrl.u32 v5, $0x3  }
0x3f: {  	v6 =	vmul.u32 $0x30, v6  }
0x40: {  	v5 =	vand.u32 $0x7, v5  }
0x41: {  	v5 =	vor.u32 v5, v6  }
0x42: {  	v6 =	vperm.xlane v5, v2;
	_ =	sdelay $0x1  }
0x43: {  	v6 =	vadd.s32 v3, v6;
	_ =	sdelay $0x3  }
0x44: {  	v5 =	vperm.xlane v5, v4  }
0x45: {  	[hbm4b:s28+s7] =	stream.indirect_vreg.scatter [tilespmem:s3], [sflag:$0x3], $0x80, v6, vm0, $0xb8;
	[tilespmem:$0x1C980] =	vst v63  }
0x46: {  	v5 =	vadd.s32 v3, v5  }
0x47: {  	[hbm4b:s15+s7] =	stream.indirect_vreg.scatter [tilespmem:s2], [sflag:$0x3], $0x80, v6, vm0, $0xb8;
	[tilespmem:$0x1C980] =	vst v63  }
0x48: {  	_ = 	snop  }
0x49: {  	[hbm4b:s16+s7] =	stream.indirect_vreg.scatter [tilespmem:s6], [sflag:$0x3], $0x80, v6, vm0, $0xb8;
	[tilespmem:$0x1C980] =	vst v63  }
0x4a: {  	_ = 	snop  }
0x4b: {  	[hbm4b:s28+s7] =	stream.indirect_vreg.scatter [tilespmem:s0], [sflag:$0x3], $0x80, v5, vm0, $0xb8;
	[tilespmem:$0x1C980] =	vst v63  }
0x4c: {  	_ = 	snop  }
0x4d: {  	[hbm4b:s15+s7] =	stream.indirect_vreg.scatter [tilespmem:s25], [sflag:$0x3], $0x80, v5, vm0, $0xb8;
	[tilespmem:$0x1C980] =	vst v63  }
0x4e: {  	_ = 	snop  }
0x4f: {  	[hbm4b:s16+s7] =	stream.indirect_vreg.scatter [tilespmem:s17], [sflag:$0x3], $0x80, v5, vm0, $0xb8;
	[tilespmem:$0x1C980] =	vst v63  }
0x50: {  	v5 =	vld [tilespmem:$0x12A0];
	_ =	sdelay $0x4  }
0x51: {  	v6 =	vshrl.u32 v5, $0x3  }
0x52: {  	v6 =	vmul.u32 $0x30, v6  }
0x53: {  	v5 =	vand.u32 $0x7, v5  }
0x54: {  	v5 =	vor.u32 v5, v6  }
0x55: {  	v6 =	vperm.xlane v5, v2;
	_ =	sdelay $0x1  }
0x56: {  	v6 =	vadd.s32 v3, v6;
	_ =	sdelay $0x3  }
0x57: {  	v5 =	vperm.xlane v5, v4  }
0x58: {  	[hbm4b:s28+s7] =	stream.indirect_vreg.scatter [tilespmem:s23], [sflag:$0x3], $0x80, v6, vm0, $0xb8;
	[tilespmem:$0x1C980] =	vst v63  }
0x59: {  	v5 =	vadd.s32 v3, v5  }
0x5a: {  	[hbm4b:s15+s7] =	stream.indirect_vreg.scatter [tilespmem:s19], [sflag:$0x3], $0x80, v6, vm0, $0xb8;
	[tilespmem:$0x1C980] =	vst v63  }
0x5b: {  	_ = 	snop  }
0x5c: {  	[hbm4b:s16+s7] =	stream.indirect_vreg.scatter [tilespmem:s1], [sflag:$0x3], $0x80, v6, vm0, $0xb8;
	[tilespmem:$0x1C980] =	vst v63  }
0x5d: {  	_ = 	snop  }
0x5e: {  	[hbm4b:s28+s7] =	stream.indirect_vreg.scatter [tilespmem:s18], [sflag:$0x3], $0x80, v5, vm0, $0xb8;
	[tilespmem:$0x1C980] =	vst v63  }
0x5f: {  	_ = 	snop  }
0x60: {  	[hbm4b:s15+s7] =	stream.indirect_vreg.scatter [tilespmem:s22], [sflag:$0x3], $0x80, v5, vm0, $0xb8;
	[tilespmem:$0x1C980] =	vst v63  }
0x61: {  	_ = 	snop  }
0x62: {  	[hbm4b:s16+s7] =	stream.indirect_vreg.scatter [tilespmem:s14], [sflag:$0x3], $0x80, v5, vm0, $0xb8;
	[tilespmem:$0x1C980] =	vst v63  }
0x63: {  	v5 =	vld [tilespmem:$0x12B0];
	_ =	sdelay $0x4  }
0x64: {  	v6 =	vshrl.u32 v5, $0x3  }
0x65: {  	v6 =	vmul.u32 $0x30, v6  }
0x66: {  	v5 =	vand.u32 $0x7, v5  }
0x67: {  	v5 =	vor.u32 v5, v6  }
0x68: {  	v6 =	vperm.xlane v5, v2;
	_ =	sdelay $0x1  }
0x69: {  	v6 =	vadd.s32 v3, v6;
	_ =	sdelay $0x3  }
0x6a: {  	v5 =	vperm.xlane v5, v4  }
0x6b: {  	[hbm4b:s28+s7] =	stream.indirect_vreg.scatter [tilespmem:s8], [sflag:$0x3], $0x80, v6, vm0, $0xb8;
	[tilespmem:$0x1C980] =	vst v63  }
0x6c: {  	v5 =	vadd.s32 v3, v5  }
0x6d: {  	[hbm4b:s15+s7] =	stream.indirect_vreg.scatter [tilespmem:s13], [sflag:$0x3], $0x80, v6, vm0, $0xb8;
	[tilespmem:$0x1C980] =	vst v63  }
0x6e: {  	_ = 	snop  }
0x6f: {  	[hbm4b:s16+s7] =	stream.indirect_vreg.scatter [tilespmem:s21], [sflag:$0x3], $0x80, v6, vm0, $0xb8;
	[tilespmem:$0x1C980] =	vst v63  }
0x70: {  	_ = 	snop  }
0x71: {  	[hbm4b:s28+s7] =	stream.indirect_vreg.scatter [tilespmem:s10], [sflag:$0x3], $0x80, v5, vm0, $0xb8;
	[tilespmem:$0x1C980] =	vst v63  }
0x72: {  	_ = 	snop  }
0x73: {  	[hbm4b:s15+s7] =	stream.indirect_vreg.scatter [tilespmem:s20], [sflag:$0x3], $0x80, v5, vm0, $0xb8;
	[tilespmem:$0x1C980] =	vst v63  }
0x74: {  	s28 =	simm.s32 $0x4  }
0x75: {  	[hbm4b:s16+s7] =	stream.indirect_vreg.scatter [tilespmem:s9], [sflag:$0x3], $0x80, v5, vm0, $0xb8;
	[tilespmem:$0x1C980] =	vst v63  }
0x76: {  	_ =	swait.ge [sflag:s28], $0x3000  }
0x77: {  	[sflag:s28] =	ssyncset.done $0x0  }
0x78: {  	[sflag:s28] =	ssyncadd.s32 $0xFFFFD000  }
0x79: {  	_ =	swait.ge [sflag:s28], $0x3000  }
0x7a: {  	[sflag:s28] =	ssyncset.done $0x0  }
0x7b: {  	[sflag:s28] =	ssyncadd.s32 $0xFFFFD000  }
0x7c: {  	_ =	swait.ge [sflag:s28], $0x3000  }
0x7d: {  	[sflag:s28] =	ssyncset.done $0x0  }
0x7e: {  	[sflag:s28] =	ssyncadd.s32 $0xFFFFD000  }
0x7f: {  	_ =	swait.ge [sflag:s28], $0x3000  }
0x80: {  	[sflag:s28] =	ssyncset.done $0x0  }
0x81: {  	s30 =	simm.s32 $0x3;
	[sflag:s28] =	ssyncadd.s32 $0xFFFFD000  }
0x82: {  	_ =	swait.ge [sflag:s30], $0x3000  }
0x83: {  	[sflag:s30] =	ssyncset.done $0x0  }
0x84: {  	[sflag:s30] =	ssyncadd.s32 $0xFFFFD000  }
0x85: {  	_ =	swait.ge [sflag:s30], $0x3000  }
0x86: {  	[sflag:s30] =	ssyncset.done $0x0  }
0x87: {  	[sflag:s30] =	ssyncadd.s32 $0xFFFFD000  }
0x88: {  	_ =	swait.ge [sflag:s30], $0x3000  }
0x89: {  	[sflag:s30] =	ssyncset.done $0x0  }
0x8a: {  	[sflag:s30] =	ssyncadd.s32 $0xFFFFD000  }
0x8b: {  	_ =	swait.ge [sflag:s30], $0x3000  }
0x8c: {  	s29 =	sadd.s32 $0x1, s29;
	s31 =	rddreg [dreg:$0x10]  }
0x8d: {  	p0 =	sne.s32 s29, s31  }
.Ltmp1:
0x8e: {  	_ = 	snop;
	(pc) =	sbr.rel @!p0 .LBB2_34-.Ltmp1, $3  }
0x8f: {  	_ =	sdelay $0x1  }
0x90: {  	[sflag:s30] =	ssyncset.done $0x0  }
0x91: {  	s5 =	simm.s32 $0x5;
	[sflag:s30] =	ssyncadd.s32 $0xFFFFD000  }
.LBB2_1:
0x92: {  	s0 =	rddreg [dreg:$0x8]  }
0x93: {  	[tilespmem:s7], [sflag:$0x5] =	stream.linear.gather [hbm4b:s0+s7], $0x640, $0x38;
	[tilespmem:$0x1C980] =	vst v63  }
0x94: {  	_ =	swait.ge [sflag:s5], $0x640  }
0x95: {  	[sflag:s5] =	ssyncset.done $0x0  }
0x96: {  	[sflag:s5] =	ssyncadd.s32 $0xFFFFF9C0  }
0x97: {  	s1 =	simm.s32 $0x680;
	s20 =	rddreg [dreg:$0x1]  }
0x98: {  	[tilespmem:s1], [sflag:$0x5] =	stream.linear.gather [hbm4b:s20+s7], $0x400, $0x38;
	[tilespmem:$0x1C980] =	vst v63  }
0x99: {  	_ =	swait.ge [sflag:s5], $0x400  }
0x9a: {  	[sflag:s5] =	ssyncset.done $0x0  }
0x9b: {  	[sflag:s5] =	ssyncadd.s32 $0xFFFFFC00  }
0x9c: {  	s22 =	simm.s32 $0xA80;
	s21 =	rddreg [dreg:$0x2]  }
0x9d: {  	[tilespmem:s22], [sflag:$0x5] =	stream.linear.gather [hbm4b:s21+s7], $0x200, $0x38;
	[tilespmem:$0x1C980] =	vst v63  }
0x9e: {  	_ =	swait.ge [sflag:s5], $0x200  }
0x9f: {  	s24 =	simm.s32 $0xC80;
	s25 =	simm.s32 $0x0;
	[sflag:s5] =	ssyncset.done $0x0  }
0xa0: {  	s0 =	smul.u32 $0x6000, s25;
	s23 =	rddreg [dreg:$0x7];
	[sflag:s5] =	ssyncadd.s32 $0xFFFFFE00  }
0xa1: {  	[tilespmem:s24], [sflag:$0x5] =	stream.linear.gather [hbm4b:s23+s7], $0x640, $0x38;
	[tilespmem:$0x1C980] =	vst v63  }
0xa2: {  	_ =	swait.ge [sflag:s5], $0x640  }
0xa3: {  	s26 =	sand.u32 $0x380, s7;
	s0 =	sshra.s32 s0, $0x2;
	[sflag:s5] =	ssyncset.done $0x0  }
0xa4: {  	s9 =	sor.u32 s26, s0;
	[sflag:s5] =	ssyncadd.s32 $0xFFFFF9C0  }
0xa5: {  	s0 =	sadd.s32 $0x19980, s9;
	[tilespmem:s9+$0x19980] =	vst v0  }
0xa6: {  	[tilespmem:s0+$0x470] =	vst v0  }
0xa7: {  	[tilespmem:s0+$0x460] =	vst v0  }
0xa8: {  	[tilespmem:s0+$0x450] =	vst v0  }
0xa9: {  	[tilespmem:s0+$0x440] =	vst v0  }
0xaa: {  	[tilespmem:s0+$0x420] =	vst v0  }
0xab: {  	[tilespmem:s0+$0x430] =	vst v0  }
0xac: {  	[tilespmem:s0+$0x400] =	vst v0  }
0xad: {  	[tilespmem:s0+$0x410] =	vst v0  }
0xae: {  	[tilespmem:s0+$0x60] =	vst v0  }
0xaf: {  	[tilespmem:s0+$0x50] =	vst v0  }
0xb0: {  	[tilespmem:s0+$0x40] =	vst v0  }
0xb1: {  	[tilespmem:s0+$0x70] =	vst v0  }
0xb2: {  	[tilespmem:s0+$0x30] =	vst v0  }
0xb3: {  	[tilespmem:s0+$0x20] =	vst v0  }
0xb4: {  	s28 =	sadd.s32 $0x1A180, s9;
	[tilespmem:s0+$0x10] =	vst v0  }
0xb5: {  	[tilespmem:s28+$0x70] =	vst v0  }
0xb6: {  	[tilespmem:s28+$0x60] =	vst v0  }
0xb7: {  	[tilespmem:s9+$0x1A180] =	vst v0  }
0xb8: {  	[tilespmem:s28+$0x50] =	vst v0  }
0xb9: {  	[tilespmem:s28+$0x40] =	vst v0  }
0xba: {  	[tilespmem:s28+$0x30] =	vst v0  }
0xbb: {  	[tilespmem:s28+$0x20] =	vst v0  }
0xbc: {  	s30 =	sadd.s32 $0x1A580, s9;
	[tilespmem:s28+$0x10] =	vst v0  }
0xbd: {  	[tilespmem:s30+$0x70] =	vst v0  }
0xbe: {  	[tilespmem:s30+$0x60] =	vst v0  }
0xbf: {  	[tilespmem:s30+$0x50] =	vst v0  }
0xc0: {  	[tilespmem:s9+$0x1A580] =	vst v0  }
0xc1: {  	[tilespmem:s30+$0x40] =	vst v0  }
0xc2: {  	[tilespmem:s30+$0x20] =	vst v0  }
0xc3: {  	[tilespmem:s30+$0x30] =	vst v0  }
0xc4: {  	s31 =	sadd.s32 $0x1A980, s9;
	[tilespmem:s30+$0x10] =	vst v0  }
0xc5: {  	[tilespmem:s31+$0x70] =	vst v0  }
0xc6: {  	[tilespmem:s31+$0x60] =	vst v0  }
0xc7: {  	[tilespmem:s31+$0x50] =	vst v0  }
0xc8: {  	[tilespmem:s9+$0x1A980] =	vst v0  }
0xc9: {  	[tilespmem:s31+$0x40] =	vst v0  }
0xca: {  	[tilespmem:s31+$0x30] =	vst v0  }
0xcb: {  	[tilespmem:s31+$0x10] =	vst v0  }
0xcc: {  	s0 =	sadd.s32 $0x1AD80, s9;
	[tilespmem:s31+$0x20] =	vst v0  }
0xcd: {  	[tilespmem:s0+$0x70] =	vst v0  }
0xce: {  	[tilespmem:s0+$0x40] =	vst v0  }
0xcf: {  	s10 =	simm.s32 $0x0;
	s1 =	simm.s32 $0x1;
	[tilespmem:s0+$0x60] =	vst v0  }
.LBB2_2:
0xd0: {  	s2 =	sshrl.u32 s1, $0x3  }
0xd1: {  	[tilespmem:s9+$0x1AD80] =	vst v0;
	s10 =	sadd.s32 $0x80, s10;
	s3 =	smov.u32 s1;
	s13 =	sadd.s32 $0x1, s1  }
0xd2: {  	p0 =	sne.s32 s1, $0xF;
	s2 =	smul.u32 $0x6000, s2;
	[tilespmem:s0+$0x20] =	vst v0  }
0xd3: {  	[tilespmem:s0+$0x30] =	vst v0  }
0xd4: {  	s1 =	sand.u32 $0x380, s10;
	s2 =	sshra.s32 s2, $0x2;
	[tilespmem:s0+$0x10] =	vst v0  }
0xd5: {  	s9 =	sor.u32 s1, s2;
	[tilespmem:s0+$0x50] =	vst v0  }
0xd6: {  	s0 =	sadd.s32 $0x19980, s9;
	[tilespmem:s9+$0x19980] =	vst v0  }
0xd7: {  	[tilespmem:s0+$0x470] =	vst v0  }
0xd8: {  	[tilespmem:s0+$0x460] =	vst v0  }
0xd9: {  	[tilespmem:s0+$0x450] =	vst v0  }
0xda: {  	[tilespmem:s0+$0x440] =	vst v0  }
0xdb: {  	[tilespmem:s0+$0x420] =	vst v0  }
0xdc: {  	[tilespmem:s0+$0x430] =	vst v0  }
0xdd: {  	[tilespmem:s0+$0x400] =	vst v0  }
0xde: {  	[tilespmem:s0+$0x410] =	vst v0  }
0xdf: {  	[tilespmem:s0+$0x60] =	vst v0  }
0xe0: {  	[tilespmem:s0+$0x50] =	vst v0  }
0xe1: {  	[tilespmem:s0+$0x40] =	vst v0  }
0xe2: {  	[tilespmem:s0+$0x30] =	vst v0  }
0xe3: {  	[tilespmem:s0+$0x20] =	vst v0  }
0xe4: {  	[tilespmem:s0+$0x70] =	vst v0  }
0xe5: {  	[tilespmem:s0+$0x10] =	vst v0;
	s0 =	sadd.s32 $0x1A180, s9  }
0xe6: {  	[tilespmem:s0+$0x70] =	vst v0  }
0xe7: {  	[tilespmem:s0+$0x60] =	vst v0  }
0xe8: {  	[tilespmem:s9+$0x1A180] =	vst v0  }
0xe9: {  	[tilespmem:s0+$0x30] =	vst v0  }
0xea: {  	[tilespmem:s0+$0x20] =	vst v0  }
0xeb: {  	[tilespmem:s0+$0x10] =	vst v0  }
0xec: {  	[tilespmem:s0+$0x50] =	vst v0  }
0xed: {  	[tilespmem:s0+$0x40] =	vst v0;
	s0 =	sadd.s32 $0x1A580, s9  }
0xee: {  	[tilespmem:s0+$0x70] =	vst v0  }
0xef: {  	[tilespmem:s0+$0x60] =	vst v0  }
0xf0: {  	[tilespmem:s0+$0x50] =	vst v0  }
0xf1: {  	[tilespmem:s9+$0x1A580] =	vst v0  }
0xf2: {  	[tilespmem:s0+$0x20] =	vst v0  }
0xf3: {  	[tilespmem:s0+$0x30] =	vst v0  }
0xf4: {  	[tilespmem:s0+$0x10] =	vst v0  }
0xf5: {  	[tilespmem:s0+$0x40] =	vst v0;
	s0 =	sadd.s32 $0x1A980, s9  }
0xf6: {  	[tilespmem:s0+$0x70] =	vst v0  }
0xf7: {  	[tilespmem:s0+$0x60] =	vst v0  }
0xf8: {  	[tilespmem:s0+$0x50] =	vst v0  }
0xf9: {  	[tilespmem:s9+$0x1A980] =	vst v0  }
0xfa: {  	[tilespmem:s0+$0x30] =	vst v0  }
0xfb: {  	[tilespmem:s0+$0x10] =	vst v0  }
.Ltmp2:
0xfc: {  	[tilespmem:s0+$0x40] =	vst v0;
	(pc) =	sbr.rel @p0 .LBB2_2-.Ltmp2, $4  }
0xfd: {  	[tilespmem:s0+$0x20] =	vst v0;
	s0 =	sadd.s32 $0x1AD80, s9  }
0xfe: {  	[tilespmem:s0+$0x70] =	vst v0  }
0xff: {  	[tilespmem:s0+$0x40] =	vst v0  }
0x100: {  	s1 =	smov.u32 s13;
	[tilespmem:s0+$0x60] =	vst v0  }
0x101: {  	[tilespmem:s9+$0x1AD80] =	vst v0  }
0x102: {  	[tilespmem:s0+$0x50] =	vst v0  }
0x103: {  	[tilespmem:s0+$0x20] =	vst v0  }
0x104: {  	[tilespmem:s0+$0x30] =	vst v0  }
0x105: {  	s30 =	rddreg [dreg:$0x14];
	[tilespmem:s0+$0x10] =	vst v0  }
0x106: {  	v5 =	vld [tilespmem:s30+$0xA80];
	_ =	sdelay $0x4  }
0x107: {  	(v2sf) =	vpush v5, $0x0;
	_ =	sdelay $0xe  }
0x108: {  	s1 =	rddreg [dreg:$0x9];
	s31 =	spop (v2sf)  }
0x109: {  	s0 =	ssub.s32 s31, s1  }
0x10a: {  	p0 =	slt.s32 s0, $0x1  }
.Ltmp3:
0x10b: {  	_ = 	snop;
	(pc) =	sbr.rel @p0 .LBB2_5-.Ltmp3, $1  }
0x10c: {  	_ =	sdelay $0x3  }
0x10d: {  	v5 =	vld [tilespmem:$0x0];
	_ =	sdelay $0x4  }
0x10e: {  	v6 =	vshrl.u32 v5, $0x3  }
0x10f: {  	v6 =	vmul.u32 $0x30, v6  }
0x110: {  	v5 =	vand.u32 $0x7, v5  }
0x111: {  	v5 =	vor.u32 v5, v6  }
0x112: {  	v6 =	vperm.xlane v5, v2;
	_ =	sdelay $0x1  }
0x113: {  	v6 =	vadd.s32 v3, v6;
	_ =	sdelay $0x3  }
0x114: {  	s0 =	rddreg [dreg:$0x3];
	s1 =	simm.s32 $0x1980;
	v5 =	vperm.xlane v5, v4  }
0x115: {  	[tilespmem:s1], [sflag:$0x1] =	stream.indirect_vreg.gather [hbm4b:s0+s7], $0x80, v6, vm0, $0xb8;
	[tilespmem:$0x1C980] =	vst v63  }
0x116: {  	s31 =	rddreg [dreg:$0xa];
	s2 =	simm.s32 $0x2180;
	v5 =	vadd.s32 v3, v5  }
0x117: {  	[tilespmem:s2], [sflag:$0x1] =	stream.indirect_vreg.gather [hbm4b:s31+s7], $0x80, v6, vm0, $0xb8;
	[tilespmem:$0x1C980] =	vst v63  }
0x118: {  	s4 =	rddreg [dreg:$0xb];
	s3 =	simm.s32 $0x2980  }
0x119: {  	[tilespmem:s3], [sflag:$0x1] =	stream.indirect_vreg.gather [hbm4b:s4+s7], $0x80, v6, vm0, $0xb8;
	[tilespmem:$0x1C980] =	vst v63  }
0x11a: {  	s6 =	simm.s32 $0x3180  }
0x11b: {  	[tilespmem:s6], [sflag:$0x1] =	stream.indirect_vreg.gather [hbm4b:s0+s7], $0x80, v5, vm0, $0xb8;
	[tilespmem:$0x1C980] =	vst v63  }
0x11c: {  	s8 =	simm.s32 $0x3980  }
0x11d: {  	[tilespmem:s8], [sflag:$0x1] =	stream.indirect_vreg.gather [hbm4b:s31+s7], $0x80, v5, vm0, $0xb8;
	[tilespmem:$0x1C980] =	vst v63  }
0x11e: {  	s9 =	simm.s32 $0x4180  }
0x11f: {  	[tilespmem:s9], [sflag:$0x1] =	stream.indirect_vreg.gather [hbm4b:s4+s7], $0x80, v5, vm0, $0xb8;
	[tilespmem:$0x1C980] =	vst v63  }
0x120: {  	v5 =	vld [tilespmem:$0x10];
	_ =	sdelay $0x4  }
0x121: {  	v6 =	vshrl.u32 v5, $0x3  }
0x122: {  	v6 =	vmul.u32 $0x30, v6  }
0x123: {  	v5 =	vand.u32 $0x7, v5  }
0x124: {  	v5 =	vor.u32 v5, v6  }
0x125: {  	v6 =	vperm.xlane v5, v2;
	_ =	sdelay $0x1  }
0x126: {  	v6 =	vadd.s32 v3, v6;
	_ =	sdelay $0x3  }
0x127: {  	s10 =	simm.s32 $0x4980;
	v5 =	vperm.xlane v5, v4  }
0x128: {  	[tilespmem:s10], [sflag:$0x1] =	stream.indirect_vreg.gather [hbm4b:s0+s7], $0x80, v6, vm0, $0xb8;
	[tilespmem:$0x1C980] =	vst v63  }
0x129: {  	s11 =	simm.s32 $0x5180;
	v5 =	vadd.s32 v3, v5  }
0x12a: {  	[tilespmem:s11], [sflag:$0x1] =	stream.indirect_vreg.gather [hbm4b:s31+s7], $0x80, v6, vm0, $0xb8;
	[tilespmem:$0x1C980] =	vst v63  }
0x12b: {  	s12 =	simm.s32 $0x5980  }
0x12c: {  	[tilespmem:s12], [sflag:$0x1] =	stream.indirect_vreg.gather [hbm4b:s4+s7], $0x80, v6, vm0, $0xb8;
	[tilespmem:$0x1C980] =	vst v63  }
0x12d: {  	s13 =	simm.s32 $0x6180  }
0x12e: {  	[tilespmem:s13], [sflag:$0x1] =	stream.indirect_vreg.gather [hbm4b:s0+s7], $0x80, v5, vm0, $0xb8;
	[tilespmem:$0x1C980] =	vst v63  }
0x12f: {  	s14 =	simm.s32 $0x6980  }
0x130: {  	[tilespmem:s14], [sflag:$0x1] =	stream.indirect_vreg.gather [hbm4b:s31+s7], $0x80, v5, vm0, $0xb8;
	[tilespmem:$0x1C980] =	vst v63  }
0x131: {  	s17 =	simm.s32 $0x7180  }
0x132: {  	[tilespmem:s17], [sflag:$0x1] =	stream.indirect_vreg.gather [hbm4b:s4+s7], $0x80, v5, vm0, $0xb8;
	[tilespmem:$0x1C980] =	vst v63  }
0x133: {  	v5 =	vld [tilespmem:$0x20];
	_ =	sdelay $0x4  }
0x134: {  	v6 =	vshrl.u32 v5, $0x3  }
0x135: {  	v6 =	vmul.u32 $0x30, v6  }
0x136: {  	v5 =	vand.u32 $0x7, v5  }
0x137: {  	v5 =	vor.u32 v5, v6  }
0x138: {  	v6 =	vperm.xlane v5, v2;
	_ =	sdelay $0x1  }
0x139: {  	v6 =	vadd.s32 v3, v6;
	_ =	sdelay $0x3  }
0x13a: {  	s18 =	simm.s32 $0x7980;
	v5 =	vperm.xlane v5, v4  }
0x13b: {  	[tilespmem:s18], [sflag:$0x1] =	stream.indirect_vreg.gather [hbm4b:s0+s7], $0x80, v6, vm0, $0xb8;
	[tilespmem:$0x1C980] =	vst v63  }
0x13c: {  	s19 =	simm.s32 $0x8180;
	v5 =	vadd.s32 v3, v5  }
0x13d: {  	[tilespmem:s19], [sflag:$0x1] =	stream.indirect_vreg.gather [hbm4b:s31+s7], $0x80, v6, vm0, $0xb8;
	[tilespmem:$0x1C980] =	vst v63  }
0x13e: {  	s20 =	simm.s32 $0x8980  }
0x13f: {  	[tilespmem:s20], [sflag:$0x1] =	stream.indirect_vreg.gather [hbm4b:s4+s7], $0x80, v6, vm0, $0xb8;
	[tilespmem:$0x1C980] =	vst v63  }
0x140: {  	s21 =	simm.s32 $0x9180  }
0x141: {  	[tilespmem:s21], [sflag:$0x1] =	stream.indirect_vreg.gather [hbm4b:s0+s7], $0x80, v5, vm0, $0xb8;
	[tilespmem:$0x1C980] =	vst v63  }
0x142: {  	s22 =	simm.s32 $0x9980  }
0x143: {  	[tilespmem:s22], [sflag:$0x1] =	stream.indirect_vreg.gather [hbm4b:s31+s7], $0x80, v5, vm0, $0xb8;
	[tilespmem:$0x1C980] =	vst v63  }
0x144: {  	s23 =	simm.s32 $0xA180  }
0x145: {  	[tilespmem:s23], [sflag:$0x1] =	stream.indirect_vreg.gather [hbm4b:s4+s7], $0x80, v5, vm0, $0xb8;
	[tilespmem:$0x1C980] =	vst v63  }
0x146: {  	v5 =	vld [tilespmem:$0x30];
	_ =	sdelay $0x4  }
0x147: {  	v6 =	vshrl.u32 v5, $0x3  }
0x148: {  	v6 =	vmul.u32 $0x30, v6  }
0x149: {  	v5 =	vand.u32 $0x7, v5  }
0x14a: {  	v5 =	vor.u32 v5, v6  }
0x14b: {  	v6 =	vperm.xlane v5, v2;
	_ =	sdelay $0x1  }
0x14c: {  	v6 =	vadd.s32 v3, v6;
	_ =	sdelay $0x3  }
0x14d: {  	s24 =	simm.s32 $0xA980;
	v5 =	vperm.xlane v5, v4  }
0x14e: {  	[tilespmem:s24], [sflag:$0x1] =	stream.indirect_vreg.gather [hbm4b:s0+s7], $0x80, v6, vm0, $0xb8;
	[tilespmem:$0x1C980] =	vst v63  }
0x14f: {  	s25 =	simm.s32 $0xB180;
	v5 =	vadd.s32 v3, v5  }
0x150: {  	[tilespmem:s25], [sflag:$0x1] =	stream.indirect_vreg.gather [hbm4b:s31+s7], $0x80, v6, vm0, $0xb8;
	[tilespmem:$0x1C980] =	vst v63  }
0x151: {  	s26 =	simm.s32 $0xB980  }
0x152: {  	[tilespmem:s26], [sflag:$0x1] =	stream.indirect_vreg.gather [hbm4b:s4+s7], $0x80, v6, vm0, $0xb8;
	[tilespmem:$0x1C980] =	vst v63  }
0x153: {  	s28 =	simm.s32 $0xC180  }
0x154: {  	[tilespmem:s28], [sflag:$0x1] =	stream.indirect_vreg.gather [hbm4b:s0+s7], $0x80, v5, vm0, $0xb8;
	[tilespmem:$0x1C980] =	vst v63  }
0x155: {  	s30 =	simm.s32 $0xC980  }
0x156: {  	[tilespmem:s30], [sflag:$0x1] =	stream.indirect_vreg.gather [hbm4b:s31+s7], $0x80, v5, vm0, $0xb8;
	[tilespmem:$0x1C980] =	vst v63  }
0x157: {  	s31 =	simm.s32 $0xD180  }
0x158: {  	[tilespmem:s31], [sflag:$0x1] =	stream.indirect_vreg.gather [hbm4b:s4+s7], $0x80, v5, vm0, $0xb8;
	[tilespmem:$0x1C980] =	vst v63  }
.LBB2_5:
0x159: {  	s0 =	rddreg [dreg:$0x15]  }
0x15a: {  	v5 =	vld [tilespmem:s0+$0xA80];
	_ =	sdelay $0x4  }
0x15b: {  	(v2sf) =	vpush v5, $0x0;
	_ =	sdelay $0xe  }
0x15c: {  	s1 =	rddreg [dreg:$0xc];
	s31 =	spop (v2sf)  }
0x15d: {  	s0 =	ssub.s32 s31, s1  }
0x15e: {  	p0 =	slt.s32 s0, $0x1  }
.Ltmp4:
0x15f: {  	_ = 	snop;
	(pc) =	sbr.rel @p0 .LBB2_7-.Ltmp4, $1  }
0x160: {  	_ =	sdelay $0x3  }
0x161: {  	v5 =	vld [tilespmem:$0x40];
	_ =	sdelay $0x4  }
0x162: {  	v6 =	vshrl.u32 v5, $0x3  }
0x163: {  	v6 =	vmul.u32 $0x30, v6  }
0x164: {  	v5 =	vand.u32 $0x7, v5  }
0x165: {  	v5 =	vor.u32 v5, v6  }
0x166: {  	v6 =	vperm.xlane v5, v2;
	_ =	sdelay $0x1  }
0x167: {  	v6 =	vadd.s32 v3, v6;
	_ =	sdelay $0x3  }
0x168: {  	s0 =	rddreg [dreg:$0x3];
	s1 =	simm.s32 $0xD980;
	v5 =	vperm.xlane v5, v4  }
0x169: {  	[tilespmem:s1], [sflag:$0x2] =	stream.indirect_vreg.gather [hbm4b:s0+s7], $0x80, v6, vm0, $0xb8;
	[tilespmem:$0x1C980] =	vst v63  }
0x16a: {  	s31 =	rddreg [dreg:$0xa];
	s2 =	simm.s32 $0xE180;
	v5 =	vadd.s32 v3, v5  }
0x16b: {  	[tilespmem:s2], [sflag:$0x2] =	stream.indirect_vreg.gather [hbm4b:s31+s7], $0x80, v6, vm0, $0xb8;
	[tilespmem:$0x1C980] =	vst v63  }
0x16c: {  	s4 =	rddreg [dreg:$0xb];
	s3 =	simm.s32 $0xE980  }
0x16d: {  	[tilespmem:s3], [sflag:$0x2] =	stream.indirect_vreg.gather [hbm4b:s4+s7], $0x80, v6, vm0, $0xb8;
	[tilespmem:$0x1C980] =	vst v63  }
0x16e: {  	s6 =	simm.s32 $0xF180  }
0x16f: {  	[tilespmem:s6], [sflag:$0x2] =	stream.indirect_vreg.gather [hbm4b:s0+s7], $0x80, v5, vm0, $0xb8;
	[tilespmem:$0x1C980] =	vst v63  }
0x170: {  	s8 =	simm.s32 $0xF980  }
0x171: {  	[tilespmem:s8], [sflag:$0x2] =	stream.indirect_vreg.gather [hbm4b:s31+s7], $0x80, v5, vm0, $0xb8;
	[tilespmem:$0x1C980] =	vst v63  }
0x172: {  	s9 =	simm.s32 $0x10180  }
0x173: {  	[tilespmem:s9], [sflag:$0x2] =	stream.indirect_vreg.gather [hbm4b:s4+s7], $0x80, v5, vm0, $0xb8;
	[tilespmem:$0x1C980] =	vst v63  }
0x174: {  	v5 =	vld [tilespmem:$0x50];
	_ =	sdelay $0x4  }
0x175: {  	v6 =	vshrl.u32 v5, $0x3  }
0x176: {  	v6 =	vmul.u32 $0x30, v6  }
0x177: {  	v5 =	vand.u32 $0x7, v5  }
0x178: {  	v5 =	vor.u32 v5, v6  }
0x179: {  	v6 =	vperm.xlane v5, v2;
	_ =	sdelay $0x1  }
0x17a: {  	v6 =	vadd.s32 v3, v6;
	_ =	sdelay $0x3  }
0x17b: {  	s10 =	simm.s32 $0x10980;
	v5 =	vperm.xlane v5, v4  }
0x17c: {  	[tilespmem:s10], [sflag:$0x2] =	stream.indirect_vreg.gather [hbm4b:s0+s7], $0x80, v6, vm0, $0xb8;
	[tilespmem:$0x1C980] =	vst v63  }
0x17d: {  	s11 =	simm.s32 $0x11180;
	v5 =	vadd.s32 v3, v5  }
0x17e: {  	[tilespmem:s11], [sflag:$0x2] =	stream.indirect_vreg.gather [hbm4b:s31+s7], $0x80, v6, vm0, $0xb8;
	[tilespmem:$0x1C980] =	vst v63  }
0x17f: {  	s12 =	simm.s32 $0x11980  }
0x180: {  	[tilespmem:s12], [sflag:$0x2] =	stream.indirect_vreg.gather [hbm4b:s4+s7], $0x80, v6, vm0, $0xb8;
	[tilespmem:$0x1C980] =	vst v63  }
0x181: {  	s13 =	simm.s32 $0x12180  }
0x182: {  	[tilespmem:s13], [sflag:$0x2] =	stream.indirect_vreg.gather [hbm4b:s0+s7], $0x80, v5, vm0, $0xb8;
	[tilespmem:$0x1C980] =	vst v63  }
0x183: {  	s14 =	simm.s32 $0x12980  }
0x184: {  	[tilespmem:s14], [sflag:$0x2] =	stream.indirect_vreg.gather [hbm4b:s31+s7], $0x80, v5, vm0, $0xb8;
	[tilespmem:$0x1C980] =	vst v63  }
0x185: {  	s17 =	simm.s32 $0x13180  }
0x186: {  	[tilespmem:s17], [sflag:$0x2] =	stream.indirect_vreg.gather [hbm4b:s4+s7], $0x80, v5, vm0, $0xb8;
	[tilespmem:$0x1C980] =	vst v63  }
0x187: {  	v5 =	vld [tilespmem:$0x60];
	_ =	sdelay $0x4  }
0x188: {  	v6 =	vshrl.u32 v5, $0x3  }
0x189: {  	v6 =	vmul.u32 $0x30, v6  }
0x18a: {  	v5 =	vand.u32 $0x7, v5  }
0x18b: {  	v5 =	vor.u32 v5, v6  }
0x18c: {  	v6 =	vperm.xlane v5, v2;
	_ =	sdelay $0x1  }
0x18d: {  	v6 =	vadd.s32 v3, v6;
	_ =	sdelay $0x3  }
0x18e: {  	s18 =	simm.s32 $0x13980;
	v5 =	vperm.xlane v5, v4  }
0x18f: {  	[tilespmem:s18], [sflag:$0x2] =	stream.indirect_vreg.gather [hbm4b:s0+s7], $0x80, v6, vm0, $0xb8;
	[tilespmem:$0x1C980] =	vst v63  }
0x190: {  	s19 =	simm.s32 $0x14180;
	v5 =	vadd.s32 v3, v5  }
0x191: {  	[tilespmem:s19], [sflag:$0x2] =	stream.indirect_vreg.gather [hbm4b:s31+s7], $0x80, v6, vm0, $0xb8;
	[tilespmem:$0x1C980] =	vst v63  }
0x192: {  	s20 =	simm.s32 $0x14980  }
0x193: {  	[tilespmem:s20], [sflag:$0x2] =	stream.indirect_vreg.gather [hbm4b:s4+s7], $0x80, v6, vm0, $0xb8;
	[tilespmem:$0x1C980] =	vst v63  }
0x194: {  	s21 =	simm.s32 $0x15180  }
0x195: {  	[tilespmem:s21], [sflag:$0x2] =	stream.indirect_vreg.gather [hbm4b:s0+s7], $0x80, v5, vm0, $0xb8;
	[tilespmem:$0x1C980] =	vst v63  }
0x196: {  	s22 =	simm.s32 $0x15980  }
0x197: {  	[tilespmem:s22], [sflag:$0x2] =	stream.indirect_vreg.gather [hbm4b:s31+s7], $0x80, v5, vm0, $0xb8;
	[tilespmem:$0x1C980] =	vst v63  }
0x198: {  	s23 =	simm.s32 $0x16180  }
0x199: {  	[tilespmem:s23], [sflag:$0x2] =	stream.indirect_vreg.gather [hbm4b:s4+s7], $0x80, v5, vm0, $0xb8;
	[tilespmem:$0x1C980] =	vst v63  }
0x19a: {  	v5 =	vld [tilespmem:$0x70];
	_ =	sdelay $0x4  }
0x19b: {  	v6 =	vshrl.u32 v5, $0x3  }
0x19c: {  	v6 =	vmul.u32 $0x30, v6  }
0x19d: {  	v5 =	vand.u32 $0x7, v5  }
0x19e: {  	v5 =	vor.u32 v5, v6  }
0x19f: {  	v6 =	vperm.xlane v5, v2;
	_ =	sdelay $0x1  }
0x1a0: {  	v6 =	vadd.s32 v3, v6;
	_ =	sdelay $0x3  }
0x1a1: {  	s24 =	simm.s32 $0x16980;
	v5 =	vperm.xlane v5, v4  }
0x1a2: {  	[tilespmem:s24], [sflag:$0x2] =	stream.indirect_vreg.gather [hbm4b:s0+s7], $0x80, v6, vm0, $0xb8;
	[tilespmem:$0x1C980] =	vst v63  }
0x1a3: {  	s25 =	simm.s32 $0x17180;
	v5 =	vadd.s32 v3, v5  }
0x1a4: {  	[tilespmem:s25], [sflag:$0x2] =	stream.indirect_vreg.gather [hbm4b:s31+s7], $0x80, v6, vm0, $0xb8;
	[tilespmem:$0x1C980] =	vst v63  }
0x1a5: {  	s26 =	simm.s32 $0x17980  }
0x1a6: {  	[tilespmem:s26], [sflag:$0x2] =	stream.indirect_vreg.gather [hbm4b:s4+s7], $0x80, v6, vm0, $0xb8;
	[tilespmem:$0x1C980] =	vst v63  }
0x1a7: {  	s28 =	simm.s32 $0x18180  }
0x1a8: {  	[tilespmem:s28], [sflag:$0x2] =	stream.indirect_vreg.gather [hbm4b:s0+s7], $0x80, v5, vm0, $0xb8;
	[tilespmem:$0x1C980] =	vst v63  }
0x1a9: {  	s30 =	simm.s32 $0x18980  }
0x1aa: {  	[tilespmem:s30], [sflag:$0x2] =	stream.indirect_vreg.gather [hbm4b:s31+s7], $0x80, v5, vm0, $0xb8;
	[tilespmem:$0x1C980] =	vst v63  }
0x1ab: {  	s31 =	simm.s32 $0x19180  }
0x1ac: {  	[tilespmem:s31], [sflag:$0x2] =	stream.indirect_vreg.gather [hbm4b:s4+s7], $0x80, v5, vm0, $0xb8;
	[tilespmem:$0x1C980] =	vst v63  }
.LBB2_7:
0x1ad: {  	[dreg:$0x17] =	wrdreg s29  }
0x1ae: {  	s1 =	rddreg [dreg:$0xe]  }
0x1af: {  	s0 =	simm.s32 $0x0;
	s2 =	simm.s32 $0x40;
	s3 =	sand.u32 $0x3F0, s1  }
.LBB2_8:
0x1b0: {  	p0 =	sne.s32 s2, $0x18C0;
	v5 =	vld [tilespmem:s3+$0x680];
	_ =	sdelay $0x2  }
.Ltmp5:
0x1b1: {  	s3 =	sshrl.u32 s1, $0xA;
	(pc) =	sbr.rel @p0 .LBB2_8-.Ltmp5, $4  }
0x1b2: {  	v6 =	vmov s3  }
0x1b3: {  	vm1 =	vlt.s32 v6, v5  }
0x1b4: {  	s4 =	sshra.s32 s0, $0x2;
	s1 =	sadd.s32 $0x10, s1;
	s0 =	smov.u32 s2;
	v5 =	vsel vm1, $0x1, v1  }
0x1b5: {  	s2 =	sadd.s32 $0x40, s2;
	s3 =	sand.u32 $0x3F0, s1;
	[tilespmem:s4+$0x1300] =	vst v5  }
0x1b6: {  	v5 =	vld [tilespmem:s3+$0x680];
	_ =	sdelay $0x2  }
0x1b7: {  	s1 =	sshrl.u32 s1, $0xA  }
0x1b8: {  	v6 =	vmov s1  }
0x1b9: {  	vm1 =	vlt.s32 v6, v5  }
0x1ba: {  	s0 =	sshra.s32 s0, $0x2;
	s30 =	simm.s32 $0x0;
	v5 =	vsel vm1, $0x1, v1  }
.Ltmp6:
0x1bb: {  	s29 =	rddreg [dreg:$0xd];
	s31 =	simm.s32 $0x1300;
	[tilespmem:s0+$0x1300] =	vst v5;
	(pc) =	sbr.rel .LBB2_10-.Ltmp6, $4  }
0x1bc: {  	[hbm4b:s29+s30] =	stream.linear.scatter [tilespmem:s31], [sflag:$0x5], $0x640, $0x38;
	[tilespmem:$0x1C980] =	vst v63  }
0x1bd: {  	_ =	swait.ge [sflag:s5], $0x640  }
0x1be: {  	[sflag:s5] =	ssyncset.done $0x0;
	s22 =	rddreg [dreg:$0x12]  }
0x1bf: {  	[sflag:s5] =	ssyncadd.s32 $0xFFFFF9C0;
	s5 =	rddreg [dreg:$0x11]  }
.LBB2_20:
0x1c0: {  	s14 =	simm.s32 @!p0 $0x19180;
	s18 =	simm.s32 @!p0 $0x18180;
	s19 =	simm.s32 @!p0 $0x17180  }
0x1c1: {  	s23 =	simm.s32 @!p0 $0x16180;
	s24 =	simm.s32 @!p0 $0x15180;
	s25 =	simm.s32 @!p0 $0x14180  }
0x1c2: {  	s17 =	simm.s32 @!p0 $0x13180;
	s0 =	simm.s32 @!p0 $0x12180;
	s2 =	simm.s32 @!p0 $0x11180  }
0x1c3: {  	s4 =	simm.s32 @!p0 $0x10180;
	s5 =	simm.s32 @!p0 $0xF180;
	s9 =	simm.s32 @!p0 $0xE180  }
0x1c4: {  	s31 =	simm.s32 @!p0 $0xD980;
	s12 =	simm.s32 @!p0 $0xE980;
	s11 =	simm.s32 @!p0 $0xF980  }
0x1c5: {  	s3 =	simm.s32 @!p0 $0x10980;
	s6 =	simm.s32 @!p0 $0x11980;
	s29 =	simm.s32 @!p0 $0x12980  }
0x1c6: {  	s28 =	simm.s32 @!p0 $0x13980;
	s1 =	simm.s32 @!p0 $0x14980;
	s26 =	simm.s32 @!p0 $0x15980  }
0x1c7: {  	s8 =	simm.s32 @!p0 $0x16980;
	s21 =	simm.s32 @!p0 $0x17980;
	s20 =	simm.s32 @!p0 $0x18980  }
0x1c8: {  	s31 =	simm.s32 @p0 $0x19980;
	s9 =	simm.s32 @p0 $0x1A180;
	s12 =	simm.s32 @p0 $0x1A980  }
0x1c9: {  	s5 =	simm.s32 @p0 $0x1B180;
	s11 =	simm.s32 @p0 $0x1B980;
	s4 =	simm.s32 @p0 $0x1C180  }
0x1ca: {  	s3 =	simm.s32 @p0 $0x19980;
	s2 =	simm.s32 @p0 $0x1A180;
	s6 =	simm.s32 @p0 $0x1A980  }
0x1cb: {  	s0 =	simm.s32 @p0 $0x1B180;
	s29 =	simm.s32 @p0 $0x1B980;
	s17 =	simm.s32 @p0 $0x1C180  }
0x1cc: {  	s28 =	simm.s32 @p0 $0x19980;
	s25 =	simm.s32 @p0 $0x1A180;
	s1 =	simm.s32 @p0 $0x1A980  }
0x1cd: {  	s24 =	simm.s32 @p0 $0x1B180;
	s26 =	simm.s32 @p0 $0x1B980;
	s23 =	simm.s32 @p0 $0x1C180  }
0x1ce: {  	s8 =	simm.s32 @p0 $0x19980;
	s19 =	simm.s32 @p0 $0x1A180;
	s21 =	simm.s32 @p0 $0x1A980  }
0x1cf: {  	s18 =	simm.s32 @p0 $0x1B180;
	s20 =	simm.s32 @p0 $0x1B980;
	s14 =	simm.s32 @p0 $0x1C180  }
.LBB2_24:
0x1d0: {  	v5 =	vld [tilespmem:s13+$0xC80];
	_ =	sdelay $0x4  }
0x1d1: {  	v6 =	vshrl.u32 v5, $0x3  }
0x1d2: {  	v6 =	vmul.u32 $0x30, v6  }
0x1d3: {  	v5 =	vand.u32 $0x7, v5  }
0x1d4: {  	v5 =	vor.u32 v5, v6  }
0x1d5: {  	v6 =	vperm.xlane v5, v2;
	_ =	sdelay $0x1  }
0x1d6: {  	v6 =	vadd.s32 v3, v6;
	_ =	sdelay $0x3  }
0x1d7: {  	s13 =	rddreg [dreg:$0x4];
	v5 =	vperm.xlane v5, v4  }
0x1d8: {  	[hbm4b:s13+s7] =	stream.indirect_vreg.scatter [tilespmem:s31], [sflag:$0x4], $0x80, v6, vm0, $0xb8;
	[tilespmem:$0x1C980] =	vst v63  }
0x1d9: {  	v5 =	vadd.s32 v3, v5  }
0x1da: {  	[hbm4b:s15+s7] =	stream.indirect_vreg.scatter [tilespmem:s9], [sflag:$0x4], $0x80, v6, vm0, $0xb8;
	[tilespmem:$0x1C980] =	vst v63  }
0x1db: {  	_ = 	snop  }
0x1dc: {  	[hbm4b:s16+s7] =	stream.indirect_vreg.scatter [tilespmem:s12], [sflag:$0x4], $0x80, v6, vm0, $0xb8;
	[tilespmem:$0x1C980] =	vst v63  }
0x1dd: {  	_ = 	snop  }
0x1de: {  	[hbm4b:s13+s7] =	stream.indirect_vreg.scatter [tilespmem:s5], [sflag:$0x4], $0x80, v5, vm0, $0xb8;
	[tilespmem:$0x1C980] =	vst v63  }
0x1df: {  	_ = 	snop  }
0x1e0: {  	[hbm4b:s15+s7] =	stream.indirect_vreg.scatter [tilespmem:s11], [sflag:$0x4], $0x80, v5, vm0, $0xb8;
	[tilespmem:$0x1C980] =	vst v63  }
0x1e1: {  	_ = 	snop  }
0x1e2: {  	[hbm4b:s16+s7] =	stream.indirect_vreg.scatter [tilespmem:s4], [sflag:$0x4], $0x80, v5, vm0, $0xb8;
	[tilespmem:$0x1C980] =	vst v63  }
0x1e3: {  	v5 =	vld [tilespmem:s10+$0xCD0];
	_ =	sdelay $0x4  }
0x1e4: {  	v6 =	vshrl.u32 v5, $0x3  }
0x1e5: {  	v6 =	vmul.u32 $0x30, v6  }
0x1e6: {  	v5 =	vand.u32 $0x7, v5  }
0x1e7: {  	v5 =	vor.u32 v5, v6  }
0x1e8: {  	v6 =	vperm.xlane v5, v2;
	_ =	sdelay $0x1  }
0x1e9: {  	v6 =	vadd.s32 v3, v6;
	_ =	sdelay $0x3  }
0x1ea: {  	v5 =	vperm.xlane v5, v4  }
0x1eb: {  	[hbm4b:s13+s7] =	stream.indirect_vreg.scatter [tilespmem:s3], [sflag:$0x4], $0x80, v6, vm0, $0xb8;
	[tilespmem:$0x1C980] =	vst v63  }
0x1ec: {  	v5 =	vadd.s32 v3, v5  }
0x1ed: {  	[hbm4b:s15+s7] =	stream.indirect_vreg.scatter [tilespmem:s2], [sflag:$0x4], $0x80, v6, vm0, $0xb8;
	[tilespmem:$0x1C980] =	vst v63  }
0x1ee: {  	_ = 	snop  }
0x1ef: {  	[hbm4b:s16+s7] =	stream.indirect_vreg.scatter [tilespmem:s6], [sflag:$0x4], $0x80, v6, vm0, $0xb8;
	[tilespmem:$0x1C980] =	vst v63  }
0x1f0: {  	_ = 	snop  }
0x1f1: {  	[hbm4b:s13+s7] =	stream.indirect_vreg.scatter [tilespmem:s0], [sflag:$0x4], $0x80, v5, vm0, $0xb8;
	[tilespmem:$0x1C980] =	vst v63  }
0x1f2: {  	_ = 	snop  }
0x1f3: {  	[hbm4b:s15+s7] =	stream.indirect_vreg.scatter [tilespmem:s29], [sflag:$0x4], $0x80, v5, vm0, $0xb8;
	[tilespmem:$0x1C980] =	vst v63  }
0x1f4: {  	_ = 	snop  }
0x1f5: {  	[hbm4b:s16+s7] =	stream.indirect_vreg.scatter [tilespmem:s17], [sflag:$0x4], $0x80, v5, vm0, $0xb8;
	[tilespmem:$0x1C980] =	vst v63  }
0x1f6: {  	v5 =	vld [tilespmem:s10+$0xCE0];
	_ =	sdelay $0x4  }
0x1f7: {  	v6 =	vshrl.u32 v5, $0x3  }
0x1f8: {  	v6 =	vmul.u32 $0x30, v6  }
0x1f9: {  	v5 =	vand.u32 $0x7, v5  }
0x1fa: {  	v5 =	vor.u32 v5, v6  }
0x1fb: {  	v6 =	vperm.xlane v5, v2;
	_ =	sdelay $0x1  }
0x1fc: {  	v6 =	vadd.s32 v3, v6;
	_ =	sdelay $0x3  }
0x1fd: {  	v5 =	vperm.xlane v5, v4  }
0x1fe: {  	[hbm4b:s13+s7] =	stream.indirect_vreg.scatter [tilespmem:s28], [sflag:$0x4], $0x80, v6, vm0, $0xb8;
	[tilespmem:$0x1C980] =	vst v63  }
0x1ff: {  	v5 =	vadd.s32 v3, v5  }
0x200: {  	[hbm4b:s15+s7] =	stream.indirect_vreg.scatter [tilespmem:s25], [sflag:$0x4], $0x80, v6, vm0, $0xb8;
	[tilespmem:$0x1C980] =	vst v63  }
0x201: {  	_ = 	snop  }
0x202: {  	[hbm4b:s16+s7] =	stream.indirect_vreg.scatter [tilespmem:s1], [sflag:$0x4], $0x80, v6, vm0, $0xb8;
	[tilespmem:$0x1C980] =	vst v63  }
0x203: {  	_ = 	snop  }
0x204: {  	[hbm4b:s13+s7] =	stream.indirect_vreg.scatter [tilespmem:s24], [sflag:$0x4], $0x80, v5, vm0, $0xb8;
	[tilespmem:$0x1C980] =	vst v63  }
0x205: {  	_ = 	snop  }
0x206: {  	[hbm4b:s15+s7] =	stream.indirect_vreg.scatter [tilespmem:s26], [sflag:$0x4], $0x80, v5, vm0, $0xb8;
	[tilespmem:$0x1C980] =	vst v63  }
0x207: {  	_ = 	snop  }
0x208: {  	[hbm4b:s16+s7] =	stream.indirect_vreg.scatter [tilespmem:s23], [sflag:$0x4], $0x80, v5, vm0, $0xb8;
	[tilespmem:$0x1C980] =	vst v63  }
0x209: {  	v5 =	vld [tilespmem:s10+$0xCF0];
	_ =	sdelay $0x4  }
0x20a: {  	v6 =	vshrl.u32 v5, $0x3  }
0x20b: {  	v6 =	vmul.u32 $0x30, v6  }
0x20c: {  	v5 =	vand.u32 $0x7, v5  }
0x20d: {  	v5 =	vor.u32 v5, v6  }
0x20e: {  	v6 =	vperm.xlane v5, v2;
	_ =	sdelay $0x1  }
0x20f: {  	v6 =	vadd.s32 v3, v6;
	_ =	sdelay $0x3  }
0x210: {  	v5 =	vperm.xlane v5, v4  }
0x211: {  	[hbm4b:s13+s7] =	stream.indirect_vreg.scatter [tilespmem:s8], [sflag:$0x4], $0x80, v6, vm0, $0xb8;
	[tilespmem:$0x1C980] =	vst v63  }
0x212: {  	v5 =	vadd.s32 v3, v5  }
0x213: {  	[hbm4b:s15+s7] =	stream.indirect_vreg.scatter [tilespmem:s19], [sflag:$0x4], $0x80, v6, vm0, $0xb8;
	[tilespmem:$0x1C980] =	vst v63  }
0x214: {  	s30 =	sadd.s32 $0x1, s30  }
0x215: {  	[hbm4b:s16+s7] =	stream.indirect_vreg.scatter [tilespmem:s21], [sflag:$0x4], $0x80, v6, vm0, $0xb8;
	[tilespmem:$0x1C980] =	vst v63  }
0x216: {  	p0 =	sne.s32 s30, $0xC  }
0x217: {  	[hbm4b:s13+s7] =	stream.indirect_vreg.scatter [tilespmem:s18], [sflag:$0x4], $0x80, v5, vm0, $0xb8;
	[tilespmem:$0x1C980] =	vst v63  }
.Ltmp7:
0x218: {  	_ = 	snop;
	(pc) =	sbr.rel @!p0 .LBB2_25-.Ltmp7, $4  }
0x219: {  	s31 =	rddreg [dreg:$0x19]  }
0x21a: {  	[hbm4b:s15+s7] =	stream.indirect_vreg.scatter [tilespmem:s20], [sflag:$0x4], $0x80, v5, vm0, $0xb8;
	[tilespmem:$0x1C980] =	vst v63  }
0x21b: {  	s22 =	sadd.s32 $0x2, s22;
	s5 =	sadd.s32 $0x2, s31  }
0x21c: {  	[hbm4b:s16+s7] =	stream.indirect_vreg.scatter [tilespmem:s14], [sflag:$0x4], $0x80, v5, vm0, $0xb8;
	[tilespmem:$0x1C980] =	vst v63  }
.LBB2_10:
0x21d: {  	s9 =	sshll.u32 s30, $0x7;
	s2 =	rddreg [dreg:$0x6]  }
0x21e: {  	s0 =	sadd.s32 s2, s9  }
0x21f: {  	s1 =	sshrl.u32 s0, $0x5  }
0x220: {  	s1 =	sand.u32 $0x3FFFFE0, s1  }
0x221: {  	s14 =	sshrl.u32 s1, $0x2  }
0x222: {  	v5 =	vld [tilespmem:s14+$0xA80];
	_ =	sdelay $0x4  }
0x223: {  	(v2sf) =	vpush v5, $0x0;
	_ =	sdelay $0xe  }
0x224: {  	s10 =	sand.u32 $0x3C0, s0;
	s29 =	spop (v2sf)  }
0x225: {  	s0 =	ssub.s32 s29, s10  }
0x226: {  	p1 =	slt.s32 s0, $0x1  }
0x227: {  	s0 =	simm.s32 @!p1 $0x1  }
0x228: {  	_ =	swait.ge @!p1 [sflag:s0], $0xC000  }
0x229: {  	p0 =	seq.s32 s30, $0x0;
	[sflag:s0] =	ssyncset.done @!p1 $0x0  }
0x22a: {  	s1 =	simm.s32 @!p0 $0x4;
	[sflag:s0] =	ssyncadd.s32 @!p1 $0xFFFF4000  }
0x22b: {  	_ =	swait.ge @!p0 [sflag:s1], $0x3000  }
0x22c: {  	[sflag:s1] =	ssyncset.done @!p0 $0x0  }
0x22d: {  	[sflag:s1] =	ssyncadd.s32 @!p0 $0xFFFFD000  }
0x22e: {  	_ =	swait.ge @!p0 [sflag:s1], $0x3000  }
0x22f: {  	[sflag:s1] =	ssyncset.done @!p0 $0x0  }
0x230: {  	[sflag:s1] =	ssyncadd.s32 @!p0 $0xFFFFD000  }
0x231: {  	s31 =	sshll.u32 s30, $0x1;
	_ =	swait.ge @!p0 [sflag:s1], $0x3000  }
0x232: {  	s6 =	sor.u32 $0x1, s31;
	[sflag:s1] =	ssyncset.done @!p0 $0x0  }
0x233: {  	s0 =	sshll.u32 @!p0 s6, $0x6;
	[sflag:s1] =	ssyncadd.s32 @!p0 $0xFFFFD000  }
0x234: {  	s2 =	sadd.s32 @!p0 s2, s0;
	_ =	swait.ge @!p0 [sflag:s1], $0x3000  }
0x235: {  	s3 =	sshrl.u32 @!p0 s2, $0x7;
	[sflag:s1] =	ssyncset.done @!p0 $0x0  }
0x236: {  	[sflag:s1] =	ssyncadd.s32 @!p0 $0xFFFFD000;
	s1 =	sand.u32 @!p0 $0xFFFFF8, s3  }
0x237: {  	v5 =	vld @!p0 [tilespmem:s1+$0xA80];
	_ =	sdelay $0x4  }
0x238: {  	(v2sf) =	vpush @!p0 v5, $0x0;
	_ =	sdelay $0xe  }
0x239: {  	s1 =	sand.u32 @!p0 $0x3C0, s2;
	s2 =	spop @!p0 (v2sf)  }
0x23a: {  	s1 =	ssub.s32 @!p0 s2, s1  }
0x23b: {  	p1 =	slt.s32 @!p0 s1, $0x1  }
0x23c: {  	p0 =	por p0, p1  }
.Ltmp8:
0x23d: {  	_ = 	snop;
	(pc) =	sbr.rel @p0 .LBB2_12-.Ltmp8, $1  }
0x23e: {  	_ =	sdelay $0x3  }
0x23f: {  	v5 =	vld [tilespmem:s0+$0x0];
	_ =	sdelay $0x4  }
0x240: {  	v6 =	vshrl.u32 v5, $0x3  }
0x241: {  	v6 =	vmul.u32 $0x30, v6  }
0x242: {  	v5 =	vand.u32 $0x7, v5  }
0x243: {  	v5 =	vor.u32 v5, v6  }
0x244: {  	v6 =	vperm.xlane v5, v2;
	_ =	sdelay $0x1  }
0x245: {  	v6 =	vadd.s32 v3, v6;
	_ =	sdelay $0x3  }
0x246: {  	s1 =	rddreg [dreg:$0x3];
	s2 =	simm.s32 $0xD980;
	v5 =	vperm.xlane v5, v4  }
0x247: {  	[tilespmem:s2], [sflag:$0x2] =	stream.indirect_vreg.gather [hbm4b:s1+s7], $0x80, v6, vm0, $0xb8;
	[tilespmem:$0x1C980] =	vst v63  }
0x248: {  	s3 =	simm.s32 $0xE180;
	v5 =	vadd.s32 v3, v5;
	s2 =	rddreg [dreg:$0xa]  }
0x249: {  	[tilespmem:s3], [sflag:$0x2] =	stream.indirect_vreg.gather [hbm4b:s2+s7], $0x80, v6, vm0, $0xb8;
	[tilespmem:$0x1C980] =	vst v63  }
0x24a: {  	s4 =	simm.s32 $0xE980;
	s3 =	rddreg [dreg:$0xb]  }
0x24b: {  	[tilespmem:s4], [sflag:$0x2] =	stream.indirect_vreg.gather [hbm4b:s3+s7], $0x80, v6, vm0, $0xb8;
	[tilespmem:$0x1C980] =	vst v63  }
0x24c: {  	s25 =	simm.s32 $0xF180  }
0x24d: {  	[tilespmem:s25], [sflag:$0x2] =	stream.indirect_vreg.gather [hbm4b:s1+s7], $0x80, v5, vm0, $0xb8;
	[tilespmem:$0x1C980] =	vst v63  }
0x24e: {  	s26 =	simm.s32 $0xF980  }
0x24f: {  	[tilespmem:s26], [sflag:$0x2] =	stream.indirect_vreg.gather [hbm4b:s2+s7], $0x80, v5, vm0, $0xb8;
	[tilespmem:$0x1C980] =	vst v63  }
0x250: {  	s28 =	simm.s32 $0x10180  }
0x251: {  	[tilespmem:s28], [sflag:$0x2] =	stream.indirect_vreg.gather [hbm4b:s3+s7], $0x80, v5, vm0, $0xb8;
	[tilespmem:$0x1C980] =	vst v63  }
0x252: {  	v5 =	vld [tilespmem:s0+$0x10];
	_ =	sdelay $0x4  }
0x253: {  	v6 =	vshrl.u32 v5, $0x3  }
0x254: {  	v6 =	vmul.u32 $0x30, v6  }
0x255: {  	v5 =	vand.u32 $0x7, v5  }
0x256: {  	v5 =	vor.u32 v5, v6  }
0x257: {  	v6 =	vperm.xlane v5, v2;
	_ =	sdelay $0x1  }
0x258: {  	v6 =	vadd.s32 v3, v6;
	_ =	sdelay $0x3  }
0x259: {  	s29 =	simm.s32 $0x10980;
	v5 =	vperm.xlane v5, v4  }
0x25a: {  	[tilespmem:s29], [sflag:$0x2] =	stream.indirect_vreg.gather [hbm4b:s1+s7], $0x80, v6, vm0, $0xb8;
	[tilespmem:$0x1C980] =	vst v63  }
0x25b: {  	s31 =	simm.s32 $0x11180;
	v5 =	vadd.s32 v3, v5  }
0x25c: {  	[tilespmem:s31], [sflag:$0x2] =	stream.indirect_vreg.gather [hbm4b:s2+s7], $0x80, v6, vm0, $0xb8;
	[tilespmem:$0x1C980] =	vst v63  }
0x25d: {  	s8 =	simm.s32 $0x11980  }
0x25e: {  	[tilespmem:s8], [sflag:$0x2] =	stream.indirect_vreg.gather [hbm4b:s3+s7], $0x80, v6, vm0, $0xb8;
	[tilespmem:$0x1C980] =	vst v63  }
0x25f: {  	s11 =	simm.s32 $0x12180  }
0x260: {  	[tilespmem:s11], [sflag:$0x2] =	stream.indirect_vreg.gather [hbm4b:s1+s7], $0x80, v5, vm0, $0xb8;
	[tilespmem:$0x1C980] =	vst v63  }
0x261: {  	s12 =	simm.s32 $0x12980  }
0x262: {  	[tilespmem:s12], [sflag:$0x2] =	stream.indirect_vreg.gather [hbm4b:s2+s7], $0x80, v5, vm0, $0xb8;
	[tilespmem:$0x1C980] =	vst v63  }
0x263: {  	s13 =	simm.s32 $0x13180  }
0x264: {  	[tilespmem:s13], [sflag:$0x2] =	stream.indirect_vreg.gather [hbm4b:s3+s7], $0x80, v5, vm0, $0xb8;
	[tilespmem:$0x1C980] =	vst v63  }
0x265: {  	v5 =	vld [tilespmem:s0+$0x20];
	_ =	sdelay $0x4  }
0x266: {  	v6 =	vshrl.u32 v5, $0x3  }
0x267: {  	v6 =	vmul.u32 $0x30, v6  }
0x268: {  	v5 =	vand.u32 $0x7, v5  }
0x269: {  	v5 =	vor.u32 v5, v6  }
0x26a: {  	v6 =	vperm.xlane v5, v2;
	_ =	sdelay $0x1  }
0x26b: {  	v6 =	vadd.s32 v3, v6;
	_ =	sdelay $0x3  }
0x26c: {  	s17 =	simm.s32 $0x13980;
	v5 =	vperm.xlane v5, v4  }
0x26d: {  	[tilespmem:s17], [sflag:$0x2] =	stream.indirect_vreg.gather [hbm4b:s1+s7], $0x80, v6, vm0, $0xb8;
	[tilespmem:$0x1C980] =	vst v63  }
0x26e: {  	s18 =	simm.s32 $0x14180;
	v5 =	vadd.s32 v3, v5  }
0x26f: {  	[tilespmem:s18], [sflag:$0x2] =	stream.indirect_vreg.gather [hbm4b:s2+s7], $0x80, v6, vm0, $0xb8;
	[tilespmem:$0x1C980] =	vst v63  }
0x270: {  	s19 =	simm.s32 $0x14980  }
0x271: {  	[tilespmem:s19], [sflag:$0x2] =	stream.indirect_vreg.gather [hbm4b:s3+s7], $0x80, v6, vm0, $0xb8;
	[tilespmem:$0x1C980] =	vst v63  }
0x272: {  	s20 =	simm.s32 $0x15180  }
0x273: {  	[tilespmem:s20], [sflag:$0x2] =	stream.indirect_vreg.gather [hbm4b:s1+s7], $0x80, v5, vm0, $0xb8;
	[tilespmem:$0x1C980] =	vst v63  }
0x274: {  	s21 =	simm.s32 $0x15980  }
0x275: {  	[tilespmem:s21], [sflag:$0x2] =	stream.indirect_vreg.gather [hbm4b:s2+s7], $0x80, v5, vm0, $0xb8;
	[tilespmem:$0x1C980] =	vst v63  }
0x276: {  	s23 =	simm.s32 $0x16180  }
0x277: {  	[tilespmem:s23], [sflag:$0x2] =	stream.indirect_vreg.gather [hbm4b:s3+s7], $0x80, v5, vm0, $0xb8;
	[tilespmem:$0x1C980] =	vst v63  }
0x278: {  	v5 =	vld [tilespmem:s0+$0x30];
	_ =	sdelay $0x4  }
0x279: {  	v6 =	vshrl.u32 v5, $0x3  }
0x27a: {  	v6 =	vmul.u32 $0x30, v6  }
0x27b: {  	v5 =	vand.u32 $0x7, v5  }
0x27c: {  	v5 =	vor.u32 v5, v6  }
0x27d: {  	v6 =	vperm.xlane v5, v2;
	_ =	sdelay $0x1  }
0x27e: {  	v6 =	vadd.s32 v3, v6;
	_ =	sdelay $0x3  }
0x27f: {  	s24 =	simm.s32 $0x16980;
	v5 =	vperm.xlane v5, v4  }
0x280: {  	[tilespmem:s24], [sflag:$0x2] =	stream.indirect_vreg.gather [hbm4b:s1+s7], $0x80, v6, vm0, $0xb8;
	[tilespmem:$0x1C980] =	vst v63  }
0x281: {  	s25 =	simm.s32 $0x17180;
	v5 =	vadd.s32 v3, v5  }
0x282: {  	[tilespmem:s25], [sflag:$0x2] =	stream.indirect_vreg.gather [hbm4b:s2+s7], $0x80, v6, vm0, $0xb8;
	[tilespmem:$0x1C980] =	vst v63  }
0x283: {  	s26 =	simm.s32 $0x17980  }
0x284: {  	[tilespmem:s26], [sflag:$0x2] =	stream.indirect_vreg.gather [hbm4b:s3+s7], $0x80, v6, vm0, $0xb8;
	[tilespmem:$0x1C980] =	vst v63  }
0x285: {  	s28 =	simm.s32 $0x18180  }
0x286: {  	[tilespmem:s28], [sflag:$0x2] =	stream.indirect_vreg.gather [hbm4b:s1+s7], $0x80, v5, vm0, $0xb8;
	[tilespmem:$0x1C980] =	vst v63  }
0x287: {  	s29 =	simm.s32 $0x18980  }
0x288: {  	[tilespmem:s29], [sflag:$0x2] =	stream.indirect_vreg.gather [hbm4b:s2+s7], $0x80, v5, vm0, $0xb8;
	[tilespmem:$0x1C980] =	vst v63  }
0x289: {  	s31 =	simm.s32 $0x19180  }
0x28a: {  	[tilespmem:s31], [sflag:$0x2] =	stream.indirect_vreg.gather [hbm4b:s3+s7], $0x80, v5, vm0, $0xb8;
	[tilespmem:$0x1C980] =	vst v63  }
.LBB2_12:
0x28b: {  	v5 =	vld [tilespmem:s14+$0xA80];
	_ =	sdelay $0x4  }
0x28c: {  	(v2sf) =	vpush v5, $0x0;
	_ =	sdelay $0xe  }
0x28d: {  	s0 =	spop (v2sf)  }
0x28e: {  	s1 =	ssub.s32 s0, s10  }
0x28f: {  	p0 =	slt.s32 s1, $0x1  }
0x290: {  	p1 =	sgt.u32 @!p0 s1, $0x3F  }
0x291: {  	p1 =	por p0, p1  }
.Ltmp9:
0x292: {  	_ = 	snop;
	(pc) =	sbr.rel @p1 .LBB2_13-.Ltmp9, $4  }
0x293: {  	_ = 	snop  }
0x294: {  	[dreg:$0x18] =	wrdreg s22  }
0x295: {  	[dreg:$0x19] =	wrdreg s5  }
0x296: {  	[dreg:$0x1a] =	wrdreg s6  }
0x297: {  	s1 =	sand.u32 $0xF, s5  }
0x298: {  	s2 =	sshll.u32 s1, $0x6  }
0x299: {  	s2 =	sxor.u32 $0xFFFFFFFF, s2  }
0x29a: {  	s2 =	sadd.s32 s0, s2  }
0x29b: {  	s14 =	sadd.s32 $0x1, s2  }
0x29c: {  	s2 =	sshrl.u32 s14, $0x3  }
0x29d: {  	s29 =	sshll.u32 s0, $0x7;
	s1 =	sshll.u32 s1, $0xD;
	s2 =	smul.u32 $0x6000, s2  }
0x29e: {  	s18 =	ssub.s32 s29, s1  }
0x29f: {  	s0 =	sand.u32 $0x380, s18;
	s31 =	sshra.s32 s2, $0x2  }
0x2a0: {  	s10 =	sor.u32 s0, s31  }
0x2a1: {  	[tilespmem:s10+$0x2DF0] =	vst v0  }
0x2a2: {  	[tilespmem:s10+$0x1980] =	vst v0  }
0x2a3: {  	[tilespmem:s10+$0x1990] =	vst v0  }
0x2a4: {  	[tilespmem:s10+$0x19A0] =	vst v0  }
0x2a5: {  	[tilespmem:s10+$0x19B0] =	vst v0  }
0x2a6: {  	[tilespmem:s10+$0x19C0] =	vst v0  }
0x2a7: {  	[tilespmem:s10+$0x19D0] =	vst v0  }
0x2a8: {  	[tilespmem:s10+$0x19E0] =	vst v0  }
0x2a9: {  	[tilespmem:s10+$0x19F0] =	vst v0  }
0x2aa: {  	[tilespmem:s10+$0x1D80] =	vst v0  }
0x2ab: {  	[tilespmem:s10+$0x1D90] =	vst v0  }
0x2ac: {  	[tilespmem:s10+$0x1DA0] =	vst v0  }
0x2ad: {  	[tilespmem:s10+$0x1DB0] =	vst v0  }
0x2ae: {  	[tilespmem:s10+$0x1DC0] =	vst v0  }
0x2af: {  	[tilespmem:s10+$0x1DD0] =	vst v0  }
0x2b0: {  	[tilespmem:s10+$0x1DE0] =	vst v0  }
0x2b1: {  	[tilespmem:s10+$0x1DF0] =	vst v0  }
0x2b2: {  	[tilespmem:s10+$0x2180] =	vst v0  }
0x2b3: {  	[tilespmem:s10+$0x2190] =	vst v0  }
0x2b4: {  	[tilespmem:s10+$0x21A0] =	vst v0  }
0x2b5: {  	[tilespmem:s10+$0x21B0] =	vst v0  }
0x2b6: {  	[tilespmem:s10+$0x21C0] =	vst v0  }
0x2b7: {  	[tilespmem:s10+$0x21D0] =	vst v0  }
0x2b8: {  	[tilespmem:s10+$0x21E0] =	vst v0  }
0x2b9: {  	[tilespmem:s10+$0x21F0] =	vst v0  }
0x2ba: {  	[tilespmem:s10+$0x2580] =	vst v0  }
0x2bb: {  	[tilespmem:s10+$0x2590] =	vst v0  }
0x2bc: {  	[tilespmem:s10+$0x25A0] =	vst v0  }
0x2bd: {  	[tilespmem:s10+$0x25B0] =	vst v0  }
0x2be: {  	[tilespmem:s10+$0x25C0] =	vst v0  }
0x2bf: {  	[tilespmem:s10+$0x25D0] =	vst v0  }
0x2c0: {  	[tilespmem:s10+$0x25E0] =	vst v0  }
0x2c1: {  	[tilespmem:s10+$0x25F0] =	vst v0  }
0x2c2: {  	[tilespmem:s10+$0x2980] =	vst v0  }
0x2c3: {  	[tilespmem:s10+$0x2990] =	vst v0  }
0x2c4: {  	[tilespmem:s10+$0x29A0] =	vst v0  }
0x2c5: {  	p0 =	slt.u32 s14, $0x3F;
	[tilespmem:s10+$0x29B0] =	vst v0  }
.Ltmp10:
0x2c6: {  	[tilespmem:s10+$0x29C0] =	vst v0;
	(pc) =	sbr.rel @!p0 .LBB2_16-.Ltmp10, $4  }
0x2c7: {  	[tilespmem:s10+$0x29D0] =	vst v0  }
0x2c8: {  	[tilespmem:s10+$0x29E0] =	vst v0  }
0x2c9: {  	[tilespmem:s10+$0x29F0] =	vst v0  }
0x2ca: {  	[tilespmem:s10+$0x2D80] =	vst v0  }
.LBB2_15:
0x2cb: {  	s14 =	sadd.s32 $0x1, s14;
	[tilespmem:s10+$0x2D90] =	vst v0  }
0x2cc: {  	s0 =	sshrl.u32 s14, $0x3;
	p0 =	slt.u32 s14, $0x3F;
	[tilespmem:s10+$0x2DA0] =	vst v0  }
0x2cd: {  	s0 =	smul.u32 $0x6000, s0;
	[tilespmem:s10+$0x2DB0] =	vst v0  }
0x2ce: {  	s18 =	sadd.s32 $0x80, s18;
	[tilespmem:s10+$0x2DC0] =	vst v0  }
0x2cf: {  	s1 =	sand.u32 $0x380, s18;
	s0 =	sshra.s32 s0, $0x2;
	[tilespmem:s10+$0x2DD0] =	vst v0  }
0x2d0: {  	[tilespmem:s10+$0x2DE0] =	vst v0;
	s10 =	sor.u32 s1, s0  }
0x2d1: {  	[tilespmem:s10+$0x2DF0] =	vst v0  }
0x2d2: {  	[tilespmem:s10+$0x1980] =	vst v0  }
0x2d3: {  	[tilespmem:s10+$0x1990] =	vst v0  }
0x2d4: {  	[tilespmem:s10+$0x19A0] =	vst v0  }
0x2d5: {  	[tilespmem:s10+$0x19B0] =	vst v0  }
0x2d6: {  	[tilespmem:s10+$0x19C0] =	vst v0  }
0x2d7: {  	[tilespmem:s10+$0x19D0] =	vst v0  }
0x2d8: {  	[tilespmem:s10+$0x19E0] =	vst v0  }
0x2d9: {  	[tilespmem:s10+$0x19F0] =	vst v0  }
0x2da: {  	[tilespmem:s10+$0x1D80] =	vst v0  }
0x2db: {  	[tilespmem:s10+$0x1D90] =	vst v0  }
0x2dc: {  	[tilespmem:s10+$0x1DA0] =	vst v0  }
0x2dd: {  	[tilespmem:s10+$0x1DB0] =	vst v0  }
0x2de: {  	[tilespmem:s10+$0x1DC0] =	vst v0  }
0x2df: {  	[tilespmem:s10+$0x1DD0] =	vst v0  }
0x2e0: {  	[tilespmem:s10+$0x1DE0] =	vst v0  }
0x2e1: {  	[tilespmem:s10+$0x1DF0] =	vst v0  }
0x2e2: {  	[tilespmem:s10+$0x2180] =	vst v0  }
0x2e3: {  	[tilespmem:s10+$0x2190] =	vst v0  }
0x2e4: {  	[tilespmem:s10+$0x21A0] =	vst v0  }
0x2e5: {  	[tilespmem:s10+$0x21B0] =	vst v0  }
0x2e6: {  	[tilespmem:s10+$0x21C0] =	vst v0  }
0x2e7: {  	[tilespmem:s10+$0x21D0] =	vst v0  }
0x2e8: {  	[tilespmem:s10+$0x21E0] =	vst v0  }
0x2e9: {  	[tilespmem:s10+$0x21F0] =	vst v0  }
0x2ea: {  	[tilespmem:s10+$0x2580] =	vst v0  }
0x2eb: {  	[tilespmem:s10+$0x2590] =	vst v0  }
0x2ec: {  	[tilespmem:s10+$0x25A0] =	vst v0  }
0x2ed: {  	[tilespmem:s10+$0x25B0] =	vst v0  }
0x2ee: {  	[tilespmem:s10+$0x25C0] =	vst v0  }
0x2ef: {  	[tilespmem:s10+$0x25D0] =	vst v0  }
0x2f0: {  	[tilespmem:s10+$0x25E0] =	vst v0  }
0x2f1: {  	[tilespmem:s10+$0x25F0] =	vst v0  }
0x2f2: {  	[tilespmem:s10+$0x2980] =	vst v0  }
0x2f3: {  	[tilespmem:s10+$0x2990] =	vst v0  }
0x2f4: {  	[tilespmem:s10+$0x29A0] =	vst v0  }
0x2f5: {  	[tilespmem:s10+$0x29B0] =	vst v0  }
.Ltmp11:
0x2f6: {  	[tilespmem:s10+$0x29C0] =	vst v0;
	(pc) =	sbr.rel @p0 .LBB2_15-.Ltmp11, $4  }
0x2f7: {  	[tilespmem:s10+$0x29D0] =	vst v0  }
0x2f8: {  	[tilespmem:s10+$0x29E0] =	vst v0  }
0x2f9: {  	[tilespmem:s10+$0x29F0] =	vst v0  }
0x2fa: {  	[tilespmem:s10+$0x2D80] =	vst v0  }
.LBB2_16:
0x2fb: {  	s14 =	simm.s32 $0xD180  }
0x2fc: {  	s20 =	simm.s32 $0xC980;
	s18 =	simm.s32 $0xC180;
	s21 =	simm.s32 $0xB980  }
0x2fd: {  	s19 =	simm.s32 $0xB180;
	s8 =	simm.s32 $0xA980;
	s23 =	simm.s32 $0xA180  }
0x2fe: {  	[tilespmem:s10+$0x2D90] =	vst v0;
	s26 =	simm.s32 $0x9980;
	s24 =	simm.s32 $0x9180;
	s1 =	simm.s32 $0x8980  }
.Ltmp12:
0x2ff: {  	[tilespmem:s10+$0x2DA0] =	vst v0;
	s25 =	simm.s32 $0x8180;
	s28 =	simm.s32 $0x7980;
	(pc) =	sbr.rel .LBB2_17-.Ltmp12, $4  }
0x300: {  	[tilespmem:s10+$0x2DB0] =	vst v0;
	s17 =	simm.s32 $0x7180;
	s29 =	simm.s32 $0x6980;
	s0 =	simm.s32 $0x6180  }
0x301: {  	[tilespmem:s10+$0x2DC0] =	vst v0;
	s6 =	simm.s32 $0x5980;
	s2 =	simm.s32 $0x5180;
	s4 =	simm.s32 $0x4980  }
0x302: {  	[tilespmem:s10+$0x2DD0] =	vst v0;
	s3 =	simm.s32 $0x4180;
	s11 =	simm.s32 $0x3980;
	s5 =	simm.s32 $0x3180  }
0x303: {  	[tilespmem:s10+$0x2DE0] =	vst v0;
	s13 =	simm.s32 $0x2980;
	s12 =	simm.s32 $0x2180;
	s31 =	simm.s32 $0x1980  }
.LBB2_13:
0x304: {  	s14 =	simm.s32 @!p0 $0xD180;
	s18 =	simm.s32 @!p0 $0xC180;
	s19 =	simm.s32 @!p0 $0xB180  }
0x305: {  	s23 =	simm.s32 @!p0 $0xA180;
	s24 =	simm.s32 @!p0 $0x9180;
	s25 =	simm.s32 @!p0 $0x8180  }
0x306: {  	s17 =	simm.s32 @!p0 $0x7180;
	s0 =	simm.s32 @!p0 $0x6180;
	s2 =	simm.s32 @!p0 $0x5180  }
0x307: {  	s3 =	simm.s32 @!p0 $0x4180;
	s5 =	simm.s32 @!p0 $0x3180;
	s12 =	simm.s32 @!p0 $0x2180  }
0x308: {  	s31 =	simm.s32 @!p0 $0x1980;
	s13 =	simm.s32 @!p0 $0x2980;
	s11 =	simm.s32 @!p0 $0x3980  }
0x309: {  	s4 =	simm.s32 @!p0 $0x4980;
	s6 =	simm.s32 @!p0 $0x5980;
	s29 =	simm.s32 @!p0 $0x6980  }
0x30a: {  	s28 =	simm.s32 @!p0 $0x7980;
	s1 =	simm.s32 @!p0 $0x8980;
	s26 =	simm.s32 @!p0 $0x9980  }
0x30b: {  	s8 =	simm.s32 @!p0 $0xA980;
	s21 =	simm.s32 @!p0 $0xB980;
	s20 =	simm.s32 @!p0 $0xC980  }
0x30c: {  	s31 =	simm.s32 @p0 $0x19980;
	s12 =	simm.s32 @p0 $0x1A180;
	s13 =	simm.s32 @p0 $0x1A980  }
0x30d: {  	s5 =	simm.s32 @p0 $0x1B180;
	s11 =	simm.s32 @p0 $0x1B980;
	s3 =	simm.s32 @p0 $0x1C180  }
0x30e: {  	s4 =	simm.s32 @p0 $0x19980;
	s2 =	simm.s32 @p0 $0x1A180;
	s6 =	simm.s32 @p0 $0x1A980  }
0x30f: {  	s0 =	simm.s32 @p0 $0x1B180;
	s29 =	simm.s32 @p0 $0x1B980;
	s17 =	simm.s32 @p0 $0x1C180  }
0x310: {  	s28 =	simm.s32 @p0 $0x19980;
	s25 =	simm.s32 @p0 $0x1A180;
	s1 =	simm.s32 @p0 $0x1A980  }
0x311: {  	s24 =	simm.s32 @p0 $0x1B180;
	s26 =	simm.s32 @p0 $0x1B980;
	s23 =	simm.s32 @p0 $0x1C180  }
0x312: {  	s8 =	simm.s32 @p0 $0x19980;
	s19 =	simm.s32 @p0 $0x1A180;
	s21 =	simm.s32 @p0 $0x1A980  }
0x313: {  	s18 =	simm.s32 @p0 $0x1B180;
	s20 =	simm.s32 @p0 $0x1B980;
	s14 =	simm.s32 @p0 $0x1C180  }
.LBB2_17:
0x314: {  	s10 =	sand.u32 $0x3FFFFF80, s9  }
0x315: {  	v5 =	vld [tilespmem:s10+$0xC80];
	_ =	sdelay $0x4  }
0x316: {  	v6 =	vshrl.u32 v5, $0x3  }
0x317: {  	v6 =	vmul.u32 $0x30, v6  }
0x318: {  	v5 =	vand.u32 $0x7, v5  }
0x319: {  	v5 =	vor.u32 v5, v6  }
0x31a: {  	v6 =	vperm.xlane v5, v2;
	_ =	sdelay $0x1  }
0x31b: {  	v6 =	vadd.s32 v3, v6;
	_ =	sdelay $0x3  }
0x31c: {  	s22 =	rddreg [dreg:$0x4];
	v5 =	vperm.xlane v5, v4  }
0x31d: {  	[hbm4b:s22+s7] =	stream.indirect_vreg.scatter [tilespmem:s31], [sflag:$0x3], $0x80, v6, vm0, $0xb8;
	[tilespmem:$0x1C980] =	vst v63  }
0x31e: {  	v5 =	vadd.s32 v3, v5  }
0x31f: {  	[hbm4b:s15+s7] =	stream.indirect_vreg.scatter [tilespmem:s12], [sflag:$0x3], $0x80, v6, vm0, $0xb8;
	[tilespmem:$0x1C980] =	vst v63  }
0x320: {  	_ = 	snop  }
0x321: {  	[hbm4b:s16+s7] =	stream.indirect_vreg.scatter [tilespmem:s13], [sflag:$0x3], $0x80, v6, vm0, $0xb8;
	[tilespmem:$0x1C980] =	vst v63  }
0x322: {  	_ = 	snop  }
0x323: {  	[hbm4b:s22+s7] =	stream.indirect_vreg.scatter [tilespmem:s5], [sflag:$0x3], $0x80, v5, vm0, $0xb8;
	[tilespmem:$0x1C980] =	vst v63  }
0x324: {  	_ = 	snop  }
0x325: {  	[hbm4b:s15+s7] =	stream.indirect_vreg.scatter [tilespmem:s11], [sflag:$0x3], $0x80, v5, vm0, $0xb8;
	[tilespmem:$0x1C980] =	vst v63  }
0x326: {  	_ = 	snop  }
0x327: {  	[hbm4b:s16+s7] =	stream.indirect_vreg.scatter [tilespmem:s3], [sflag:$0x3], $0x80, v5, vm0, $0xb8;
	[tilespmem:$0x1C980] =	vst v63  }
0x328: {  	v5 =	vld [tilespmem:s10+$0xC90];
	_ =	sdelay $0x4  }
0x329: {  	v6 =	vshrl.u32 v5, $0x3  }
0x32a: {  	v6 =	vmul.u32 $0x30, v6  }
0x32b: {  	v5 =	vand.u32 $0x7, v5  }
0x32c: {  	v5 =	vor.u32 v5, v6  }
0x32d: {  	v6 =	vperm.xlane v5, v2;
	_ =	sdelay $0x1  }
0x32e: {  	v6 =	vadd.s32 v3, v6;
	_ =	sdelay $0x3  }
0x32f: {  	v5 =	vperm.xlane v5, v4  }
0x330: {  	[hbm4b:s22+s7] =	stream.indirect_vreg.scatter [tilespmem:s4], [sflag:$0x3], $0x80, v6, vm0, $0xb8;
	[tilespmem:$0x1C980] =	vst v63  }
0x331: {  	v5 =	vadd.s32 v3, v5  }
0x332: {  	[hbm4b:s15+s7] =	stream.indirect_vreg.scatter [tilespmem:s2], [sflag:$0x3], $0x80, v6, vm0, $0xb8;
	[tilespmem:$0x1C980] =	vst v63  }
0x333: {  	_ = 	snop  }
0x334: {  	[hbm4b:s16+s7] =	stream.indirect_vreg.scatter [tilespmem:s6], [sflag:$0x3], $0x80, v6, vm0, $0xb8;
	[tilespmem:$0x1C980] =	vst v63  }
0x335: {  	_ = 	snop  }
0x336: {  	[hbm4b:s22+s7] =	stream.indirect_vreg.scatter [tilespmem:s0], [sflag:$0x3], $0x80, v5, vm0, $0xb8;
	[tilespmem:$0x1C980] =	vst v63  }
0x337: {  	_ = 	snop  }
0x338: {  	[hbm4b:s15+s7] =	stream.indirect_vreg.scatter [tilespmem:s29], [sflag:$0x3], $0x80, v5, vm0, $0xb8;
	[tilespmem:$0x1C980] =	vst v63  }
0x339: {  	_ = 	snop  }
0x33a: {  	[hbm4b:s16+s7] =	stream.indirect_vreg.scatter [tilespmem:s17], [sflag:$0x3], $0x80, v5, vm0, $0xb8;
	[tilespmem:$0x1C980] =	vst v63  }
0x33b: {  	v5 =	vld [tilespmem:s10+$0xCA0];
	_ =	sdelay $0x4  }
0x33c: {  	v6 =	vshrl.u32 v5, $0x3  }
0x33d: {  	v6 =	vmul.u32 $0x30, v6  }
0x33e: {  	v5 =	vand.u32 $0x7, v5  }
0x33f: {  	v5 =	vor.u32 v5, v6  }
0x340: {  	v6 =	vperm.xlane v5, v2;
	_ =	sdelay $0x1  }
0x341: {  	v6 =	vadd.s32 v3, v6;
	_ =	sdelay $0x3  }
0x342: {  	v5 =	vperm.xlane v5, v4  }
0x343: {  	[hbm4b:s22+s7] =	stream.indirect_vreg.scatter [tilespmem:s28], [sflag:$0x3], $0x80, v6, vm0, $0xb8;
	[tilespmem:$0x1C980] =	vst v63  }
0x344: {  	v5 =	vadd.s32 v3, v5  }
0x345: {  	[hbm4b:s15+s7] =	stream.indirect_vreg.scatter [tilespmem:s25], [sflag:$0x3], $0x80, v6, vm0, $0xb8;
	[tilespmem:$0x1C980] =	vst v63  }
0x346: {  	_ = 	snop  }
0x347: {  	[hbm4b:s16+s7] =	stream.indirect_vreg.scatter [tilespmem:s1], [sflag:$0x3], $0x80, v6, vm0, $0xb8;
	[tilespmem:$0x1C980] =	vst v63  }
0x348: {  	_ = 	snop  }
0x349: {  	[hbm4b:s22+s7] =	stream.indirect_vreg.scatter [tilespmem:s24], [sflag:$0x3], $0x80, v5, vm0, $0xb8;
	[tilespmem:$0x1C980] =	vst v63  }
0x34a: {  	_ = 	snop  }
0x34b: {  	[hbm4b:s15+s7] =	stream.indirect_vreg.scatter [tilespmem:s26], [sflag:$0x3], $0x80, v5, vm0, $0xb8;
	[tilespmem:$0x1C980] =	vst v63  }
0x34c: {  	_ = 	snop  }
0x34d: {  	[hbm4b:s16+s7] =	stream.indirect_vreg.scatter [tilespmem:s23], [sflag:$0x3], $0x80, v5, vm0, $0xb8;
	[tilespmem:$0x1C980] =	vst v63  }
0x34e: {  	v5 =	vld [tilespmem:s10+$0xCB0];
	_ =	sdelay $0x4  }
0x34f: {  	v6 =	vshrl.u32 v5, $0x3  }
0x350: {  	v6 =	vmul.u32 $0x30, v6  }
0x351: {  	v5 =	vand.u32 $0x7, v5  }
0x352: {  	v5 =	vor.u32 v5, v6  }
0x353: {  	v6 =	vperm.xlane v5, v2;
	_ =	sdelay $0x1  }
0x354: {  	v6 =	vadd.s32 v3, v6;
	_ =	sdelay $0x3  }
0x355: {  	s23 =	rddreg [dreg:$0x1a];
	v5 =	vperm.xlane v5, v4  }
0x356: {  	[hbm4b:s22+s7] =	stream.indirect_vreg.scatter [tilespmem:s8], [sflag:$0x3], $0x80, v6, vm0, $0xb8;
	[tilespmem:$0x1C980] =	vst v63  }
0x357: {  	s24 =	rddreg [dreg:$0x6];
	s13 =	sshll.u32 s23, $0x6;
	v5 =	vadd.s32 v3, v5  }
0x358: {  	[hbm4b:s15+s7] =	stream.indirect_vreg.scatter [tilespmem:s19], [sflag:$0x3], $0x80, v6, vm0, $0xb8;
	[tilespmem:$0x1C980] =	vst v63  }
0x359: {  	s0 =	sadd.s32 s24, s13  }
0x35a: {  	[hbm4b:s16+s7] =	stream.indirect_vreg.scatter [tilespmem:s21], [sflag:$0x3], $0x80, v6, vm0, $0xb8;
	[tilespmem:$0x1C980] =	vst v63  }
0x35b: {  	s25 =	sshrl.u32 s0, $0x5  }
0x35c: {  	[hbm4b:s22+s7] =	stream.indirect_vreg.scatter [tilespmem:s18], [sflag:$0x3], $0x80, v5, vm0, $0xb8;
	[tilespmem:$0x1C980] =	vst v63  }
0x35d: {  	s1 =	sand.u32 $0x3FFFFE0, s25  }
0x35e: {  	[hbm4b:s15+s7] =	stream.indirect_vreg.scatter [tilespmem:s20], [sflag:$0x3], $0x80, v5, vm0, $0xb8;
	[tilespmem:$0x1C980] =	vst v63  }
0x35f: {  	s18 =	sshrl.u32 s1, $0x2  }
0x360: {  	[hbm4b:s16+s7] =	stream.indirect_vreg.scatter [tilespmem:s14], [sflag:$0x3], $0x80, v5, vm0, $0xb8;
	[tilespmem:$0x1C980] =	vst v63  }
0x361: {  	v5 =	vld [tilespmem:s18+$0xA80];
	_ =	sdelay $0x4  }
0x362: {  	(v2sf) =	vpush v5, $0x0;
	_ =	sdelay $0xe  }
0x363: {  	s14 =	sand.u32 $0x3C0, s0;
	s26 =	spop (v2sf)  }
0x364: {  	s0 =	ssub.s32 s26, s14  }
0x365: {  	p0 =	slt.s32 s0, $0x1  }
0x366: {  	s0 =	simm.s32 @!p0 $0x2  }
0x367: {  	_ =	swait.ge @!p0 [sflag:s0], $0xC000  }
0x368: {  	[sflag:s0] =	ssyncset.done @!p0 $0x0  }
0x369: {  	s28 =	simm.s32 $0x3;
	[sflag:s0] =	ssyncadd.s32 @!p0 $0xFFFF4000  }
0x36a: {  	_ =	swait.ge [sflag:s28], $0x3000  }
0x36b: {  	[sflag:s28] =	ssyncset.done $0x0  }
0x36c: {  	[sflag:s28] =	ssyncadd.s32 $0xFFFFD000  }
0x36d: {  	_ =	swait.ge [sflag:s28], $0x3000  }
0x36e: {  	[sflag:s28] =	ssyncset.done $0x0  }
0x36f: {  	[sflag:s28] =	ssyncadd.s32 $0xFFFFD000  }
0x370: {  	_ =	swait.ge [sflag:s28], $0x3000  }
0x371: {  	[sflag:s28] =	ssyncset.done $0x0  }
0x372: {  	s0 =	sadd.s32 $0x80, s9;
	[sflag:s28] =	ssyncadd.s32 $0xFFFFD000  }
0x373: {  	s29 =	sadd.s32 s24, s0;
	_ =	swait.ge [sflag:s28], $0x3000  }
0x374: {  	s2 =	sshrl.u32 s29, $0x7;
	[sflag:s28] =	ssyncset.done $0x0  }
0x375: {  	s2 =	sand.u32 $0xFFFFF8, s2;
	[sflag:s28] =	ssyncadd.s32 $0xFFFFD000  }
0x376: {  	v5 =	vld [tilespmem:s2+$0xA80];
	_ =	sdelay $0x4  }
0x377: {  	(v2sf) =	vpush v5, $0x0;
	_ =	sdelay $0xe  }
0x378: {  	s1 =	sand.u32 $0x3C0, s29;
	s31 =	spop (v2sf)  }
0x379: {  	s1 =	ssub.s32 s31, s1  }
0x37a: {  	p0 =	slt.s32 s1, $0x1  }
.Ltmp13:
0x37b: {  	_ = 	snop;
	(pc) =	sbr.rel @p0 .LBB2_19-.Ltmp13, $1  }
0x37c: {  	_ =	sdelay $0x3  }
0x37d: {  	v5 =	vld [tilespmem:s9+$0x80];
	_ =	sdelay $0x4  }
0x37e: {  	v6 =	vshrl.u32 v5, $0x3  }
0x37f: {  	v6 =	vmul.u32 $0x30, v6  }
0x380: {  	v5 =	vand.u32 $0x7, v5  }
0x381: {  	v5 =	vor.u32 v5, v6  }
0x382: {  	v6 =	vperm.xlane v5, v2;
	_ =	sdelay $0x1  }
0x383: {  	v6 =	vadd.s32 v3, v6;
	_ =	sdelay $0x3  }
0x384: {  	s1 =	rddreg [dreg:$0x3];
	s2 =	simm.s32 $0x1980;
	v5 =	vperm.xlane v5, v4  }
0x385: {  	[tilespmem:s2], [sflag:$0x1] =	stream.indirect_vreg.gather [hbm4b:s1+s7], $0x80, v6, vm0, $0xb8;
	[tilespmem:$0x1C980] =	vst v63  }
0x386: {  	s3 =	simm.s32 $0x2180;
	v5 =	vadd.s32 v3, v5;
	s2 =	rddreg [dreg:$0xa]  }
0x387: {  	[tilespmem:s3], [sflag:$0x1] =	stream.indirect_vreg.gather [hbm4b:s2+s7], $0x80, v6, vm0, $0xb8;
	[tilespmem:$0x1C980] =	vst v63  }
0x388: {  	s4 =	simm.s32 $0x2980;
	s3 =	rddreg [dreg:$0xb]  }
0x389: {  	[tilespmem:s4], [sflag:$0x1] =	stream.indirect_vreg.gather [hbm4b:s3+s7], $0x80, v6, vm0, $0xb8;
	[tilespmem:$0x1C980] =	vst v63  }
0x38a: {  	s28 =	simm.s32 $0x3180  }
0x38b: {  	[tilespmem:s28], [sflag:$0x1] =	stream.indirect_vreg.gather [hbm4b:s1+s7], $0x80, v5, vm0, $0xb8;
	[tilespmem:$0x1C980] =	vst v63  }
0x38c: {  	s29 =	simm.s32 $0x3980  }
0x38d: {  	[tilespmem:s29], [sflag:$0x1] =	stream.indirect_vreg.gather [hbm4b:s2+s7], $0x80, v5, vm0, $0xb8;
	[tilespmem:$0x1C980] =	vst v63  }
0x38e: {  	s31 =	simm.s32 $0x4180  }
0x38f: {  	[tilespmem:s31], [sflag:$0x1] =	stream.indirect_vreg.gather [hbm4b:s3+s7], $0x80, v5, vm0, $0xb8;
	[tilespmem:$0x1C980] =	vst v63  }
0x390: {  	v5 =	vld [tilespmem:s0+$0x10];
	_ =	sdelay $0x4  }
0x391: {  	v6 =	vshrl.u32 v5, $0x3  }
0x392: {  	v6 =	vmul.u32 $0x30, v6  }
0x393: {  	v5 =	vand.u32 $0x7, v5  }
0x394: {  	v5 =	vor.u32 v5, v6  }
0x395: {  	v6 =	vperm.xlane v5, v2;
	_ =	sdelay $0x1  }
0x396: {  	v6 =	vadd.s32 v3, v6;
	_ =	sdelay $0x3  }
0x397: {  	s5 =	simm.s32 $0x4980;
	v5 =	vperm.xlane v5, v4  }
0x398: {  	[tilespmem:s5], [sflag:$0x1] =	stream.indirect_vreg.gather [hbm4b:s1+s7], $0x80, v6, vm0, $0xb8;
	[tilespmem:$0x1C980] =	vst v63  }
0x399: {  	s6 =	simm.s32 $0x5180;
	v5 =	vadd.s32 v3, v5  }
0x39a: {  	[tilespmem:s6], [sflag:$0x1] =	stream.indirect_vreg.gather [hbm4b:s2+s7], $0x80, v6, vm0, $0xb8;
	[tilespmem:$0x1C980] =	vst v63  }
0x39b: {  	s8 =	simm.s32 $0x5980  }
0x39c: {  	[tilespmem:s8], [sflag:$0x1] =	stream.indirect_vreg.gather [hbm4b:s3+s7], $0x80, v6, vm0, $0xb8;
	[tilespmem:$0x1C980] =	vst v63  }
0x39d: {  	s9 =	simm.s32 $0x6180  }
0x39e: {  	[tilespmem:s9], [sflag:$0x1] =	stream.indirect_vreg.gather [hbm4b:s1+s7], $0x80, v5, vm0, $0xb8;
	[tilespmem:$0x1C980] =	vst v63  }
0x39f: {  	s11 =	simm.s32 $0x6980  }
0x3a0: {  	[tilespmem:s11], [sflag:$0x1] =	stream.indirect_vreg.gather [hbm4b:s2+s7], $0x80, v5, vm0, $0xb8;
	[tilespmem:$0x1C980] =	vst v63  }
0x3a1: {  	s12 =	simm.s32 $0x7180  }
0x3a2: {  	[tilespmem:s12], [sflag:$0x1] =	stream.indirect_vreg.gather [hbm4b:s3+s7], $0x80, v5, vm0, $0xb8;
	[tilespmem:$0x1C980] =	vst v63  }
0x3a3: {  	v5 =	vld [tilespmem:s0+$0x20];
	_ =	sdelay $0x4  }
0x3a4: {  	v6 =	vshrl.u32 v5, $0x3  }
0x3a5: {  	v6 =	vmul.u32 $0x30, v6  }
0x3a6: {  	v5 =	vand.u32 $0x7, v5  }
0x3a7: {  	v5 =	vor.u32 v5, v6  }
0x3a8: {  	v6 =	vperm.xlane v5, v2;
	_ =	sdelay $0x1  }
0x3a9: {  	v6 =	vadd.s32 v3, v6;
	_ =	sdelay $0x3  }
0x3aa: {  	s17 =	simm.s32 $0x7980;
	v5 =	vperm.xlane v5, v4  }
0x3ab: {  	[tilespmem:s17], [sflag:$0x1] =	stream.indirect_vreg.gather [hbm4b:s1+s7], $0x80, v6, vm0, $0xb8;
	[tilespmem:$0x1C980] =	vst v63  }
0x3ac: {  	s19 =	simm.s32 $0x8180;
	v5 =	vadd.s32 v3, v5  }
0x3ad: {  	[tilespmem:s19], [sflag:$0x1] =	stream.indirect_vreg.gather [hbm4b:s2+s7], $0x80, v6, vm0, $0xb8;
	[tilespmem:$0x1C980] =	vst v63  }
0x3ae: {  	s20 =	simm.s32 $0x8980  }
0x3af: {  	[tilespmem:s20], [sflag:$0x1] =	stream.indirect_vreg.gather [hbm4b:s3+s7], $0x80, v6, vm0, $0xb8;
	[tilespmem:$0x1C980] =	vst v63  }
0x3b0: {  	s21 =	simm.s32 $0x9180  }
0x3b1: {  	[tilespmem:s21], [sflag:$0x1] =	stream.indirect_vreg.gather [hbm4b:s1+s7], $0x80, v5, vm0, $0xb8;
	[tilespmem:$0x1C980] =	vst v63  }
0x3b2: {  	s22 =	simm.s32 $0x9980  }
0x3b3: {  	[tilespmem:s22], [sflag:$0x1] =	stream.indirect_vreg.gather [hbm4b:s2+s7], $0x80, v5, vm0, $0xb8;
	[tilespmem:$0x1C980] =	vst v63  }
0x3b4: {  	s23 =	simm.s32 $0xA180  }
0x3b5: {  	[tilespmem:s23], [sflag:$0x1] =	stream.indirect_vreg.gather [hbm4b:s3+s7], $0x80, v5, vm0, $0xb8;
	[tilespmem:$0x1C980] =	vst v63  }
0x3b6: {  	v5 =	vld [tilespmem:s0+$0x30];
	_ =	sdelay $0x4  }
0x3b7: {  	v6 =	vshrl.u32 v5, $0x3  }
0x3b8: {  	v6 =	vmul.u32 $0x30, v6  }
0x3b9: {  	v5 =	vand.u32 $0x7, v5  }
0x3ba: {  	v5 =	vor.u32 v5, v6  }
0x3bb: {  	v6 =	vperm.xlane v5, v2;
	_ =	sdelay $0x1  }
0x3bc: {  	v6 =	vadd.s32 v3, v6;
	_ =	sdelay $0x3  }
0x3bd: {  	s24 =	simm.s32 $0xA980;
	v5 =	vperm.xlane v5, v4  }
0x3be: {  	[tilespmem:s24], [sflag:$0x1] =	stream.indirect_vreg.gather [hbm4b:s1+s7], $0x80, v6, vm0, $0xb8;
	[tilespmem:$0x1C980] =	vst v63  }
0x3bf: {  	s25 =	simm.s32 $0xB180;
	v5 =	vadd.s32 v3, v5  }
0x3c0: {  	[tilespmem:s25], [sflag:$0x1] =	stream.indirect_vreg.gather [hbm4b:s2+s7], $0x80, v6, vm0, $0xb8;
	[tilespmem:$0x1C980] =	vst v63  }
0x3c1: {  	s26 =	simm.s32 $0xB980  }
0x3c2: {  	[tilespmem:s26], [sflag:$0x1] =	stream.indirect_vreg.gather [hbm4b:s3+s7], $0x80, v6, vm0, $0xb8;
	[tilespmem:$0x1C980] =	vst v63  }
0x3c3: {  	s28 =	simm.s32 $0xC180  }
0x3c4: {  	[tilespmem:s28], [sflag:$0x1] =	stream.indirect_vreg.gather [hbm4b:s1+s7], $0x80, v5, vm0, $0xb8;
	[tilespmem:$0x1C980] =	vst v63  }
0x3c5: {  	s29 =	simm.s32 $0xC980  }
0x3c6: {  	[tilespmem:s29], [sflag:$0x1] =	stream.indirect_vreg.gather [hbm4b:s2+s7], $0x80, v5, vm0, $0xb8;
	[tilespmem:$0x1C980] =	vst v63  }
0x3c7: {  	s31 =	simm.s32 $0xD180  }
0x3c8: {  	[tilespmem:s31], [sflag:$0x1] =	stream.indirect_vreg.gather [hbm4b:s3+s7], $0x80, v5, vm0, $0xb8;
	[tilespmem:$0x1C980] =	vst v63  }
.LBB2_19:
0x3c9: {  	v5 =	vld [tilespmem:s18+$0xA80];
	_ =	sdelay $0x4  }
0x3ca: {  	(v2sf) =	vpush v5, $0x0;
	_ =	sdelay $0xe  }
0x3cb: {  	s0 =	spop (v2sf)  }
0x3cc: {  	s1 =	ssub.s32 s0, s14  }
0x3cd: {  	p0 =	slt.s32 s1, $0x1  }
0x3ce: {  	p1 =	sgt.u32 @!p0 s1, $0x3F  }
0x3cf: {  	p1 =	por p0, p1  }
.Ltmp14:
0x3d0: {  	_ = 	snop;
	(pc) =	sbr.rel @p1 .LBB2_20-.Ltmp14, $2  }
0x3d1: {  	_ =	sdelay $0x2  }
0x3d2: {  	s22 =	rddreg [dreg:$0x18]  }
0x3d3: {  	s1 =	sand.u32 $0xF, s22  }
0x3d4: {  	s2 =	sshll.u32 s1, $0x6  }
0x3d5: {  	s2 =	sxor.u32 $0xFFFFFFFF, s2  }
0x3d6: {  	s2 =	sadd.s32 s0, s2  }
0x3d7: {  	s14 =	sadd.s32 $0x1, s2  }
0x3d8: {  	s2 =	sshrl.u32 s14, $0x3  }
0x3d9: {  	s29 =	sshll.u32 s0, $0x7;
	s1 =	sshll.u32 s1, $0xD;
	s2 =	smul.u32 $0x6000, s2  }
0x3da: {  	s18 =	ssub.s32 s29, s1  }
0x3db: {  	s0 =	sand.u32 $0x380, s18;
	s31 =	sshra.s32 s2, $0x2  }
0x3dc: {  	s9 =	sor.u32 s0, s31  }
0x3dd: {  	[tilespmem:s9+$0xEDF0] =	vst v0  }
0x3de: {  	[tilespmem:s9+$0xD980] =	vst v0  }
0x3df: {  	[tilespmem:s9+$0xD990] =	vst v0  }
0x3e0: {  	[tilespmem:s9+$0xD9A0] =	vst v0  }
0x3e1: {  	[tilespmem:s9+$0xD9B0] =	vst v0  }
0x3e2: {  	[tilespmem:s9+$0xD9C0] =	vst v0  }
0x3e3: {  	[tilespmem:s9+$0xD9D0] =	vst v0  }
0x3e4: {  	[tilespmem:s9+$0xD9E0] =	vst v0  }
0x3e5: {  	[tilespmem:s9+$0xD9F0] =	vst v0  }
0x3e6: {  	[tilespmem:s9+$0xDD80] =	vst v0  }
0x3e7: {  	[tilespmem:s9+$0xDD90] =	vst v0  }
0x3e8: {  	[tilespmem:s9+$0xDDA0] =	vst v0  }
0x3e9: {  	[tilespmem:s9+$0xDDB0] =	vst v0  }
0x3ea: {  	[tilespmem:s9+$0xDDC0] =	vst v0  }
0x3eb: {  	[tilespmem:s9+$0xDDD0] =	vst v0  }
0x3ec: {  	[tilespmem:s9+$0xDDE0] =	vst v0  }
0x3ed: {  	[tilespmem:s9+$0xDDF0] =	vst v0  }
0x3ee: {  	[tilespmem:s9+$0xE180] =	vst v0  }
0x3ef: {  	[tilespmem:s9+$0xE190] =	vst v0  }
0x3f0: {  	[tilespmem:s9+$0xE1A0] =	vst v0  }
0x3f1: {  	[tilespmem:s9+$0xE1B0] =	vst v0  }
0x3f2: {  	[tilespmem:s9+$0xE1C0] =	vst v0  }
0x3f3: {  	[tilespmem:s9+$0xE1D0] =	vst v0  }
0x3f4: {  	[tilespmem:s9+$0xE1E0] =	vst v0  }
0x3f5: {  	[tilespmem:s9+$0xE1F0] =	vst v0  }
0x3f6: {  	[tilespmem:s9+$0xE580] =	vst v0  }
0x3f7: {  	[tilespmem:s9+$0xE590] =	vst v0  }
0x3f8: {  	[tilespmem:s9+$0xE5A0] =	vst v0  }
0x3f9: {  	[tilespmem:s9+$0xE5B0] =	vst v0  }
0x3fa: {  	[tilespmem:s9+$0xE5C0] =	vst v0  }
0x3fb: {  	[tilespmem:s9+$0xE5D0] =	vst v0  }
0x3fc: {  	[tilespmem:s9+$0xE5E0] =	vst v0  }
0x3fd: {  	[tilespmem:s9+$0xE5F0] =	vst v0  }
0x3fe: {  	[tilespmem:s9+$0xE980] =	vst v0  }
0x3ff: {  	[tilespmem:s9+$0xE990] =	vst v0  }
0x400: {  	[tilespmem:s9+$0xE9A0] =	vst v0  }
0x401: {  	p0 =	slt.u32 s14, $0x3F;
	[tilespmem:s9+$0xE9B0] =	vst v0  }
.Ltmp15:
0x402: {  	[tilespmem:s9+$0xE9C0] =	vst v0;
	(pc) =	sbr.rel @!p0 .LBB2_23-.Ltmp15, $4  }
0x403: {  	[tilespmem:s9+$0xE9D0] =	vst v0  }
0x404: {  	[tilespmem:s9+$0xE9E0] =	vst v0  }
0x405: {  	[tilespmem:s9+$0xE9F0] =	vst v0  }
0x406: {  	[tilespmem:s9+$0xED80] =	vst v0  }
.LBB2_22:
0x407: {  	s14 =	sadd.s32 $0x1, s14;
	[tilespmem:s9+$0xED90] =	vst v0  }
0x408: {  	s0 =	sshrl.u32 s14, $0x3;
	p0 =	slt.u32 s14, $0x3F;
	[tilespmem:s9+$0xEDA0] =	vst v0  }
0x409: {  	s0 =	smul.u32 $0x6000, s0;
	[tilespmem:s9+$0xEDB0] =	vst v0  }
0x40a: {  	s18 =	sadd.s32 $0x80, s18;
	[tilespmem:s9+$0xEDC0] =	vst v0  }
0x40b: {  	s1 =	sand.u32 $0x380, s18;
	s0 =	sshra.s32 s0, $0x2;
	[tilespmem:s9+$0xEDD0] =	vst v0  }
0x40c: {  	[tilespmem:s9+$0xEDE0] =	vst v0;
	s9 =	sor.u32 s1, s0  }
0x40d: {  	[tilespmem:s9+$0xEDF0] =	vst v0  }
0x40e: {  	[tilespmem:s9+$0xD980] =	vst v0  }
0x40f: {  	[tilespmem:s9+$0xD990] =	vst v0  }
0x410: {  	[tilespmem:s9+$0xD9A0] =	vst v0  }
0x411: {  	[tilespmem:s9+$0xD9B0] =	vst v0  }
0x412: {  	[tilespmem:s9+$0xD9C0] =	vst v0  }
0x413: {  	[tilespmem:s9+$0xD9D0] =	vst v0  }
0x414: {  	[tilespmem:s9+$0xD9E0] =	vst v0  }
0x415: {  	[tilespmem:s9+$0xD9F0] =	vst v0  }
0x416: {  	[tilespmem:s9+$0xDD80] =	vst v0  }
0x417: {  	[tilespmem:s9+$0xDD90] =	vst v0  }
0x418: {  	[tilespmem:s9+$0xDDA0] =	vst v0  }
0x419: {  	[tilespmem:s9+$0xDDB0] =	vst v0  }
0x41a: {  	[tilespmem:s9+$0xDDC0] =	vst v0  }
0x41b: {  	[tilespmem:s9+$0xDDD0] =	vst v0  }
0x41c: {  	[tilespmem:s9+$0xDDE0] =	vst v0  }
0x41d: {  	[tilespmem:s9+$0xDDF0] =	vst v0  }
0x41e: {  	[tilespmem:s9+$0xE180] =	vst v0  }
0x41f: {  	[tilespmem:s9+$0xE190] =	vst v0  }
0x420: {  	[tilespmem:s9+$0xE1A0] =	vst v0  }
0x421: {  	[tilespmem:s9+$0xE1B0] =	vst v0  }
0x422: {  	[tilespmem:s9+$0xE1C0] =	vst v0  }
0x423: {  	[tilespmem:s9+$0xE1D0] =	vst v0  }
0x424: {  	[tilespmem:s9+$0xE1E0] =	vst v0  }
0x425: {  	[tilespmem:s9+$0xE1F0] =	vst v0  }
0x426: {  	[tilespmem:s9+$0xE580] =	vst v0  }
0x427: {  	[tilespmem:s9+$0xE590] =	vst v0  }
0x428: {  	[tilespmem:s9+$0xE5A0] =	vst v0  }
0x429: {  	[tilespmem:s9+$0xE5B0] =	vst v0  }
0x42a: {  	[tilespmem:s9+$0xE5C0] =	vst v0  }
0x42b: {  	[tilespmem:s9+$0xE5D0] =	vst v0  }
0x42c: {  	[tilespmem:s9+$0xE5E0] =	vst v0  }
0x42d: {  	[tilespmem:s9+$0xE5F0] =	vst v0  }
0x42e: {  	[tilespmem:s9+$0xE980] =	vst v0  }
0x42f: {  	[tilespmem:s9+$0xE990] =	vst v0  }
0x430: {  	[tilespmem:s9+$0xE9A0] =	vst v0  }
0x431: {  	[tilespmem:s9+$0xE9B0] =	vst v0  }
.Ltmp16:
0x432: {  	[tilespmem:s9+$0xE9C0] =	vst v0;
	(pc) =	sbr.rel @p0 .LBB2_22-.Ltmp16, $4  }
0x433: {  	[tilespmem:s9+$0xE9D0] =	vst v0  }
0x434: {  	[tilespmem:s9+$0xE9E0] =	vst v0  }
0x435: {  	[tilespmem:s9+$0xE9F0] =	vst v0  }
0x436: {  	[tilespmem:s9+$0xED80] =	vst v0  }
.LBB2_23:
0x437: {  	s14 =	simm.s32 $0x19180  }
0x438: {  	s20 =	simm.s32 $0x18980;
	s18 =	simm.s32 $0x18180;
	s21 =	simm.s32 $0x17980  }
0x439: {  	s19 =	simm.s32 $0x17180;
	s8 =	simm.s32 $0x16980;
	s23 =	simm.s32 $0x16180  }
0x43a: {  	[tilespmem:s9+$0xED90] =	vst v0;
	s26 =	simm.s32 $0x15980;
	s24 =	simm.s32 $0x15180;
	s1 =	simm.s32 $0x14980  }
.Ltmp17:
0x43b: {  	[tilespmem:s9+$0xEDA0] =	vst v0;
	s25 =	simm.s32 $0x14180;
	s28 =	simm.s32 $0x13980;
	(pc) =	sbr.rel .LBB2_24-.Ltmp17, $4  }
0x43c: {  	[tilespmem:s9+$0xEDB0] =	vst v0;
	s17 =	simm.s32 $0x13180;
	s29 =	simm.s32 $0x12980;
	s0 =	simm.s32 $0x12180  }
0x43d: {  	[tilespmem:s9+$0xEDC0] =	vst v0;
	s6 =	simm.s32 $0x11980;
	s2 =	simm.s32 $0x11180;
	s3 =	simm.s32 $0x10980  }
0x43e: {  	[tilespmem:s9+$0xEDD0] =	vst v0;
	s4 =	simm.s32 $0x10180;
	s11 =	simm.s32 $0xF980;
	s5 =	simm.s32 $0xF180  }
0x43f: {  	[tilespmem:s9+$0xEDE0] =	vst v0;
	s12 =	simm.s32 $0xE980;
	s9 =	simm.s32 $0xE180;
	s31 =	simm.s32 $0xD980  }
.LBB2_25:
0x440: {  	s0 =	rddreg [dreg:$0x16]  }
0x441: {  	v5 =	vld [tilespmem:s0+$0xA80];
	_ =	sdelay $0x4  }
0x442: {  	(v2sf) =	vpush v5, $0x0;
	_ =	sdelay $0xe  }
0x443: {  	s31 =	rddreg [dreg:$0xf];
	s1 =	spop (v2sf)  }
0x444: {  	s0 =	ssub.s32 s1, s31  }
0x445: {  	p0 =	slt.s32 s0, $0x1  }
0x446: {  	p1 =	sgt.u32 @!p0 s0, $0x3F  }
0x447: {  	p1 =	por p0, p1  }
.Ltmp18:
0x448: {  	_ = 	snop;
	(pc) =	sbr.rel @p1 .LBB2_26-.Ltmp18, $4  }
0x449: {  	s2 =	simm.s32 @!p0 $0x1  }
0x44a: {  	_ =	swait.ge @!p0 [sflag:s2], $0xC000  }
0x44b: {  	[sflag:s2] =	ssyncset.done @!p0 $0x0  }
0x44c: {  	[sflag:s2] =	ssyncadd.s32 @!p0 $0xFFFF4000  }
0x44d: {  	p1 =	sne.s32 s0, $0x3F  }
.Ltmp19:
0x44e: {  	_ = 	snop;
	(pc) =	sbr.rel @!p1 .LBB2_28-.Ltmp19, $4  }
0x44f: {  	_ = 	snop  }
0x450: {  	s2 =	rddreg [dreg:$0x13]  }
0x451: {  	s1 =	sshll.u32 s1, $0x7;
	p0 =	por $0x0, $0x0;
	s29 =	rddreg [dreg:$0x17]  }
0x452: {  	s9 =	sadd.s32 s1, s2;
	s1 =	sshrl.u32 s0, $0x3;
	s0 =	sadd.s32 $0x1, s0  }
0x453: {  	s1 =	smul.u32 $0x6000, s1;
	_ =	sdelay $0x1  }
0x454: {  	s2 =	sand.u32 $0x380, s9;
	s1 =	sshra.s32 s1, $0x2  }
0x455: {  	s10 =	sor.u32 s2, s1  }
0x456: {  	[tilespmem:s10+$0x2DF0] =	vst v0  }
0x457: {  	[tilespmem:s10+$0x1980] =	vst v0  }
0x458: {  	[tilespmem:s10+$0x1990] =	vst v0  }
0x459: {  	[tilespmem:s10+$0x19A0] =	vst v0  }
0x45a: {  	[tilespmem:s10+$0x19B0] =	vst v0  }
0x45b: {  	[tilespmem:s10+$0x19C0] =	vst v0  }
0x45c: {  	[tilespmem:s10+$0x19D0] =	vst v0  }
0x45d: {  	[tilespmem:s10+$0x19E0] =	vst v0  }
0x45e: {  	[tilespmem:s10+$0x19F0] =	vst v0  }
0x45f: {  	[tilespmem:s10+$0x1D80] =	vst v0  }
0x460: {  	[tilespmem:s10+$0x1D90] =	vst v0  }
0x461: {  	[tilespmem:s10+$0x1DA0] =	vst v0  }
0x462: {  	[tilespmem:s10+$0x1DB0] =	vst v0  }
0x463: {  	[tilespmem:s10+$0x1DC0] =	vst v0  }
0x464: {  	[tilespmem:s10+$0x1DD0] =	vst v0  }
0x465: {  	[tilespmem:s10+$0x1DE0] =	vst v0  }
0x466: {  	[tilespmem:s10+$0x1DF0] =	vst v0  }
0x467: {  	[tilespmem:s10+$0x2180] =	vst v0  }
0x468: {  	[tilespmem:s10+$0x2190] =	vst v0  }
0x469: {  	[tilespmem:s10+$0x21A0] =	vst v0  }
0x46a: {  	[tilespmem:s10+$0x21B0] =	vst v0  }
0x46b: {  	[tilespmem:s10+$0x21C0] =	vst v0  }
0x46c: {  	[tilespmem:s10+$0x21D0] =	vst v0  }
0x46d: {  	[tilespmem:s10+$0x21E0] =	vst v0  }
0x46e: {  	[tilespmem:s10+$0x21F0] =	vst v0  }
0x46f: {  	[tilespmem:s10+$0x2580] =	vst v0  }
0x470: {  	[tilespmem:s10+$0x2590] =	vst v0  }
0x471: {  	[tilespmem:s10+$0x25A0] =	vst v0  }
0x472: {  	[tilespmem:s10+$0x25B0] =	vst v0  }
0x473: {  	[tilespmem:s10+$0x25C0] =	vst v0  }
0x474: {  	[tilespmem:s10+$0x25D0] =	vst v0  }
0x475: {  	[tilespmem:s10+$0x25E0] =	vst v0  }
0x476: {  	[tilespmem:s10+$0x25F0] =	vst v0  }
0x477: {  	[tilespmem:s10+$0x2980] =	vst v0  }
0x478: {  	[tilespmem:s10+$0x2990] =	vst v0  }
0x479: {  	[tilespmem:s10+$0x29A0] =	vst v0  }
0x47a: {  	[tilespmem:s10+$0x29B0] =	vst v0  }
0x47b: {  	[tilespmem:s10+$0x29C0] =	vst v0  }
0x47c: {  	p1 =	sne.s32 s0, $0x3F;
	[tilespmem:s10+$0x29D0] =	vst v0  }
.Ltmp20:
0x47d: {  	[tilespmem:s10+$0x29E0] =	vst v0;
	(pc) =	sbr.rel @!p1 .LBB2_30-.Ltmp20, $4  }
0x47e: {  	[tilespmem:s10+$0x29F0] =	vst v0  }
0x47f: {  	[tilespmem:s10+$0x2D80] =	vst v0  }
0x480: {  	s14 =	sadd.s32 $0x1, s0;
	[tilespmem:s10+$0x2D90] =	vst v0  }
0x481: {  	p0 =	por $0x1, $0x1;
	s13 =	smov.u32 s9;
	s1 =	sshrl.u32 s0, $0x3;
	[tilespmem:s10+$0x2DA0] =	vst v0  }
.LBB2_31:
0x482: {  	p1 =	sne.s32 s14, $0x3F;
	s0 =	smul.u32 $0x6000, s1;
	[tilespmem:s10+$0x2DB0] =	vst v0  }
0x483: {  	s13 =	sadd.s32 $0x80, s13;
	[tilespmem:s10+$0x2DC0] =	vst v0  }
0x484: {  	s1 =	sand.u32 $0x380, s13;
	s0 =	sshra.s32 s0, $0x2;
	[tilespmem:s10+$0x2DD0] =	vst v0  }
0x485: {  	[tilespmem:s10+$0x2DE0] =	vst v0;
	s10 =	sor.u32 s1, s0  }
0x486: {  	[tilespmem:s10+$0x2DF0] =	vst v0  }
0x487: {  	[tilespmem:s10+$0x1980] =	vst v0  }
0x488: {  	[tilespmem:s10+$0x1990] =	vst v0  }
0x489: {  	[tilespmem:s10+$0x19A0] =	vst v0  }
0x48a: {  	[tilespmem:s10+$0x19B0] =	vst v0  }
0x48b: {  	[tilespmem:s10+$0x19C0] =	vst v0  }
0x48c: {  	[tilespmem:s10+$0x19D0] =	vst v0  }
0x48d: {  	[tilespmem:s10+$0x19E0] =	vst v0  }
0x48e: {  	[tilespmem:s10+$0x19F0] =	vst v0  }
0x48f: {  	[tilespmem:s10+$0x1D80] =	vst v0  }
0x490: {  	[tilespmem:s10+$0x1D90] =	vst v0  }
0x491: {  	[tilespmem:s10+$0x1DA0] =	vst v0  }
0x492: {  	[tilespmem:s10+$0x1DB0] =	vst v0  }
0x493: {  	[tilespmem:s10+$0x1DC0] =	vst v0  }
0x494: {  	[tilespmem:s10+$0x1DD0] =	vst v0  }
0x495: {  	[tilespmem:s10+$0x1DE0] =	vst v0  }
0x496: {  	[tilespmem:s10+$0x1DF0] =	vst v0  }
0x497: {  	[tilespmem:s10+$0x2180] =	vst v0  }
0x498: {  	[tilespmem:s10+$0x2190] =	vst v0  }
0x499: {  	[tilespmem:s10+$0x21A0] =	vst v0  }
0x49a: {  	[tilespmem:s10+$0x21B0] =	vst v0  }
0x49b: {  	[tilespmem:s10+$0x21C0] =	vst v0  }
0x49c: {  	[tilespmem:s10+$0x21D0] =	vst v0  }
0x49d: {  	[tilespmem:s10+$0x21E0] =	vst v0  }
0x49e: {  	[tilespmem:s10+$0x21F0] =	vst v0  }
0x49f: {  	[tilespmem:s10+$0x2580] =	vst v0  }
0x4a0: {  	[tilespmem:s10+$0x2590] =	vst v0  }
0x4a1: {  	[tilespmem:s10+$0x25A0] =	vst v0  }
0x4a2: {  	[tilespmem:s10+$0x25B0] =	vst v0  }
0x4a3: {  	[tilespmem:s10+$0x25C0] =	vst v0  }
0x4a4: {  	[tilespmem:s10+$0x25D0] =	vst v0  }
0x4a5: {  	[tilespmem:s10+$0x25E0] =	vst v0  }
0x4a6: {  	[tilespmem:s10+$0x25F0] =	vst v0  }
0x4a7: {  	[tilespmem:s10+$0x2980] =	vst v0  }
0x4a8: {  	[tilespmem:s10+$0x2990] =	vst v0  }
0x4a9: {  	[tilespmem:s10+$0x29A0] =	vst v0  }
0x4aa: {  	[tilespmem:s10+$0x29B0] =	vst v0  }
0x4ab: {  	[tilespmem:s10+$0x29C0] =	vst v0  }
0x4ac: {  	[tilespmem:s10+$0x29D0] =	vst v0  }
.Ltmp21:
0x4ad: {  	[tilespmem:s10+$0x29E0] =	vst v0;
	(pc) =	sbr.rel @p1 .LBB2_31-.Ltmp21, $4  }
0x4ae: {  	[tilespmem:s10+$0x29F0] =	vst v0  }
0x4af: {  	[tilespmem:s10+$0x2D80] =	vst v0  }
0x4b0: {  	[tilespmem:s10+$0x2D90] =	vst v0  }
0x4b1: {  	s1 =	sshrl.u32 s14, $0x3;
	s14 =	sadd.s32 $0x1, s14;
	[tilespmem:s10+$0x2DA0] =	vst v0  }
.LBB2_32:
0x4b2: {  	s0 =	smul.u32 $0x6000, s1;
	[tilespmem:s10+$0x2DB0] =	vst @p0 v0;
	s1 =	sadd.s32 @p0 $0x80, s13  }
0x4b3: {  	[tilespmem:s10+$0x2DC0] =	vst @p0 v0;
	s9 =	smov.u32 @p0 s1  }
0x4b4: {  	[tilespmem:s10+$0x2DD0] =	vst @p0 v0;
	s1 =	sand.u32 $0x380, s9;
	s0 =	sshra.s32 s0, $0x2  }
0x4b5: {  	[tilespmem:s10+$0x2DE0] =	vst @p0 v0;
	s24 =	sor.u32 s1, s0  }
0x4b6: {  	[tilespmem:s24+$0x2DF0] =	vst v0  }
0x4b7: {  	[tilespmem:s24+$0x1980] =	vst v0  }
0x4b8: {  	[tilespmem:s24+$0x1990] =	vst v0  }
0x4b9: {  	[tilespmem:s24+$0x19A0] =	vst v0  }
0x4ba: {  	[tilespmem:s24+$0x19B0] =	vst v0  }
0x4bb: {  	[tilespmem:s24+$0x19C0] =	vst v0  }
0x4bc: {  	[tilespmem:s24+$0x19D0] =	vst v0  }
0x4bd: {  	[tilespmem:s24+$0x19E0] =	vst v0  }
0x4be: {  	[tilespmem:s24+$0x19F0] =	vst v0  }
0x4bf: {  	[tilespmem:s24+$0x1D80] =	vst v0  }
0x4c0: {  	[tilespmem:s24+$0x1D90] =	vst v0  }
0x4c1: {  	[tilespmem:s24+$0x1DA0] =	vst v0  }
0x4c2: {  	[tilespmem:s24+$0x1DB0] =	vst v0  }
0x4c3: {  	[tilespmem:s24+$0x1DC0] =	vst v0  }
0x4c4: {  	[tilespmem:s24+$0x1DD0] =	vst v0  }
0x4c5: {  	[tilespmem:s24+$0x1DE0] =	vst v0  }
0x4c6: {  	[tilespmem:s24+$0x1DF0] =	vst v0  }
0x4c7: {  	[tilespmem:s24+$0x2180] =	vst v0  }
0x4c8: {  	[tilespmem:s24+$0x2190] =	vst v0  }
0x4c9: {  	[tilespmem:s24+$0x21A0] =	vst v0  }
0x4ca: {  	[tilespmem:s24+$0x21B0] =	vst v0  }
0x4cb: {  	[tilespmem:s24+$0x21C0] =	vst v0  }
0x4cc: {  	[tilespmem:s24+$0x21D0] =	vst v0  }
0x4cd: {  	[tilespmem:s24+$0x21E0] =	vst v0  }
0x4ce: {  	[tilespmem:s24+$0x21F0] =	vst v0  }
0x4cf: {  	[tilespmem:s24+$0x2580] =	vst v0  }
0x4d0: {  	[tilespmem:s24+$0x2590] =	vst v0  }
0x4d1: {  	[tilespmem:s24+$0x25A0] =	vst v0  }
0x4d2: {  	[tilespmem:s24+$0x25B0] =	vst v0  }
0x4d3: {  	[tilespmem:s24+$0x25C0] =	vst v0  }
0x4d4: {  	[tilespmem:s24+$0x25D0] =	vst v0  }
0x4d5: {  	[tilespmem:s24+$0x25E0] =	vst v0  }
0x4d6: {  	[tilespmem:s24+$0x25F0] =	vst v0  }
0x4d7: {  	[tilespmem:s24+$0x2980] =	vst v0  }
0x4d8: {  	[tilespmem:s24+$0x2990] =	vst v0  }
0x4d9: {  	[tilespmem:s24+$0x29A0] =	vst v0  }
0x4da: {  	[tilespmem:s24+$0x29B0] =	vst v0  }
0x4db: {  	[tilespmem:s24+$0x29C0] =	vst v0  }
0x4dc: {  	[tilespmem:s24+$0x29D0] =	vst v0  }
0x4dd: {  	s20 =	simm.s32 $0xC980;
	[tilespmem:s24+$0x29E0] =	vst v0  }
0x4de: {  	s10 =	simm.s32 $0xC180;
	s21 =	simm.s32 $0xB980;
	s13 =	simm.s32 $0xB180;
	[tilespmem:s24+$0x29F0] =	vst v0  }
0x4df: {  	s8 =	simm.s32 $0xA980;
	s14 =	simm.s32 $0xA180;
	s22 =	simm.s32 $0x9980;
	[tilespmem:s24+$0x2D80] =	vst v0  }
0x4e0: {  	s18 =	simm.s32 $0x9180;
	s19 =	simm.s32 $0x8180;
	s23 =	simm.s32 $0x7980;
	[tilespmem:s24+$0x2D90] =	vst v0  }
.Ltmp22:
0x4e1: {  	s17 =	simm.s32 $0x7180;
	s25 =	simm.s32 $0x6980;
	[tilespmem:s24+$0x2DA0] =	vst v0;
	(pc) =	sbr.rel .LBB2_33-.Ltmp22, $4  }
0x4e2: {  	s6 =	simm.s32 $0x5980;
	s2 =	simm.s32 $0x5180;
	s3 =	simm.s32 $0x4980;
	[tilespmem:s24+$0x2DB0] =	vst v0  }
0x4e3: {  	s4 =	simm.s32 $0x4180;
	s11 =	simm.s32 $0x3980;
	s5 =	simm.s32 $0x3180;
	[tilespmem:s24+$0x2DC0] =	vst v0  }
0x4e4: {  	s12 =	simm.s32 $0x2180;
	s26 =	simm.s32 $0x1980;
	s9 =	simm.s32 $0xD180;
	[tilespmem:s24+$0x2DD0] =	vst v0  }
0x4e5: {  	s1 =	simm.s32 $0x8980;
	s0 =	simm.s32 $0x6180;
	[tilespmem:s24+$0x2DE0] =	vst v0;
	s24 =	simm.s32 $0x2980  }
.LBB2_28:
.Ltmp23:
0x4e6: {  	(pc) =	sbr.rel .LBB2_32-.Ltmp23, $2  }
0x4e7: {  	_ =	sdelay $0x2  }
0x4e8: {  	s13 =	smov.u32 s9  }
.LBB2_30:
.Ltmp24:
0x4e9: {  	(pc) =	sbr.rel .LBB2_32-.Ltmp24, $2  }
0x4ea: {  	_ =	sdelay $0x2  }
0x4eb: {  	s13 =	smov.u32 s9  }
.LBB2_34:
0x4ec: {  	_ =	sfence.sel $0x180000  }
0x4ed: {  	[bflag:$0x0] =	sbarrier.arrive $0xFFFF  }
0x4ee: {  	_ =	strace $0x90000047  }
0x4ef: {  	s0 =	stileid.u32;
	[bflag:$0x2] =	sbarrier.arrive $0xFFFF  }
0x4f0: {  	p0 =	sne.s32 s0, $0x0;
	s0 =	rddreg [dreg:$0x5]  }
0x4f1: {  	s0 =	sadd.s32 @!p0 $0x100000, s0  }
0x4f2: {  	[sflag:s0] =	ssyncadd.tile.s32 @!p0 $0x1;
	_ =	shalt  }
.Lfunc_end2:
_tile_overlayer_lowered:
.L_overlay_start_2:
0x4f3: {  	(tag) =	ssettag $0x2  }
0x4f4: {  	s0 =	rddreg [dreg:$0x0];
	s2 =	stileid.u32  }
0x4f5: {  	s1 =	rddreg [dreg:$0x1];
	p0 =	sne.s32 s2, $0x0  }
0x4f6: {  	s3 =	rddreg [dreg:$0x2];
	[bflag:$0x3] =	sbarrier.arrive $0xFFFF;
	s2 =	simm.s32 @!p0 $0x1C05  }
0x4f7: {  	[timem:s3], [sflag:s2] =	dma.local @!p0 [hbm:s0], s1  }
0x4f8: {  	s0 =	simm.s32 @!p0 $0x5  }
0x4f9: {  	_ =	swait.ge @!p0 [sflag:s0], s1  }
0x4fa: {  	s1 =	ssub.s32 @!p0 $0x0, s1;
	[sflag:s0] =	ssyncset.done @!p0 $0x0  }
0x4fb: {  	[sflag:s0] =	ssyncadd.s32 @!p0 s1  }
0x4fc: {  	[bflag:$0x3] =	sbarrier.arrive $0xFFFF  }
0x4fd: {  	_ =	shalt  }

</sc_bundles>
